<compile_context>
chip_gen: v7x
topology: tpu7x:2x2x1
jax: 0.10.2.dev20260603
libtpu: 0.0.44.dev20260713+nightly
codegen_flags: <defaults>
</compile_context>

<pallas_src>
import functools

import jax
import jax.numpy as jnp
from jax import lax
from jax.experimental import pallas as pl
from jax.experimental.pallas import tpu as pltpu
from jax.experimental.pallas import tpu_sc as plsc

NPOINT = 512
RADIUS = 0.2
NSAMPLE = 32
ROWW = 48



def _fps_body(xc_ref, cxyz_ref):
    B = xc_ref.shape[1]
    x = xc_ref[0]
    y = xc_ref[1]
    z = xc_ref[2]
    sh = (B, 64, 128)
    niota = (lax.broadcasted_iota(jnp.int32, sh, 1) * 128
             + lax.broadcasted_iota(jnp.int32, sh, 2))

    px0 = x[:, 0:1, 0:1]
    py0 = y[:, 0:1, 0:1]
    pz0 = z[:, 0:1, 0:1]
    cxyz_ref[:, 0:1, :] = jnp.concatenate([px0, py0, pz0], axis=2)
    dmin0 = jnp.full(sh, jnp.inf, jnp.float32)

    def body(i, carry):
        dmin, px, py, pz = carry
        d = (x - px) ** 2 + (y - py) ** 2 + (z - pz) ** 2
        dmin = jnp.minimum(dmin, d)
        m = jnp.max(dmin, axis=(1, 2), keepdims=True)
        sel = jnp.min(jnp.where(dmin == m, niota, 1 << 20), axis=(1, 2),
                      keepdims=True)
        hit = niota == sel
        px = jnp.sum(jnp.where(hit, x, 0.0), axis=(1, 2), keepdims=True)
        py = jnp.sum(jnp.where(hit, y, 0.0), axis=(1, 2), keepdims=True)
        pz = jnp.sum(jnp.where(hit, z, 0.0), axis=(1, 2), keepdims=True)
        cxyz_ref[:, pl.ds(i, 1), :] = jnp.concatenate([px, py, pz], axis=2)
        return dmin, px, py, pz

    lax.fori_loop(1, NPOINT, body, (dmin0, px0, py0, pz0))


def _run_fps(xc, interpret=False):
    B = xc.shape[1]
    return pl.pallas_call(
        _fps_body,
        in_specs=[pl.BlockSpec(xc.shape, lambda: (0, 0, 0, 0))],
        out_specs=pl.BlockSpec((B, NPOINT, 3), lambda: (0, 0, 0)),
        out_shape=jax.ShapeDtypeStruct((B, NPOINT, 3), jnp.float32),
        interpret=interpret,
    )(xc)




def _ballq_body(xr_ref, cent_ref, idx_ref, keys_ref):
    NC = 8192 // 128
    RB = cent_ref.shape[0]
    cx = cent_ref[:, 0:1]
    cy = cent_ref[:, 1:2]
    cz = cent_ref[:, 2:3]
    liota = lax.broadcasted_iota(jnp.int32, (RB, 128), 1)
    liota_f = liota.astype(jnp.float32)
    kiota = lax.broadcasted_iota(jnp.int32, (RB, NSAMPLE), 1)
    r2 = RADIUS ** 2

    cm = jnp.full((RB, 128), jnp.inf, jnp.float32)
    ci = jnp.zeros((RB, 128), jnp.int32)
    for c in range(NC):
        sl = pl.ds(c * 128, 128)
        xc = xr_ref[0, 0:1, sl]
        yc = xr_ref[0, 1:2, sl]
        zc = xr_ref[0, 2:3, sl]
        dc = (cx - xc) ** 2 + (cy - yc) ** 2 + (cz - zc) ** 2
        kc = jnp.where(dc <= r2, dc, (1e6 + c * 128) + liota_f)
        keys_ref[:, sl] = kc
        upd = kc < cm
        ci = jnp.where(upd, c, ci)
        cm = jnp.where(upd, kc, cm)

    def step(k, carry):
        cm, ci, acc = carry
        m = jnp.min(cm, axis=1, keepdims=True)
        seln = jnp.min(jnp.where(cm == m, ci * 128 + liota, 1 << 20),
                       axis=1, keepdims=True)
        acc = jnp.where(kiota == k, seln, acc)
        cm = jnp.full((RB, 128), jnp.inf, jnp.float32)
        ci = jnp.zeros((RB, 128), jnp.int32)
        for c in range(NC):
            sl = pl.ds(c * 128, 128)
            kc = keys_ref[:, sl]
            kc = jnp.where(liota == seln - c * 128, jnp.inf, kc)
            keys_ref[:, sl] = kc
            upd = kc < cm
            ci = jnp.where(upd, c, ci)
            cm = jnp.where(upd, kc, cm)
        return cm, ci, acc

    _, _, acc = lax.fori_loop(
        0, NSAMPLE, step,
        (cm, ci, jnp.zeros((RB, NSAMPLE), jnp.int32)))
    idx_ref[...] = acc


def _run_ballq(xr, cent, interpret=False):
    B = xr.shape[0]
    RB = 64
    nblk = NPOINT // RB
    return pl.pallas_call(
        _ballq_body,
        grid=(B, nblk),
        in_specs=[
            pl.BlockSpec((1, 3, 8192), lambda b, j: (b, 0, 0)),
            pl.BlockSpec((RB, 3), lambda b, j: (b * nblk + j, 0)),
        ],
        out_specs=pl.BlockSpec((RB, NSAMPLE), lambda b, j: (b * nblk + j, 0)),
        out_shape=jax.ShapeDtypeStruct((B * NPOINT, NSAMPLE), jnp.int32),
        scratch_shapes=[pltpu.VMEM((RB, 8192), jnp.float32)],
        interpret=interpret,
    )(xr, cent)




def _make_sc_gather(M, nrows_table):
    info = plsc.get_sparse_core_info()
    NC, NS = info.num_cores, info.num_subcores
    NW = NC * NS
    rpw = M // NW
    chunk = min(rpw, 128)
    nchunk = rpw // chunk
    mesh = plsc.VectorSubcoreMesh(core_axis_name="c", subcore_axis_name="s")

    @functools.partial(
        pl.kernel,
        mesh=mesh,
        compiler_params=pltpu.CompilerParams(use_tc_tiling_on_sc=False),
        out_type=jax.ShapeDtypeStruct((M, ROWW), jnp.float32),
        scratch_types=[
            pltpu.VMEM((nchunk, chunk), jnp.int32),
            pltpu.VMEM((rpw, ROWW), jnp.float32),
            pltpu.SemaphoreType.DMA,
        ],
    )
    def k(table_hbm, idx_hbm, out_hbm, idx_v, rows_v, sem):
        wid = lax.axis_index("s") * NC + lax.axis_index("c")
        pltpu.sync_copy(idx_hbm.at[wid], idx_v)
        copies = [
            pltpu.async_copy(table_hbm.at[idx_v.at[j]],
                             rows_v.at[pl.ds(j * chunk, chunk)], sem)
            for j in range(nchunk)
        ]
        for c in copies:
            c.wait()
        pltpu.sync_copy(rows_v, out_hbm.at[pl.ds(wid * rpw, rpw)])

    def run(table, idx_flat):
        return k(table, idx_flat.reshape(NW, nchunk, chunk))

    return run




def _mlp_body(grows_ref, crows_ref, w1a_ref, b1a_ref, w1b_ref, b1b_ref,
              wwa3_ref, wwaf_ref, bwa_ref, wwb_ref, bwb_ref,
              nxyz_ref, fout_ref):
    BS = crows_ref.shape[0]
    R = BS * NSAMPLE
    grows = grows_ref[...]
    crows = crows_ref[...]
    cpadb = jnp.broadcast_to(crows[:, None, :], (BS, NSAMPLE, ROWW))
    x48 = grows - cpadb.reshape(R, ROWW)

    f1 = jnp.maximum(jnp.dot(x48, w1a_ref[...],
                             preferred_element_type=jnp.float32)
                     + b1a_ref[...], 0.0)
    fp = jnp.maximum(jnp.dot(f1, w1b_ref[...],
                             preferred_element_type=jnp.float32)
                     + b1b_ref[...], 0.0)

    fp3 = fp.reshape(BS, NSAMPLE, 64)
    fm = jnp.mean(fp3, axis=1, keepdims=True)
    fc = (fp3 - fm).reshape(R, 64)

    a1 = jnp.maximum(jnp.dot(x48, wwa3_ref[...],
                             preferred_element_type=jnp.float32)
                     + jnp.dot(fc, wwaf_ref[...],
                               preferred_element_type=jnp.float32)
                     + bwa_ref[...], 0.0)
    alpha = jax.nn.sigmoid(jnp.dot(a1, wwb_ref[...],
                                   preferred_element_type=jnp.float32)
                           + bwb_ref[...])

    fout_ref[...] = jnp.sum((alpha * fp).reshape(BS, NSAMPLE, 64), axis=1)
    nxyz_ref[...] = crows[:, 0:3]


def _run_mlp(grows, crows, w1a48, b1a, w1b, b1b, wwa3_48, wwaf, bwa, wwb, bwb,
             interpret=False):
    M = crows.shape[0]
    BS = 128
    nblk = M // BS
    full = lambda i: (0, 0)
    return pl.pallas_call(
        _mlp_body,
        grid=(nblk,),
        in_specs=[
            pl.BlockSpec((BS * NSAMPLE, ROWW), lambda i: (i, 0)),
            pl.BlockSpec((BS, ROWW), lambda i: (i, 0)),
            pl.BlockSpec(w1a48.shape, full),
            pl.BlockSpec(b1a.shape, full),
            pl.BlockSpec(w1b.shape, full),
            pl.BlockSpec(b1b.shape, full),
            pl.BlockSpec(wwa3_48.shape, full),
            pl.BlockSpec(wwaf.shape, full),
            pl.BlockSpec(bwa.shape, full),
            pl.BlockSpec(wwb.shape, full),
            pl.BlockSpec(bwb.shape, full),
        ],
        out_specs=[
            pl.BlockSpec((BS, 3), lambda i: (i, 0)),
            pl.BlockSpec((BS, 64), lambda i: (i, 0)),
        ],
        out_shape=[
            jax.ShapeDtypeStruct((M, 3), jnp.float32),
            jax.ShapeDtypeStruct((M, 64), jnp.float32),
        ],
        interpret=interpret,
    )(grows, crows, w1a48, b1a, w1b, b1b, wwa3_48, wwaf, bwa, wwb, bwb)




def kernel(xyz, features, W1a, b1a, W1b, b1b, Wwa, bwa, Wwb, bwb):
    B, N, _ = xyz.shape
    D = features.shape[-1]

    xt = xyz.transpose(2, 0, 1)
    xc = xt.reshape(3, B, N // 128, 128)
    cxyz = _run_fps(xc)
    cent = cxyz.reshape(B * NPOINT, 3)

    table = jnp.concatenate(
        [xyz, features,
         jnp.zeros((B, N, ROWW - 3 - D), jnp.float32)], axis=-1
    ).reshape(B * N, ROWW)

    gidx = _run_ballq(xyz.transpose(0, 2, 1), cent)
    goffs = (jnp.arange(B * NPOINT, dtype=jnp.int32) // NPOINT * N)[:, None]
    gflat = (gidx + goffs).reshape(B * NPOINT * NSAMPLE)

    gather_g = _make_sc_gather(B * NPOINT * NSAMPLE, B * N)
    grows = gather_g(table, gflat)

    w1a48 = jnp.zeros((ROWW, 64), jnp.float32).at[:3 + D].set(W1a)
    wwa3_48 = jnp.zeros((ROWW, 64), jnp.float32).at[:3].set(Wwa[:3])
    wwaf = Wwa[3:]
    c48 = jnp.pad(cent, ((0, 0), (0, ROWW - 3)))
    nxyz, fout = _run_mlp(grows, c48, w1a48, b1a[None, :], W1b,
                          b1b[None, :], wwa3_48, wwaf, bwa[None, :],
                          Wwb, bwb[None, :])
    return nxyz.reshape(B, NPOINT, 3), fout.reshape(B, NPOINT, 64)

# --- scband reference (transcript-rebuilt; emitter-appended) ---
"""Pipeline reference for scband-set-abstraction-22531398435382 (READ-ONLY COPY).

The authoritative reference and input builder live on the scoring server;
editing this copy changes nothing except your own understanding.
"""

import jax, jax.numpy as jnp
import numpy as np

NPOINT = 512
RADIUS = 0.2
NSAMPLE = 32


def farthest_point_sampling(xyz, npoint):
    B, N, _ = xyz.shape
    first = jnp.zeros((B,), dtype=jnp.int32)
    first_xyz = xyz[jnp.arange(B), first]
    dist_min = jnp.sum((xyz - first_xyz[:, None, :]) ** 2, axis=-1)
    centroids = jnp.zeros((B, npoint), dtype=jnp.int32).at[:, 0].set(first)

    def body(i, carry):
        centroids, dist_min = carry
        prev = centroids[:, i - 1]
        prev_xyz = xyz[jnp.arange(B), prev]
        d = jnp.sum((xyz - prev_xyz[:, None, :]) ** 2, axis=-1)
        dist_min = jnp.minimum(dist_min, d)
        farthest = jnp.argmax(dist_min, axis=-1).astype(jnp.int32)
        centroids = centroids.at[:, i].set(farthest)
        return (centroids, dist_min)

    centroids, _ = jax.lax.fori_loop(1, npoint, body, (centroids, dist_min))
    return centroids


def index_points2(points, idx):
    B = points.shape[0]
    return points[jnp.arange(B)[:, None], idx]


def index_points3(points, idx):
    B = points.shape[0]
    return points[jnp.arange(B)[:, None, None], idx]


def query_ball_point(radius, nsample, xyz, new_xyz):
    dist = jnp.sum((new_xyz[:, :, None, :] - xyz[:, None, :, :]) ** 2, axis=-1)
    mask = dist <= radius ** 2
    dist_masked = jnp.where(mask, dist, jnp.inf)
    idx = jnp.argsort(dist_masked, axis=-1)[:, :, :nsample]
    return idx


def dense(x, W, b, act):
    y = x @ W + b
    if act == 'relu':
        return jax.nn.relu(y)
    return jax.nn.sigmoid(y)


def setup_inputs(seed: int = 0):
    B, N, D, MLP = 4, 8192, 32, 64
    key = jax.random.key(seed)
    ks = jax.random.split(key, 12)
    xyz = jax.random.uniform(ks[0], (B, N, 3), dtype=jnp.float32)
    features = jax.random.normal(ks[1], (B, N, D), dtype=jnp.float32)
    in1 = 3 + D
    in_w = 3 + MLP
    W1a = jax.random.normal(ks[2], (in1, MLP), dtype=jnp.float32) * 0.1
    b1a = jnp.zeros((MLP,), dtype=jnp.float32)
    W1b = jax.random.normal(ks[3], (MLP, MLP), dtype=jnp.float32) * 0.1
    b1b = jnp.zeros((MLP,), dtype=jnp.float32)
    Wwa = jax.random.normal(ks[4], (in_w, MLP), dtype=jnp.float32) * 0.1
    bwa = jnp.zeros((MLP,), dtype=jnp.float32)
    Wwb = jax.random.normal(ks[5], (MLP, MLP), dtype=jnp.float32) * 0.1
    bwb = jnp.zeros((MLP,), dtype=jnp.float32)
    return {"xyz": xyz, "features": features, "W1a": W1a, "b1a": b1a, "W1b": W1b, "b1b": b1b, "Wwa": Wwa, "bwa": bwa, "Wwb": Wwb, "bwb": bwb}


def reference(xyz, features, W1a, b1a, W1b, b1b, Wwa, bwa, Wwb, bwb):
    fps_idx = farthest_point_sampling(xyz, NPOINT)
    new_xyz = index_points2(xyz, fps_idx)
    group_idx = query_ball_point(RADIUS, NSAMPLE, xyz, new_xyz)
    grouped_xyz = index_points3(xyz, group_idx)
    grouped_xyz_norm = grouped_xyz - new_xyz[:, :, None, :]
    grouped_feats = index_points3(features, group_idx)
    f_in = jnp.concatenate([grouped_xyz_norm, grouped_feats], axis=-1)
    f_prime = dense(dense(f_in, W1a, b1a, 'relu'), W1b, b1b, 'relu')
    f_mean = jnp.mean(f_prime, axis=2, keepdims=True)
    w_in = jnp.concatenate([grouped_xyz_norm, f_prime - f_mean], axis=-1)
    alpha = dense(dense(w_in, Wwa, bwa, 'relu'), Wwb, bwb, 'sigmoid')
    f_out = jnp.sum(alpha * f_prime, axis=2)
    return (new_xyz, f_out)

if __name__ == "__main__":
    import jax
    _d = setup_inputs()
    print(jax.jit(kernel)(*tuple(_d.values())))

</pallas_src>

<mosaic_0001>
#map = affine_map<(d0, d1) -> (0, 0)>
#map1 = affine_map<(d0, d1) -> (0, 0, 0)>
module attributes {stable_mosaic.version = 14 : i64} {
  func.func @k(%arg0: i32, %arg1: i32, %arg2: memref<32768x48xf32, #tpu.memory_space<hbm>>, %arg3: memref<32x16x128xi32, #tpu.memory_space<hbm>>, %arg4: memref<65536x48xf32, #tpu.memory_space<hbm>>, %arg5: memref<16x128xi32, #tpu.memory_space<vmem>>, %arg6: memref<2048x48xf32, #tpu.memory_space<vmem>>, %arg7: memref<!tpu.dma_semaphore, #tpu.memory_space<semaphore_mem>>) attributes {dimension_semantics = [#tpu.dimension_semantics<core_parallel>, #tpu.dimension_semantics<subcore_parallel>], iteration_bounds = array<i64: 2, 16>, scalar_prefetch = 0 : i64, scratch_operands = 3 : i64, tpu.core_type = #tpu.core_type<sc_vector_subcore>, window_params = [{transform_indices = #map}, {transform_indices = #map1}, {transform_indices = #map}]} {
    %mul3A = arith.constant 2 : i32
    %mul3A_0 = arith.muli %arg1, %mul3A : i32
    %add3A = arith.addi %mul3A_0, %arg0 : i32
    "tpu.region"() ({
      %run_scoped3A = tpu.sem_alloc : memref<!tpu.dma_semaphore, #tpu.memory_space<semaphore_mem>>
      %dma_start3A_321 = arith.constant 0 : i32
      %dma_start3A_322 = arith.constant 0 : i32
      %dma_start3A_323 = tpu.memref_slice %arg3[%add3A, %dma_start3A_321, %dma_start3A_322] : memref<32x16x128xi32, #tpu.memory_space<hbm>> -> memref<1x16x128xi32, #tpu.memory_space<hbm>>
      %dma_start3A_324 = tpu.memref_squeeze %dma_start3A_323 : memref<1x16x128xi32, #tpu.memory_space<hbm>> -> memref<16x128xi32, #tpu.memory_space<hbm>>
      %dma_start3A_325 = arith.constant 0 : i32
      %dma_start3A_326 = arith.constant 0 : i32
      %dma_start3A_327 = tpu.memref_slice %arg3[%add3A, %dma_start3A_325, %dma_start3A_326] : memref<32x16x128xi32, #tpu.memory_space<hbm>> -> memref<1x16x128xi32, #tpu.memory_space<hbm>>
      %dma_start3A_328 = tpu.memref_squeeze %dma_start3A_327 : memref<1x16x128xi32, #tpu.memory_space<hbm>> -> memref<16x128xi32, #tpu.memory_space<hbm>>
      tpu.enqueue_dma source(%dma_start3A_328 : memref<16x128xi32, #tpu.memory_space<hbm>>) target(%arg5 : memref<16x128xi32, #tpu.memory_space<vmem>>) target_semaphore(%run_scoped3A : memref<!tpu.dma_semaphore, #tpu.memory_space<semaphore_mem>>)
      %dma_wait3A_329 = arith.constant 0 : i32
      %dma_wait3A_330 = arith.constant 0 : i32
      %dma_wait3A_331 = tpu.memref_slice %arg3[%add3A, %dma_wait3A_329, %dma_wait3A_330] : memref<32x16x128xi32, #tpu.memory_space<hbm>> -> memref<1x16x128xi32, #tpu.memory_space<hbm>>
      %dma_wait3A_332 = tpu.memref_squeeze %dma_wait3A_331 : memref<1x16x128xi32, #tpu.memory_space<hbm>> -> memref<16x128xi32, #tpu.memory_space<hbm>>
      %dma_wait3A_333 = arith.constant 0 : i32
      %dma_wait3A_334 = arith.constant 0 : i32
      %dma_wait3A_335 = tpu.memref_slice %arg3[%add3A, %dma_wait3A_333, %dma_wait3A_334] : memref<32x16x128xi32, #tpu.memory_space<hbm>> -> memref<1x16x128xi32, #tpu.memory_space<hbm>>
      %dma_wait3A_336 = tpu.memref_squeeze %dma_wait3A_335 : memref<1x16x128xi32, #tpu.memory_space<hbm>> -> memref<16x128xi32, #tpu.memory_space<hbm>>
      tpu.wait_dma2 semaphore(%run_scoped3A : memref<!tpu.dma_semaphore, #tpu.memory_space<semaphore_mem>>) src(%dma_wait3A_336 : memref<16x128xi32, #tpu.memory_space<hbm>>) dst(%arg5 : memref<16x128xi32, #tpu.memory_space<vmem>>)
      tpu.yield
    }) : () -> ()
    %dma_start3A = arith.constant 0 : i32
    %dma_start3A_1 = arith.constant 0 : i32
    %dma_start3A_2 = arith.constant 0 : i32
    %dma_start3A_3 = tpu.memref_slice %arg6[%dma_start3A_1, %dma_start3A_2] : memref<2048x48xf32, #tpu.memory_space<vmem>> -> memref<128x48xf32, #tpu.memory_space<vmem>>
    %dma_start3A_4 = arith.constant 0 : i32
    %dma_start3A_5 = tpu.memref_slice %arg5[%dma_start3A, %dma_start3A_4] : memref<16x128xi32, #tpu.memory_space<vmem>> -> memref<1x128xi32, #tpu.memory_space<vmem>>
    %dma_start3A_6 = tpu.memref_squeeze %dma_start3A_5 : memref<1x128xi32, #tpu.memory_space<vmem>> -> memref<128xi32, #tpu.memory_space<vmem>>
    %dma_start3A_7 = arith.constant 0 : i32
    %dma_start3A_8 = arith.constant 0 : i32
    %dma_start3A_9 = tpu.memref_slice %arg2[%dma_start3A_7, %dma_start3A_8] : memref<32768x48xf32, #tpu.memory_space<hbm>> -> memref<32768x48xf32, #tpu.memory_space<hbm>>
    tpu.enqueue_indirect_dma source(%dma_start3A_9 : memref<32768x48xf32, #tpu.memory_space<hbm>>) target(%dma_start3A_3 : memref<128x48xf32, #tpu.memory_space<vmem>>) offsets(%dma_start3A_6 : memref<128xi32, #tpu.memory_space<vmem>>) semaphore(%arg7 : memref<!tpu.dma_semaphore, #tpu.memory_space<semaphore_mem>>)
    %dma_start3A_10 = arith.constant 1 : i32
    %dma_start3A_11 = arith.constant 128 : i32
    %dma_start3A_12 = arith.constant 0 : i32
    %dma_start3A_13 = tpu.memref_slice %arg6[%dma_start3A_11, %dma_start3A_12] : memref<2048x48xf32, #tpu.memory_space<vmem>> -> memref<128x48xf32, #tpu.memory_space<vmem>>
    %dma_start3A_14 = arith.constant 0 : i32
    %dma_start3A_15 = tpu.memref_slice %arg5[%dma_start3A_10, %dma_start3A_14] : memref<16x128xi32, #tpu.memory_space<vmem>> -> memref<1x128xi32, #tpu.memory_space<vmem>>
    %dma_start3A_16 = tpu.memref_squeeze %dma_start3A_15 : memref<1x128xi32, #tpu.memory_space<vmem>> -> memref<128xi32, #tpu.memory_space<vmem>>
    %dma_start3A_17 = arith.constant 0 : i32
    %dma_start3A_18 = arith.constant 0 : i32
    %dma_start3A_19 = tpu.memref_slice %arg2[%dma_start3A_17, %dma_start3A_18] : memref<32768x48xf32, #tpu.memory_space<hbm>> -> memref<32768x48xf32, #tpu.memory_space<hbm>>
    tpu.enqueue_indirect_dma source(%dma_start3A_19 : memref<32768x48xf32, #tpu.memory_space<hbm>>) target(%dma_start3A_13 : memref<128x48xf32, #tpu.memory_space<vmem>>) offsets(%dma_start3A_16 : memref<128xi32, #tpu.memory_space<vmem>>) semaphore(%arg7 : memref<!tpu.dma_semaphore, #tpu.memory_space<semaphore_mem>>)
    %dma_start3A_20 = arith.constant 2 : i32
    %dma_start3A_21 = arith.constant 256 : i32
    %dma_start3A_22 = arith.constant 0 : i32
    %dma_start3A_23 = tpu.memref_slice %arg6[%dma_start3A_21, %dma_start3A_22] : memref<2048x48xf32, #tpu.memory_space<vmem>> -> memref<128x48xf32, #tpu.memory_space<vmem>>
    %dma_start3A_24 = arith.constant 0 : i32
    %dma_start3A_25 = tpu.memref_slice %arg5[%dma_start3A_20, %dma_start3A_24] : memref<16x128xi32, #tpu.memory_space<vmem>> -> memref<1x128xi32, #tpu.memory_space<vmem>>
    %dma_start3A_26 = tpu.memref_squeeze %dma_start3A_25 : memref<1x128xi32, #tpu.memory_space<vmem>> -> memref<128xi32, #tpu.memory_space<vmem>>
    %dma_start3A_27 = arith.constant 0 : i32
    %dma_start3A_28 = arith.constant 0 : i32
    %dma_start3A_29 = tpu.memref_slice %arg2[%dma_start3A_27, %dma_start3A_28] : memref<32768x48xf32, #tpu.memory_space<hbm>> -> memref<32768x48xf32, #tpu.memory_space<hbm>>
    tpu.enqueue_indirect_dma source(%dma_start3A_29 : memref<32768x48xf32, #tpu.memory_space<hbm>>) target(%dma_start3A_23 : memref<128x48xf32, #tpu.memory_space<vmem>>) offsets(%dma_start3A_26 : memref<128xi32, #tpu.memory_space<vmem>>) semaphore(%arg7 : memref<!tpu.dma_semaphore, #tpu.memory_space<semaphore_mem>>)
    %dma_start3A_30 = arith.constant 3 : i32
    %dma_start3A_31 = arith.constant 384 : i32
    %dma_start3A_32 = arith.constant 0 : i32
    %dma_start3A_33 = tpu.memref_slice %arg6[%dma_start3A_31, %dma_start3A_32] : memref<2048x48xf32, #tpu.memory_space<vmem>> -> memref<128x48xf32, #tpu.memory_space<vmem>>
    %dma_start3A_34 = arith.constant 0 : i32
    %dma_start3A_35 = tpu.memref_slice %arg5[%dma_start3A_30, %dma_start3A_34] : memref<16x128xi32, #tpu.memory_space<vmem>> -> memref<1x128xi32, #tpu.memory_space<vmem>>
    %dma_start3A_36 = tpu.memref_squeeze %dma_start3A_35 : memref<1x128xi32, #tpu.memory_space<vmem>> -> memref<128xi32, #tpu.memory_space<vmem>>
    %dma_start3A_37 = arith.constant 0 : i32
    %dma_start3A_38 = arith.constant 0 : i32
    %dma_start3A_39 = tpu.memref_slice %arg2[%dma_start3A_37, %dma_start3A_38] : memref<32768x48xf32, #tpu.memory_space<hbm>> -> memref<32768x48xf32, #tpu.memory_space<hbm>>
    tpu.enqueue_indirect_dma source(%dma_start3A_39 : memref<32768x48xf32, #tpu.memory_space<hbm>>) target(%dma_start3A_33 : memref<128x48xf32, #tpu.memory_space<vmem>>) offsets(%dma_start3A_36 : memref<128xi32, #tpu.memory_space<vmem>>) semaphore(%arg7 : memref<!tpu.dma_semaphore, #tpu.memory_space<semaphore_mem>>)
    %dma_start3A_40 = arith.constant 4 : i32
    %dma_start3A_41 = arith.constant 512 : i32
    %dma_start3A_42 = arith.constant 0 : i32
    %dma_start3A_43 = tpu.memref_slice %arg6[%dma_start3A_41, %dma_start3A_42] : memref<2048x48xf32, #tpu.memory_space<vmem>> -> memref<128x48xf32, #tpu.memory_space<vmem>>
    %dma_start3A_44 = arith.constant 0 : i32
    %dma_start3A_45 = tpu.memref_slice %arg5[%dma_start3A_40, %dma_start3A_44] : memref<16x128xi32, #tpu.memory_space<vmem>> -> memref<1x128xi32, #tpu.memory_space<vmem>>
    %dma_start3A_46 = tpu.memref_squeeze %dma_start3A_45 : memref<1x128xi32, #tpu.memory_space<vmem>> -> memref<128xi32, #tpu.memory_space<vmem>>
    %dma_start3A_47 = arith.constant 0 : i32
    %dma_start3A_48 = arith.constant 0 : i32
    %dma_start3A_49 = tpu.memref_slice %arg2[%dma_start3A_47, %dma_start3A_48] : memref<32768x48xf32, #tpu.memory_space<hbm>> -> memref<32768x48xf32, #tpu.memory_space<hbm>>
    tpu.enqueue_indirect_dma source(%dma_start3A_49 : memref<32768x48xf32, #tpu.memory_space<hbm>>) target(%dma_start3A_43 : memref<128x48xf32, #tpu.memory_space<vmem>>) offsets(%dma_start3A_46 : memref<128xi32, #tpu.memory_space<vmem>>) semaphore(%arg7 : memref<!tpu.dma_semaphore, #tpu.memory_space<semaphore_mem>>)
    %dma_start3A_50 = arith.constant 5 : i32
    %dma_start3A_51 = arith.constant 640 : i32
    %dma_start3A_52 = arith.constant 0 : i32
    %dma_start3A_53 = tpu.memref_slice %arg6[%dma_start3A_51, %dma_start3A_52] : memref<2048x48xf32, #tpu.memory_space<vmem>> -> memref<128x48xf32, #tpu.memory_space<vmem>>
    %dma_start3A_54 = arith.constant 0 : i32
    %dma_start3A_55 = tpu.memref_slice %arg5[%dma_start3A_50, %dma_start3A_54] : memref<16x128xi32, #tpu.memory_space<vmem>> -> memref<1x128xi32, #tpu.memory_space<vmem>>
    %dma_start3A_56 = tpu.memref_squeeze %dma_start3A_55 : memref<1x128xi32, #tpu.memory_space<vmem>> -> memref<128xi32, #tpu.memory_space<vmem>>
    %dma_start3A_57 = arith.constant 0 : i32
    %dma_start3A_58 = arith.constant 0 : i32
    %dma_start3A_59 = tpu.memref_slice %arg2[%dma_start3A_57, %dma_start3A_58] : memref<32768x48xf32, #tpu.memory_space<hbm>> -> memref<32768x48xf32, #tpu.memory_space<hbm>>
    tpu.enqueue_indirect_dma source(%dma_start3A_59 : memref<32768x48xf32, #tpu.memory_space<hbm>>) target(%dma_start3A_53 : memref<128x48xf32, #tpu.memory_space<vmem>>) offsets(%dma_start3A_56 : memref<128xi32, #tpu.memory_space<vmem>>) semaphore(%arg7 : memref<!tpu.dma_semaphore, #tpu.memory_space<semaphore_mem>>)
    %dma_start3A_60 = arith.constant 6 : i32
    %dma_start3A_61 = arith.constant 768 : i32
    %dma_start3A_62 = arith.constant 0 : i32
    %dma_start3A_63 = tpu.memref_slice %arg6[%dma_start3A_61, %dma_start3A_62] : memref<2048x48xf32, #tpu.memory_space<vmem>> -> memref<128x48xf32, #tpu.memory_space<vmem>>
    %dma_start3A_64 = arith.constant 0 : i32
    %dma_start3A_65 = tpu.memref_slice %arg5[%dma_start3A_60, %dma_start3A_64] : memref<16x128xi32, #tpu.memory_space<vmem>> -> memref<1x128xi32, #tpu.memory_space<vmem>>
    %dma_start3A_66 = tpu.memref_squeeze %dma_start3A_65 : memref<1x128xi32, #tpu.memory_space<vmem>> -> memref<128xi32, #tpu.memory_space<vmem>>
    %dma_start3A_67 = arith.constant 0 : i32
    %dma_start3A_68 = arith.constant 0 : i32
    %dma_start3A_69 = tpu.memref_slice %arg2[%dma_start3A_67, %dma_start3A_68] : memref<32768x48xf32, #tpu.memory_space<hbm>> -> memref<32768x48xf32, #tpu.memory_space<hbm>>
    tpu.enqueue_indirect_dma source(%dma_start3A_69 : memref<32768x48xf32, #tpu.memory_space<hbm>>) target(%dma_start3A_63 : memref<128x48xf32, #tpu.memory_space<vmem>>) offsets(%dma_start3A_66 : memref<128xi32, #tpu.memory_space<vmem>>) semaphore(%arg7 : memref<!tpu.dma_semaphore, #tpu.memory_space<semaphore_mem>>)
    %dma_start3A_70 = arith.constant 7 : i32
    %dma_start3A_71 = arith.constant 896 : i32
    %dma_start3A_72 = arith.constant 0 : i32
    %dma_start3A_73 = tpu.memref_slice %arg6[%dma_start3A_71, %dma_start3A_72] : memref<2048x48xf32, #tpu.memory_space<vmem>> -> memref<128x48xf32, #tpu.memory_space<vmem>>
    %dma_start3A_74 = arith.constant 0 : i32
    %dma_start3A_75 = tpu.memref_slice %arg5[%dma_start3A_70, %dma_start3A_74] : memref<16x128xi32, #tpu.memory_space<vmem>> -> memref<1x128xi32, #tpu.memory_space<vmem>>
    %dma_start3A_76 = tpu.memref_squeeze %dma_start3A_75 : memref<1x128xi32, #tpu.memory_space<vmem>> -> memref<128xi32, #tpu.memory_space<vmem>>
    %dma_start3A_77 = arith.constant 0 : i32
    %dma_start3A_78 = arith.constant 0 : i32
    %dma_start3A_79 = tpu.memref_slice %arg2[%dma_start3A_77, %dma_start3A_78] : memref<32768x48xf32, #tpu.memory_space<hbm>> -> memref<32768x48xf32, #tpu.memory_space<hbm>>
    tpu.enqueue_indirect_dma source(%dma_start3A_79 : memref<32768x48xf32, #tpu.memory_space<hbm>>) target(%dma_start3A_73 : memref<128x48xf32, #tpu.memory_space<vmem>>) offsets(%dma_start3A_76 : memref<128xi32, #tpu.memory_space<vmem>>) semaphore(%arg7 : memref<!tpu.dma_semaphore, #tpu.memory_space<semaphore_mem>>)
    %dma_start3A_80 = arith.constant 8 : i32
    %dma_start3A_81 = arith.constant 1024 : i32
    %dma_start3A_82 = arith.constant 0 : i32
    %dma_start3A_83 = tpu.memref_slice %arg6[%dma_start3A_81, %dma_start3A_82] : memref<2048x48xf32, #tpu.memory_space<vmem>> -> memref<128x48xf32, #tpu.memory_space<vmem>>
    %dma_start3A_84 = arith.constant 0 : i32
    %dma_start3A_85 = tpu.memref_slice %arg5[%dma_start3A_80, %dma_start3A_84] : memref<16x128xi32, #tpu.memory_space<vmem>> -> memref<1x128xi32, #tpu.memory_space<vmem>>
    %dma_start3A_86 = tpu.memref_squeeze %dma_start3A_85 : memref<1x128xi32, #tpu.memory_space<vmem>> -> memref<128xi32, #tpu.memory_space<vmem>>
    %dma_start3A_87 = arith.constant 0 : i32
    %dma_start3A_88 = arith.constant 0 : i32
    %dma_start3A_89 = tpu.memref_slice %arg2[%dma_start3A_87, %dma_start3A_88] : memref<32768x48xf32, #tpu.memory_space<hbm>> -> memref<32768x48xf32, #tpu.memory_space<hbm>>
    tpu.enqueue_indirect_dma source(%dma_start3A_89 : memref<32768x48xf32, #tpu.memory_space<hbm>>) target(%dma_start3A_83 : memref<128x48xf32, #tpu.memory_space<vmem>>) offsets(%dma_start3A_86 : memref<128xi32, #tpu.memory_space<vmem>>) semaphore(%arg7 : memref<!tpu.dma_semaphore, #tpu.memory_space<semaphore_mem>>)
    %dma_start3A_90 = arith.constant 9 : i32
    %dma_start3A_91 = arith.constant 1152 : i32
    %dma_start3A_92 = arith.constant 0 : i32
    %dma_start3A_93 = tpu.memref_slice %arg6[%dma_start3A_91, %dma_start3A_92] : memref<2048x48xf32, #tpu.memory_space<vmem>> -> memref<128x48xf32, #tpu.memory_space<vmem>>
    %dma_start3A_94 = arith.constant 0 : i32
    %dma_start3A_95 = tpu.memref_slice %arg5[%dma_start3A_90, %dma_start3A_94] : memref<16x128xi32, #tpu.memory_space<vmem>> -> memref<1x128xi32, #tpu.memory_space<vmem>>
    %dma_start3A_96 = tpu.memref_squeeze %dma_start3A_95 : memref<1x128xi32, #tpu.memory_space<vmem>> -> memref<128xi32, #tpu.memory_space<vmem>>
    %dma_start3A_97 = arith.constant 0 : i32
    %dma_start3A_98 = arith.constant 0 : i32
    %dma_start3A_99 = tpu.memref_slice %arg2[%dma_start3A_97, %dma_start3A_98] : memref<32768x48xf32, #tpu.memory_space<hbm>> -> memref<32768x48xf32, #tpu.memory_space<hbm>>
    tpu.enqueue_indirect_dma source(%dma_start3A_99 : memref<32768x48xf32, #tpu.memory_space<hbm>>) target(%dma_start3A_93 : memref<128x48xf32, #tpu.memory_space<vmem>>) offsets(%dma_start3A_96 : memref<128xi32, #tpu.memory_space<vmem>>) semaphore(%arg7 : memref<!tpu.dma_semaphore, #tpu.memory_space<semaphore_mem>>)
    %dma_start3A_100 = arith.constant 10 : i32
    %dma_start3A_101 = arith.constant 1280 : i32
    %dma_start3A_102 = arith.constant 0 : i32
    %dma_start3A_103 = tpu.memref_slice %arg6[%dma_start3A_101, %dma_start3A_102] : memref<2048x48xf32, #tpu.memory_space<vmem>> -> memref<128x48xf32, #tpu.memory_space<vmem>>
    %dma_start3A_104 = arith.constant 0 : i32
    %dma_start3A_105 = tpu.memref_slice %arg5[%dma_start3A_100, %dma_start3A_104] : memref<16x128xi32, #tpu.memory_space<vmem>> -> memref<1x128xi32, #tpu.memory_space<vmem>>
    %dma_start3A_106 = tpu.memref_squeeze %dma_start3A_105 : memref<1x128xi32, #tpu.memory_space<vmem>> -> memref<128xi32, #tpu.memory_space<vmem>>
    %dma_start3A_107 = arith.constant 0 : i32
    %dma_start3A_108 = arith.constant 0 : i32
    %dma_start3A_109 = tpu.memref_slice %arg2[%dma_start3A_107, %dma_start3A_108] : memref<32768x48xf32, #tpu.memory_space<hbm>> -> memref<32768x48xf32, #tpu.memory_space<hbm>>
    tpu.enqueue_indirect_dma source(%dma_start3A_109 : memref<32768x48xf32, #tpu.memory_space<hbm>>) target(%dma_start3A_103 : memref<128x48xf32, #tpu.memory_space<vmem>>) offsets(%dma_start3A_106 : memref<128xi32, #tpu.memory_space<vmem>>) semaphore(%arg7 : memref<!tpu.dma_semaphore, #tpu.memory_space<semaphore_mem>>)
    %dma_start3A_110 = arith.constant 11 : i32
    %dma_start3A_111 = arith.constant 1408 : i32
    %dma_start3A_112 = arith.constant 0 : i32
    %dma_start3A_113 = tpu.memref_slice %arg6[%dma_start3A_111, %dma_start3A_112] : memref<2048x48xf32, #tpu.memory_space<vmem>> -> memref<128x48xf32, #tpu.memory_space<vmem>>
    %dma_start3A_114 = arith.constant 0 : i32
    %dma_start3A_115 = tpu.memref_slice %arg5[%dma_start3A_110, %dma_start3A_114] : memref<16x128xi32, #tpu.memory_space<vmem>> -> memref<1x128xi32, #tpu.memory_space<vmem>>
    %dma_start3A_116 = tpu.memref_squeeze %dma_start3A_115 : memref<1x128xi32, #tpu.memory_space<vmem>> -> memref<128xi32, #tpu.memory_space<vmem>>
    %dma_start3A_117 = arith.constant 0 : i32
    %dma_start3A_118 = arith.constant 0 : i32
    %dma_start3A_119 = tpu.memref_slice %arg2[%dma_start3A_117, %dma_start3A_118] : memref<32768x48xf32, #tpu.memory_space<hbm>> -> memref<32768x48xf32, #tpu.memory_space<hbm>>
    tpu.enqueue_indirect_dma source(%dma_start3A_119 : memref<32768x48xf32, #tpu.memory_space<hbm>>) target(%dma_start3A_113 : memref<128x48xf32, #tpu.memory_space<vmem>>) offsets(%dma_start3A_116 : memref<128xi32, #tpu.memory_space<vmem>>) semaphore(%arg7 : memref<!tpu.dma_semaphore, #tpu.memory_space<semaphore_mem>>)
    %dma_start3A_120 = arith.constant 12 : i32
    %dma_start3A_121 = arith.constant 1536 : i32
    %dma_start3A_122 = arith.constant 0 : i32
    %dma_start3A_123 = tpu.memref_slice %arg6[%dma_start3A_121, %dma_start3A_122] : memref<2048x48xf32, #tpu.memory_space<vmem>> -> memref<128x48xf32, #tpu.memory_space<vmem>>
    %dma_start3A_124 = arith.constant 0 : i32
    %dma_start3A_125 = tpu.memref_slice %arg5[%dma_start3A_120, %dma_start3A_124] : memref<16x128xi32, #tpu.memory_space<vmem>> -> memref<1x128xi32, #tpu.memory_space<vmem>>
    %dma_start3A_126 = tpu.memref_squeeze %dma_start3A_125 : memref<1x128xi32, #tpu.memory_space<vmem>> -> memref<128xi32, #tpu.memory_space<vmem>>
    %dma_start3A_127 = arith.constant 0 : i32
    %dma_start3A_128 = arith.constant 0 : i32
    %dma_start3A_129 = tpu.memref_slice %arg2[%dma_start3A_127, %dma_start3A_128] : memref<32768x48xf32, #tpu.memory_space<hbm>> -> memref<32768x48xf32, #tpu.memory_space<hbm>>
    tpu.enqueue_indirect_dma source(%dma_start3A_129 : memref<32768x48xf32, #tpu.memory_space<hbm>>) target(%dma_start3A_123 : memref<128x48xf32, #tpu.memory_space<vmem>>) offsets(%dma_start3A_126 : memref<128xi32, #tpu.memory_space<vmem>>) semaphore(%arg7 : memref<!tpu.dma_semaphore, #tpu.memory_space<semaphore_mem>>)
    %dma_start3A_130 = arith.constant 13 : i32
    %dma_start3A_131 = arith.constant 1664 : i32
    %dma_start3A_132 = arith.constant 0 : i32
    %dma_start3A_133 = tpu.memref_slice %arg6[%dma_start3A_131, %dma_start3A_132] : memref<2048x48xf32, #tpu.memory_space<vmem>> -> memref<128x48xf32, #tpu.memory_space<vmem>>
    %dma_start3A_134 = arith.constant 0 : i32
    %dma_start3A_135 = tpu.memref_slice %arg5[%dma_start3A_130, %dma_start3A_134] : memref<16x128xi32, #tpu.memory_space<vmem>> -> memref<1x128xi32, #tpu.memory_space<vmem>>
    %dma_start3A_136 = tpu.memref_squeeze %dma_start3A_135 : memref<1x128xi32, #tpu.memory_space<vmem>> -> memref<128xi32, #tpu.memory_space<vmem>>
    %dma_start3A_137 = arith.constant 0 : i32
    %dma_start3A_138 = arith.constant 0 : i32
    %dma_start3A_139 = tpu.memref_slice %arg2[%dma_start3A_137, %dma_start3A_138] : memref<32768x48xf32, #tpu.memory_space<hbm>> -> memref<32768x48xf32, #tpu.memory_space<hbm>>
    tpu.enqueue_indirect_dma source(%dma_start3A_139 : memref<32768x48xf32, #tpu.memory_space<hbm>>) target(%dma_start3A_133 : memref<128x48xf32, #tpu.memory_space<vmem>>) offsets(%dma_start3A_136 : memref<128xi32, #tpu.memory_space<vmem>>) semaphore(%arg7 : memref<!tpu.dma_semaphore, #tpu.memory_space<semaphore_mem>>)
    %dma_start3A_140 = arith.constant 14 : i32
    %dma_start3A_141 = arith.constant 1792 : i32
    %dma_start3A_142 = arith.constant 0 : i32
    %dma_start3A_143 = tpu.memref_slice %arg6[%dma_start3A_141, %dma_start3A_142] : memref<2048x48xf32, #tpu.memory_space<vmem>> -> memref<128x48xf32, #tpu.memory_space<vmem>>
    %dma_start3A_144 = arith.constant 0 : i32
    %dma_start3A_145 = tpu.memref_slice %arg5[%dma_start3A_140, %dma_start3A_144] : memref<16x128xi32, #tpu.memory_space<vmem>> -> memref<1x128xi32, #tpu.memory_space<vmem>>
    %dma_start3A_146 = tpu.memref_squeeze %dma_start3A_145 : memref<1x128xi32, #tpu.memory_space<vmem>> -> memref<128xi32, #tpu.memory_space<vmem>>
    %dma_start3A_147 = arith.constant 0 : i32
    %dma_start3A_148 = arith.constant 0 : i32
    %dma_start3A_149 = tpu.memref_slice %arg2[%dma_start3A_147, %dma_start3A_148] : memref<32768x48xf32, #tpu.memory_space<hbm>> -> memref<32768x48xf32, #tpu.memory_space<hbm>>
    tpu.enqueue_indirect_dma source(%dma_start3A_149 : memref<32768x48xf32, #tpu.memory_space<hbm>>) target(%dma_start3A_143 : memref<128x48xf32, #tpu.memory_space<vmem>>) offsets(%dma_start3A_146 : memref<128xi32, #tpu.memory_space<vmem>>) semaphore(%arg7 : memref<!tpu.dma_semaphore, #tpu.memory_space<semaphore_mem>>)
    %dma_start3A_150 = arith.constant 15 : i32
    %dma_start3A_151 = arith.constant 1920 : i32
    %dma_start3A_152 = arith.constant 0 : i32
    %dma_start3A_153 = tpu.memref_slice %arg6[%dma_start3A_151, %dma_start3A_152] : memref<2048x48xf32, #tpu.memory_space<vmem>> -> memref<128x48xf32, #tpu.memory_space<vmem>>
    %dma_start3A_154 = arith.constant 0 : i32
    %dma_start3A_155 = tpu.memref_slice %arg5[%dma_start3A_150, %dma_start3A_154] : memref<16x128xi32, #tpu.memory_space<vmem>> -> memref<1x128xi32, #tpu.memory_space<vmem>>
    %dma_start3A_156 = tpu.memref_squeeze %dma_start3A_155 : memref<1x128xi32, #tpu.memory_space<vmem>> -> memref<128xi32, #tpu.memory_space<vmem>>
    %dma_start3A_157 = arith.constant 0 : i32
    %dma_start3A_158 = arith.constant 0 : i32
    %dma_start3A_159 = tpu.memref_slice %arg2[%dma_start3A_157, %dma_start3A_158] : memref<32768x48xf32, #tpu.memory_space<hbm>> -> memref<32768x48xf32, #tpu.memory_space<hbm>>
    tpu.enqueue_indirect_dma source(%dma_start3A_159 : memref<32768x48xf32, #tpu.memory_space<hbm>>) target(%dma_start3A_153 : memref<128x48xf32, #tpu.memory_space<vmem>>) offsets(%dma_start3A_156 : memref<128xi32, #tpu.memory_space<vmem>>) semaphore(%arg7 : memref<!tpu.dma_semaphore, #tpu.memory_space<semaphore_mem>>)
    %dma_wait3A = arith.constant 0 : i32
    %dma_wait3A_160 = arith.constant 0 : i32
    %dma_wait3A_161 = arith.constant 0 : i32
    %dma_wait3A_162 = tpu.memref_slice %arg6[%dma_wait3A_160, %dma_wait3A_161] : memref<2048x48xf32, #tpu.memory_space<vmem>> -> memref<128x48xf32, #tpu.memory_space<vmem>>
    %dma_wait3A_163 = arith.constant 0 : i32
    %dma_wait3A_164 = tpu.memref_slice %arg5[%dma_wait3A, %dma_wait3A_163] : memref<16x128xi32, #tpu.memory_space<vmem>> -> memref<1x128xi32, #tpu.memory_space<vmem>>
    %dma_wait3A_165 = tpu.memref_squeeze %dma_wait3A_164 : memref<1x128xi32, #tpu.memory_space<vmem>> -> memref<128xi32, #tpu.memory_space<vmem>>
    %dma_wait3A_166 = arith.constant 0 : i32
    %dma_wait3A_167 = arith.constant 0 : i32
    %dma_wait3A_168 = tpu.memref_slice %arg2[%dma_wait3A_166, %dma_wait3A_167] : memref<32768x48xf32, #tpu.memory_space<hbm>> -> memref<32768x48xf32, #tpu.memory_space<hbm>>
    tpu.wait_indirect_dma semaphore(%arg7 : memref<!tpu.dma_semaphore, #tpu.memory_space<semaphore_mem>>) src(%dma_wait3A_168 : memref<32768x48xf32, #tpu.memory_space<hbm>>) dst(%dma_wait3A_162 : memref<128x48xf32, #tpu.memory_space<vmem>>)
    %dma_wait3A_169 = arith.constant 1 : i32
    %dma_wait3A_170 = arith.constant 128 : i32
    %dma_wait3A_171 = arith.constant 0 : i32
    %dma_wait3A_172 = tpu.memref_slice %arg6[%dma_wait3A_170, %dma_wait3A_171] : memref<2048x48xf32, #tpu.memory_space<vmem>> -> memref<128x48xf32, #tpu.memory_space<vmem>>
    %dma_wait3A_173 = arith.constant 0 : i32
    %dma_wait3A_174 = tpu.memref_slice %arg5[%dma_wait3A_169, %dma_wait3A_173] : memref<16x128xi32, #tpu.memory_space<vmem>> -> memref<1x128xi32, #tpu.memory_space<vmem>>
    %dma_wait3A_175 = tpu.memref_squeeze %dma_wait3A_174 : memref<1x128xi32, #tpu.memory_space<vmem>> -> memref<128xi32, #tpu.memory_space<vmem>>
    %dma_wait3A_176 = arith.constant 0 : i32
    %dma_wait3A_177 = arith.constant 0 : i32
    %dma_wait3A_178 = tpu.memref_slice %arg2[%dma_wait3A_176, %dma_wait3A_177] : memref<32768x48xf32, #tpu.memory_space<hbm>> -> memref<32768x48xf32, #tpu.memory_space<hbm>>
    tpu.wait_indirect_dma semaphore(%arg7 : memref<!tpu.dma_semaphore, #tpu.memory_space<semaphore_mem>>) src(%dma_wait3A_178 : memref<32768x48xf32, #tpu.memory_space<hbm>>) dst(%dma_wait3A_172 : memref<128x48xf32, #tpu.memory_space<vmem>>)
    %dma_wait3A_179 = arith.constant 2 : i32
    %dma_wait3A_180 = arith.constant 256 : i32
    %dma_wait3A_181 = arith.constant 0 : i32
    %dma_wait3A_182 = tpu.memref_slice %arg6[%dma_wait3A_180, %dma_wait3A_181] : memref<2048x48xf32, #tpu.memory_space<vmem>> -> memref<128x48xf32, #tpu.memory_space<vmem>>
    %dma_wait3A_183 = arith.constant 0 : i32
    %dma_wait3A_184 = tpu.memref_slice %arg5[%dma_wait3A_179, %dma_wait3A_183] : memref<16x128xi32, #tpu.memory_space<vmem>> -> memref<1x128xi32, #tpu.memory_space<vmem>>
    %dma_wait3A_185 = tpu.memref_squeeze %dma_wait3A_184 : memref<1x128xi32, #tpu.memory_space<vmem>> -> memref<128xi32, #tpu.memory_space<vmem>>
    %dma_wait3A_186 = arith.constant 0 : i32
    %dma_wait3A_187 = arith.constant 0 : i32
    %dma_wait3A_188 = tpu.memref_slice %arg2[%dma_wait3A_186, %dma_wait3A_187] : memref<32768x48xf32, #tpu.memory_space<hbm>> -> memref<32768x48xf32, #tpu.memory_space<hbm>>
    tpu.wait_indirect_dma semaphore(%arg7 : memref<!tpu.dma_semaphore, #tpu.memory_space<semaphore_mem>>) src(%dma_wait3A_188 : memref<32768x48xf32, #tpu.memory_space<hbm>>) dst(%dma_wait3A_182 : memref<128x48xf32, #tpu.memory_space<vmem>>)
    %dma_wait3A_189 = arith.constant 3 : i32
    %dma_wait3A_190 = arith.constant 384 : i32
    %dma_wait3A_191 = arith.constant 0 : i32
    %dma_wait3A_192 = tpu.memref_slice %arg6[%dma_wait3A_190, %dma_wait3A_191] : memref<2048x48xf32, #tpu.memory_space<vmem>> -> memref<128x48xf32, #tpu.memory_space<vmem>>
    %dma_wait3A_193 = arith.constant 0 : i32
    %dma_wait3A_194 = tpu.memref_slice %arg5[%dma_wait3A_189, %dma_wait3A_193] : memref<16x128xi32, #tpu.memory_space<vmem>> -> memref<1x128xi32, #tpu.memory_space<vmem>>
    %dma_wait3A_195 = tpu.memref_squeeze %dma_wait3A_194 : memref<1x128xi32, #tpu.memory_space<vmem>> -> memref<128xi32, #tpu.memory_space<vmem>>
    %dma_wait3A_196 = arith.constant 0 : i32
    %dma_wait3A_197 = arith.constant 0 : i32
    %dma_wait3A_198 = tpu.memref_slice %arg2[%dma_wait3A_196, %dma_wait3A_197] : memref<32768x48xf32, #tpu.memory_space<hbm>> -> memref<32768x48xf32, #tpu.memory_space<hbm>>
    tpu.wait_indirect_dma semaphore(%arg7 : memref<!tpu.dma_semaphore, #tpu.memory_space<semaphore_mem>>) src(%dma_wait3A_198 : memref<32768x48xf32, #tpu.memory_space<hbm>>) dst(%dma_wait3A_192 : memref<128x48xf32, #tpu.memory_space<vmem>>)
    %dma_wait3A_199 = arith.constant 4 : i32
    %dma_wait3A_200 = arith.constant 512 : i32
    %dma_wait3A_201 = arith.constant 0 : i32
    %dma_wait3A_202 = tpu.memref_slice %arg6[%dma_wait3A_200, %dma_wait3A_201] : memref<2048x48xf32, #tpu.memory_space<vmem>> -> memref<128x48xf32, #tpu.memory_space<vmem>>
    %dma_wait3A_203 = arith.constant 0 : i32
    %dma_wait3A_204 = tpu.memref_slice %arg5[%dma_wait3A_199, %dma_wait3A_203] : memref<16x128xi32, #tpu.memory_space<vmem>> -> memref<1x128xi32, #tpu.memory_space<vmem>>
    %dma_wait3A_205 = tpu.memref_squeeze %dma_wait3A_204 : memref<1x128xi32, #tpu.memory_space<vmem>> -> memref<128xi32, #tpu.memory_space<vmem>>
    %dma_wait3A_206 = arith.constant 0 : i32
    %dma_wait3A_207 = arith.constant 0 : i32
    %dma_wait3A_208 = tpu.memref_slice %arg2[%dma_wait3A_206, %dma_wait3A_207] : memref<32768x48xf32, #tpu.memory_space<hbm>> -> memref<32768x48xf32, #tpu.memory_space<hbm>>
    tpu.wait_indirect_dma semaphore(%arg7 : memref<!tpu.dma_semaphore, #tpu.memory_space<semaphore_mem>>) src(%dma_wait3A_208 : memref<32768x48xf32, #tpu.memory_space<hbm>>) dst(%dma_wait3A_202 : memref<128x48xf32, #tpu.memory_space<vmem>>)
    %dma_wait3A_209 = arith.constant 5 : i32
    %dma_wait3A_210 = arith.constant 640 : i32
    %dma_wait3A_211 = arith.constant 0 : i32
    %dma_wait3A_212 = tpu.memref_slice %arg6[%dma_wait3A_210, %dma_wait3A_211] : memref<2048x48xf32, #tpu.memory_space<vmem>> -> memref<128x48xf32, #tpu.memory_space<vmem>>
    %dma_wait3A_213 = arith.constant 0 : i32
    %dma_wait3A_214 = tpu.memref_slice %arg5[%dma_wait3A_209, %dma_wait3A_213] : memref<16x128xi32, #tpu.memory_space<vmem>> -> memref<1x128xi32, #tpu.memory_space<vmem>>
    %dma_wait3A_215 = tpu.memref_squeeze %dma_wait3A_214 : memref<1x128xi32, #tpu.memory_space<vmem>> -> memref<128xi32, #tpu.memory_space<vmem>>
    %dma_wait3A_216 = arith.constant 0 : i32
    %dma_wait3A_217 = arith.constant 0 : i32
    %dma_wait3A_218 = tpu.memref_slice %arg2[%dma_wait3A_216, %dma_wait3A_217] : memref<32768x48xf32, #tpu.memory_space<hbm>> -> memref<32768x48xf32, #tpu.memory_space<hbm>>
    tpu.wait_indirect_dma semaphore(%arg7 : memref<!tpu.dma_semaphore, #tpu.memory_space<semaphore_mem>>) src(%dma_wait3A_218 : memref<32768x48xf32, #tpu.memory_space<hbm>>) dst(%dma_wait3A_212 : memref<128x48xf32, #tpu.memory_space<vmem>>)
    %dma_wait3A_219 = arith.constant 6 : i32
    %dma_wait3A_220 = arith.constant 768 : i32
    %dma_wait3A_221 = arith.constant 0 : i32
    %dma_wait3A_222 = tpu.memref_slice %arg6[%dma_wait3A_220, %dma_wait3A_221] : memref<2048x48xf32, #tpu.memory_space<vmem>> -> memref<128x48xf32, #tpu.memory_space<vmem>>
    %dma_wait3A_223 = arith.constant 0 : i32
    %dma_wait3A_224 = tpu.memref_slice %arg5[%dma_wait3A_219, %dma_wait3A_223] : memref<16x128xi32, #tpu.memory_space<vmem>> -> memref<1x128xi32, #tpu.memory_space<vmem>>
    %dma_wait3A_225 = tpu.memref_squeeze %dma_wait3A_224 : memref<1x128xi32, #tpu.memory_space<vmem>> -> memref<128xi32, #tpu.memory_space<vmem>>
    %dma_wait3A_226 = arith.constant 0 : i32
    %dma_wait3A_227 = arith.constant 0 : i32
    %dma_wait3A_228 = tpu.memref_slice %arg2[%dma_wait3A_226, %dma_wait3A_227] : memref<32768x48xf32, #tpu.memory_space<hbm>> -> memref<32768x48xf32, #tpu.memory_space<hbm>>
    tpu.wait_indirect_dma semaphore(%arg7 : memref<!tpu.dma_semaphore, #tpu.memory_space<semaphore_mem>>) src(%dma_wait3A_228 : memref<32768x48xf32, #tpu.memory_space<hbm>>) dst(%dma_wait3A_222 : memref<128x48xf32, #tpu.memory_space<vmem>>)
    %dma_wait3A_229 = arith.constant 7 : i32
    %dma_wait3A_230 = arith.constant 896 : i32
    %dma_wait3A_231 = arith.constant 0 : i32
    %dma_wait3A_232 = tpu.memref_slice %arg6[%dma_wait3A_230, %dma_wait3A_231] : memref<2048x48xf32, #tpu.memory_space<vmem>> -> memref<128x48xf32, #tpu.memory_space<vmem>>
    %dma_wait3A_233 = arith.constant 0 : i32
    %dma_wait3A_234 = tpu.memref_slice %arg5[%dma_wait3A_229, %dma_wait3A_233] : memref<16x128xi32, #tpu.memory_space<vmem>> -> memref<1x128xi32, #tpu.memory_space<vmem>>
    %dma_wait3A_235 = tpu.memref_squeeze %dma_wait3A_234 : memref<1x128xi32, #tpu.memory_space<vmem>> -> memref<128xi32, #tpu.memory_space<vmem>>
    %dma_wait3A_236 = arith.constant 0 : i32
    %dma_wait3A_237 = arith.constant 0 : i32
    %dma_wait3A_238 = tpu.memref_slice %arg2[%dma_wait3A_236, %dma_wait3A_237] : memref<32768x48xf32, #tpu.memory_space<hbm>> -> memref<32768x48xf32, #tpu.memory_space<hbm>>
    tpu.wait_indirect_dma semaphore(%arg7 : memref<!tpu.dma_semaphore, #tpu.memory_space<semaphore_mem>>) src(%dma_wait3A_238 : memref<32768x48xf32, #tpu.memory_space<hbm>>) dst(%dma_wait3A_232 : memref<128x48xf32, #tpu.memory_space<vmem>>)
    %dma_wait3A_239 = arith.constant 8 : i32
    %dma_wait3A_240 = arith.constant 1024 : i32
    %dma_wait3A_241 = arith.constant 0 : i32
    %dma_wait3A_242 = tpu.memref_slice %arg6[%dma_wait3A_240, %dma_wait3A_241] : memref<2048x48xf32, #tpu.memory_space<vmem>> -> memref<128x48xf32, #tpu.memory_space<vmem>>
    %dma_wait3A_243 = arith.constant 0 : i32
    %dma_wait3A_244 = tpu.memref_slice %arg5[%dma_wait3A_239, %dma_wait3A_243] : memref<16x128xi32, #tpu.memory_space<vmem>> -> memref<1x128xi32, #tpu.memory_space<vmem>>
    %dma_wait3A_245 = tpu.memref_squeeze %dma_wait3A_244 : memref<1x128xi32, #tpu.memory_space<vmem>> -> memref<128xi32, #tpu.memory_space<vmem>>
    %dma_wait3A_246 = arith.constant 0 : i32
    %dma_wait3A_247 = arith.constant 0 : i32
    %dma_wait3A_248 = tpu.memref_slice %arg2[%dma_wait3A_246, %dma_wait3A_247] : memref<32768x48xf32, #tpu.memory_space<hbm>> -> memref<32768x48xf32, #tpu.memory_space<hbm>>
    tpu.wait_indirect_dma semaphore(%arg7 : memref<!tpu.dma_semaphore, #tpu.memory_space<semaphore_mem>>) src(%dma_wait3A_248 : memref<32768x48xf32, #tpu.memory_space<hbm>>) dst(%dma_wait3A_242 : memref<128x48xf32, #tpu.memory_space<vmem>>)
    %dma_wait3A_249 = arith.constant 9 : i32
    %dma_wait3A_250 = arith.constant 1152 : i32
    %dma_wait3A_251 = arith.constant 0 : i32
    %dma_wait3A_252 = tpu.memref_slice %arg6[%dma_wait3A_250, %dma_wait3A_251] : memref<2048x48xf32, #tpu.memory_space<vmem>> -> memref<128x48xf32, #tpu.memory_space<vmem>>
    %dma_wait3A_253 = arith.constant 0 : i32
    %dma_wait3A_254 = tpu.memref_slice %arg5[%dma_wait3A_249, %dma_wait3A_253] : memref<16x128xi32, #tpu.memory_space<vmem>> -> memref<1x128xi32, #tpu.memory_space<vmem>>
    %dma_wait3A_255 = tpu.memref_squeeze %dma_wait3A_254 : memref<1x128xi32, #tpu.memory_space<vmem>> -> memref<128xi32, #tpu.memory_space<vmem>>
    %dma_wait3A_256 = arith.constant 0 : i32
    %dma_wait3A_257 = arith.constant 0 : i32
    %dma_wait3A_258 = tpu.memref_slice %arg2[%dma_wait3A_256, %dma_wait3A_257] : memref<32768x48xf32, #tpu.memory_space<hbm>> -> memref<32768x48xf32, #tpu.memory_space<hbm>>
    tpu.wait_indirect_dma semaphore(%arg7 : memref<!tpu.dma_semaphore, #tpu.memory_space<semaphore_mem>>) src(%dma_wait3A_258 : memref<32768x48xf32, #tpu.memory_space<hbm>>) dst(%dma_wait3A_252 : memref<128x48xf32, #tpu.memory_space<vmem>>)
    %dma_wait3A_259 = arith.constant 10 : i32
    %dma_wait3A_260 = arith.constant 1280 : i32
    %dma_wait3A_261 = arith.constant 0 : i32
    %dma_wait3A_262 = tpu.memref_slice %arg6[%dma_wait3A_260, %dma_wait3A_261] : memref<2048x48xf32, #tpu.memory_space<vmem>> -> memref<128x48xf32, #tpu.memory_space<vmem>>
    %dma_wait3A_263 = arith.constant 0 : i32
    %dma_wait3A_264 = tpu.memref_slice %arg5[%dma_wait3A_259, %dma_wait3A_263] : memref<16x128xi32, #tpu.memory_space<vmem>> -> memref<1x128xi32, #tpu.memory_space<vmem>>
    %dma_wait3A_265 = tpu.memref_squeeze %dma_wait3A_264 : memref<1x128xi32, #tpu.memory_space<vmem>> -> memref<128xi32, #tpu.memory_space<vmem>>
    %dma_wait3A_266 = arith.constant 0 : i32
    %dma_wait3A_267 = arith.constant 0 : i32
    %dma_wait3A_268 = tpu.memref_slice %arg2[%dma_wait3A_266, %dma_wait3A_267] : memref<32768x48xf32, #tpu.memory_space<hbm>> -> memref<32768x48xf32, #tpu.memory_space<hbm>>
    tpu.wait_indirect_dma semaphore(%arg7 : memref<!tpu.dma_semaphore, #tpu.memory_space<semaphore_mem>>) src(%dma_wait3A_268 : memref<32768x48xf32, #tpu.memory_space<hbm>>) dst(%dma_wait3A_262 : memref<128x48xf32, #tpu.memory_space<vmem>>)
    %dma_wait3A_269 = arith.constant 11 : i32
    %dma_wait3A_270 = arith.constant 1408 : i32
    %dma_wait3A_271 = arith.constant 0 : i32
    %dma_wait3A_272 = tpu.memref_slice %arg6[%dma_wait3A_270, %dma_wait3A_271] : memref<2048x48xf32, #tpu.memory_space<vmem>> -> memref<128x48xf32, #tpu.memory_space<vmem>>
    %dma_wait3A_273 = arith.constant 0 : i32
    %dma_wait3A_274 = tpu.memref_slice %arg5[%dma_wait3A_269, %dma_wait3A_273] : memref<16x128xi32, #tpu.memory_space<vmem>> -> memref<1x128xi32, #tpu.memory_space<vmem>>
    %dma_wait3A_275 = tpu.memref_squeeze %dma_wait3A_274 : memref<1x128xi32, #tpu.memory_space<vmem>> -> memref<128xi32, #tpu.memory_space<vmem>>
    %dma_wait3A_276 = arith.constant 0 : i32
    %dma_wait3A_277 = arith.constant 0 : i32
    %dma_wait3A_278 = tpu.memref_slice %arg2[%dma_wait3A_276, %dma_wait3A_277] : memref<32768x48xf32, #tpu.memory_space<hbm>> -> memref<32768x48xf32, #tpu.memory_space<hbm>>
    tpu.wait_indirect_dma semaphore(%arg7 : memref<!tpu.dma_semaphore, #tpu.memory_space<semaphore_mem>>) src(%dma_wait3A_278 : memref<32768x48xf32, #tpu.memory_space<hbm>>) dst(%dma_wait3A_272 : memref<128x48xf32, #tpu.memory_space<vmem>>)
    %dma_wait3A_279 = arith.constant 12 : i32
    %dma_wait3A_280 = arith.constant 1536 : i32
    %dma_wait3A_281 = arith.constant 0 : i32
    %dma_wait3A_282 = tpu.memref_slice %arg6[%dma_wait3A_280, %dma_wait3A_281] : memref<2048x48xf32, #tpu.memory_space<vmem>> -> memref<128x48xf32, #tpu.memory_space<vmem>>
    %dma_wait3A_283 = arith.constant 0 : i32
    %dma_wait3A_284 = tpu.memref_slice %arg5[%dma_wait3A_279, %dma_wait3A_283] : memref<16x128xi32, #tpu.memory_space<vmem>> -> memref<1x128xi32, #tpu.memory_space<vmem>>
    %dma_wait3A_285 = tpu.memref_squeeze %dma_wait3A_284 : memref<1x128xi32, #tpu.memory_space<vmem>> -> memref<128xi32, #tpu.memory_space<vmem>>
    %dma_wait3A_286 = arith.constant 0 : i32
    %dma_wait3A_287 = arith.constant 0 : i32
    %dma_wait3A_288 = tpu.memref_slice %arg2[%dma_wait3A_286, %dma_wait3A_287] : memref<32768x48xf32, #tpu.memory_space<hbm>> -> memref<32768x48xf32, #tpu.memory_space<hbm>>
    tpu.wait_indirect_dma semaphore(%arg7 : memref<!tpu.dma_semaphore, #tpu.memory_space<semaphore_mem>>) src(%dma_wait3A_288 : memref<32768x48xf32, #tpu.memory_space<hbm>>) dst(%dma_wait3A_282 : memref<128x48xf32, #tpu.memory_space<vmem>>)
    %dma_wait3A_289 = arith.constant 13 : i32
    %dma_wait3A_290 = arith.constant 1664 : i32
    %dma_wait3A_291 = arith.constant 0 : i32
    %dma_wait3A_292 = tpu.memref_slice %arg6[%dma_wait3A_290, %dma_wait3A_291] : memref<2048x48xf32, #tpu.memory_space<vmem>> -> memref<128x48xf32, #tpu.memory_space<vmem>>
    %dma_wait3A_293 = arith.constant 0 : i32
    %dma_wait3A_294 = tpu.memref_slice %arg5[%dma_wait3A_289, %dma_wait3A_293] : memref<16x128xi32, #tpu.memory_space<vmem>> -> memref<1x128xi32, #tpu.memory_space<vmem>>
    %dma_wait3A_295 = tpu.memref_squeeze %dma_wait3A_294 : memref<1x128xi32, #tpu.memory_space<vmem>> -> memref<128xi32, #tpu.memory_space<vmem>>
    %dma_wait3A_296 = arith.constant 0 : i32
    %dma_wait3A_297 = arith.constant 0 : i32
    %dma_wait3A_298 = tpu.memref_slice %arg2[%dma_wait3A_296, %dma_wait3A_297] : memref<32768x48xf32, #tpu.memory_space<hbm>> -> memref<32768x48xf32, #tpu.memory_space<hbm>>
    tpu.wait_indirect_dma semaphore(%arg7 : memref<!tpu.dma_semaphore, #tpu.memory_space<semaphore_mem>>) src(%dma_wait3A_298 : memref<32768x48xf32, #tpu.memory_space<hbm>>) dst(%dma_wait3A_292 : memref<128x48xf32, #tpu.memory_space<vmem>>)
    %dma_wait3A_299 = arith.constant 14 : i32
    %dma_wait3A_300 = arith.constant 1792 : i32
    %dma_wait3A_301 = arith.constant 0 : i32
    %dma_wait3A_302 = tpu.memref_slice %arg6[%dma_wait3A_300, %dma_wait3A_301] : memref<2048x48xf32, #tpu.memory_space<vmem>> -> memref<128x48xf32, #tpu.memory_space<vmem>>
    %dma_wait3A_303 = arith.constant 0 : i32
    %dma_wait3A_304 = tpu.memref_slice %arg5[%dma_wait3A_299, %dma_wait3A_303] : memref<16x128xi32, #tpu.memory_space<vmem>> -> memref<1x128xi32, #tpu.memory_space<vmem>>
    %dma_wait3A_305 = tpu.memref_squeeze %dma_wait3A_304 : memref<1x128xi32, #tpu.memory_space<vmem>> -> memref<128xi32, #tpu.memory_space<vmem>>
    %dma_wait3A_306 = arith.constant 0 : i32
    %dma_wait3A_307 = arith.constant 0 : i32
    %dma_wait3A_308 = tpu.memref_slice %arg2[%dma_wait3A_306, %dma_wait3A_307] : memref<32768x48xf32, #tpu.memory_space<hbm>> -> memref<32768x48xf32, #tpu.memory_space<hbm>>
    tpu.wait_indirect_dma semaphore(%arg7 : memref<!tpu.dma_semaphore, #tpu.memory_space<semaphore_mem>>) src(%dma_wait3A_308 : memref<32768x48xf32, #tpu.memory_space<hbm>>) dst(%dma_wait3A_302 : memref<128x48xf32, #tpu.memory_space<vmem>>)
    %dma_wait3A_309 = arith.constant 15 : i32
    %dma_wait3A_310 = arith.constant 1920 : i32
    %dma_wait3A_311 = arith.constant 0 : i32
    %dma_wait3A_312 = tpu.memref_slice %arg6[%dma_wait3A_310, %dma_wait3A_311] : memref<2048x48xf32, #tpu.memory_space<vmem>> -> memref<128x48xf32, #tpu.memory_space<vmem>>
    %dma_wait3A_313 = arith.constant 0 : i32
    %dma_wait3A_314 = tpu.memref_slice %arg5[%dma_wait3A_309, %dma_wait3A_313] : memref<16x128xi32, #tpu.memory_space<vmem>> -> memref<1x128xi32, #tpu.memory_space<vmem>>
    %dma_wait3A_315 = tpu.memref_squeeze %dma_wait3A_314 : memref<1x128xi32, #tpu.memory_space<vmem>> -> memref<128xi32, #tpu.memory_space<vmem>>
    %dma_wait3A_316 = arith.constant 0 : i32
    %dma_wait3A_317 = arith.constant 0 : i32
    %dma_wait3A_318 = tpu.memref_slice %arg2[%dma_wait3A_316, %dma_wait3A_317] : memref<32768x48xf32, #tpu.memory_space<hbm>> -> memref<32768x48xf32, #tpu.memory_space<hbm>>
    tpu.wait_indirect_dma semaphore(%arg7 : memref<!tpu.dma_semaphore, #tpu.memory_space<semaphore_mem>>) src(%dma_wait3A_318 : memref<32768x48xf32, #tpu.memory_space<hbm>>) dst(%dma_wait3A_312 : memref<128x48xf32, #tpu.memory_space<vmem>>)
    %mul3A_319 = arith.constant 2048 : i32
    %mul3A_320 = arith.muli %add3A, %mul3A_319 : i32
    "tpu.region"() ({
      %run_scoped3A = tpu.sem_alloc : memref<!tpu.dma_semaphore, #tpu.memory_space<semaphore_mem>>
      %dma_start3A_321 = arith.constant 0 : i32
      %dma_start3A_322 = tpu.memref_slice %arg4[%mul3A_320, %dma_start3A_321] : memref<65536x48xf32, #tpu.memory_space<hbm>> -> memref<2048x48xf32, #tpu.memory_space<hbm>>
      %dma_start3A_323 = arith.constant 0 : i32
      %dma_start3A_324 = tpu.memref_slice %arg4[%mul3A_320, %dma_start3A_323] : memref<65536x48xf32, #tpu.memory_space<hbm>> -> memref<2048x48xf32, #tpu.memory_space<hbm>>
      tpu.enqueue_dma source(%arg6 : memref<2048x48xf32, #tpu.memory_space<vmem>>) target(%dma_start3A_324 : memref<2048x48xf32, #tpu.memory_space<hbm>>) target_semaphore(%run_scoped3A : memref<!tpu.dma_semaphore, #tpu.memory_space<semaphore_mem>>)
      %dma_wait3A_325 = arith.constant 0 : i32
      %dma_wait3A_326 = tpu.memref_slice %arg4[%mul3A_320, %dma_wait3A_325] : memref<65536x48xf32, #tpu.memory_space<hbm>> -> memref<2048x48xf32, #tpu.memory_space<hbm>>
      %dma_wait3A_327 = arith.constant 0 : i32
      %dma_wait3A_328 = tpu.memref_slice %arg4[%mul3A_320, %dma_wait3A_327] : memref<65536x48xf32, #tpu.memory_space<hbm>> -> memref<2048x48xf32, #tpu.memory_space<hbm>>
      tpu.wait_dma2 semaphore(%run_scoped3A : memref<!tpu.dma_semaphore, #tpu.memory_space<semaphore_mem>>) src(%arg6 : memref<2048x48xf32, #tpu.memory_space<vmem>>) dst(%dma_wait3A_328 : memref<2048x48xf32, #tpu.memory_space<hbm>>)
      tpu.yield
    }) : () -> ()
    return
  }
}

module attributes {stable_mosaic.version = 14 : i64} {
  func.func @_fps_body(%arg0: memref<3x4x64x128xf32, #tpu.memory_space<vmem>>, %arg1: memref<4x512x3xf32, #tpu.memory_space<vmem>>) attributes {dimension_semantics = [], scalar_prefetch = 0 : i64, scratch_operands = 0 : i64, tpu.core_type = #tpu.core_type<tc>} {
    %get3A = arith.constant 0 : index
    %get3A_0 = arith.constant 0 : index
    %get3A_1 = arith.constant 0 : index
    %get3A_2 = arith.constant 0 : index
    %get3A_3 = vector.load %arg0[%get3A, %get3A_0, %get3A_1, %get3A_2] : memref<3x4x64x128xf32, #tpu.memory_space<vmem>>, vector<1x4x64x128xf32>
    %get3A_4 = vector.shape_cast %get3A_3 : vector<1x4x64x128xf32> to vector<4x64x128xf32>
    %get3A_5 = arith.constant 1 : index
    %get3A_6 = arith.constant 0 : index
    %get3A_7 = arith.constant 0 : index
    %get3A_8 = arith.constant 0 : index
    %get3A_9 = vector.load %arg0[%get3A_5, %get3A_6, %get3A_7, %get3A_8] : memref<3x4x64x128xf32, #tpu.memory_space<vmem>>, vector<1x4x64x128xf32>
    %get3A_10 = vector.shape_cast %get3A_9 : vector<1x4x64x128xf32> to vector<4x64x128xf32>
    %get3A_11 = arith.constant 2 : index
    %get3A_12 = arith.constant 0 : index
    %get3A_13 = arith.constant 0 : index
    %get3A_14 = arith.constant 0 : index
    %get3A_15 = vector.load %arg0[%get3A_11, %get3A_12, %get3A_13, %get3A_14] : memref<3x4x64x128xf32, #tpu.memory_space<vmem>>, vector<1x4x64x128xf32>
    %get3A_16 = vector.shape_cast %get3A_15 : vector<1x4x64x128xf32> to vector<4x64x128xf32>
    %iota3A = tpu.iota {dimensions = array<i32: 1>} : vector<4x64x128xi32>
    %mul3A = arith.constant 128 : i32
    %mul3A_17 = vector.broadcast %mul3A : i32 to vector<4x64x128xi32>
    %mul3A_18 = arith.muli %iota3A, %mul3A_17 : vector<4x64x128xi32>
    %iota3A_19 = tpu.iota {dimensions = array<i32: 2>} : vector<4x64x128xi32>
    %add3A = arith.addi %mul3A_18, %iota3A_19 : vector<4x64x128xi32>
    %slice3A = vector.extract_strided_slice %get3A_4 {offsets = [0, 0, 0], sizes = [4, 1, 1], strides = [1, 1, 1]} : vector<4x64x128xf32> to vector<4x1x1xf32>
    %slice3A_20 = vector.extract_strided_slice %get3A_10 {offsets = [0, 0, 0], sizes = [4, 1, 1], strides = [1, 1, 1]} : vector<4x64x128xf32> to vector<4x1x1xf32>
    %slice3A_21 = vector.extract_strided_slice %get3A_16 {offsets = [0, 0, 0], sizes = [4, 1, 1], strides = [1, 1, 1]} : vector<4x64x128xf32> to vector<4x1x1xf32>
    %concatenate3A = tpu.concatenate %slice3A, %slice3A_20, %slice3A_21 in 2 : vector<4x1x1xf32>, vector<4x1x1xf32>, vector<4x1x1xf32> -> vector<4x1x3xf32>
    %swap3A = arith.constant 0 : index
    %swap3A_22 = arith.constant 0 : index
    %swap3A_23 = arith.constant 0 : index
    %swap3A_24 = vector.load %arg1[%swap3A, %swap3A_22, %swap3A_23] : memref<4x512x3xf32, #tpu.memory_space<vmem>>, vector<4x1x3xf32>
    tpu.vector_store %arg1[%swap3A, %swap3A_22, %swap3A_23], %concatenate3A {strides = array<i32>} : memref<4x512x3xf32, #tpu.memory_space<vmem>>, vector<4x1x3xf32>,
    %broadcast_in_dim3A = arith.constant 0x7F800000 : f32
    %broadcast_in_dim3A_25 = vector.broadcast %broadcast_in_dim3A : f32 to vector<4x64x128xf32>
    %scan3A = arith.constant 1 : i32
    %scan3A_26 = arith.constant 511 : i32
    %scan3A_27 = arith.addi %scan3A, %scan3A_26 : i32
    %scan3A_28 = arith.constant 1 : i32
    %scan3A_29:4 = scf.for %scan3A_31 = %scan3A to %scan3A_27 step %scan3A_28 iter_args(%scan3A_32 = %broadcast_in_dim3A_25, %scan3A_33 = %slice3A, %scan3A_34 = %slice3A_20, %scan3A_35 = %slice3A_21) -> (vector<4x64x128xf32>, vector<4x1x1xf32>, vector<4x1x1xf32>, vector<4x1x1xf32>)  : i32 {
      %sub3A = vector.broadcast %scan3A_33 : vector<4x1x1xf32> to vector<4x64x128xf32>
      %sub3A_36 = arith.subf %get3A_4, %sub3A : vector<4x64x128xf32>
      %integer_pow3A = arith.mulf %sub3A_36, %sub3A_36 : vector<4x64x128xf32>
      %sub3A_37 = vector.broadcast %scan3A_34 : vector<4x1x1xf32> to vector<4x64x128xf32>
      %sub3A_38 = arith.subf %get3A_10, %sub3A_37 : vector<4x64x128xf32>
      %integer_pow3A_39 = arith.mulf %sub3A_38, %sub3A_38 : vector<4x64x128xf32>
      %add3A_40 = arith.addf %integer_pow3A, %integer_pow3A_39 : vector<4x64x128xf32>
      %sub3A_41 = vector.broadcast %scan3A_35 : vector<4x1x1xf32> to vector<4x64x128xf32>
      %sub3A_42 = arith.subf %get3A_16, %sub3A_41 : vector<4x64x128xf32>
      %integer_pow3A_43 = arith.mulf %sub3A_42, %sub3A_42 : vector<4x64x128xf32>
      %add3A_44 = arith.addf %add3A_40, %integer_pow3A_43 : vector<4x64x128xf32>
      %min3A = arith.minimumf %scan3A_32, %add3A_44 : vector<4x64x128xf32>
      %reduce_max3A = arith.constant dense<0xFF800000> : vector<4xf32>
      %reduce_max3A_45 = vector.multi_reduction <maximumf>, %min3A, %reduce_max3A [1, 2] : vector<4x64x128xf32> to vector<4xf32>
      %broadcast_in_dim3A_46 = vector.shape_cast %reduce_max3A_45 : vector<4xf32> to vector<4x1x1xf32>
      %eq3A = vector.broadcast %broadcast_in_dim3A_46 : vector<4x1x1xf32> to vector<4x64x128xf32>
      %eq3A_47 = arith.cmpf oeq, %min3A, %eq3A : vector<4x64x128xf32>
      %jit3A = arith.constant 1048576 : i32
      %broadcast_in_dim3A_48 = vector.broadcast %jit3A : i32 to vector<4x64x128xi32>
      %select_n3A = arith.select %eq3A_47, %add3A, %broadcast_in_dim3A_48 : vector<4x64x128xi1>, vector<4x64x128xi32>
      %reduce_min3A = arith.constant dense<2147483647> : vector<4xi32>
      %reduce_min3A_49 = vector.multi_reduction <minsi>, %select_n3A, %reduce_min3A [1, 2] : vector<4x64x128xi32> to vector<4xi32>
      %broadcast_in_dim3A_50 = vector.shape_cast %reduce_min3A_49 : vector<4xi32> to vector<4x1x1xi32>
      %eq3A_51 = vector.broadcast %broadcast_in_dim3A_50 : vector<4x1x1xi32> to vector<4x64x128xi32>
      %eq3A_52 = arith.cmpi eq, %add3A, %eq3A_51 : vector<4x64x128xi32>
      %jit3A_53 = arith.constant 0.000000e+00 : f32
      %broadcast_in_dim3A_54 = vector.broadcast %jit3A_53 : f32 to vector<4x64x128xf32>
      %select_n3A_55 = arith.select %eq3A_52, %get3A_4, %broadcast_in_dim3A_54 : vector<4x64x128xi1>, vector<4x64x128xf32>
      %reduce_sum3A = arith.constant dense<0.000000e+00> : vector<4xf32>
      %reduce_sum3A_56 = vector.multi_reduction <add>, %select_n3A_55, %reduce_sum3A [1, 2] : vector<4x64x128xf32> to vector<4xf32>
      %broadcast_in_dim3A_57 = vector.shape_cast %reduce_sum3A_56 : vector<4xf32> to vector<4x1x1xf32>
      %jit3A_58 = arith.constant 0.000000e+00 : f32
      %broadcast_in_dim3A_59 = vector.broadcast %jit3A_58 : f32 to vector<4x64x128xf32>
      %select_n3A_60 = arith.select %eq3A_52, %get3A_10, %broadcast_in_dim3A_59 : vector<4x64x128xi1>, vector<4x64x128xf32>
      %reduce_sum3A_61 = arith.constant dense<0.000000e+00> : vector<4xf32>
      %reduce_sum3A_62 = vector.multi_reduction <add>, %select_n3A_60, %reduce_sum3A_61 [1, 2] : vector<4x64x128xf32> to vector<4xf32>
      %broadcast_in_dim3A_63 = vector.shape_cast %reduce_sum3A_62 : vector<4xf32> to vector<4x1x1xf32>
      %jit3A_64 = arith.constant 0.000000e+00 : f32
      %broadcast_in_dim3A_65 = vector.broadcast %jit3A_64 : f32 to vector<4x64x128xf32>
      %select_n3A_66 = arith.select %eq3A_52, %get3A_16, %broadcast_in_dim3A_65 : vector<4x64x128xi1>, vector<4x64x128xf32>
      %reduce_sum3A_67 = arith.constant dense<0.000000e+00> : vector<4xf32>
      %reduce_sum3A_68 = vector.multi_reduction <add>, %select_n3A_66, %reduce_sum3A_67 [1, 2] : vector<4x64x128xf32> to vector<4xf32>
      %broadcast_in_dim3A_69 = vector.shape_cast %reduce_sum3A_68 : vector<4xf32> to vector<4x1x1xf32>
      %concatenate3A_70 = tpu.concatenate %broadcast_in_dim3A_57, %broadcast_in_dim3A_63, %broadcast_in_dim3A_69 in 2 : vector<4x1x1xf32>, vector<4x1x1xf32>, vector<4x1x1xf32> -> vector<4x1x3xf32>
      %swap3A_71 = arith.constant 0 : index
      %swap3A_72 = arith.index_cast %scan3A_31 : i32 to index
      %swap3A_73 = arith.constant 0 : index
      %swap3A_74 = vector.load %arg1[%swap3A_71, %swap3A_72, %swap3A_73] : memref<4x512x3xf32, #tpu.memory_space<vmem>>, vector<4x1x3xf32>
      tpu.vector_store %arg1[%swap3A_71, %swap3A_72, %swap3A_73], %concatenate3A_70 {strides = array<i32>} : memref<4x512x3xf32, #tpu.memory_space<vmem>>, vector<4x1x3xf32>,
      scf.yield %min3A, %broadcast_in_dim3A_57, %broadcast_in_dim3A_63, %broadcast_in_dim3A_69 : vector<4x64x128xf32>, vector<4x1x1xf32>, vector<4x1x1xf32>, vector<4x1x1xf32>
    }
    %scan3A_30 = arith.constant 511 : i32
    return
  }
}

module attributes {stable_mosaic.version = 14 : i64} {
  func.func @_ballq_body(%arg0: i32, %arg1: i32, %arg2: memref<1x3x8192xf32, #tpu.memory_space<vmem>>, %arg3: memref<64x3xf32, #tpu.memory_space<vmem>>, %arg4: memref<64x32xi32, #tpu.memory_space<vmem>>, %arg5: memref<64x8192xf32, #tpu.memory_space<vmem>>) attributes {dimension_semantics = [#tpu.dimension_semantics<arbitrary>, #tpu.dimension_semantics<arbitrary>], iteration_bounds = array<i64: 4, 8>, scalar_prefetch = 0 : i64, scratch_operands = 1 : i64, tpu.core_type = #tpu.core_type<tc>, window_params = [{transform_indices = @transform_0, window_bounds = array<i64: 1, 3, 8192>}, {transform_indices = @transform_1, window_bounds = array<i64: 64, 3>}, {transform_indices = @transform_2, window_bounds = array<i64: 64, 32>}]} {
    %get3A = arith.constant 0 : index
    %get3A_0 = arith.constant 0 : index
    %get3A_1 = vector.load %arg3[%get3A, %get3A_0] : memref<64x3xf32, #tpu.memory_space<vmem>>, vector<64x1xf32>
    %get3A_2 = arith.constant 0 : index
    %get3A_3 = arith.constant 1 : index
    %get3A_4 = vector.load %arg3[%get3A_2, %get3A_3] : memref<64x3xf32, #tpu.memory_space<vmem>>, vector<64x1xf32>
    %get3A_5 = arith.constant 0 : index
    %get3A_6 = arith.constant 2 : index
    %get3A_7 = vector.load %arg3[%get3A_5, %get3A_6] : memref<64x3xf32, #tpu.memory_space<vmem>>, vector<64x1xf32>
    %iota3A = tpu.iota {dimensions = array<i32: 1>} : vector<64x128xi32>
    %convert_element_type3A = arith.sitofp %iota3A : vector<64x128xi32> to vector<64x128xf32>
    %iota3A_8 = tpu.iota {dimensions = array<i32: 1>} : vector<64x32xi32>
    %broadcast_in_dim3A = arith.constant 0x7F800000 : f32
    %broadcast_in_dim3A_9 = vector.broadcast %broadcast_in_dim3A : f32 to vector<64x128xf32>
    %broadcast_in_dim3A_10 = arith.constant 0 : i32
    %broadcast_in_dim3A_11 = vector.broadcast %broadcast_in_dim3A_10 : i32 to vector<64x128xi32>
    %get3A_12 = arith.constant 0 : index
    %get3A_13 = arith.constant 0 : index
    %get3A_14 = arith.constant 0 : index
    %get3A_15 = vector.load %arg2[%get3A_12, %get3A_13, %get3A_14] : memref<1x3x8192xf32, #tpu.memory_space<vmem>>, vector<1x1x128xf32>
    %get3A_16 = vector.shape_cast %get3A_15 : vector<1x1x128xf32> to vector<1x128xf32>
    %get3A_17 = arith.constant 0 : index
    %get3A_18 = arith.constant 1 : index
    %get3A_19 = arith.constant 0 : index
    %get3A_20 = vector.load %arg2[%get3A_17, %get3A_18, %get3A_19] : memref<1x3x8192xf32, #tpu.memory_space<vmem>>, vector<1x1x128xf32>
    %get3A_21 = vector.shape_cast %get3A_20 : vector<1x1x128xf32> to vector<1x128xf32>
    %get3A_22 = arith.constant 0 : index
    %get3A_23 = arith.constant 2 : index
    %get3A_24 = arith.constant 0 : index
    %get3A_25 = vector.load %arg2[%get3A_22, %get3A_23, %get3A_24] : memref<1x3x8192xf32, #tpu.memory_space<vmem>>, vector<1x1x128xf32>
    %get3A_26 = vector.shape_cast %get3A_25 : vector<1x1x128xf32> to vector<1x128xf32>
    %sub3A = vector.broadcast %get3A_1 : vector<64x1xf32> to vector<64x128xf32>
    %sub3A_27 = vector.broadcast %get3A_16 : vector<1x128xf32> to vector<64x128xf32>
    %sub3A_28 = arith.subf %sub3A, %sub3A_27 : vector<64x128xf32>
    %integer_pow3A = arith.mulf %sub3A_28, %sub3A_28 : vector<64x128xf32>
    %sub3A_29 = vector.broadcast %get3A_4 : vector<64x1xf32> to vector<64x128xf32>
    %sub3A_30 = vector.broadcast %get3A_21 : vector<1x128xf32> to vector<64x128xf32>
    %sub3A_31 = arith.subf %sub3A_29, %sub3A_30 : vector<64x128xf32>
    %integer_pow3A_32 = arith.mulf %sub3A_31, %sub3A_31 : vector<64x128xf32>
    %add3A = arith.addf %integer_pow3A, %integer_pow3A_32 : vector<64x128xf32>
    %sub3A_33 = vector.broadcast %get3A_7 : vector<64x1xf32> to vector<64x128xf32>
    %sub3A_34 = vector.broadcast %get3A_26 : vector<1x128xf32> to vector<64x128xf32>
    %sub3A_35 = arith.subf %sub3A_33, %sub3A_34 : vector<64x128xf32>
    %integer_pow3A_36 = arith.mulf %sub3A_35, %sub3A_35 : vector<64x128xf32>
    %add3A_37 = arith.addf %add3A, %integer_pow3A_36 : vector<64x128xf32>
    %le3A = arith.constant 4.000000e-02 : f32
    %le3A_38 = vector.broadcast %le3A : f32 to vector<64x128xf32>
    %le3A_39 = arith.cmpf ole, %add3A_37, %le3A_38 : vector<64x128xf32>
    %add3A_40 = arith.constant 1.000000e+06 : f32
    %add3A_41 = vector.broadcast %add3A_40 : f32 to vector<64x128xf32>
    %add3A_42 = arith.addf %add3A_41, %convert_element_type3A : vector<64x128xf32>
    %select_n3A = arith.select %le3A_39, %add3A_37, %add3A_42 : vector<64x128xi1>, vector<64x128xf32>
    %swap3A = arith.constant 0 : index
    %swap3A_43 = arith.constant 0 : index
    %swap3A_44 = vector.load %arg5[%swap3A, %swap3A_43] : memref<64x8192xf32, #tpu.memory_space<vmem>>, vector<64x128xf32>
    tpu.vector_store %arg5[%swap3A, %swap3A_43], %select_n3A {strides = array<i32>} : memref<64x8192xf32, #tpu.memory_space<vmem>>, vector<64x128xf32>,
    %lt3A = arith.cmpf olt, %select_n3A, %broadcast_in_dim3A_9 : vector<64x128xf32>
    %jit3A = arith.constant 0 : i32
    %broadcast_in_dim3A_45 = vector.broadcast %jit3A : i32 to vector<64x128xi32>
    %select_n3A_46 = arith.select %lt3A, %broadcast_in_dim3A_45, %broadcast_in_dim3A_11 : vector<64x128xi1>, vector<64x128xi32>
    %select_n3A_47 = arith.select %lt3A, %select_n3A, %broadcast_in_dim3A_9 : vector<64x128xi1>, vector<64x128xf32>
    %get3A_48 = arith.constant 0 : index
    %get3A_49 = arith.constant 0 : index
    %get3A_50 = arith.constant 128 : index
    %get3A_51 = vector.load %arg2[%get3A_48, %get3A_49, %get3A_50] : memref<1x3x8192xf32, #tpu.memory_space<vmem>>, vector<1x1x128xf32>
    %get3A_52 = vector.shape_cast %get3A_51 : vector<1x1x128xf32> to vector<1x128xf32>
    %get3A_53 = arith.constant 0 : index
    %get3A_54 = arith.constant 1 : index
    %get3A_55 = arith.constant 128 : index
    %get3A_56 = vector.load %arg2[%get3A_53, %get3A_54, %get3A_55] : memref<1x3x8192xf32, #tpu.memory_space<vmem>>, vector<1x1x128xf32>
    %get3A_57 = vector.shape_cast %get3A_56 : vector<1x1x128xf32> to vector<1x128xf32>
    %get3A_58 = arith.constant 0 : index
    %get3A_59 = arith.constant 2 : index
    %get3A_60 = arith.constant 128 : index
    %get3A_61 = vector.load %arg2[%get3A_58, %get3A_59, %get3A_60] : memref<1x3x8192xf32, #tpu.memory_space<vmem>>, vector<1x1x128xf32>
    %get3A_62 = vector.shape_cast %get3A_61 : vector<1x1x128xf32> to vector<1x128xf32>
    %sub3A_63 = vector.broadcast %get3A_1 : vector<64x1xf32> to vector<64x128xf32>
    %sub3A_64 = vector.broadcast %get3A_52 : vector<1x128xf32> to vector<64x128xf32>
    %sub3A_65 = arith.subf %sub3A_63, %sub3A_64 : vector<64x128xf32>
    %integer_pow3A_66 = arith.mulf %sub3A_65, %sub3A_65 : vector<64x128xf32>
    %sub3A_67 = vector.broadcast %get3A_4 : vector<64x1xf32> to vector<64x128xf32>
    %sub3A_68 = vector.broadcast %get3A_57 : vector<1x128xf32> to vector<64x128xf32>
    %sub3A_69 = arith.subf %sub3A_67, %sub3A_68 : vector<64x128xf32>
    %integer_pow3A_70 = arith.mulf %sub3A_69, %sub3A_69 : vector<64x128xf32>
    %add3A_71 = arith.addf %integer_pow3A_66, %integer_pow3A_70 : vector<64x128xf32>
    %sub3A_72 = vector.broadcast %get3A_7 : vector<64x1xf32> to vector<64x128xf32>
    %sub3A_73 = vector.broadcast %get3A_62 : vector<1x128xf32> to vector<64x128xf32>
    %sub3A_74 = arith.subf %sub3A_72, %sub3A_73 : vector<64x128xf32>
    %integer_pow3A_75 = arith.mulf %sub3A_74, %sub3A_74 : vector<64x128xf32>
    %add3A_76 = arith.addf %add3A_71, %integer_pow3A_75 : vector<64x128xf32>
    %le3A_77 = arith.constant 4.000000e-02 : f32
    %le3A_78 = vector.broadcast %le3A_77 : f32 to vector<64x128xf32>
    %le3A_79 = arith.cmpf ole, %add3A_76, %le3A_78 : vector<64x128xf32>
    %add3A_80 = arith.constant 0x49742C00 : f32
    %add3A_81 = vector.broadcast %add3A_80 : f32 to vector<64x128xf32>
    %add3A_82 = arith.addf %add3A_81, %convert_element_type3A : vector<64x128xf32>
    %select_n3A_83 = arith.select %le3A_79, %add3A_76, %add3A_82 : vector<64x128xi1>, vector<64x128xf32>
    %swap3A_84 = arith.constant 0 : index
    %swap3A_85 = arith.constant 128 : index
    %swap3A_86 = vector.load %arg5[%swap3A_84, %swap3A_85] : memref<64x8192xf32, #tpu.memory_space<vmem>>, vector<64x128xf32>
    tpu.vector_store %arg5[%swap3A_84, %swap3A_85], %select_n3A_83 {strides = array<i32>} : memref<64x8192xf32, #tpu.memory_space<vmem>>, vector<64x128xf32>,
    %lt3A_87 = arith.cmpf olt, %select_n3A_83, %select_n3A_47 : vector<64x128xf32>
    %jit3A_88 = arith.constant 1 : i32
    %broadcast_in_dim3A_89 = vector.broadcast %jit3A_88 : i32 to vector<64x128xi32>
    %select_n3A_90 = arith.select %lt3A_87, %broadcast_in_dim3A_89, %select_n3A_46 : vector<64x128xi1>, vector<64x128xi32>
    %select_n3A_91 = arith.select %lt3A_87, %select_n3A_83, %select_n3A_47 : vector<64x128xi1>, vector<64x128xf32>
    %get3A_92 = arith.constant 0 : index
    %get3A_93 = arith.constant 0 : index
    %get3A_94 = arith.constant 256 : index
    %get3A_95 = vector.load %arg2[%get3A_92, %get3A_93, %get3A_94] : memref<1x3x8192xf32, #tpu.memory_space<vmem>>, vector<1x1x128xf32>
    %get3A_96 = vector.shape_cast %get3A_95 : vector<1x1x128xf32> to vector<1x128xf32>
    %get3A_97 = arith.constant 0 : index
    %get3A_98 = arith.constant 1 : index
    %get3A_99 = arith.constant 256 : index
    %get3A_100 = vector.load %arg2[%get3A_97, %get3A_98, %get3A_99] : memref<1x3x8192xf32, #tpu.memory_space<vmem>>, vector<1x1x128xf32>
    %get3A_101 = vector.shape_cast %get3A_100 : vector<1x1x128xf32> to vector<1x128xf32>
    %get3A_102 = arith.constant 0 : index
    %get3A_103 = arith.constant 2 : index
    %get3A_104 = arith.constant 256 : index
    %get3A_105 = vector.load %arg2[%get3A_102, %get3A_103, %get3A_104] : memref<1x3x8192xf32, #tpu.memory_space<vmem>>, vector<1x1x128xf32>
    %get3A_106 = vector.shape_cast %get3A_105 : vector<1x1x128xf32> to vector<1x128xf32>
    %sub3A_107 = vector.broadcast %get3A_1 : vector<64x1xf32> to vector<64x128xf32>
    %sub3A_108 = vector.broadcast %get3A_96 : vector<1x128xf32> to vector<64x128xf32>
    %sub3A_109 = arith.subf %sub3A_107, %sub3A_108 : vector<64x128xf32>
    %integer_pow3A_110 = arith.mulf %sub3A_109, %sub3A_109 : vector<64x128xf32>
    %sub3A_111 = vector.broadcast %get3A_4 : vector<64x1xf32> to vector<64x128xf32>
    %sub3A_112 = vector.broadcast %get3A_101 : vector<1x128xf32> to vector<64x128xf32>
    %sub3A_113 = arith.subf %sub3A_111, %sub3A_112 : vector<64x128xf32>
    %integer_pow3A_114 = arith.mulf %sub3A_113, %sub3A_113 : vector<64x128xf32>
    %add3A_115 = arith.addf %integer_pow3A_110, %integer_pow3A_114 : vector<64x128xf32>
    %sub3A_116 = vector.broadcast %get3A_7 : vector<64x1xf32> to vector<64x128xf32>
    %sub3A_117 = vector.broadcast %get3A_106 : vector<1x128xf32> to vector<64x128xf32>
    %sub3A_118 = arith.subf %sub3A_116, %sub3A_117 : vector<64x128xf32>
    %integer_pow3A_119 = arith.mulf %sub3A_118, %sub3A_118 : vector<64x128xf32>
    %add3A_120 = arith.addf %add3A_115, %integer_pow3A_119 : vector<64x128xf32>
    %le3A_121 = arith.constant 4.000000e-02 : f32
    %le3A_122 = vector.broadcast %le3A_121 : f32 to vector<64x128xf32>
    %le3A_123 = arith.cmpf ole, %add3A_120, %le3A_122 : vector<64x128xf32>
    %add3A_124 = arith.constant 0x49743400 : f32
    %add3A_125 = vector.broadcast %add3A_124 : f32 to vector<64x128xf32>
    %add3A_126 = arith.addf %add3A_125, %convert_element_type3A : vector<64x128xf32>
    %select_n3A_127 = arith.select %le3A_123, %add3A_120, %add3A_126 : vector<64x128xi1>, vector<64x128xf32>
    %swap3A_128 = arith.constant 0 : index
    %swap3A_129 = arith.constant 256 : index
    %swap3A_130 = vector.load %arg5[%swap3A_128, %swap3A_129] : memref<64x8192xf32, #tpu.memory_space<vmem>>, vector<64x128xf32>
    tpu.vector_store %arg5[%swap3A_128, %swap3A_129], %select_n3A_127 {strides = array<i32>} : memref<64x8192xf32, #tpu.memory_space<vmem>>, vector<64x128xf32>,
    %lt3A_131 = arith.cmpf olt, %select_n3A_127, %select_n3A_91 : vector<64x128xf32>
    %jit3A_132 = arith.constant 2 : i32
    %broadcast_in_dim3A_133 = vector.broadcast %jit3A_132 : i32 to vector<64x128xi32>
    %select_n3A_134 = arith.select %lt3A_131, %broadcast_in_dim3A_133, %select_n3A_90 : vector<64x128xi1>, vector<64x128xi32>
    %select_n3A_135 = arith.select %lt3A_131, %select_n3A_127, %select_n3A_91 : vector<64x128xi1>, vector<64x128xf32>
    %get3A_136 = arith.constant 0 : index
    %get3A_137 = arith.constant 0 : index
    %get3A_138 = arith.constant 384 : index
    %get3A_139 = vector.load %arg2[%get3A_136, %get3A_137, %get3A_138] : memref<1x3x8192xf32, #tpu.memory_space<vmem>>, vector<1x1x128xf32>
    %get3A_140 = vector.shape_cast %get3A_139 : vector<1x1x128xf32> to vector<1x128xf32>
    %get3A_141 = arith.constant 0 : index
    %get3A_142 = arith.constant 1 : index
    %get3A_143 = arith.constant 384 : index
    %get3A_144 = vector.load %arg2[%get3A_141, %get3A_142, %get3A_143] : memref<1x3x8192xf32, #tpu.memory_space<vmem>>, vector<1x1x128xf32>
    %get3A_145 = vector.shape_cast %get3A_144 : vector<1x1x128xf32> to vector<1x128xf32>
    %get3A_146 = arith.constant 0 : index
    %get3A_147 = arith.constant 2 : index
    %get3A_148 = arith.constant 384 : index
    %get3A_149 = vector.load %arg2[%get3A_146, %get3A_147, %get3A_148] : memref<1x3x8192xf32, #tpu.memory_space<vmem>>, vector<1x1x128xf32>
    %get3A_150 = vector.shape_cast %get3A_149 : vector<1x1x128xf32> to vector<1x128xf32>
    %sub3A_151 = vector.broadcast %get3A_1 : vector<64x1xf32> to vector<64x128xf32>
    %sub3A_152 = vector.broadcast %get3A_140 : vector<1x128xf32> to vector<64x128xf32>
    %sub3A_153 = arith.subf %sub3A_151, %sub3A_152 : vector<64x128xf32>
    %integer_pow3A_154 = arith.mulf %sub3A_153, %sub3A_153 : vector<64x128xf32>
    %sub3A_155 = vector.broadcast %get3A_4 : vector<64x1xf32> to vector<64x128xf32>
    %sub3A_156 = vector.broadcast %get3A_145 : vector<1x128xf32> to vector<64x128xf32>
    %sub3A_157 = arith.subf %sub3A_155, %sub3A_156 : vector<64x128xf32>
    %integer_pow3A_158 = arith.mulf %sub3A_157, %sub3A_157 : vector<64x128xf32>
    %add3A_159 = arith.addf %integer_pow3A_154, %integer_pow3A_158 : vector<64x128xf32>
    %sub3A_160 = vector.broadcast %get3A_7 : vector<64x1xf32> to vector<64x128xf32>
    %sub3A_161 = vector.broadcast %get3A_150 : vector<1x128xf32> to vector<64x128xf32>
    %sub3A_162 = arith.subf %sub3A_160, %sub3A_161 : vector<64x128xf32>
    %integer_pow3A_163 = arith.mulf %sub3A_162, %sub3A_162 : vector<64x128xf32>
    %add3A_164 = arith.addf %add3A_159, %integer_pow3A_163 : vector<64x128xf32>
    %le3A_165 = arith.constant 4.000000e-02 : f32
    %le3A_166 = vector.broadcast %le3A_165 : f32 to vector<64x128xf32>
    %le3A_167 = arith.cmpf ole, %add3A_164, %le3A_166 : vector<64x128xf32>
    %add3A_168 = arith.constant 0x49743C00 : f32
    %add3A_169 = vector.broadcast %add3A_168 : f32 to vector<64x128xf32>
    %add3A_170 = arith.addf %add3A_169, %convert_element_type3A : vector<64x128xf32>
    %select_n3A_171 = arith.select %le3A_167, %add3A_164, %add3A_170 : vector<64x128xi1>, vector<64x128xf32>
    %swap3A_172 = arith.constant 0 : index
    %swap3A_173 = arith.constant 384 : index
    %swap3A_174 = vector.load %arg5[%swap3A_172, %swap3A_173] : memref<64x8192xf32, #tpu.memory_space<vmem>>, vector<64x128xf32>
    tpu.vector_store %arg5[%swap3A_172, %swap3A_173], %select_n3A_171 {strides = array<i32>} : memref<64x8192xf32, #tpu.memory_space<vmem>>, vector<64x128xf32>,
    %lt3A_175 = arith.cmpf olt, %select_n3A_171, %select_n3A_135 : vector<64x128xf32>
    %jit3A_176 = arith.constant 3 : i32
    %broadcast_in_dim3A_177 = vector.broadcast %jit3A_176 : i32 to vector<64x128xi32>
    %select_n3A_178 = arith.select %lt3A_175, %broadcast_in_dim3A_177, %select_n3A_134 : vector<64x128xi1>, vector<64x128xi32>
    %select_n3A_179 = arith.select %lt3A_175, %select_n3A_171, %select_n3A_135 : vector<64x128xi1>, vector<64x128xf32>
    %get3A_180 = arith.constant 0 : index
    %get3A_181 = arith.constant 0 : index
    %get3A_182 = arith.constant 512 : index
    %get3A_183 = vector.load %arg2[%get3A_180, %get3A_181, %get3A_182] : memref<1x3x8192xf32, #tpu.memory_space<vmem>>, vector<1x1x128xf32>
    %get3A_184 = vector.shape_cast %get3A_183 : vector<1x1x128xf32> to vector<1x128xf32>
    %get3A_185 = arith.constant 0 : index
    %get3A_186 = arith.constant 1 : index
    %get3A_187 = arith.constant 512 : index
    %get3A_188 = vector.load %arg2[%get3A_185, %get3A_186, %get3A_187] : memref<1x3x8192xf32, #tpu.memory_space<vmem>>, vector<1x1x128xf32>
    %get3A_189 = vector.shape_cast %get3A_188 : vector<1x1x128xf32> to vector<1x128xf32>
    %get3A_190 = arith.constant 0 : index
    %get3A_191 = arith.constant 2 : index
    %get3A_192 = arith.constant 512 : index
    %get3A_193 = vector.load %arg2[%get3A_190, %get3A_191, %get3A_192] : memref<1x3x8192xf32, #tpu.memory_space<vmem>>, vector<1x1x128xf32>
    %get3A_194 = vector.shape_cast %get3A_193 : vector<1x1x128xf32> to vector<1x128xf32>
    %sub3A_195 = vector.broadcast %get3A_1 : vector<64x1xf32> to vector<64x128xf32>
    %sub3A_196 = vector.broadcast %get3A_184 : vector<1x128xf32> to vector<64x128xf32>
    %sub3A_197 = arith.subf %sub3A_195, %sub3A_196 : vector<64x128xf32>
    %integer_pow3A_198 = arith.mulf %sub3A_197, %sub3A_197 : vector<64x128xf32>
    %sub3A_199 = vector.broadcast %get3A_4 : vector<64x1xf32> to vector<64x128xf32>
    %sub3A_200 = vector.broadcast %get3A_189 : vector<1x128xf32> to vector<64x128xf32>
    %sub3A_201 = arith.subf %sub3A_199, %sub3A_200 : vector<64x128xf32>
    %integer_pow3A_202 = arith.mulf %sub3A_201, %sub3A_201 : vector<64x128xf32>
    %add3A_203 = arith.addf %integer_pow3A_198, %integer_pow3A_202 : vector<64x128xf32>
    %sub3A_204 = vector.broadcast %get3A_7 : vector<64x1xf32> to vector<64x128xf32>
    %sub3A_205 = vector.broadcast %get3A_194 : vector<1x128xf32> to vector<64x128xf32>
    %sub3A_206 = arith.subf %sub3A_204, %sub3A_205 : vector<64x128xf32>
    %integer_pow3A_207 = arith.mulf %sub3A_206, %sub3A_206 : vector<64x128xf32>
    %add3A_208 = arith.addf %add3A_203, %integer_pow3A_207 : vector<64x128xf32>
    %le3A_209 = arith.constant 4.000000e-02 : f32
    %le3A_210 = vector.broadcast %le3A_209 : f32 to vector<64x128xf32>
    %le3A_211 = arith.cmpf ole, %add3A_208, %le3A_210 : vector<64x128xf32>
    %add3A_212 = arith.constant 0x49744400 : f32
    %add3A_213 = vector.broadcast %add3A_212 : f32 to vector<64x128xf32>
    %add3A_214 = arith.addf %add3A_213, %convert_element_type3A : vector<64x128xf32>
    %select_n3A_215 = arith.select %le3A_211, %add3A_208, %add3A_214 : vector<64x128xi1>, vector<64x128xf32>
    %swap3A_216 = arith.constant 0 : index
    %swap3A_217 = arith.constant 512 : index
    %swap3A_218 = vector.load %arg5[%swap3A_216, %swap3A_217] : memref<64x8192xf32, #tpu.memory_space<vmem>>, vector<64x128xf32>
    tpu.vector_store %arg5[%swap3A_216, %swap3A_217], %select_n3A_215 {strides = array<i32>} : memref<64x8192xf32, #tpu.memory_space<vmem>>, vector<64x128xf32>,
    %lt3A_219 = arith.cmpf olt, %select_n3A_215, %select_n3A_179 : vector<64x128xf32>
    %jit3A_220 = arith.constant 4 : i32
    %broadcast_in_dim3A_221 = vector.broadcast %jit3A_220 : i32 to vector<64x128xi32>
    %select_n3A_222 = arith.select %lt3A_219, %broadcast_in_dim3A_221, %select_n3A_178 : vector<64x128xi1>, vector<64x128xi32>
    %select_n3A_223 = arith.select %lt3A_219, %select_n3A_215, %select_n3A_179 : vector<64x128xi1>, vector<64x128xf32>
    %get3A_224 = arith.constant 0 : index
    %get3A_225 = arith.constant 0 : index
    %get3A_226 = arith.constant 640 : index
    %get3A_227 = vector.load %arg2[%get3A_224, %get3A_225, %get3A_226] : memref<1x3x8192xf32, #tpu.memory_space<vmem>>, vector<1x1x128xf32>
    %get3A_228 = vector.shape_cast %get3A_227 : vector<1x1x128xf32> to vector<1x128xf32>
    %get3A_229 = arith.constant 0 : index
    %get3A_230 = arith.constant 1 : index
    %get3A_231 = arith.constant 640 : index
    %get3A_232 = vector.load %arg2[%get3A_229, %get3A_230, %get3A_231] : memref<1x3x8192xf32, #tpu.memory_space<vmem>>, vector<1x1x128xf32>
    %get3A_233 = vector.shape_cast %get3A_232 : vector<1x1x128xf32> to vector<1x128xf32>
    %get3A_234 = arith.constant 0 : index
    %get3A_235 = arith.constant 2 : index
    %get3A_236 = arith.constant 640 : index
    %get3A_237 = vector.load %arg2[%get3A_234, %get3A_235, %get3A_236] : memref<1x3x8192xf32, #tpu.memory_space<vmem>>, vector<1x1x128xf32>
    %get3A_238 = vector.shape_cast %get3A_237 : vector<1x1x128xf32> to vector<1x128xf32>
    %sub3A_239 = vector.broadcast %get3A_1 : vector<64x1xf32> to vector<64x128xf32>
    %sub3A_240 = vector.broadcast %get3A_228 : vector<1x128xf32> to vector<64x128xf32>
    %sub3A_241 = arith.subf %sub3A_239, %sub3A_240 : vector<64x128xf32>
    %integer_pow3A_242 = arith.mulf %sub3A_241, %sub3A_241 : vector<64x128xf32>
    %sub3A_243 = vector.broadcast %get3A_4 : vector<64x1xf32> to vector<64x128xf32>
    %sub3A_244 = vector.broadcast %get3A_233 : vector<1x128xf32> to vector<64x128xf32>
    %sub3A_245 = arith.subf %sub3A_243, %sub3A_244 : vector<64x128xf32>
    %integer_pow3A_246 = arith.mulf %sub3A_245, %sub3A_245 : vector<64x128xf32>
    %add3A_247 = arith.addf %integer_pow3A_242, %integer_pow3A_246 : vector<64x128xf32>
    %sub3A_248 = vector.broadcast %get3A_7 : vector<64x1xf32> to vector<64x128xf32>
    %sub3A_249 = vector.broadcast %get3A_238 : vector<1x128xf32> to vector<64x128xf32>
    %sub3A_250 = arith.subf %sub3A_248, %sub3A_249 : vector<64x128xf32>
    %integer_pow3A_251 = arith.mulf %sub3A_250, %sub3A_250 : vector<64x128xf32>
    %add3A_252 = arith.addf %add3A_247, %integer_pow3A_251 : vector<64x128xf32>
    %le3A_253 = arith.constant 4.000000e-02 : f32
    %le3A_254 = vector.broadcast %le3A_253 : f32 to vector<64x128xf32>
    %le3A_255 = arith.cmpf ole, %add3A_252, %le3A_254 : vector<64x128xf32>
    %add3A_256 = arith.constant 1.000640e+06 : f32
    %add3A_257 = vector.broadcast %add3A_256 : f32 to vector<64x128xf32>
    %add3A_258 = arith.addf %add3A_257, %convert_element_type3A : vector<64x128xf32>
    %select_n3A_259 = arith.select %le3A_255, %add3A_252, %add3A_258 : vector<64x128xi1>, vector<64x128xf32>
    %swap3A_260 = arith.constant 0 : index
    %swap3A_261 = arith.constant 640 : index
    %swap3A_262 = vector.load %arg5[%swap3A_260, %swap3A_261] : memref<64x8192xf32, #tpu.memory_space<vmem>>, vector<64x128xf32>
    tpu.vector_store %arg5[%swap3A_260, %swap3A_261], %select_n3A_259 {strides = array<i32>} : memref<64x8192xf32, #tpu.memory_space<vmem>>, vector<64x128xf32>,
    %lt3A_263 = arith.cmpf olt, %select_n3A_259, %select_n3A_223 : vector<64x128xf32>
    %jit3A_264 = arith.constant 5 : i32
    %broadcast_in_dim3A_265 = vector.broadcast %jit3A_264 : i32 to vector<64x128xi32>
    %select_n3A_266 = arith.select %lt3A_263, %broadcast_in_dim3A_265, %select_n3A_222 : vector<64x128xi1>, vector<64x128xi32>
    %select_n3A_267 = arith.select %lt3A_263, %select_n3A_259, %select_n3A_223 : vector<64x128xi1>, vector<64x128xf32>
    %get3A_268 = arith.constant 0 : index
    %get3A_269 = arith.constant 0 : index
    %get3A_270 = arith.constant 768 : index
    %get3A_271 = vector.load %arg2[%get3A_268, %get3A_269, %get3A_270] : memref<1x3x8192xf32, #tpu.memory_space<vmem>>, vector<1x1x128xf32>
    %get3A_272 = vector.shape_cast %get3A_271 : vector<1x1x128xf32> to vector<1x128xf32>
    %get3A_273 = arith.constant 0 : index
    %get3A_274 = arith.constant 1 : index
    %get3A_275 = arith.constant 768 : index
    %get3A_276 = vector.load %arg2[%get3A_273, %get3A_274, %get3A_275] : memref<1x3x8192xf32, #tpu.memory_space<vmem>>, vector<1x1x128xf32>
    %get3A_277 = vector.shape_cast %get3A_276 : vector<1x1x128xf32> to vector<1x128xf32>
    %get3A_278 = arith.constant 0 : index
    %get3A_279 = arith.constant 2 : index
    %get3A_280 = arith.constant 768 : index
    %get3A_281 = vector.load %arg2[%get3A_278, %get3A_279, %get3A_280] : memref<1x3x8192xf32, #tpu.memory_space<vmem>>, vector<1x1x128xf32>
    %get3A_282 = vector.shape_cast %get3A_281 : vector<1x1x128xf32> to vector<1x128xf32>
    %sub3A_283 = vector.broadcast %get3A_1 : vector<64x1xf32> to vector<64x128xf32>
    %sub3A_284 = vector.broadcast %get3A_272 : vector<1x128xf32> to vector<64x128xf32>
    %sub3A_285 = arith.subf %sub3A_283, %sub3A_284 : vector<64x128xf32>
    %integer_pow3A_286 = arith.mulf %sub3A_285, %sub3A_285 : vector<64x128xf32>
    %sub3A_287 = vector.broadcast %get3A_4 : vector<64x1xf32> to vector<64x128xf32>
    %sub3A_288 = vector.broadcast %get3A_277 : vector<1x128xf32> to vector<64x128xf32>
    %sub3A_289 = arith.subf %sub3A_287, %sub3A_288 : vector<64x128xf32>
    %integer_pow3A_290 = arith.mulf %sub3A_289, %sub3A_289 : vector<64x128xf32>
    %add3A_291 = arith.addf %integer_pow3A_286, %integer_pow3A_290 : vector<64x128xf32>
    %sub3A_292 = vector.broadcast %get3A_7 : vector<64x1xf32> to vector<64x128xf32>
    %sub3A_293 = vector.broadcast %get3A_282 : vector<1x128xf32> to vector<64x128xf32>
    %sub3A_294 = arith.subf %sub3A_292, %sub3A_293 : vector<64x128xf32>
    %integer_pow3A_295 = arith.mulf %sub3A_294, %sub3A_294 : vector<64x128xf32>
    %add3A_296 = arith.addf %add3A_291, %integer_pow3A_295 : vector<64x128xf32>
    %le3A_297 = arith.constant 4.000000e-02 : f32
    %le3A_298 = vector.broadcast %le3A_297 : f32 to vector<64x128xf32>
    %le3A_299 = arith.cmpf ole, %add3A_296, %le3A_298 : vector<64x128xf32>
    %add3A_300 = arith.constant 0x49745400 : f32
    %add3A_301 = vector.broadcast %add3A_300 : f32 to vector<64x128xf32>
    %add3A_302 = arith.addf %add3A_301, %convert_element_type3A : vector<64x128xf32>
    %select_n3A_303 = arith.select %le3A_299, %add3A_296, %add3A_302 : vector<64x128xi1>, vector<64x128xf32>
    %swap3A_304 = arith.constant 0 : index
    %swap3A_305 = arith.constant 768 : index
    %swap3A_306 = vector.load %arg5[%swap3A_304, %swap3A_305] : memref<64x8192xf32, #tpu.memory_space<vmem>>, vector<64x128xf32>
    tpu.vector_store %arg5[%swap3A_304, %swap3A_305], %select_n3A_303 {strides = array<i32>} : memref<64x8192xf32, #tpu.memory_space<vmem>>, vector<64x128xf32>,
    %lt3A_307 = arith.cmpf olt, %select_n3A_303, %select_n3A_267 : vector<64x128xf32>
    %jit3A_308 = arith.constant 6 : i32
    %broadcast_in_dim3A_309 = vector.broadcast %jit3A_308 : i32 to vector<64x128xi32>
    %select_n3A_310 = arith.select %lt3A_307, %broadcast_in_dim3A_309, %select_n3A_266 : vector<64x128xi1>, vector<64x128xi32>
    %select_n3A_311 = arith.select %lt3A_307, %select_n3A_303, %select_n3A_267 : vector<64x128xi1>, vector<64x128xf32>
    %get3A_312 = arith.constant 0 : index
    %get3A_313 = arith.constant 0 : index
    %get3A_314 = arith.constant 896 : index
    %get3A_315 = vector.load %arg2[%get3A_312, %get3A_313, %get3A_314] : memref<1x3x8192xf32, #tpu.memory_space<vmem>>, vector<1x1x128xf32>
    %get3A_316 = vector.shape_cast %get3A_315 : vector<1x1x128xf32> to vector<1x128xf32>
    %get3A_317 = arith.constant 0 : index
    %get3A_318 = arith.constant 1 : index
    %get3A_319 = arith.constant 896 : index
    %get3A_320 = vector.load %arg2[%get3A_317, %get3A_318, %get3A_319] : memref<1x3x8192xf32, #tpu.memory_space<vmem>>, vector<1x1x128xf32>
    %get3A_321 = vector.shape_cast %get3A_320 : vector<1x1x128xf32> to vector<1x128xf32>
    %get3A_322 = arith.constant 0 : index
    %get3A_323 = arith.constant 2 : index
    %get3A_324 = arith.constant 896 : index
    %get3A_325 = vector.load %arg2[%get3A_322, %get3A_323, %get3A_324] : memref<1x3x8192xf32, #tpu.memory_space<vmem>>, vector<1x1x128xf32>
    %get3A_326 = vector.shape_cast %get3A_325 : vector<1x1x128xf32> to vector<1x128xf32>
    %sub3A_327 = vector.broadcast %get3A_1 : vector<64x1xf32> to vector<64x128xf32>
    %sub3A_328 = vector.broadcast %get3A_316 : vector<1x128xf32> to vector<64x128xf32>
    %sub3A_329 = arith.subf %sub3A_327, %sub3A_328 : vector<64x128xf32>
    %integer_pow3A_330 = arith.mulf %sub3A_329, %sub3A_329 : vector<64x128xf32>
    %sub3A_331 = vector.broadcast %get3A_4 : vector<64x1xf32> to vector<64x128xf32>
    %sub3A_332 = vector.broadcast %get3A_321 : vector<1x128xf32> to vector<64x128xf32>
    %sub3A_333 = arith.subf %sub3A_331, %sub3A_332 : vector<64x128xf32>
    %integer_pow3A_334 = arith.mulf %sub3A_333, %sub3A_333 : vector<64x128xf32>
    %add3A_335 = arith.addf %integer_pow3A_330, %integer_pow3A_334 : vector<64x128xf32>
    %sub3A_336 = vector.broadcast %get3A_7 : vector<64x1xf32> to vector<64x128xf32>
    %sub3A_337 = vector.broadcast %get3A_326 : vector<1x128xf32> to vector<64x128xf32>
    %sub3A_338 = arith.subf %sub3A_336, %sub3A_337 : vector<64x128xf32>
    %integer_pow3A_339 = arith.mulf %sub3A_338, %sub3A_338 : vector<64x128xf32>
    %add3A_340 = arith.addf %add3A_335, %integer_pow3A_339 : vector<64x128xf32>
    %le3A_341 = arith.constant 4.000000e-02 : f32
    %le3A_342 = vector.broadcast %le3A_341 : f32 to vector<64x128xf32>
    %le3A_343 = arith.cmpf ole, %add3A_340, %le3A_342 : vector<64x128xf32>
    %add3A_344 = arith.constant 0x49745C00 : f32
    %add3A_345 = vector.broadcast %add3A_344 : f32 to vector<64x128xf32>
    %add3A_346 = arith.addf %add3A_345, %convert_element_type3A : vector<64x128xf32>
    %select_n3A_347 = arith.select %le3A_343, %add3A_340, %add3A_346 : vector<64x128xi1>, vector<64x128xf32>
    %swap3A_348 = arith.constant 0 : index
    %swap3A_349 = arith.constant 896 : index
    %swap3A_350 = vector.load %arg5[%swap3A_348, %swap3A_349] : memref<64x8192xf32, #tpu.memory_space<vmem>>, vector<64x128xf32>
    tpu.vector_store %arg5[%swap3A_348, %swap3A_349], %select_n3A_347 {strides = array<i32>} : memref<64x8192xf32, #tpu.memory_space<vmem>>, vector<64x128xf32>,
    %lt3A_351 = arith.cmpf olt, %select_n3A_347, %select_n3A_311 : vector<64x128xf32>
    %jit3A_352 = arith.constant 7 : i32
    %broadcast_in_dim3A_353 = vector.broadcast %jit3A_352 : i32 to vector<64x128xi32>
    %select_n3A_354 = arith.select %lt3A_351, %broadcast_in_dim3A_353, %select_n3A_310 : vector<64x128xi1>, vector<64x128xi32>
    %select_n3A_355 = arith.select %lt3A_351, %select_n3A_347, %select_n3A_311 : vector<64x128xi1>, vector<64x128xf32>
    %get3A_356 = arith.constant 0 : index
    %get3A_357 = arith.constant 0 : index
    %get3A_358 = arith.constant 1024 : index
    %get3A_359 = vector.load %arg2[%get3A_356, %get3A_357, %get3A_358] : memref<1x3x8192xf32, #tpu.memory_space<vmem>>, vector<1x1x128xf32>
    %get3A_360 = vector.shape_cast %get3A_359 : vector<1x1x128xf32> to vector<1x128xf32>
    %get3A_361 = arith.constant 0 : index
    %get3A_362 = arith.constant 1 : index
    %get3A_363 = arith.constant 1024 : index
    %get3A_364 = vector.load %arg2[%get3A_361, %get3A_362, %get3A_363] : memref<1x3x8192xf32, #tpu.memory_space<vmem>>, vector<1x1x128xf32>
    %get3A_365 = vector.shape_cast %get3A_364 : vector<1x1x128xf32> to vector<1x128xf32>
    %get3A_366 = arith.constant 0 : index
    %get3A_367 = arith.constant 2 : index
    %get3A_368 = arith.constant 1024 : index
    %get3A_369 = vector.load %arg2[%get3A_366, %get3A_367, %get3A_368] : memref<1x3x8192xf32, #tpu.memory_space<vmem>>, vector<1x1x128xf32>
    %get3A_370 = vector.shape_cast %get3A_369 : vector<1x1x128xf32> to vector<1x128xf32>
    %sub3A_371 = vector.broadcast %get3A_1 : vector<64x1xf32> to vector<64x128xf32>
    %sub3A_372 = vector.broadcast %get3A_360 : vector<1x128xf32> to vector<64x128xf32>
    %sub3A_373 = arith.subf %sub3A_371, %sub3A_372 : vector<64x128xf32>
    %integer_pow3A_374 = arith.mulf %sub3A_373, %sub3A_373 : vector<64x128xf32>
    %sub3A_375 = vector.broadcast %get3A_4 : vector<64x1xf32> to vector<64x128xf32>
    %sub3A_376 = vector.broadcast %get3A_365 : vector<1x128xf32> to vector<64x128xf32>
    %sub3A_377 = arith.subf %sub3A_375, %sub3A_376 : vector<64x128xf32>
    %integer_pow3A_378 = arith.mulf %sub3A_377, %sub3A_377 : vector<64x128xf32>
    %add3A_379 = arith.addf %integer_pow3A_374, %integer_pow3A_378 : vector<64x128xf32>
    %sub3A_380 = vector.broadcast %get3A_7 : vector<64x1xf32> to vector<64x128xf32>
    %sub3A_381 = vector.broadcast %get3A_370 : vector<1x128xf32> to vector<64x128xf32>
    %sub3A_382 = arith.subf %sub3A_380, %sub3A_381 : vector<64x128xf32>
    %integer_pow3A_383 = arith.mulf %sub3A_382, %sub3A_382 : vector<64x128xf32>
    %add3A_384 = arith.addf %add3A_379, %integer_pow3A_383 : vector<64x128xf32>
    %le3A_385 = arith.constant 4.000000e-02 : f32
    %le3A_386 = vector.broadcast %le3A_385 : f32 to vector<64x128xf32>
    %le3A_387 = arith.cmpf ole, %add3A_384, %le3A_386 : vector<64x128xf32>
    %add3A_388 = arith.constant 0x49746400 : f32
    %add3A_389 = vector.broadcast %add3A_388 : f32 to vector<64x128xf32>
    %add3A_390 = arith.addf %add3A_389, %convert_element_type3A : vector<64x128xf32>
    %select_n3A_391 = arith.select %le3A_387, %add3A_384, %add3A_390 : vector<64x128xi1>, vector<64x128xf32>
    %swap3A_392 = arith.constant 0 : index
    %swap3A_393 = arith.constant 1024 : index
    %swap3A_394 = vector.load %arg5[%swap3A_392, %swap3A_393] : memref<64x8192xf32, #tpu.memory_space<vmem>>, vector<64x128xf32>
    tpu.vector_store %arg5[%swap3A_392, %swap3A_393], %select_n3A_391 {strides = array<i32>} : memref<64x8192xf32, #tpu.memory_space<vmem>>, vector<64x128xf32>,
    %lt3A_395 = arith.cmpf olt, %select_n3A_391, %select_n3A_355 : vector<64x128xf32>
    %jit3A_396 = arith.constant 8 : i32
    %broadcast_in_dim3A_397 = vector.broadcast %jit3A_396 : i32 to vector<64x128xi32>
    %select_n3A_398 = arith.select %lt3A_395, %broadcast_in_dim3A_397, %select_n3A_354 : vector<64x128xi1>, vector<64x128xi32>
    %select_n3A_399 = arith.select %lt3A_395, %select_n3A_391, %select_n3A_355 : vector<64x128xi1>, vector<64x128xf32>
    %get3A_400 = arith.constant 0 : index
    %get3A_401 = arith.constant 0 : index
    %get3A_402 = arith.constant 1152 : index
    %get3A_403 = vector.load %arg2[%get3A_400, %get3A_401, %get3A_402] : memref<1x3x8192xf32, #tpu.memory_space<vmem>>, vector<1x1x128xf32>
    %get3A_404 = vector.shape_cast %get3A_403 : vector<1x1x128xf32> to vector<1x128xf32>
    %get3A_405 = arith.constant 0 : index
    %get3A_406 = arith.constant 1 : index
    %get3A_407 = arith.constant 1152 : index
    %get3A_408 = vector.load %arg2[%get3A_405, %get3A_406, %get3A_407] : memref<1x3x8192xf32, #tpu.memory_space<vmem>>, vector<1x1x128xf32>
    %get3A_409 = vector.shape_cast %get3A_408 : vector<1x1x128xf32> to vector<1x128xf32>
    %get3A_410 = arith.constant 0 : index
    %get3A_411 = arith.constant 2 : index
    %get3A_412 = arith.constant 1152 : index
    %get3A_413 = vector.load %arg2[%get3A_410, %get3A_411, %get3A_412] : memref<1x3x8192xf32, #tpu.memory_space<vmem>>, vector<1x1x128xf32>
    %get3A_414 = vector.shape_cast %get3A_413 : vector<1x1x128xf32> to vector<1x128xf32>
    %sub3A_415 = vector.broadcast %get3A_1 : vector<64x1xf32> to vector<64x128xf32>
    %sub3A_416 = vector.broadcast %get3A_404 : vector<1x128xf32> to vector<64x128xf32>
    %sub3A_417 = arith.subf %sub3A_415, %sub3A_416 : vector<64x128xf32>
    %integer_pow3A_418 = arith.mulf %sub3A_417, %sub3A_417 : vector<64x128xf32>
    %sub3A_419 = vector.broadcast %get3A_4 : vector<64x1xf32> to vector<64x128xf32>
    %sub3A_420 = vector.broadcast %get3A_409 : vector<1x128xf32> to vector<64x128xf32>
    %sub3A_421 = arith.subf %sub3A_419, %sub3A_420 : vector<64x128xf32>
    %integer_pow3A_422 = arith.mulf %sub3A_421, %sub3A_421 : vector<64x128xf32>
    %add3A_423 = arith.addf %integer_pow3A_418, %integer_pow3A_422 : vector<64x128xf32>
    %sub3A_424 = vector.broadcast %get3A_7 : vector<64x1xf32> to vector<64x128xf32>
    %sub3A_425 = vector.broadcast %get3A_414 : vector<1x128xf32> to vector<64x128xf32>
    %sub3A_426 = arith.subf %sub3A_424, %sub3A_425 : vector<64x128xf32>
    %integer_pow3A_427 = arith.mulf %sub3A_426, %sub3A_426 : vector<64x128xf32>
    %add3A_428 = arith.addf %add3A_423, %integer_pow3A_427 : vector<64x128xf32>
    %le3A_429 = arith.constant 4.000000e-02 : f32
    %le3A_430 = vector.broadcast %le3A_429 : f32 to vector<64x128xf32>
    %le3A_431 = arith.cmpf ole, %add3A_428, %le3A_430 : vector<64x128xf32>
    %add3A_432 = arith.constant 0x49746C00 : f32
    %add3A_433 = vector.broadcast %add3A_432 : f32 to vector<64x128xf32>
    %add3A_434 = arith.addf %add3A_433, %convert_element_type3A : vector<64x128xf32>
    %select_n3A_435 = arith.select %le3A_431, %add3A_428, %add3A_434 : vector<64x128xi1>, vector<64x128xf32>
    %swap3A_436 = arith.constant 0 : index
    %swap3A_437 = arith.constant 1152 : index
    %swap3A_438 = vector.load %arg5[%swap3A_436, %swap3A_437] : memref<64x8192xf32, #tpu.memory_space<vmem>>, vector<64x128xf32>
    tpu.vector_store %arg5[%swap3A_436, %swap3A_437], %select_n3A_435 {strides = array<i32>} : memref<64x8192xf32, #tpu.memory_space<vmem>>, vector<64x128xf32>,
    %lt3A_439 = arith.cmpf olt, %select_n3A_435, %select_n3A_399 : vector<64x128xf32>
    %jit3A_440 = arith.constant 9 : i32
    %broadcast_in_dim3A_441 = vector.broadcast %jit3A_440 : i32 to vector<64x128xi32>
    %select_n3A_442 = arith.select %lt3A_439, %broadcast_in_dim3A_441, %select_n3A_398 : vector<64x128xi1>, vector<64x128xi32>
    %select_n3A_443 = arith.select %lt3A_439, %select_n3A_435, %select_n3A_399 : vector<64x128xi1>, vector<64x128xf32>
    %get3A_444 = arith.constant 0 : index
    %get3A_445 = arith.constant 0 : index
    %get3A_446 = arith.constant 1280 : index
    %get3A_447 = vector.load %arg2[%get3A_444, %get3A_445, %get3A_446] : memref<1x3x8192xf32, #tpu.memory_space<vmem>>, vector<1x1x128xf32>
    %get3A_448 = vector.shape_cast %get3A_447 : vector<1x1x128xf32> to vector<1x128xf32>
    %get3A_449 = arith.constant 0 : index
    %get3A_450 = arith.constant 1 : index
    %get3A_451 = arith.constant 1280 : index
    %get3A_452 = vector.load %arg2[%get3A_449, %get3A_450, %get3A_451] : memref<1x3x8192xf32, #tpu.memory_space<vmem>>, vector<1x1x128xf32>
    %get3A_453 = vector.shape_cast %get3A_452 : vector<1x1x128xf32> to vector<1x128xf32>
    %get3A_454 = arith.constant 0 : index
    %get3A_455 = arith.constant 2 : index
    %get3A_456 = arith.constant 1280 : index
    %get3A_457 = vector.load %arg2[%get3A_454, %get3A_455, %get3A_456] : memref<1x3x8192xf32, #tpu.memory_space<vmem>>, vector<1x1x128xf32>
    %get3A_458 = vector.shape_cast %get3A_457 : vector<1x1x128xf32> to vector<1x128xf32>
    %sub3A_459 = vector.broadcast %get3A_1 : vector<64x1xf32> to vector<64x128xf32>
    %sub3A_460 = vector.broadcast %get3A_448 : vector<1x128xf32> to vector<64x128xf32>
    %sub3A_461 = arith.subf %sub3A_459, %sub3A_460 : vector<64x128xf32>
    %integer_pow3A_462 = arith.mulf %sub3A_461, %sub3A_461 : vector<64x128xf32>
    %sub3A_463 = vector.broadcast %get3A_4 : vector<64x1xf32> to vector<64x128xf32>
    %sub3A_464 = vector.broadcast %get3A_453 : vector<1x128xf32> to vector<64x128xf32>
    %sub3A_465 = arith.subf %sub3A_463, %sub3A_464 : vector<64x128xf32>
    %integer_pow3A_466 = arith.mulf %sub3A_465, %sub3A_465 : vector<64x128xf32>
    %add3A_467 = arith.addf %integer_pow3A_462, %integer_pow3A_466 : vector<64x128xf32>
    %sub3A_468 = vector.broadcast %get3A_7 : vector<64x1xf32> to vector<64x128xf32>
    %sub3A_469 = vector.broadcast %get3A_458 : vector<1x128xf32> to vector<64x128xf32>
    %sub3A_470 = arith.subf %sub3A_468, %sub3A_469 : vector<64x128xf32>
    %integer_pow3A_471 = arith.mulf %sub3A_470, %sub3A_470 : vector<64x128xf32>
    %add3A_472 = arith.addf %add3A_467, %integer_pow3A_471 : vector<64x128xf32>
    %le3A_473 = arith.constant 4.000000e-02 : f32
    %le3A_474 = vector.broadcast %le3A_473 : f32 to vector<64x128xf32>
    %le3A_475 = arith.cmpf ole, %add3A_472, %le3A_474 : vector<64x128xf32>
    %add3A_476 = arith.constant 1.001280e+06 : f32
    %add3A_477 = vector.broadcast %add3A_476 : f32 to vector<64x128xf32>
    %add3A_478 = arith.addf %add3A_477, %convert_element_type3A : vector<64x128xf32>
    %select_n3A_479 = arith.select %le3A_475, %add3A_472, %add3A_478 : vector<64x128xi1>, vector<64x128xf32>
    %swap3A_480 = arith.constant 0 : index
    %swap3A_481 = arith.constant 1280 : index
    %swap3A_482 = vector.load %arg5[%swap3A_480, %swap3A_481] : memref<64x8192xf32, #tpu.memory_space<vmem>>, vector<64x128xf32>
    tpu.vector_store %arg5[%swap3A_480, %swap3A_481], %select_n3A_479 {strides = array<i32>} : memref<64x8192xf32, #tpu.memory_space<vmem>>, vector<64x128xf32>,
    %lt3A_483 = arith.cmpf olt, %select_n3A_479, %select_n3A_443 : vector<64x128xf32>
    %jit3A_484 = arith.constant 10 : i32
    %broadcast_in_dim3A_485 = vector.broadcast %jit3A_484 : i32 to vector<64x128xi32>
    %select_n3A_486 = arith.select %lt3A_483, %broadcast_in_dim3A_485, %select_n3A_442 : vector<64x128xi1>, vector<64x128xi32>
    %select_n3A_487 = arith.select %lt3A_483, %select_n3A_479, %select_n3A_443 : vector<64x128xi1>, vector<64x128xf32>
    %get3A_488 = arith.constant 0 : index
    %get3A_489 = arith.constant 0 : index
    %get3A_490 = arith.constant 1408 : index
    %get3A_491 = vector.load %arg2[%get3A_488, %get3A_489, %get3A_490] : memref<1x3x8192xf32, #tpu.memory_space<vmem>>, vector<1x1x128xf32>
    %get3A_492 = vector.shape_cast %get3A_491 : vector<1x1x128xf32> to vector<1x128xf32>
    %get3A_493 = arith.constant 0 : index
    %get3A_494 = arith.constant 1 : index
    %get3A_495 = arith.constant 1408 : index
    %get3A_496 = vector.load %arg2[%get3A_493, %get3A_494, %get3A_495] : memref<1x3x8192xf32, #tpu.memory_space<vmem>>, vector<1x1x128xf32>
    %get3A_497 = vector.shape_cast %get3A_496 : vector<1x1x128xf32> to vector<1x128xf32>
    %get3A_498 = arith.constant 0 : index
    %get3A_499 = arith.constant 2 : index
    %get3A_500 = arith.constant 1408 : index
    %get3A_501 = vector.load %arg2[%get3A_498, %get3A_499, %get3A_500] : memref<1x3x8192xf32, #tpu.memory_space<vmem>>, vector<1x1x128xf32>
    %get3A_502 = vector.shape_cast %get3A_501 : vector<1x1x128xf32> to vector<1x128xf32>
    %sub3A_503 = vector.broadcast %get3A_1 : vector<64x1xf32> to vector<64x128xf32>
    %sub3A_504 = vector.broadcast %get3A_492 : vector<1x128xf32> to vector<64x128xf32>
    %sub3A_505 = arith.subf %sub3A_503, %sub3A_504 : vector<64x128xf32>
    %integer_pow3A_506 = arith.mulf %sub3A_505, %sub3A_505 : vector<64x128xf32>
    %sub3A_507 = vector.broadcast %get3A_4 : vector<64x1xf32> to vector<64x128xf32>
    %sub3A_508 = vector.broadcast %get3A_497 : vector<1x128xf32> to vector<64x128xf32>
    %sub3A_509 = arith.subf %sub3A_507, %sub3A_508 : vector<64x128xf32>
    %integer_pow3A_510 = arith.mulf %sub3A_509, %sub3A_509 : vector<64x128xf32>
    %add3A_511 = arith.addf %integer_pow3A_506, %integer_pow3A_510 : vector<64x128xf32>
    %sub3A_512 = vector.broadcast %get3A_7 : vector<64x1xf32> to vector<64x128xf32>
    %sub3A_513 = vector.broadcast %get3A_502 : vector<1x128xf32> to vector<64x128xf32>
    %sub3A_514 = arith.subf %sub3A_512, %sub3A_513 : vector<64x128xf32>
    %integer_pow3A_515 = arith.mulf %sub3A_514, %sub3A_514 : vector<64x128xf32>
    %add3A_516 = arith.addf %add3A_511, %integer_pow3A_515 : vector<64x128xf32>
    %le3A_517 = arith.constant 4.000000e-02 : f32
    %le3A_518 = vector.broadcast %le3A_517 : f32 to vector<64x128xf32>
    %le3A_519 = arith.cmpf ole, %add3A_516, %le3A_518 : vector<64x128xf32>
    %add3A_520 = arith.constant 0x49747C00 : f32
    %add3A_521 = vector.broadcast %add3A_520 : f32 to vector<64x128xf32>
    %add3A_522 = arith.addf %add3A_521, %convert_element_type3A : vector<64x128xf32>
    %select_n3A_523 = arith.select %le3A_519, %add3A_516, %add3A_522 : vector<64x128xi1>, vector<64x128xf32>
    %swap3A_524 = arith.constant 0 : index
    %swap3A_525 = arith.constant 1408 : index
    %swap3A_526 = vector.load %arg5[%swap3A_524, %swap3A_525] : memref<64x8192xf32, #tpu.memory_space<vmem>>, vector<64x128xf32>
    tpu.vector_store %arg5[%swap3A_524, %swap3A_525], %select_n3A_523 {strides = array<i32>} : memref<64x8192xf32, #tpu.memory_space<vmem>>, vector<64x128xf32>,
    %lt3A_527 = arith.cmpf olt, %select_n3A_523, %select_n3A_487 : vector<64x128xf32>
    %jit3A_528 = arith.constant 11 : i32
    %broadcast_in_dim3A_529 = vector.broadcast %jit3A_528 : i32 to vector<64x128xi32>
    %select_n3A_530 = arith.select %lt3A_527, %broadcast_in_dim3A_529, %select_n3A_486 : vector<64x128xi1>, vector<64x128xi32>
    %select_n3A_531 = arith.select %lt3A_527, %select_n3A_523, %select_n3A_487 : vector<64x128xi1>, vector<64x128xf32>
    %get3A_532 = arith.constant 0 : index
    %get3A_533 = arith.constant 0 : index
    %get3A_534 = arith.constant 1536 : index
    %get3A_535 = vector.load %arg2[%get3A_532, %get3A_533, %get3A_534] : memref<1x3x8192xf32, #tpu.memory_space<vmem>>, vector<1x1x128xf32>
    %get3A_536 = vector.shape_cast %get3A_535 : vector<1x1x128xf32> to vector<1x128xf32>
    %get3A_537 = arith.constant 0 : index
    %get3A_538 = arith.constant 1 : index
    %get3A_539 = arith.constant 1536 : index
    %get3A_540 = vector.load %arg2[%get3A_537, %get3A_538, %get3A_539] : memref<1x3x8192xf32, #tpu.memory_space<vmem>>, vector<1x1x128xf32>
    %get3A_541 = vector.shape_cast %get3A_540 : vector<1x1x128xf32> to vector<1x128xf32>
    %get3A_542 = arith.constant 0 : index
    %get3A_543 = arith.constant 2 : index
    %get3A_544 = arith.constant 1536 : index
    %get3A_545 = vector.load %arg2[%get3A_542, %get3A_543, %get3A_544] : memref<1x3x8192xf32, #tpu.memory_space<vmem>>, vector<1x1x128xf32>
    %get3A_546 = vector.shape_cast %get3A_545 : vector<1x1x128xf32> to vector<1x128xf32>
    %sub3A_547 = vector.broadcast %get3A_1 : vector<64x1xf32> to vector<64x128xf32>
    %sub3A_548 = vector.broadcast %get3A_536 : vector<1x128xf32> to vector<64x128xf32>
    %sub3A_549 = arith.subf %sub3A_547, %sub3A_548 : vector<64x128xf32>
    %integer_pow3A_550 = arith.mulf %sub3A_549, %sub3A_549 : vector<64x128xf32>
    %sub3A_551 = vector.broadcast %get3A_4 : vector<64x1xf32> to vector<64x128xf32>
    %sub3A_552 = vector.broadcast %get3A_541 : vector<1x128xf32> to vector<64x128xf32>
    %sub3A_553 = arith.subf %sub3A_551, %sub3A_552 : vector<64x128xf32>
    %integer_pow3A_554 = arith.mulf %sub3A_553, %sub3A_553 : vector<64x128xf32>
    %add3A_555 = arith.addf %integer_pow3A_550, %integer_pow3A_554 : vector<64x128xf32>
    %sub3A_556 = vector.broadcast %get3A_7 : vector<64x1xf32> to vector<64x128xf32>
    %sub3A_557 = vector.broadcast %get3A_546 : vector<1x128xf32> to vector<64x128xf32>
    %sub3A_558 = arith.subf %sub3A_556, %sub3A_557 : vector<64x128xf32>
    %integer_pow3A_559 = arith.mulf %sub3A_558, %sub3A_558 : vector<64x128xf32>
    %add3A_560 = arith.addf %add3A_555, %integer_pow3A_559 : vector<64x128xf32>
    %le3A_561 = arith.constant 4.000000e-02 : f32
    %le3A_562 = vector.broadcast %le3A_561 : f32 to vector<64x128xf32>
    %le3A_563 = arith.cmpf ole, %add3A_560, %le3A_562 : vector<64x128xf32>
    %add3A_564 = arith.constant 0x49748400 : f32
    %add3A_565 = vector.broadcast %add3A_564 : f32 to vector<64x128xf32>
    %add3A_566 = arith.addf %add3A_565, %convert_element_type3A : vector<64x128xf32>
    %select_n3A_567 = arith.select %le3A_563, %add3A_560, %add3A_566 : vector<64x128xi1>, vector<64x128xf32>
    %swap3A_568 = arith.constant 0 : index
    %swap3A_569 = arith.constant 1536 : index
    %swap3A_570 = vector.load %arg5[%swap3A_568, %swap3A_569] : memref<64x8192xf32, #tpu.memory_space<vmem>>, vector<64x128xf32>
    tpu.vector_store %arg5[%swap3A_568, %swap3A_569], %select_n3A_567 {strides = array<i32>} : memref<64x8192xf32, #tpu.memory_space<vmem>>, vector<64x128xf32>,
    %lt3A_571 = arith.cmpf olt, %select_n3A_567, %select_n3A_531 : vector<64x128xf32>
    %jit3A_572 = arith.constant 12 : i32
    %broadcast_in_dim3A_573 = vector.broadcast %jit3A_572 : i32 to vector<64x128xi32>
    %select_n3A_574 = arith.select %lt3A_571, %broadcast_in_dim3A_573, %select_n3A_530 : vector<64x128xi1>, vector<64x128xi32>
    %select_n3A_575 = arith.select %lt3A_571, %select_n3A_567, %select_n3A_531 : vector<64x128xi1>, vector<64x128xf32>
    %get3A_576 = arith.constant 0 : index
    %get3A_577 = arith.constant 0 : index
    %get3A_578 = arith.constant 1664 : index
    %get3A_579 = vector.load %arg2[%get3A_576, %get3A_577, %get3A_578] : memref<1x3x8192xf32, #tpu.memory_space<vmem>>, vector<1x1x128xf32>
    %get3A_580 = vector.shape_cast %get3A_579 : vector<1x1x128xf32> to vector<1x128xf32>
    %get3A_581 = arith.constant 0 : index
    %get3A_582 = arith.constant 1 : index
    %get3A_583 = arith.constant 1664 : index
    %get3A_584 = vector.load %arg2[%get3A_581, %get3A_582, %get3A_583] : memref<1x3x8192xf32, #tpu.memory_space<vmem>>, vector<1x1x128xf32>
    %get3A_585 = vector.shape_cast %get3A_584 : vector<1x1x128xf32> to vector<1x128xf32>
    %get3A_586 = arith.constant 0 : index
    %get3A_587 = arith.constant 2 : index
    %get3A_588 = arith.constant 1664 : index
    %get3A_589 = vector.load %arg2[%get3A_586, %get3A_587, %get3A_588] : memref<1x3x8192xf32, #tpu.memory_space<vmem>>, vector<1x1x128xf32>
    %get3A_590 = vector.shape_cast %get3A_589 : vector<1x1x128xf32> to vector<1x128xf32>
    %sub3A_591 = vector.broadcast %get3A_1 : vector<64x1xf32> to vector<64x128xf32>
    %sub3A_592 = vector.broadcast %get3A_580 : vector<1x128xf32> to vector<64x128xf32>
    %sub3A_593 = arith.subf %sub3A_591, %sub3A_592 : vector<64x128xf32>
    %integer_pow3A_594 = arith.mulf %sub3A_593, %sub3A_593 : vector<64x128xf32>
    %sub3A_595 = vector.broadcast %get3A_4 : vector<64x1xf32> to vector<64x128xf32>
    %sub3A_596 = vector.broadcast %get3A_585 : vector<1x128xf32> to vector<64x128xf32>
    %sub3A_597 = arith.subf %sub3A_595, %sub3A_596 : vector<64x128xf32>
    %integer_pow3A_598 = arith.mulf %sub3A_597, %sub3A_597 : vector<64x128xf32>
    %add3A_599 = arith.addf %integer_pow3A_594, %integer_pow3A_598 : vector<64x128xf32>
    %sub3A_600 = vector.broadcast %get3A_7 : vector<64x1xf32> to vector<64x128xf32>
    %sub3A_601 = vector.broadcast %get3A_590 : vector<1x128xf32> to vector<64x128xf32>
    %sub3A_602 = arith.subf %sub3A_600, %sub3A_601 : vector<64x128xf32>
    %integer_pow3A_603 = arith.mulf %sub3A_602, %sub3A_602 : vector<64x128xf32>
    %add3A_604 = arith.addf %add3A_599, %integer_pow3A_603 : vector<64x128xf32>
    %le3A_605 = arith.constant 4.000000e-02 : f32
    %le3A_606 = vector.broadcast %le3A_605 : f32 to vector<64x128xf32>
    %le3A_607 = arith.cmpf ole, %add3A_604, %le3A_606 : vector<64x128xf32>
    %add3A_608 = arith.constant 0x49748C00 : f32
    %add3A_609 = vector.broadcast %add3A_608 : f32 to vector<64x128xf32>
    %add3A_610 = arith.addf %add3A_609, %convert_element_type3A : vector<64x128xf32>
    %select_n3A_611 = arith.select %le3A_607, %add3A_604, %add3A_610 : vector<64x128xi1>, vector<64x128xf32>
    %swap3A_612 = arith.constant 0 : index
    %swap3A_613 = arith.constant 1664 : index
    %swap3A_614 = vector.load %arg5[%swap3A_612, %swap3A_613] : memref<64x8192xf32, #tpu.memory_space<vmem>>, vector<64x128xf32>
    tpu.vector_store %arg5[%swap3A_612, %swap3A_613], %select_n3A_611 {strides = array<i32>} : memref<64x8192xf32, #tpu.memory_space<vmem>>, vector<64x128xf32>,
    %lt3A_615 = arith.cmpf olt, %select_n3A_611, %select_n3A_575 : vector<64x128xf32>
    %jit3A_616 = arith.constant 13 : i32
    %broadcast_in_dim3A_617 = vector.broadcast %jit3A_616 : i32 to vector<64x128xi32>
    %select_n3A_618 = arith.select %lt3A_615, %broadcast_in_dim3A_617, %select_n3A_574 : vector<64x128xi1>, vector<64x128xi32>
    %select_n3A_619 = arith.select %lt3A_615, %select_n3A_611, %select_n3A_575 : vector<64x128xi1>, vector<64x128xf32>
    %get3A_620 = arith.constant 0 : index
    %get3A_621 = arith.constant 0 : index
    %get3A_622 = arith.constant 1792 : index
    %get3A_623 = vector.load %arg2[%get3A_620, %get3A_621, %get3A_622] : memref<1x3x8192xf32, #tpu.memory_space<vmem>>, vector<1x1x128xf32>
    %get3A_624 = vector.shape_cast %get3A_623 : vector<1x1x128xf32> to vector<1x128xf32>
    %get3A_625 = arith.constant 0 : index
    %get3A_626 = arith.constant 1 : index
    %get3A_627 = arith.constant 1792 : index
    %get3A_628 = vector.load %arg2[%get3A_625, %get3A_626, %get3A_627] : memref<1x3x8192xf32, #tpu.memory_space<vmem>>, vector<1x1x128xf32>
    %get3A_629 = vector.shape_cast %get3A_628 : vector<1x1x128xf32> to vector<1x128xf32>
    %get3A_630 = arith.constant 0 : index
    %get3A_631 = arith.constant 2 : index
    %get3A_632 = arith.constant 1792 : index
    %get3A_633 = vector.load %arg2[%get3A_630, %get3A_631, %get3A_632] : memref<1x3x8192xf32, #tpu.memory_space<vmem>>, vector<1x1x128xf32>
    %get3A_634 = vector.shape_cast %get3A_633 : vector<1x1x128xf32> to vector<1x128xf32>
    %sub3A_635 = vector.broadcast %get3A_1 : vector<64x1xf32> to vector<64x128xf32>
    %sub3A_636 = vector.broadcast %get3A_624 : vector<1x128xf32> to vector<64x128xf32>
    %sub3A_637 = arith.subf %sub3A_635, %sub3A_636 : vector<64x128xf32>
    %integer_pow3A_638 = arith.mulf %sub3A_637, %sub3A_637 : vector<64x128xf32>
    %sub3A_639 = vector.broadcast %get3A_4 : vector<64x1xf32> to vector<64x128xf32>
    %sub3A_640 = vector.broadcast %get3A_629 : vector<1x128xf32> to vector<64x128xf32>
    %sub3A_641 = arith.subf %sub3A_639, %sub3A_640 : vector<64x128xf32>
    %integer_pow3A_642 = arith.mulf %sub3A_641, %sub3A_641 : vector<64x128xf32>
    %add3A_643 = arith.addf %integer_pow3A_638, %integer_pow3A_642 : vector<64x128xf32>
    %sub3A_644 = vector.broadcast %get3A_7 : vector<64x1xf32> to vector<64x128xf32>
    %sub3A_645 = vector.broadcast %get3A_634 : vector<1x128xf32> to vector<64x128xf32>
    %sub3A_646 = arith.subf %sub3A_644, %sub3A_645 : vector<64x128xf32>
    %integer_pow3A_647 = arith.mulf %sub3A_646, %sub3A_646 : vector<64x128xf32>
    %add3A_648 = arith.addf %add3A_643, %integer_pow3A_647 : vector<64x128xf32>
    %le3A_649 = arith.constant 4.000000e-02 : f32
    %le3A_650 = vector.broadcast %le3A_649 : f32 to vector<64x128xf32>
    %le3A_651 = arith.cmpf ole, %add3A_648, %le3A_650 : vector<64x128xf32>
    %add3A_652 = arith.constant 0x49749400 : f32
    %add3A_653 = vector.broadcast %add3A_652 : f32 to vector<64x128xf32>
    %add3A_654 = arith.addf %add3A_653, %convert_element_type3A : vector<64x128xf32>
    %select_n3A_655 = arith.select %le3A_651, %add3A_648, %add3A_654 : vector<64x128xi1>, vector<64x128xf32>
    %swap3A_656 = arith.constant 0 : index
    %swap3A_657 = arith.constant 1792 : index
    %swap3A_658 = vector.load %arg5[%swap3A_656, %swap3A_657] : memref<64x8192xf32, #tpu.memory_space<vmem>>, vector<64x128xf32>
    tpu.vector_store %arg5[%swap3A_656, %swap3A_657], %select_n3A_655 {strides = array<i32>} : memref<64x8192xf32, #tpu.memory_space<vmem>>, vector<64x128xf32>,
    %lt3A_659 = arith.cmpf olt, %select_n3A_655, %select_n3A_619 : vector<64x128xf32>
    %jit3A_660 = arith.constant 14 : i32
    %broadcast_in_dim3A_661 = vector.broadcast %jit3A_660 : i32 to vector<64x128xi32>
    %select_n3A_662 = arith.select %lt3A_659, %broadcast_in_dim3A_661, %select_n3A_618 : vector<64x128xi1>, vector<64x128xi32>
    %select_n3A_663 = arith.select %lt3A_659, %select_n3A_655, %select_n3A_619 : vector<64x128xi1>, vector<64x128xf32>
    %get3A_664 = arith.constant 0 : index
    %get3A_665 = arith.constant 0 : index
    %get3A_666 = arith.constant 1920 : index
    %get3A_667 = vector.load %arg2[%get3A_664, %get3A_665, %get3A_666] : memref<1x3x8192xf32, #tpu.memory_space<vmem>>, vector<1x1x128xf32>
    %get3A_668 = vector.shape_cast %get3A_667 : vector<1x1x128xf32> to vector<1x128xf32>
    %get3A_669 = arith.constant 0 : index
    %get3A_670 = arith.constant 1 : index
    %get3A_671 = arith.constant 1920 : index
    %get3A_672 = vector.load %arg2[%get3A_669, %get3A_670, %get3A_671] : memref<1x3x8192xf32, #tpu.memory_space<vmem>>, vector<1x1x128xf32>
    %get3A_673 = vector.shape_cast %get3A_672 : vector<1x1x128xf32> to vector<1x128xf32>
    %get3A_674 = arith.constant 0 : index
    %get3A_675 = arith.constant 2 : index
    %get3A_676 = arith.constant 1920 : index
    %get3A_677 = vector.load %arg2[%get3A_674, %get3A_675, %get3A_676] : memref<1x3x8192xf32, #tpu.memory_space<vmem>>, vector<1x1x128xf32>
    %get3A_678 = vector.shape_cast %get3A_677 : vector<1x1x128xf32> to vector<1x128xf32>
    %sub3A_679 = vector.broadcast %get3A_1 : vector<64x1xf32> to vector<64x128xf32>
    %sub3A_680 = vector.broadcast %get3A_668 : vector<1x128xf32> to vector<64x128xf32>
    %sub3A_681 = arith.subf %sub3A_679, %sub3A_680 : vector<64x128xf32>
    %integer_pow3A_682 = arith.mulf %sub3A_681, %sub3A_681 : vector<64x128xf32>
    %sub3A_683 = vector.broadcast %get3A_4 : vector<64x1xf32> to vector<64x128xf32>
    %sub3A_684 = vector.broadcast %get3A_673 : vector<1x128xf32> to vector<64x128xf32>
    %sub3A_685 = arith.subf %sub3A_683, %sub3A_684 : vector<64x128xf32>
    %integer_pow3A_686 = arith.mulf %sub3A_685, %sub3A_685 : vector<64x128xf32>
    %add3A_687 = arith.addf %integer_pow3A_682, %integer_pow3A_686 : vector<64x128xf32>
    %sub3A_688 = vector.broadcast %get3A_7 : vector<64x1xf32> to vector<64x128xf32>
    %sub3A_689 = vector.broadcast %get3A_678 : vector<1x128xf32> to vector<64x128xf32>
    %sub3A_690 = arith.subf %sub3A_688, %sub3A_689 : vector<64x128xf32>
    %integer_pow3A_691 = arith.mulf %sub3A_690, %sub3A_690 : vector<64x128xf32>
    %add3A_692 = arith.addf %add3A_687, %integer_pow3A_691 : vector<64x128xf32>
    %le3A_693 = arith.constant 4.000000e-02 : f32
    %le3A_694 = vector.broadcast %le3A_693 : f32 to vector<64x128xf32>
    %le3A_695 = arith.cmpf ole, %add3A_692, %le3A_694 : vector<64x128xf32>
    %add3A_696 = arith.constant 1.001920e+06 : f32
    %add3A_697 = vector.broadcast %add3A_696 : f32 to vector<64x128xf32>
    %add3A_698 = arith.addf %add3A_697, %convert_element_type3A : vector<64x128xf32>
    %select_n3A_699 = arith.select %le3A_695, %add3A_692, %add3A_698 : vector<64x128xi1>, vector<64x128xf32>
    %swap3A_700 = arith.constant 0 : index
    %swap3A_701 = arith.constant 1920 : index
    %swap3A_702 = vector.load %arg5[%swap3A_700, %swap3A_701] : memref<64x8192xf32, #tpu.memory_space<vmem>>, vector<64x128xf32>
    tpu.vector_store %arg5[%swap3A_700, %swap3A_701], %select_n3A_699 {strides = array<i32>} : memref<64x8192xf32, #tpu.memory_space<vmem>>, vector<64x128xf32>,
    %lt3A_703 = arith.cmpf olt, %select_n3A_699, %select_n3A_663 : vector<64x128xf32>
    %jit3A_704 = arith.constant 15 : i32
    %broadcast_in_dim3A_705 = vector.broadcast %jit3A_704 : i32 to vector<64x128xi32>
    %select_n3A_706 = arith.select %lt3A_703, %broadcast_in_dim3A_705, %select_n3A_662 : vector<64x128xi1>, vector<64x128xi32>
    %select_n3A_707 = arith.select %lt3A_703, %select_n3A_699, %select_n3A_663 : vector<64x128xi1>, vector<64x128xf32>
    %get3A_708 = arith.constant 0 : index
    %get3A_709 = arith.constant 0 : index
    %get3A_710 = arith.constant 2048 : index
    %get3A_711 = vector.load %arg2[%get3A_708, %get3A_709, %get3A_710] : memref<1x3x8192xf32, #tpu.memory_space<vmem>>, vector<1x1x128xf32>
    %get3A_712 = vector.shape_cast %get3A_711 : vector<1x1x128xf32> to vector<1x128xf32>
    %get3A_713 = arith.constant 0 : index
    %get3A_714 = arith.constant 1 : index
    %get3A_715 = arith.constant 2048 : index
    %get3A_716 = vector.load %arg2[%get3A_713, %get3A_714, %get3A_715] : memref<1x3x8192xf32, #tpu.memory_space<vmem>>, vector<1x1x128xf32>
    %get3A_717 = vector.shape_cast %get3A_716 : vector<1x1x128xf32> to vector<1x128xf32>
    %get3A_718 = arith.constant 0 : index
    %get3A_719 = arith.constant 2 : index
    %get3A_720 = arith.constant 2048 : index
    %get3A_721 = vector.load %arg2[%get3A_718, %get3A_719, %get3A_720] : memref<1x3x8192xf32, #tpu.memory_space<vmem>>, vector<1x1x128xf32>
    %get3A_722 = vector.shape_cast %get3A_721 : vector<1x1x128xf32> to vector<1x128xf32>
    %sub3A_723 = vector.broadcast %get3A_1 : vector<64x1xf32> to vector<64x128xf32>
    %sub3A_724 = vector.broadcast %get3A_712 : vector<1x128xf32> to vector<64x128xf32>
    %sub3A_725 = arith.subf %sub3A_723, %sub3A_724 : vector<64x128xf32>
    %integer_pow3A_726 = arith.mulf %sub3A_725, %sub3A_725 : vector<64x128xf32>
    %sub3A_727 = vector.broadcast %get3A_4 : vector<64x1xf32> to vector<64x128xf32>
    %sub3A_728 = vector.broadcast %get3A_717 : vector<1x128xf32> to vector<64x128xf32>
    %sub3A_729 = arith.subf %sub3A_727, %sub3A_728 : vector<64x128xf32>
    %integer_pow3A_730 = arith.mulf %sub3A_729, %sub3A_729 : vector<64x128xf32>
    %add3A_731 = arith.addf %integer_pow3A_726, %integer_pow3A_730 : vector<64x128xf32>
    %sub3A_732 = vector.broadcast %get3A_7 : vector<64x1xf32> to vector<64x128xf32>
    %sub3A_733 = vector.broadcast %get3A_722 : vector<1x128xf32> to vector<64x128xf32>
    %sub3A_734 = arith.subf %sub3A_732, %sub3A_733 : vector<64x128xf32>
    %integer_pow3A_735 = arith.mulf %sub3A_734, %sub3A_734 : vector<64x128xf32>
    %add3A_736 = arith.addf %add3A_731, %integer_pow3A_735 : vector<64x128xf32>
    %le3A_737 = arith.constant 4.000000e-02 : f32
    %le3A_738 = vector.broadcast %le3A_737 : f32 to vector<64x128xf32>
    %le3A_739 = arith.cmpf ole, %add3A_736, %le3A_738 : vector<64x128xf32>
    %add3A_740 = arith.constant 0x4974A400 : f32
    %add3A_741 = vector.broadcast %add3A_740 : f32 to vector<64x128xf32>
    %add3A_742 = arith.addf %add3A_741, %convert_element_type3A : vector<64x128xf32>
    %select_n3A_743 = arith.select %le3A_739, %add3A_736, %add3A_742 : vector<64x128xi1>, vector<64x128xf32>
    %swap3A_744 = arith.constant 0 : index
    %swap3A_745 = arith.constant 2048 : index
    %swap3A_746 = vector.load %arg5[%swap3A_744, %swap3A_745] : memref<64x8192xf32, #tpu.memory_space<vmem>>, vector<64x128xf32>
    tpu.vector_store %arg5[%swap3A_744, %swap3A_745], %select_n3A_743 {strides = array<i32>} : memref<64x8192xf32, #tpu.memory_space<vmem>>, vector<64x128xf32>,
    %lt3A_747 = arith.cmpf olt, %select_n3A_743, %select_n3A_707 : vector<64x128xf32>
    %jit3A_748 = arith.constant 16 : i32
    %broadcast_in_dim3A_749 = vector.broadcast %jit3A_748 : i32 to vector<64x128xi32>
    %select_n3A_750 = arith.select %lt3A_747, %broadcast_in_dim3A_749, %select_n3A_706 : vector<64x128xi1>, vector<64x128xi32>
    %select_n3A_751 = arith.select %lt3A_747, %select_n3A_743, %select_n3A_707 : vector<64x128xi1>, vector<64x128xf32>
    %get3A_752 = arith.constant 0 : index
    %get3A_753 = arith.constant 0 : index
    %get3A_754 = arith.constant 2176 : index
    %get3A_755 = vector.load %arg2[%get3A_752, %get3A_753, %get3A_754] : memref<1x3x8192xf32, #tpu.memory_space<vmem>>, vector<1x1x128xf32>
    %get3A_756 = vector.shape_cast %get3A_755 : vector<1x1x128xf32> to vector<1x128xf32>
    %get3A_757 = arith.constant 0 : index
    %get3A_758 = arith.constant 1 : index
    %get3A_759 = arith.constant 2176 : index
    %get3A_760 = vector.load %arg2[%get3A_757, %get3A_758, %get3A_759] : memref<1x3x8192xf32, #tpu.memory_space<vmem>>, vector<1x1x128xf32>
    %get3A_761 = vector.shape_cast %get3A_760 : vector<1x1x128xf32> to vector<1x128xf32>
    %get3A_762 = arith.constant 0 : index
    %get3A_763 = arith.constant 2 : index
    %get3A_764 = arith.constant 2176 : index
    %get3A_765 = vector.load %arg2[%get3A_762, %get3A_763, %get3A_764] : memref<1x3x8192xf32, #tpu.memory_space<vmem>>, vector<1x1x128xf32>
    %get3A_766 = vector.shape_cast %get3A_765 : vector<1x1x128xf32> to vector<1x128xf32>
    %sub3A_767 = vector.broadcast %get3A_1 : vector<64x1xf32> to vector<64x128xf32>
    %sub3A_768 = vector.broadcast %get3A_756 : vector<1x128xf32> to vector<64x128xf32>
    %sub3A_769 = arith.subf %sub3A_767, %sub3A_768 : vector<64x128xf32>
    %integer_pow3A_770 = arith.mulf %sub3A_769, %sub3A_769 : vector<64x128xf32>
    %sub3A_771 = vector.broadcast %get3A_4 : vector<64x1xf32> to vector<64x128xf32>
    %sub3A_772 = vector.broadcast %get3A_761 : vector<1x128xf32> to vector<64x128xf32>
    %sub3A_773 = arith.subf %sub3A_771, %sub3A_772 : vector<64x128xf32>
    %integer_pow3A_774 = arith.mulf %sub3A_773, %sub3A_773 : vector<64x128xf32>
    %add3A_775 = arith.addf %integer_pow3A_770, %integer_pow3A_774 : vector<64x128xf32>
    %sub3A_776 = vector.broadcast %get3A_7 : vector<64x1xf32> to vector<64x128xf32>
    %sub3A_777 = vector.broadcast %get3A_766 : vector<1x128xf32> to vector<64x128xf32>
    %sub3A_778 = arith.subf %sub3A_776, %sub3A_777 : vector<64x128xf32>
    %integer_pow3A_779 = arith.mulf %sub3A_778, %sub3A_778 : vector<64x128xf32>
    %add3A_780 = arith.addf %add3A_775, %integer_pow3A_779 : vector<64x128xf32>
    %le3A_781 = arith.constant 4.000000e-02 : f32
    %le3A_782 = vector.broadcast %le3A_781 : f32 to vector<64x128xf32>
    %le3A_783 = arith.cmpf ole, %add3A_780, %le3A_782 : vector<64x128xf32>
    %add3A_784 = arith.constant 0x4974AC00 : f32
    %add3A_785 = vector.broadcast %add3A_784 : f32 to vector<64x128xf32>
    %add3A_786 = arith.addf %add3A_785, %convert_element_type3A : vector<64x128xf32>
    %select_n3A_787 = arith.select %le3A_783, %add3A_780, %add3A_786 : vector<64x128xi1>, vector<64x128xf32>
    %swap3A_788 = arith.constant 0 : index
    %swap3A_789 = arith.constant 2176 : index
    %swap3A_790 = vector.load %arg5[%swap3A_788, %swap3A_789] : memref<64x8192xf32, #tpu.memory_space<vmem>>, vector<64x128xf32>
    tpu.vector_store %arg5[%swap3A_788, %swap3A_789], %select_n3A_787 {strides = array<i32>} : memref<64x8192xf32, #tpu.memory_space<vmem>>, vector<64x128xf32>,
    %lt3A_791 = arith.cmpf olt, %select_n3A_787, %select_n3A_751 : vector<64x128xf32>
    %jit3A_792 = arith.constant 17 : i32
    %broadcast_in_dim3A_793 = vector.broadcast %jit3A_792 : i32 to vector<64x128xi32>
    %select_n3A_794 = arith.select %lt3A_791, %broadcast_in_dim3A_793, %select_n3A_750 : vector<64x128xi1>, vector<64x128xi32>
    %select_n3A_795 = arith.select %lt3A_791, %select_n3A_787, %select_n3A_751 : vector<64x128xi1>, vector<64x128xf32>
    %get3A_796 = arith.constant 0 : index
    %get3A_797 = arith.constant 0 : index
    %get3A_798 = arith.constant 2304 : index
    %get3A_799 = vector.load %arg2[%get3A_796, %get3A_797, %get3A_798] : memref<1x3x8192xf32, #tpu.memory_space<vmem>>, vector<1x1x128xf32>
    %get3A_800 = vector.shape_cast %get3A_799 : vector<1x1x128xf32> to vector<1x128xf32>
    %get3A_801 = arith.constant 0 : index
    %get3A_802 = arith.constant 1 : index
    %get3A_803 = arith.constant 2304 : index
    %get3A_804 = vector.load %arg2[%get3A_801, %get3A_802, %get3A_803] : memref<1x3x8192xf32, #tpu.memory_space<vmem>>, vector<1x1x128xf32>
    %get3A_805 = vector.shape_cast %get3A_804 : vector<1x1x128xf32> to vector<1x128xf32>
    %get3A_806 = arith.constant 0 : index
    %get3A_807 = arith.constant 2 : index
    %get3A_808 = arith.constant 2304 : index
    %get3A_809 = vector.load %arg2[%get3A_806, %get3A_807, %get3A_808] : memref<1x3x8192xf32, #tpu.memory_space<vmem>>, vector<1x1x128xf32>
    %get3A_810 = vector.shape_cast %get3A_809 : vector<1x1x128xf32> to vector<1x128xf32>
    %sub3A_811 = vector.broadcast %get3A_1 : vector<64x1xf32> to vector<64x128xf32>
    %sub3A_812 = vector.broadcast %get3A_800 : vector<1x128xf32> to vector<64x128xf32>
    %sub3A_813 = arith.subf %sub3A_811, %sub3A_812 : vector<64x128xf32>
    %integer_pow3A_814 = arith.mulf %sub3A_813, %sub3A_813 : vector<64x128xf32>
    %sub3A_815 = vector.broadcast %get3A_4 : vector<64x1xf32> to vector<64x128xf32>
    %sub3A_816 = vector.broadcast %get3A_805 : vector<1x128xf32> to vector<64x128xf32>
    %sub3A_817 = arith.subf %sub3A_815, %sub3A_816 : vector<64x128xf32>
    %integer_pow3A_818 = arith.mulf %sub3A_817, %sub3A_817 : vector<64x128xf32>
    %add3A_819 = arith.addf %integer_pow3A_814, %integer_pow3A_818 : vector<64x128xf32>
    %sub3A_820 = vector.broadcast %get3A_7 : vector<64x1xf32> to vector<64x128xf32>
    %sub3A_821 = vector.broadcast %get3A_810 : vector<1x128xf32> to vector<64x128xf32>
    %sub3A_822 = arith.subf %sub3A_820, %sub3A_821 : vector<64x128xf32>
    %integer_pow3A_823 = arith.mulf %sub3A_822, %sub3A_822 : vector<64x128xf32>
    %add3A_824 = arith.addf %add3A_819, %integer_pow3A_823 : vector<64x128xf32>
    %le3A_825 = arith.constant 4.000000e-02 : f32
    %le3A_826 = vector.broadcast %le3A_825 : f32 to vector<64x128xf32>
    %le3A_827 = arith.cmpf ole, %add3A_824, %le3A_826 : vector<64x128xf32>
    %add3A_828 = arith.constant 0x4974B400 : f32
    %add3A_829 = vector.broadcast %add3A_828 : f32 to vector<64x128xf32>
    %add3A_830 = arith.addf %add3A_829, %convert_element_type3A : vector<64x128xf32>
    %select_n3A_831 = arith.select %le3A_827, %add3A_824, %add3A_830 : vector<64x128xi1>, vector<64x128xf32>
    %swap3A_832 = arith.constant 0 : index
    %swap3A_833 = arith.constant 2304 : index
    %swap3A_834 = vector.load %arg5[%swap3A_832, %swap3A_833] : memref<64x8192xf32, #tpu.memory_space<vmem>>, vector<64x128xf32>
    tpu.vector_store %arg5[%swap3A_832, %swap3A_833], %select_n3A_831 {strides = array<i32>} : memref<64x8192xf32, #tpu.memory_space<vmem>>, vector<64x128xf32>,
    %lt3A_835 = arith.cmpf olt, %select_n3A_831, %select_n3A_795 : vector<64x128xf32>
    %jit3A_836 = arith.constant 18 : i32
    %broadcast_in_dim3A_837 = vector.broadcast %jit3A_836 : i32 to vector<64x128xi32>
    %select_n3A_838 = arith.select %lt3A_835, %broadcast_in_dim3A_837, %select_n3A_794 : vector<64x128xi1>, vector<64x128xi32>
    %select_n3A_839 = arith.select %lt3A_835, %select_n3A_831, %select_n3A_795 : vector<64x128xi1>, vector<64x128xf32>
    %get3A_840 = arith.constant 0 : index
    %get3A_841 = arith.constant 0 : index
    %get3A_842 = arith.constant 2432 : index
    %get3A_843 = vector.load %arg2[%get3A_840, %get3A_841, %get3A_842] : memref<1x3x8192xf32, #tpu.memory_space<vmem>>, vector<1x1x128xf32>
    %get3A_844 = vector.shape_cast %get3A_843 : vector<1x1x128xf32> to vector<1x128xf32>
    %get3A_845 = arith.constant 0 : index
    %get3A_846 = arith.constant 1 : index
    %get3A_847 = arith.constant 2432 : index
    %get3A_848 = vector.load %arg2[%get3A_845, %get3A_846, %get3A_847] : memref<1x3x8192xf32, #tpu.memory_space<vmem>>, vector<1x1x128xf32>
    %get3A_849 = vector.shape_cast %get3A_848 : vector<1x1x128xf32> to vector<1x128xf32>
    %get3A_850 = arith.constant 0 : index
    %get3A_851 = arith.constant 2 : index
    %get3A_852 = arith.constant 2432 : index
    %get3A_853 = vector.load %arg2[%get3A_850, %get3A_851, %get3A_852] : memref<1x3x8192xf32, #tpu.memory_space<vmem>>, vector<1x1x128xf32>
    %get3A_854 = vector.shape_cast %get3A_853 : vector<1x1x128xf32> to vector<1x128xf32>
    %sub3A_855 = vector.broadcast %get3A_1 : vector<64x1xf32> to vector<64x128xf32>
    %sub3A_856 = vector.broadcast %get3A_844 : vector<1x128xf32> to vector<64x128xf32>
    %sub3A_857 = arith.subf %sub3A_855, %sub3A_856 : vector<64x128xf32>
    %integer_pow3A_858 = arith.mulf %sub3A_857, %sub3A_857 : vector<64x128xf32>
    %sub3A_859 = vector.broadcast %get3A_4 : vector<64x1xf32> to vector<64x128xf32>
    %sub3A_860 = vector.broadcast %get3A_849 : vector<1x128xf32> to vector<64x128xf32>
    %sub3A_861 = arith.subf %sub3A_859, %sub3A_860 : vector<64x128xf32>
    %integer_pow3A_862 = arith.mulf %sub3A_861, %sub3A_861 : vector<64x128xf32>
    %add3A_863 = arith.addf %integer_pow3A_858, %integer_pow3A_862 : vector<64x128xf32>
    %sub3A_864 = vector.broadcast %get3A_7 : vector<64x1xf32> to vector<64x128xf32>
    %sub3A_865 = vector.broadcast %get3A_854 : vector<1x128xf32> to vector<64x128xf32>
    %sub3A_866 = arith.subf %sub3A_864, %sub3A_865 : vector<64x128xf32>
    %integer_pow3A_867 = arith.mulf %sub3A_866, %sub3A_866 : vector<64x128xf32>
    %add3A_868 = arith.addf %add3A_863, %integer_pow3A_867 : vector<64x128xf32>
    %le3A_869 = arith.constant 4.000000e-02 : f32
    %le3A_870 = vector.broadcast %le3A_869 : f32 to vector<64x128xf32>
    %le3A_871 = arith.cmpf ole, %add3A_868, %le3A_870 : vector<64x128xf32>
    %add3A_872 = arith.constant 0x4974BC00 : f32
    %add3A_873 = vector.broadcast %add3A_872 : f32 to vector<64x128xf32>
    %add3A_874 = arith.addf %add3A_873, %convert_element_type3A : vector<64x128xf32>
    %select_n3A_875 = arith.select %le3A_871, %add3A_868, %add3A_874 : vector<64x128xi1>, vector<64x128xf32>
    %swap3A_876 = arith.constant 0 : index
    %swap3A_877 = arith.constant 2432 : index
    %swap3A_878 = vector.load %arg5[%swap3A_876, %swap3A_877] : memref<64x8192xf32, #tpu.memory_space<vmem>>, vector<64x128xf32>
    tpu.vector_store %arg5[%swap3A_876, %swap3A_877], %select_n3A_875 {strides = array<i32>} : memref<64x8192xf32, #tpu.memory_space<vmem>>, vector<64x128xf32>,
    %lt3A_879 = arith.cmpf olt, %select_n3A_875, %select_n3A_839 : vector<64x128xf32>
    %jit3A_880 = arith.constant 19 : i32
    %broadcast_in_dim3A_881 = vector.broadcast %jit3A_880 : i32 to vector<64x128xi32>
    %select_n3A_882 = arith.select %lt3A_879, %broadcast_in_dim3A_881, %select_n3A_838 : vector<64x128xi1>, vector<64x128xi32>
    %select_n3A_883 = arith.select %lt3A_879, %select_n3A_875, %select_n3A_839 : vector<64x128xi1>, vector<64x128xf32>
    %get3A_884 = arith.constant 0 : index
    %get3A_885 = arith.constant 0 : index
    %get3A_886 = arith.constant 2560 : index
    %get3A_887 = vector.load %arg2[%get3A_884, %get3A_885, %get3A_886] : memref<1x3x8192xf32, #tpu.memory_space<vmem>>, vector<1x1x128xf32>
    %get3A_888 = vector.shape_cast %get3A_887 : vector<1x1x128xf32> to vector<1x128xf32>
    %get3A_889 = arith.constant 0 : index
    %get3A_890 = arith.constant 1 : index
    %get3A_891 = arith.constant 2560 : index
    %get3A_892 = vector.load %arg2[%get3A_889, %get3A_890, %get3A_891] : memref<1x3x8192xf32, #tpu.memory_space<vmem>>, vector<1x1x128xf32>
    %get3A_893 = vector.shape_cast %get3A_892 : vector<1x1x128xf32> to vector<1x128xf32>
    %get3A_894 = arith.constant 0 : index
    %get3A_895 = arith.constant 2 : index
    %get3A_896 = arith.constant 2560 : index
    %get3A_897 = vector.load %arg2[%get3A_894, %get3A_895, %get3A_896] : memref<1x3x8192xf32, #tpu.memory_space<vmem>>, vector<1x1x128xf32>
    %get3A_898 = vector.shape_cast %get3A_897 : vector<1x1x128xf32> to vector<1x128xf32>
    %sub3A_899 = vector.broadcast %get3A_1 : vector<64x1xf32> to vector<64x128xf32>
    %sub3A_900 = vector.broadcast %get3A_888 : vector<1x128xf32> to vector<64x128xf32>
    %sub3A_901 = arith.subf %sub3A_899, %sub3A_900 : vector<64x128xf32>
    %integer_pow3A_902 = arith.mulf %sub3A_901, %sub3A_901 : vector<64x128xf32>
    %sub3A_903 = vector.broadcast %get3A_4 : vector<64x1xf32> to vector<64x128xf32>
    %sub3A_904 = vector.broadcast %get3A_893 : vector<1x128xf32> to vector<64x128xf32>
    %sub3A_905 = arith.subf %sub3A_903, %sub3A_904 : vector<64x128xf32>
    %integer_pow3A_906 = arith.mulf %sub3A_905, %sub3A_905 : vector<64x128xf32>
    %add3A_907 = arith.addf %integer_pow3A_902, %integer_pow3A_906 : vector<64x128xf32>
    %sub3A_908 = vector.broadcast %get3A_7 : vector<64x1xf32> to vector<64x128xf32>
    %sub3A_909 = vector.broadcast %get3A_898 : vector<1x128xf32> to vector<64x128xf32>
    %sub3A_910 = arith.subf %sub3A_908, %sub3A_909 : vector<64x128xf32>
    %integer_pow3A_911 = arith.mulf %sub3A_910, %sub3A_910 : vector<64x128xf32>
    %add3A_912 = arith.addf %add3A_907, %integer_pow3A_911 : vector<64x128xf32>
    %le3A_913 = arith.constant 4.000000e-02 : f32
    %le3A_914 = vector.broadcast %le3A_913 : f32 to vector<64x128xf32>
    %le3A_915 = arith.cmpf ole, %add3A_912, %le3A_914 : vector<64x128xf32>
    %add3A_916 = arith.constant 1.002560e+06 : f32
    %add3A_917 = vector.broadcast %add3A_916 : f32 to vector<64x128xf32>
    %add3A_918 = arith.addf %add3A_917, %convert_element_type3A : vector<64x128xf32>
    %select_n3A_919 = arith.select %le3A_915, %add3A_912, %add3A_918 : vector<64x128xi1>, vector<64x128xf32>
    %swap3A_920 = arith.constant 0 : index
    %swap3A_921 = arith.constant 2560 : index
    %swap3A_922 = vector.load %arg5[%swap3A_920, %swap3A_921] : memref<64x8192xf32, #tpu.memory_space<vmem>>, vector<64x128xf32>
    tpu.vector_store %arg5[%swap3A_920, %swap3A_921], %select_n3A_919 {strides = array<i32>} : memref<64x8192xf32, #tpu.memory_space<vmem>>, vector<64x128xf32>,
    %lt3A_923 = arith.cmpf olt, %select_n3A_919, %select_n3A_883 : vector<64x128xf32>
    %jit3A_924 = arith.constant 20 : i32
    %broadcast_in_dim3A_925 = vector.broadcast %jit3A_924 : i32 to vector<64x128xi32>
    %select_n3A_926 = arith.select %lt3A_923, %broadcast_in_dim3A_925, %select_n3A_882 : vector<64x128xi1>, vector<64x128xi32>
    %select_n3A_927 = arith.select %lt3A_923, %select_n3A_919, %select_n3A_883 : vector<64x128xi1>, vector<64x128xf32>
    %get3A_928 = arith.constant 0 : index
    %get3A_929 = arith.constant 0 : index
    %get3A_930 = arith.constant 2688 : index
    %get3A_931 = vector.load %arg2[%get3A_928, %get3A_929, %get3A_930] : memref<1x3x8192xf32, #tpu.memory_space<vmem>>, vector<1x1x128xf32>
    %get3A_932 = vector.shape_cast %get3A_931 : vector<1x1x128xf32> to vector<1x128xf32>
    %get3A_933 = arith.constant 0 : index
    %get3A_934 = arith.constant 1 : index
    %get3A_935 = arith.constant 2688 : index
    %get3A_936 = vector.load %arg2[%get3A_933, %get3A_934, %get3A_935] : memref<1x3x8192xf32, #tpu.memory_space<vmem>>, vector<1x1x128xf32>
    %get3A_937 = vector.shape_cast %get3A_936 : vector<1x1x128xf32> to vector<1x128xf32>
    %get3A_938 = arith.constant 0 : index
    %get3A_939 = arith.constant 2 : index
    %get3A_940 = arith.constant 2688 : index
    %get3A_941 = vector.load %arg2[%get3A_938, %get3A_939, %get3A_940] : memref<1x3x8192xf32, #tpu.memory_space<vmem>>, vector<1x1x128xf32>
    %get3A_942 = vector.shape_cast %get3A_941 : vector<1x1x128xf32> to vector<1x128xf32>
    %sub3A_943 = vector.broadcast %get3A_1 : vector<64x1xf32> to vector<64x128xf32>
    %sub3A_944 = vector.broadcast %get3A_932 : vector<1x128xf32> to vector<64x128xf32>
    %sub3A_945 = arith.subf %sub3A_943, %sub3A_944 : vector<64x128xf32>
    %integer_pow3A_946 = arith.mulf %sub3A_945, %sub3A_945 : vector<64x128xf32>
    %sub3A_947 = vector.broadcast %get3A_4 : vector<64x1xf32> to vector<64x128xf32>
    %sub3A_948 = vector.broadcast %get3A_937 : vector<1x128xf32> to vector<64x128xf32>
    %sub3A_949 = arith.subf %sub3A_947, %sub3A_948 : vector<64x128xf32>
    %integer_pow3A_950 = arith.mulf %sub3A_949, %sub3A_949 : vector<64x128xf32>
    %add3A_951 = arith.addf %integer_pow3A_946, %integer_pow3A_950 : vector<64x128xf32>
    %sub3A_952 = vector.broadcast %get3A_7 : vector<64x1xf32> to vector<64x128xf32>
    %sub3A_953 = vector.broadcast %get3A_942 : vector<1x128xf32> to vector<64x128xf32>
    %sub3A_954 = arith.subf %sub3A_952, %sub3A_953 : vector<64x128xf32>
    %integer_pow3A_955 = arith.mulf %sub3A_954, %sub3A_954 : vector<64x128xf32>
    %add3A_956 = arith.addf %add3A_951, %integer_pow3A_955 : vector<64x128xf32>
    %le3A_957 = arith.constant 4.000000e-02 : f32
    %le3A_958 = vector.broadcast %le3A_957 : f32 to vector<64x128xf32>
    %le3A_959 = arith.cmpf ole, %add3A_956, %le3A_958 : vector<64x128xf32>
    %add3A_960 = arith.constant 0x4974CC00 : f32
    %add3A_961 = vector.broadcast %add3A_960 : f32 to vector<64x128xf32>
    %add3A_962 = arith.addf %add3A_961, %convert_element_type3A : vector<64x128xf32>
    %select_n3A_963 = arith.select %le3A_959, %add3A_956, %add3A_962 : vector<64x128xi1>, vector<64x128xf32>
    %swap3A_964 = arith.constant 0 : index
    %swap3A_965 = arith.constant 2688 : index
    %swap3A_966 = vector.load %arg5[%swap3A_964, %swap3A_965] : memref<64x8192xf32, #tpu.memory_space<vmem>>, vector<64x128xf32>
    tpu.vector_store %arg5[%swap3A_964, %swap3A_965], %select_n3A_963 {strides = array<i32>} : memref<64x8192xf32, #tpu.memory_space<vmem>>, vector<64x128xf32>,
    %lt3A_967 = arith.cmpf olt, %select_n3A_963, %select_n3A_927 : vector<64x128xf32>
    %jit3A_968 = arith.constant 21 : i32
    %broadcast_in_dim3A_969 = vector.broadcast %jit3A_968 : i32 to vector<64x128xi32>
    %select_n3A_970 = arith.select %lt3A_967, %broadcast_in_dim3A_969, %select_n3A_926 : vector<64x128xi1>, vector<64x128xi32>
    %select_n3A_971 = arith.select %lt3A_967, %select_n3A_963, %select_n3A_927 : vector<64x128xi1>, vector<64x128xf32>
    %get3A_972 = arith.constant 0 : index
    %get3A_973 = arith.constant 0 : index
    %get3A_974 = arith.constant 2816 : index
    %get3A_975 = vector.load %arg2[%get3A_972, %get3A_973, %get3A_974] : memref<1x3x8192xf32, #tpu.memory_space<vmem>>, vector<1x1x128xf32>
    %get3A_976 = vector.shape_cast %get3A_975 : vector<1x1x128xf32> to vector<1x128xf32>
    %get3A_977 = arith.constant 0 : index
    %get3A_978 = arith.constant 1 : index
    %get3A_979 = arith.constant 2816 : index
    %get3A_980 = vector.load %arg2[%get3A_977, %get3A_978, %get3A_979] : memref<1x3x8192xf32, #tpu.memory_space<vmem>>, vector<1x1x128xf32>
    %get3A_981 = vector.shape_cast %get3A_980 : vector<1x1x128xf32> to vector<1x128xf32>
    %get3A_982 = arith.constant 0 : index
    %get3A_983 = arith.constant 2 : index
    %get3A_984 = arith.constant 2816 : index
    %get3A_985 = vector.load %arg2[%get3A_982, %get3A_983, %get3A_984] : memref<1x3x8192xf32, #tpu.memory_space<vmem>>, vector<1x1x128xf32>
    %get3A_986 = vector.shape_cast %get3A_985 : vector<1x1x128xf32> to vector<1x128xf32>
    %sub3A_987 = vector.broadcast %get3A_1 : vector<64x1xf32> to vector<64x128xf32>
    %sub3A_988 = vector.broadcast %get3A_976 : vector<1x128xf32> to vector<64x128xf32>
    %sub3A_989 = arith.subf %sub3A_987, %sub3A_988 : vector<64x128xf32>
    %integer_pow3A_990 = arith.mulf %sub3A_989, %sub3A_989 : vector<64x128xf32>
    %sub3A_991 = vector.broadcast %get3A_4 : vector<64x1xf32> to vector<64x128xf32>
    %sub3A_992 = vector.broadcast %get3A_981 : vector<1x128xf32> to vector<64x128xf32>
    %sub3A_993 = arith.subf %sub3A_991, %sub3A_992 : vector<64x128xf32>
    %integer_pow3A_994 = arith.mulf %sub3A_993, %sub3A_993 : vector<64x128xf32>
    %add3A_995 = arith.addf %integer_pow3A_990, %integer_pow3A_994 : vector<64x128xf32>
    %sub3A_996 = vector.broadcast %get3A_7 : vector<64x1xf32> to vector<64x128xf32>
    %sub3A_997 = vector.broadcast %get3A_986 : vector<1x128xf32> to vector<64x128xf32>
    %sub3A_998 = arith.subf %sub3A_996, %sub3A_997 : vector<64x128xf32>
    %integer_pow3A_999 = arith.mulf %sub3A_998, %sub3A_998 : vector<64x128xf32>
    %add3A_1000 = arith.addf %add3A_995, %integer_pow3A_999 : vector<64x128xf32>
    %le3A_1001 = arith.constant 4.000000e-02 : f32
    %le3A_1002 = vector.broadcast %le3A_1001 : f32 to vector<64x128xf32>
    %le3A_1003 = arith.cmpf ole, %add3A_1000, %le3A_1002 : vector<64x128xf32>
    %add3A_1004 = arith.constant 0x4974D400 : f32
    %add3A_1005 = vector.broadcast %add3A_1004 : f32 to vector<64x128xf32>
    %add3A_1006 = arith.addf %add3A_1005, %convert_element_type3A : vector<64x128xf32>
    %select_n3A_1007 = arith.select %le3A_1003, %add3A_1000, %add3A_1006 : vector<64x128xi1>, vector<64x128xf32>
    %swap3A_1008 = arith.constant 0 : index
    %swap3A_1009 = arith.constant 2816 : index
    %swap3A_1010 = vector.load %arg5[%swap3A_1008, %swap3A_1009] : memref<64x8192xf32, #tpu.memory_space<vmem>>, vector<64x128xf32>
    tpu.vector_store %arg5[%swap3A_1008, %swap3A_1009], %select_n3A_1007 {strides = array<i32>} : memref<64x8192xf32, #tpu.memory_space<vmem>>, vector<64x128xf32>,
    %lt3A_1011 = arith.cmpf olt, %select_n3A_1007, %select_n3A_971 : vector<64x128xf32>
    %jit3A_1012 = arith.constant 22 : i32
    %broadcast_in_dim3A_1013 = vector.broadcast %jit3A_1012 : i32 to vector<64x128xi32>
    %select_n3A_1014 = arith.select %lt3A_1011, %broadcast_in_dim3A_1013, %select_n3A_970 : vector<64x128xi1>, vector<64x128xi32>
    %select_n3A_1015 = arith.select %lt3A_1011, %select_n3A_1007, %select_n3A_971 : vector<64x128xi1>, vector<64x128xf32>
    %get3A_1016 = arith.constant 0 : index
    %get3A_1017 = arith.constant 0 : index
    %get3A_1018 = arith.constant 2944 : index
    %get3A_1019 = vector.load %arg2[%get3A_1016, %get3A_1017, %get3A_1018] : memref<1x3x8192xf32, #tpu.memory_space<vmem>>, vector<1x1x128xf32>
    %get3A_1020 = vector.shape_cast %get3A_1019 : vector<1x1x128xf32> to vector<1x128xf32>
    %get3A_1021 = arith.constant 0 : index
    %get3A_1022 = arith.constant 1 : index
    %get3A_1023 = arith.constant 2944 : index
    %get3A_1024 = vector.load %arg2[%get3A_1021, %get3A_1022, %get3A_1023] : memref<1x3x8192xf32, #tpu.memory_space<vmem>>, vector<1x1x128xf32>
    %get3A_1025 = vector.shape_cast %get3A_1024 : vector<1x1x128xf32> to vector<1x128xf32>
    %get3A_1026 = arith.constant 0 : index
    %get3A_1027 = arith.constant 2 : index
    %get3A_1028 = arith.constant 2944 : index
    %get3A_1029 = vector.load %arg2[%get3A_1026, %get3A_1027, %get3A_1028] : memref<1x3x8192xf32, #tpu.memory_space<vmem>>, vector<1x1x128xf32>
    %get3A_1030 = vector.shape_cast %get3A_1029 : vector<1x1x128xf32> to vector<1x128xf32>
    %sub3A_1031 = vector.broadcast %get3A_1 : vector<64x1xf32> to vector<64x128xf32>
    %sub3A_1032 = vector.broadcast %get3A_1020 : vector<1x128xf32> to vector<64x128xf32>
    %sub3A_1033 = arith.subf %sub3A_1031, %sub3A_1032 : vector<64x128xf32>
    %integer_pow3A_1034 = arith.mulf %sub3A_1033, %sub3A_1033 : vector<64x128xf32>
    %sub3A_1035 = vector.broadcast %get3A_4 : vector<64x1xf32> to vector<64x128xf32>
    %sub3A_1036 = vector.broadcast %get3A_1025 : vector<1x128xf32> to vector<64x128xf32>
    %sub3A_1037 = arith.subf %sub3A_1035, %sub3A_1036 : vector<64x128xf32>
    %integer_pow3A_1038 = arith.mulf %sub3A_1037, %sub3A_1037 : vector<64x128xf32>
    %add3A_1039 = arith.addf %integer_pow3A_1034, %integer_pow3A_1038 : vector<64x128xf32>
    %sub3A_1040 = vector.broadcast %get3A_7 : vector<64x1xf32> to vector<64x128xf32>
    %sub3A_1041 = vector.broadcast %get3A_1030 : vector<1x128xf32> to vector<64x128xf32>
    %sub3A_1042 = arith.subf %sub3A_1040, %sub3A_1041 : vector<64x128xf32>
    %integer_pow3A_1043 = arith.mulf %sub3A_1042, %sub3A_1042 : vector<64x128xf32>
    %add3A_1044 = arith.addf %add3A_1039, %integer_pow3A_1043 : vector<64x128xf32>
    %le3A_1045 = arith.constant 4.000000e-02 : f32
    %le3A_1046 = vector.broadcast %le3A_1045 : f32 to vector<64x128xf32>
    %le3A_1047 = arith.cmpf ole, %add3A_1044, %le3A_1046 : vector<64x128xf32>
    %add3A_1048 = arith.constant 0x4974DC00 : f32
    %add3A_1049 = vector.broadcast %add3A_1048 : f32 to vector<64x128xf32>
    %add3A_1050 = arith.addf %add3A_1049, %convert_element_type3A : vector<64x128xf32>
    %select_n3A_1051 = arith.select %le3A_1047, %add3A_1044, %add3A_1050 : vector<64x128xi1>, vector<64x128xf32>
    %swap3A_1052 = arith.constant 0 : index
    %swap3A_1053 = arith.constant 2944 : index
    %swap3A_1054 = vector.load %arg5[%swap3A_1052, %swap3A_1053] : memref<64x8192xf32, #tpu.memory_space<vmem>>, vector<64x128xf32>
    tpu.vector_store %arg5[%swap3A_1052, %swap3A_1053], %select_n3A_1051 {strides = array<i32>} : memref<64x8192xf32, #tpu.memory_space<vmem>>, vector<64x128xf32>,
    %lt3A_1055 = arith.cmpf olt, %select_n3A_1051, %select_n3A_1015 : vector<64x128xf32>
    %jit3A_1056 = arith.constant 23 : i32
    %broadcast_in_dim3A_1057 = vector.broadcast %jit3A_1056 : i32 to vector<64x128xi32>
    %select_n3A_1058 = arith.select %lt3A_1055, %broadcast_in_dim3A_1057, %select_n3A_1014 : vector<64x128xi1>, vector<64x128xi32>
    %select_n3A_1059 = arith.select %lt3A_1055, %select_n3A_1051, %select_n3A_1015 : vector<64x128xi1>, vector<64x128xf32>
    %get3A_1060 = arith.constant 0 : index
    %get3A_1061 = arith.constant 0 : index
    %get3A_1062 = arith.constant 3072 : index
    %get3A_1063 = vector.load %arg2[%get3A_1060, %get3A_1061, %get3A_1062] : memref<1x3x8192xf32, #tpu.memory_space<vmem>>, vector<1x1x128xf32>
    %get3A_1064 = vector.shape_cast %get3A_1063 : vector<1x1x128xf32> to vector<1x128xf32>
    %get3A_1065 = arith.constant 0 : index
    %get3A_1066 = arith.constant 1 : index
    %get3A_1067 = arith.constant 3072 : index
    %get3A_1068 = vector.load %arg2[%get3A_1065, %get3A_1066, %get3A_1067] : memref<1x3x8192xf32, #tpu.memory_space<vmem>>, vector<1x1x128xf32>
    %get3A_1069 = vector.shape_cast %get3A_1068 : vector<1x1x128xf32> to vector<1x128xf32>
    %get3A_1070 = arith.constant 0 : index
    %get3A_1071 = arith.constant 2 : index
    %get3A_1072 = arith.constant 3072 : index
    %get3A_1073 = vector.load %arg2[%get3A_1070, %get3A_1071, %get3A_1072] : memref<1x3x8192xf32, #tpu.memory_space<vmem>>, vector<1x1x128xf32>
    %get3A_1074 = vector.shape_cast %get3A_1073 : vector<1x1x128xf32> to vector<1x128xf32>
    %sub3A_1075 = vector.broadcast %get3A_1 : vector<64x1xf32> to vector<64x128xf32>
    %sub3A_1076 = vector.broadcast %get3A_1064 : vector<1x128xf32> to vector<64x128xf32>
    %sub3A_1077 = arith.subf %sub3A_1075, %sub3A_1076 : vector<64x128xf32>
    %integer_pow3A_1078 = arith.mulf %sub3A_1077, %sub3A_1077 : vector<64x128xf32>
    %sub3A_1079 = vector.broadcast %get3A_4 : vector<64x1xf32> to vector<64x128xf32>
    %sub3A_1080 = vector.broadcast %get3A_1069 : vector<1x128xf32> to vector<64x128xf32>
    %sub3A_1081 = arith.subf %sub3A_1079, %sub3A_1080 : vector<64x128xf32>
    %integer_pow3A_1082 = arith.mulf %sub3A_1081, %sub3A_1081 : vector<64x128xf32>
    %add3A_1083 = arith.addf %integer_pow3A_1078, %integer_pow3A_1082 : vector<64x128xf32>
    %sub3A_1084 = vector.broadcast %get3A_7 : vector<64x1xf32> to vector<64x128xf32>
    %sub3A_1085 = vector.broadcast %get3A_1074 : vector<1x128xf32> to vector<64x128xf32>
    %sub3A_1086 = arith.subf %sub3A_1084, %sub3A_1085 : vector<64x128xf32>
    %integer_pow3A_1087 = arith.mulf %sub3A_1086, %sub3A_1086 : vector<64x128xf32>
    %add3A_1088 = arith.addf %add3A_1083, %integer_pow3A_1087 : vector<64x128xf32>
    %le3A_1089 = arith.constant 4.000000e-02 : f32
    %le3A_1090 = vector.broadcast %le3A_1089 : f32 to vector<64x128xf32>
    %le3A_1091 = arith.cmpf ole, %add3A_1088, %le3A_1090 : vector<64x128xf32>
    %add3A_1092 = arith.constant 0x4974E400 : f32
    %add3A_1093 = vector.broadcast %add3A_1092 : f32 to vector<64x128xf32>
    %add3A_1094 = arith.addf %add3A_1093, %convert_element_type3A : vector<64x128xf32>
    %select_n3A_1095 = arith.select %le3A_1091, %add3A_1088, %add3A_1094 : vector<64x128xi1>, vector<64x128xf32>
    %swap3A_1096 = arith.constant 0 : index
    %swap3A_1097 = arith.constant 3072 : index
    %swap3A_1098 = vector.load %arg5[%swap3A_1096, %swap3A_1097] : memref<64x8192xf32, #tpu.memory_space<vmem>>, vector<64x128xf32>
    tpu.vector_store %arg5[%swap3A_1096, %swap3A_1097], %select_n3A_1095 {strides = array<i32>} : memref<64x8192xf32, #tpu.memory_space<vmem>>, vector<64x128xf32>,
    %lt3A_1099 = arith.cmpf olt, %select_n3A_1095, %select_n3A_1059 : vector<64x128xf32>
    %jit3A_1100 = arith.constant 24 : i32
    %broadcast_in_dim3A_1101 = vector.broadcast %jit3A_1100 : i32 to vector<64x128xi32>
    %select_n3A_1102 = arith.select %lt3A_1099, %broadcast_in_dim3A_1101, %select_n3A_1058 : vector<64x128xi1>, vector<64x128xi32>
    %select_n3A_1103 = arith.select %lt3A_1099, %select_n3A_1095, %select_n3A_1059 : vector<64x128xi1>, vector<64x128xf32>
    %get3A_1104 = arith.constant 0 : index
    %get3A_1105 = arith.constant 0 : index
    %get3A_1106 = arith.constant 3200 : index
    %get3A_1107 = vector.load %arg2[%get3A_1104, %get3A_1105, %get3A_1106] : memref<1x3x8192xf32, #tpu.memory_space<vmem>>, vector<1x1x128xf32>
    %get3A_1108 = vector.shape_cast %get3A_1107 : vector<1x1x128xf32> to vector<1x128xf32>
    %get3A_1109 = arith.constant 0 : index
    %get3A_1110 = arith.constant 1 : index
    %get3A_1111 = arith.constant 3200 : index
    %get3A_1112 = vector.load %arg2[%get3A_1109, %get3A_1110, %get3A_1111] : memref<1x3x8192xf32, #tpu.memory_space<vmem>>, vector<1x1x128xf32>
    %get3A_1113 = vector.shape_cast %get3A_1112 : vector<1x1x128xf32> to vector<1x128xf32>
    %get3A_1114 = arith.constant 0 : index
    %get3A_1115 = arith.constant 2 : index
    %get3A_1116 = arith.constant 3200 : index
    %get3A_1117 = vector.load %arg2[%get3A_1114, %get3A_1115, %get3A_1116] : memref<1x3x8192xf32, #tpu.memory_space<vmem>>, vector<1x1x128xf32>
    %get3A_1118 = vector.shape_cast %get3A_1117 : vector<1x1x128xf32> to vector<1x128xf32>
    %sub3A_1119 = vector.broadcast %get3A_1 : vector<64x1xf32> to vector<64x128xf32>
    %sub3A_1120 = vector.broadcast %get3A_1108 : vector<1x128xf32> to vector<64x128xf32>
    %sub3A_1121 = arith.subf %sub3A_1119, %sub3A_1120 : vector<64x128xf32>
    %integer_pow3A_1122 = arith.mulf %sub3A_1121, %sub3A_1121 : vector<64x128xf32>
    %sub3A_1123 = vector.broadcast %get3A_4 : vector<64x1xf32> to vector<64x128xf32>
    %sub3A_1124 = vector.broadcast %get3A_1113 : vector<1x128xf32> to vector<64x128xf32>
    %sub3A_1125 = arith.subf %sub3A_1123, %sub3A_1124 : vector<64x128xf32>
    %integer_pow3A_1126 = arith.mulf %sub3A_1125, %sub3A_1125 : vector<64x128xf32>
    %add3A_1127 = arith.addf %integer_pow3A_1122, %integer_pow3A_1126 : vector<64x128xf32>
    %sub3A_1128 = vector.broadcast %get3A_7 : vector<64x1xf32> to vector<64x128xf32>
    %sub3A_1129 = vector.broadcast %get3A_1118 : vector<1x128xf32> to vector<64x128xf32>
    %sub3A_1130 = arith.subf %sub3A_1128, %sub3A_1129 : vector<64x128xf32>
    %integer_pow3A_1131 = arith.mulf %sub3A_1130, %sub3A_1130 : vector<64x128xf32>
    %add3A_1132 = arith.addf %add3A_1127, %integer_pow3A_1131 : vector<64x128xf32>
    %le3A_1133 = arith.constant 4.000000e-02 : f32
    %le3A_1134 = vector.broadcast %le3A_1133 : f32 to vector<64x128xf32>
    %le3A_1135 = arith.cmpf ole, %add3A_1132, %le3A_1134 : vector<64x128xf32>
    %add3A_1136 = arith.constant 1.003200e+06 : f32
    %add3A_1137 = vector.broadcast %add3A_1136 : f32 to vector<64x128xf32>
    %add3A_1138 = arith.addf %add3A_1137, %convert_element_type3A : vector<64x128xf32>
    %select_n3A_1139 = arith.select %le3A_1135, %add3A_1132, %add3A_1138 : vector<64x128xi1>, vector<64x128xf32>
    %swap3A_1140 = arith.constant 0 : index
    %swap3A_1141 = arith.constant 3200 : index
    %swap3A_1142 = vector.load %arg5[%swap3A_1140, %swap3A_1141] : memref<64x8192xf32, #tpu.memory_space<vmem>>, vector<64x128xf32>
    tpu.vector_store %arg5[%swap3A_1140, %swap3A_1141], %select_n3A_1139 {strides = array<i32>} : memref<64x8192xf32, #tpu.memory_space<vmem>>, vector<64x128xf32>,
    %lt3A_1143 = arith.cmpf olt, %select_n3A_1139, %select_n3A_1103 : vector<64x128xf32>
    %jit3A_1144 = arith.constant 25 : i32
    %broadcast_in_dim3A_1145 = vector.broadcast %jit3A_1144 : i32 to vector<64x128xi32>
    %select_n3A_1146 = arith.select %lt3A_1143, %broadcast_in_dim3A_1145, %select_n3A_1102 : vector<64x128xi1>, vector<64x128xi32>
    %select_n3A_1147 = arith.select %lt3A_1143, %select_n3A_1139, %select_n3A_1103 : vector<64x128xi1>, vector<64x128xf32>
    %get3A_1148 = arith.constant 0 : index
    %get3A_1149 = arith.constant 0 : index
    %get3A_1150 = arith.constant 3328 : index
    %get3A_1151 = vector.load %arg2[%get3A_1148, %get3A_1149, %get3A_1150] : memref<1x3x8192xf32, #tpu.memory_space<vmem>>, vector<1x1x128xf32>
    %get3A_1152 = vector.shape_cast %get3A_1151 : vector<1x1x128xf32> to vector<1x128xf32>
    %get3A_1153 = arith.constant 0 : index
    %get3A_1154 = arith.constant 1 : index
    %get3A_1155 = arith.constant 3328 : index
    %get3A_1156 = vector.load %arg2[%get3A_1153, %get3A_1154, %get3A_1155] : memref<1x3x8192xf32, #tpu.memory_space<vmem>>, vector<1x1x128xf32>
    %get3A_1157 = vector.shape_cast %get3A_1156 : vector<1x1x128xf32> to vector<1x128xf32>
    %get3A_1158 = arith.constant 0 : index
    %get3A_1159 = arith.constant 2 : index
    %get3A_1160 = arith.constant 3328 : index
    %get3A_1161 = vector.load %arg2[%get3A_1158, %get3A_1159, %get3A_1160] : memref<1x3x8192xf32, #tpu.memory_space<vmem>>, vector<1x1x128xf32>
    %get3A_1162 = vector.shape_cast %get3A_1161 : vector<1x1x128xf32> to vector<1x128xf32>
    %sub3A_1163 = vector.broadcast %get3A_1 : vector<64x1xf32> to vector<64x128xf32>
    %sub3A_1164 = vector.broadcast %get3A_1152 : vector<1x128xf32> to vector<64x128xf32>
    %sub3A_1165 = arith.subf %sub3A_1163, %sub3A_1164 : vector<64x128xf32>
    %integer_pow3A_1166 = arith.mulf %sub3A_1165, %sub3A_1165 : vector<64x128xf32>
    %sub3A_1167 = vector.broadcast %get3A_4 : vector<64x1xf32> to vector<64x128xf32>
    %sub3A_1168 = vector.broadcast %get3A_1157 : vector<1x128xf32> to vector<64x128xf32>
    %sub3A_1169 = arith.subf %sub3A_1167, %sub3A_1168 : vector<64x128xf32>
    %integer_pow3A_1170 = arith.mulf %sub3A_1169, %sub3A_1169 : vector<64x128xf32>
    %add3A_1171 = arith.addf %integer_pow3A_1166, %integer_pow3A_1170 : vector<64x128xf32>
    %sub3A_1172 = vector.broadcast %get3A_7 : vector<64x1xf32> to vector<64x128xf32>
    %sub3A_1173 = vector.broadcast %get3A_1162 : vector<1x128xf32> to vector<64x128xf32>
    %sub3A_1174 = arith.subf %sub3A_1172, %sub3A_1173 : vector<64x128xf32>
    %integer_pow3A_1175 = arith.mulf %sub3A_1174, %sub3A_1174 : vector<64x128xf32>
    %add3A_1176 = arith.addf %add3A_1171, %integer_pow3A_1175 : vector<64x128xf32>
    %le3A_1177 = arith.constant 4.000000e-02 : f32
    %le3A_1178 = vector.broadcast %le3A_1177 : f32 to vector<64x128xf32>
    %le3A_1179 = arith.cmpf ole, %add3A_1176, %le3A_1178 : vector<64x128xf32>
    %add3A_1180 = arith.constant 0x4974F400 : f32
    %add3A_1181 = vector.broadcast %add3A_1180 : f32 to vector<64x128xf32>
    %add3A_1182 = arith.addf %add3A_1181, %convert_element_type3A : vector<64x128xf32>
    %select_n3A_1183 = arith.select %le3A_1179, %add3A_1176, %add3A_1182 : vector<64x128xi1>, vector<64x128xf32>
    %swap3A_1184 = arith.constant 0 : index
    %swap3A_1185 = arith.constant 3328 : index
    %swap3A_1186 = vector.load %arg5[%swap3A_1184, %swap3A_1185] : memref<64x8192xf32, #tpu.memory_space<vmem>>, vector<64x128xf32>
    tpu.vector_store %arg5[%swap3A_1184, %swap3A_1185], %select_n3A_1183 {strides = array<i32>} : memref<64x8192xf32, #tpu.memory_space<vmem>>, vector<64x128xf32>,
    %lt3A_1187 = arith.cmpf olt, %select_n3A_1183, %select_n3A_1147 : vector<64x128xf32>
    %jit3A_1188 = arith.constant 26 : i32
    %broadcast_in_dim3A_1189 = vector.broadcast %jit3A_1188 : i32 to vector<64x128xi32>
    %select_n3A_1190 = arith.select %lt3A_1187, %broadcast_in_dim3A_1189, %select_n3A_1146 : vector<64x128xi1>, vector<64x128xi32>
    %select_n3A_1191 = arith.select %lt3A_1187, %select_n3A_1183, %select_n3A_1147 : vector<64x128xi1>, vector<64x128xf32>
    %get3A_1192 = arith.constant 0 : index
    %get3A_1193 = arith.constant 0 : index
    %get3A_1194 = arith.constant 3456 : index
    %get3A_1195 = vector.load %arg2[%get3A_1192, %get3A_1193, %get3A_1194] : memref<1x3x8192xf32, #tpu.memory_space<vmem>>, vector<1x1x128xf32>
    %get3A_1196 = vector.shape_cast %get3A_1195 : vector<1x1x128xf32> to vector<1x128xf32>
    %get3A_1197 = arith.constant 0 : index
    %get3A_1198 = arith.constant 1 : index
    %get3A_1199 = arith.constant 3456 : index
    %get3A_1200 = vector.load %arg2[%get3A_1197, %get3A_1198, %get3A_1199] : memref<1x3x8192xf32, #tpu.memory_space<vmem>>, vector<1x1x128xf32>
    %get3A_1201 = vector.shape_cast %get3A_1200 : vector<1x1x128xf32> to vector<1x128xf32>
    %get3A_1202 = arith.constant 0 : index
    %get3A_1203 = arith.constant 2 : index
    %get3A_1204 = arith.constant 3456 : index
    %get3A_1205 = vector.load %arg2[%get3A_1202, %get3A_1203, %get3A_1204] : memref<1x3x8192xf32, #tpu.memory_space<vmem>>, vector<1x1x128xf32>
    %get3A_1206 = vector.shape_cast %get3A_1205 : vector<1x1x128xf32> to vector<1x128xf32>
    %sub3A_1207 = vector.broadcast %get3A_1 : vector<64x1xf32> to vector<64x128xf32>
    %sub3A_1208 = vector.broadcast %get3A_1196 : vector<1x128xf32> to vector<64x128xf32>
    %sub3A_1209 = arith.subf %sub3A_1207, %sub3A_1208 : vector<64x128xf32>
    %integer_pow3A_1210 = arith.mulf %sub3A_1209, %sub3A_1209 : vector<64x128xf32>
    %sub3A_1211 = vector.broadcast %get3A_4 : vector<64x1xf32> to vector<64x128xf32>
    %sub3A_1212 = vector.broadcast %get3A_1201 : vector<1x128xf32> to vector<64x128xf32>
    %sub3A_1213 = arith.subf %sub3A_1211, %sub3A_1212 : vector<64x128xf32>
    %integer_pow3A_1214 = arith.mulf %sub3A_1213, %sub3A_1213 : vector<64x128xf32>
    %add3A_1215 = arith.addf %integer_pow3A_1210, %integer_pow3A_1214 : vector<64x128xf32>
    %sub3A_1216 = vector.broadcast %get3A_7 : vector<64x1xf32> to vector<64x128xf32>
    %sub3A_1217 = vector.broadcast %get3A_1206 : vector<1x128xf32> to vector<64x128xf32>
    %sub3A_1218 = arith.subf %sub3A_1216, %sub3A_1217 : vector<64x128xf32>
    %integer_pow3A_1219 = arith.mulf %sub3A_1218, %sub3A_1218 : vector<64x128xf32>
    %add3A_1220 = arith.addf %add3A_1215, %integer_pow3A_1219 : vector<64x128xf32>
    %le3A_1221 = arith.constant 4.000000e-02 : f32
    %le3A_1222 = vector.broadcast %le3A_1221 : f32 to vector<64x128xf32>
    %le3A_1223 = arith.cmpf ole, %add3A_1220, %le3A_1222 : vector<64x128xf32>
    %add3A_1224 = arith.constant 0x4974FC00 : f32
    %add3A_1225 = vector.broadcast %add3A_1224 : f32 to vector<64x128xf32>
    %add3A_1226 = arith.addf %add3A_1225, %convert_element_type3A : vector<64x128xf32>
    %select_n3A_1227 = arith.select %le3A_1223, %add3A_1220, %add3A_1226 : vector<64x128xi1>, vector<64x128xf32>
    %swap3A_1228 = arith.constant 0 : index
    %swap3A_1229 = arith.constant 3456 : index
    %swap3A_1230 = vector.load %arg5[%swap3A_1228, %swap3A_1229] : memref<64x8192xf32, #tpu.memory_space<vmem>>, vector<64x128xf32>
    tpu.vector_store %arg5[%swap3A_1228, %swap3A_1229], %select_n3A_1227 {strides = array<i32>} : memref<64x8192xf32, #tpu.memory_space<vmem>>, vector<64x128xf32>,
    %lt3A_1231 = arith.cmpf olt, %select_n3A_1227, %select_n3A_1191 : vector<64x128xf32>
    %jit3A_1232 = arith.constant 27 : i32
    %broadcast_in_dim3A_1233 = vector.broadcast %jit3A_1232 : i32 to vector<64x128xi32>
    %select_n3A_1234 = arith.select %lt3A_1231, %broadcast_in_dim3A_1233, %select_n3A_1190 : vector<64x128xi1>, vector<64x128xi32>
    %select_n3A_1235 = arith.select %lt3A_1231, %select_n3A_1227, %select_n3A_1191 : vector<64x128xi1>, vector<64x128xf32>
    %get3A_1236 = arith.constant 0 : index
    %get3A_1237 = arith.constant 0 : index
    %get3A_1238 = arith.constant 3584 : index
    %get3A_1239 = vector.load %arg2[%get3A_1236, %get3A_1237, %get3A_1238] : memref<1x3x8192xf32, #tpu.memory_space<vmem>>, vector<1x1x128xf32>
    %get3A_1240 = vector.shape_cast %get3A_1239 : vector<1x1x128xf32> to vector<1x128xf32>
    %get3A_1241 = arith.constant 0 : index
    %get3A_1242 = arith.constant 1 : index
    %get3A_1243 = arith.constant 3584 : index
    %get3A_1244 = vector.load %arg2[%get3A_1241, %get3A_1242, %get3A_1243] : memref<1x3x8192xf32, #tpu.memory_space<vmem>>, vector<1x1x128xf32>
    %get3A_1245 = vector.shape_cast %get3A_1244 : vector<1x1x128xf32> to vector<1x128xf32>
    %get3A_1246 = arith.constant 0 : index
    %get3A_1247 = arith.constant 2 : index
    %get3A_1248 = arith.constant 3584 : index
    %get3A_1249 = vector.load %arg2[%get3A_1246, %get3A_1247, %get3A_1248] : memref<1x3x8192xf32, #tpu.memory_space<vmem>>, vector<1x1x128xf32>
    %get3A_1250 = vector.shape_cast %get3A_1249 : vector<1x1x128xf32> to vector<1x128xf32>
    %sub3A_1251 = vector.broadcast %get3A_1 : vector<64x1xf32> to vector<64x128xf32>
    %sub3A_1252 = vector.broadcast %get3A_1240 : vector<1x128xf32> to vector<64x128xf32>
    %sub3A_1253 = arith.subf %sub3A_1251, %sub3A_1252 : vector<64x128xf32>
    %integer_pow3A_1254 = arith.mulf %sub3A_1253, %sub3A_1253 : vector<64x128xf32>
    %sub3A_1255 = vector.broadcast %get3A_4 : vector<64x1xf32> to vector<64x128xf32>
    %sub3A_1256 = vector.broadcast %get3A_1245 : vector<1x128xf32> to vector<64x128xf32>
    %sub3A_1257 = arith.subf %sub3A_1255, %sub3A_1256 : vector<64x128xf32>
    %integer_pow3A_1258 = arith.mulf %sub3A_1257, %sub3A_1257 : vector<64x128xf32>
    %add3A_1259 = arith.addf %integer_pow3A_1254, %integer_pow3A_1258 : vector<64x128xf32>
    %sub3A_1260 = vector.broadcast %get3A_7 : vector<64x1xf32> to vector<64x128xf32>
    %sub3A_1261 = vector.broadcast %get3A_1250 : vector<1x128xf32> to vector<64x128xf32>
    %sub3A_1262 = arith.subf %sub3A_1260, %sub3A_1261 : vector<64x128xf32>
    %integer_pow3A_1263 = arith.mulf %sub3A_1262, %sub3A_1262 : vector<64x128xf32>
    %add3A_1264 = arith.addf %add3A_1259, %integer_pow3A_1263 : vector<64x128xf32>
    %le3A_1265 = arith.constant 4.000000e-02 : f32
    %le3A_1266 = vector.broadcast %le3A_1265 : f32 to vector<64x128xf32>
    %le3A_1267 = arith.cmpf ole, %add3A_1264, %le3A_1266 : vector<64x128xf32>
    %add3A_1268 = arith.constant 0x49750400 : f32
    %add3A_1269 = vector.broadcast %add3A_1268 : f32 to vector<64x128xf32>
    %add3A_1270 = arith.addf %add3A_1269, %convert_element_type3A : vector<64x128xf32>
    %select_n3A_1271 = arith.select %le3A_1267, %add3A_1264, %add3A_1270 : vector<64x128xi1>, vector<64x128xf32>
    %swap3A_1272 = arith.constant 0 : index
    %swap3A_1273 = arith.constant 3584 : index
    %swap3A_1274 = vector.load %arg5[%swap3A_1272, %swap3A_1273] : memref<64x8192xf32, #tpu.memory_space<vmem>>, vector<64x128xf32>
    tpu.vector_store %arg5[%swap3A_1272, %swap3A_1273], %select_n3A_1271 {strides = array<i32>} : memref<64x8192xf32, #tpu.memory_space<vmem>>, vector<64x128xf32>,
    %lt3A_1275 = arith.cmpf olt, %select_n3A_1271, %select_n3A_1235 : vector<64x128xf32>
    %jit3A_1276 = arith.constant 28 : i32
    %broadcast_in_dim3A_1277 = vector.broadcast %jit3A_1276 : i32 to vector<64x128xi32>
    %select_n3A_1278 = arith.select %lt3A_1275, %broadcast_in_dim3A_1277, %select_n3A_1234 : vector<64x128xi1>, vector<64x128xi32>
    %select_n3A_1279 = arith.select %lt3A_1275, %select_n3A_1271, %select_n3A_1235 : vector<64x128xi1>, vector<64x128xf32>
    %get3A_1280 = arith.constant 0 : index
    %get3A_1281 = arith.constant 0 : index
    %get3A_1282 = arith.constant 3712 : index
    %get3A_1283 = vector.load %arg2[%get3A_1280, %get3A_1281, %get3A_1282] : memref<1x3x8192xf32, #tpu.memory_space<vmem>>, vector<1x1x128xf32>
    %get3A_1284 = vector.shape_cast %get3A_1283 : vector<1x1x128xf32> to vector<1x128xf32>
    %get3A_1285 = arith.constant 0 : index
    %get3A_1286 = arith.constant 1 : index
    %get3A_1287 = arith.constant 3712 : index
    %get3A_1288 = vector.load %arg2[%get3A_1285, %get3A_1286, %get3A_1287] : memref<1x3x8192xf32, #tpu.memory_space<vmem>>, vector<1x1x128xf32>
    %get3A_1289 = vector.shape_cast %get3A_1288 : vector<1x1x128xf32> to vector<1x128xf32>
    %get3A_1290 = arith.constant 0 : index
    %get3A_1291 = arith.constant 2 : index
    %get3A_1292 = arith.constant 3712 : index
    %get3A_1293 = vector.load %arg2[%get3A_1290, %get3A_1291, %get3A_1292] : memref<1x3x8192xf32, #tpu.memory_space<vmem>>, vector<1x1x128xf32>
    %get3A_1294 = vector.shape_cast %get3A_1293 : vector<1x1x128xf32> to vector<1x128xf32>
    %sub3A_1295 = vector.broadcast %get3A_1 : vector<64x1xf32> to vector<64x128xf32>
    %sub3A_1296 = vector.broadcast %get3A_1284 : vector<1x128xf32> to vector<64x128xf32>
    %sub3A_1297 = arith.subf %sub3A_1295, %sub3A_1296 : vector<64x128xf32>
    %integer_pow3A_1298 = arith.mulf %sub3A_1297, %sub3A_1297 : vector<64x128xf32>
    %sub3A_1299 = vector.broadcast %get3A_4 : vector<64x1xf32> to vector<64x128xf32>
    %sub3A_1300 = vector.broadcast %get3A_1289 : vector<1x128xf32> to vector<64x128xf32>
    %sub3A_1301 = arith.subf %sub3A_1299, %sub3A_1300 : vector<64x128xf32>
    %integer_pow3A_1302 = arith.mulf %sub3A_1301, %sub3A_1301 : vector<64x128xf32>
    %add3A_1303 = arith.addf %integer_pow3A_1298, %integer_pow3A_1302 : vector<64x128xf32>
    %sub3A_1304 = vector.broadcast %get3A_7 : vector<64x1xf32> to vector<64x128xf32>
    %sub3A_1305 = vector.broadcast %get3A_1294 : vector<1x128xf32> to vector<64x128xf32>
    %sub3A_1306 = arith.subf %sub3A_1304, %sub3A_1305 : vector<64x128xf32>
    %integer_pow3A_1307 = arith.mulf %sub3A_1306, %sub3A_1306 : vector<64x128xf32>
    %add3A_1308 = arith.addf %add3A_1303, %integer_pow3A_1307 : vector<64x128xf32>
    %le3A_1309 = arith.constant 4.000000e-02 : f32
    %le3A_1310 = vector.broadcast %le3A_1309 : f32 to vector<64x128xf32>
    %le3A_1311 = arith.cmpf ole, %add3A_1308, %le3A_1310 : vector<64x128xf32>
    %add3A_1312 = arith.constant 0x49750C00 : f32
    %add3A_1313 = vector.broadcast %add3A_1312 : f32 to vector<64x128xf32>
    %add3A_1314 = arith.addf %add3A_1313, %convert_element_type3A : vector<64x128xf32>
    %select_n3A_1315 = arith.select %le3A_1311, %add3A_1308, %add3A_1314 : vector<64x128xi1>, vector<64x128xf32>
    %swap3A_1316 = arith.constant 0 : index
    %swap3A_1317 = arith.constant 3712 : index
    %swap3A_1318 = vector.load %arg5[%swap3A_1316, %swap3A_1317] : memref<64x8192xf32, #tpu.memory_space<vmem>>, vector<64x128xf32>
    tpu.vector_store %arg5[%swap3A_1316, %swap3A_1317], %select_n3A_1315 {strides = array<i32>} : memref<64x8192xf32, #tpu.memory_space<vmem>>, vector<64x128xf32>,
    %lt3A_1319 = arith.cmpf olt, %select_n3A_1315, %select_n3A_1279 : vector<64x128xf32>
    %jit3A_1320 = arith.constant 29 : i32
    %broadcast_in_dim3A_1321 = vector.broadcast %jit3A_1320 : i32 to vector<64x128xi32>
    %select_n3A_1322 = arith.select %lt3A_1319, %broadcast_in_dim3A_1321, %select_n3A_1278 : vector<64x128xi1>, vector<64x128xi32>
    %select_n3A_1323 = arith.select %lt3A_1319, %select_n3A_1315, %select_n3A_1279 : vector<64x128xi1>, vector<64x128xf32>
    %get3A_1324 = arith.constant 0 : index
    %get3A_1325 = arith.constant 0 : index
    %get3A_1326 = arith.constant 3840 : index
    %get3A_1327 = vector.load %arg2[%get3A_1324, %get3A_1325, %get3A_1326] : memref<1x3x8192xf32, #tpu.memory_space<vmem>>, vector<1x1x128xf32>
    %get3A_1328 = vector.shape_cast %get3A_1327 : vector<1x1x128xf32> to vector<1x128xf32>
    %get3A_1329 = arith.constant 0 : index
    %get3A_1330 = arith.constant 1 : index
    %get3A_1331 = arith.constant 3840 : index
    %get3A_1332 = vector.load %arg2[%get3A_1329, %get3A_1330, %get3A_1331] : memref<1x3x8192xf32, #tpu.memory_space<vmem>>, vector<1x1x128xf32>
    %get3A_1333 = vector.shape_cast %get3A_1332 : vector<1x1x128xf32> to vector<1x128xf32>
    %get3A_1334 = arith.constant 0 : index
    %get3A_1335 = arith.constant 2 : index
    %get3A_1336 = arith.constant 3840 : index
    %get3A_1337 = vector.load %arg2[%get3A_1334, %get3A_1335, %get3A_1336] : memref<1x3x8192xf32, #tpu.memory_space<vmem>>, vector<1x1x128xf32>
    %get3A_1338 = vector.shape_cast %get3A_1337 : vector<1x1x128xf32> to vector<1x128xf32>
    %sub3A_1339 = vector.broadcast %get3A_1 : vector<64x1xf32> to vector<64x128xf32>
    %sub3A_1340 = vector.broadcast %get3A_1328 : vector<1x128xf32> to vector<64x128xf32>
    %sub3A_1341 = arith.subf %sub3A_1339, %sub3A_1340 : vector<64x128xf32>
    %integer_pow3A_1342 = arith.mulf %sub3A_1341, %sub3A_1341 : vector<64x128xf32>
    %sub3A_1343 = vector.broadcast %get3A_4 : vector<64x1xf32> to vector<64x128xf32>
    %sub3A_1344 = vector.broadcast %get3A_1333 : vector<1x128xf32> to vector<64x128xf32>
    %sub3A_1345 = arith.subf %sub3A_1343, %sub3A_1344 : vector<64x128xf32>
    %integer_pow3A_1346 = arith.mulf %sub3A_1345, %sub3A_1345 : vector<64x128xf32>
    %add3A_1347 = arith.addf %integer_pow3A_1342, %integer_pow3A_1346 : vector<64x128xf32>
    %sub3A_1348 = vector.broadcast %get3A_7 : vector<64x1xf32> to vector<64x128xf32>
    %sub3A_1349 = vector.broadcast %get3A_1338 : vector<1x128xf32> to vector<64x128xf32>
    %sub3A_1350 = arith.subf %sub3A_1348, %sub3A_1349 : vector<64x128xf32>
    %integer_pow3A_1351 = arith.mulf %sub3A_1350, %sub3A_1350 : vector<64x128xf32>
    %add3A_1352 = arith.addf %add3A_1347, %integer_pow3A_1351 : vector<64x128xf32>
    %le3A_1353 = arith.constant 4.000000e-02 : f32
    %le3A_1354 = vector.broadcast %le3A_1353 : f32 to vector<64x128xf32>
    %le3A_1355 = arith.cmpf ole, %add3A_1352, %le3A_1354 : vector<64x128xf32>
    %add3A_1356 = arith.constant 1.003840e+06 : f32
    %add3A_1357 = vector.broadcast %add3A_1356 : f32 to vector<64x128xf32>
    %add3A_1358 = arith.addf %add3A_1357, %convert_element_type3A : vector<64x128xf32>
    %select_n3A_1359 = arith.select %le3A_1355, %add3A_1352, %add3A_1358 : vector<64x128xi1>, vector<64x128xf32>
    %swap3A_1360 = arith.constant 0 : index
    %swap3A_1361 = arith.constant 3840 : index
    %swap3A_1362 = vector.load %arg5[%swap3A_1360, %swap3A_1361] : memref<64x8192xf32, #tpu.memory_space<vmem>>, vector<64x128xf32>
    tpu.vector_store %arg5[%swap3A_1360, %swap3A_1361], %select_n3A_1359 {strides = array<i32>} : memref<64x8192xf32, #tpu.memory_space<vmem>>, vector<64x128xf32>,
    %lt3A_1363 = arith.cmpf olt, %select_n3A_1359, %select_n3A_1323 : vector<64x128xf32>
    %jit3A_1364 = arith.constant 30 : i32
    %broadcast_in_dim3A_1365 = vector.broadcast %jit3A_1364 : i32 to vector<64x128xi32>
    %select_n3A_1366 = arith.select %lt3A_1363, %broadcast_in_dim3A_1365, %select_n3A_1322 : vector<64x128xi1>, vector<64x128xi32>
    %select_n3A_1367 = arith.select %lt3A_1363, %select_n3A_1359, %select_n3A_1323 : vector<64x128xi1>, vector<64x128xf32>
    %get3A_1368 = arith.constant 0 : index
    %get3A_1369 = arith.constant 0 : index
    %get3A_1370 = arith.constant 3968 : index
    %get3A_1371 = vector.load %arg2[%get3A_1368, %get3A_1369, %get3A_1370] : memref<1x3x8192xf32, #tpu.memory_space<vmem>>, vector<1x1x128xf32>
    %get3A_1372 = vector.shape_cast %get3A_1371 : vector<1x1x128xf32> to vector<1x128xf32>
    %get3A_1373 = arith.constant 0 : index
    %get3A_1374 = arith.constant 1 : index
    %get3A_1375 = arith.constant 3968 : index
    %get3A_1376 = vector.load %arg2[%get3A_1373, %get3A_1374, %get3A_1375] : memref<1x3x8192xf32, #tpu.memory_space<vmem>>, vector<1x1x128xf32>
    %get3A_1377 = vector.shape_cast %get3A_1376 : vector<1x1x128xf32> to vector<1x128xf32>
    %get3A_1378 = arith.constant 0 : index
    %get3A_1379 = arith.constant 2 : index
    %get3A_1380 = arith.constant 3968 : index
    %get3A_1381 = vector.load %arg2[%get3A_1378, %get3A_1379, %get3A_1380] : memref<1x3x8192xf32, #tpu.memory_space<vmem>>, vector<1x1x128xf32>
    %get3A_1382 = vector.shape_cast %get3A_1381 : vector<1x1x128xf32> to vector<1x128xf32>
    %sub3A_1383 = vector.broadcast %get3A_1 : vector<64x1xf32> to vector<64x128xf32>
    %sub3A_1384 = vector.broadcast %get3A_1372 : vector<1x128xf32> to vector<64x128xf32>
    %sub3A_1385 = arith.subf %sub3A_1383, %sub3A_1384 : vector<64x128xf32>
    %integer_pow3A_1386 = arith.mulf %sub3A_1385, %sub3A_1385 : vector<64x128xf32>
    %sub3A_1387 = vector.broadcast %get3A_4 : vector<64x1xf32> to vector<64x128xf32>
    %sub3A_1388 = vector.broadcast %get3A_1377 : vector<1x128xf32> to vector<64x128xf32>
    %sub3A_1389 = arith.subf %sub3A_1387, %sub3A_1388 : vector<64x128xf32>
    %integer_pow3A_1390 = arith.mulf %sub3A_1389, %sub3A_1389 : vector<64x128xf32>
    %add3A_1391 = arith.addf %integer_pow3A_1386, %integer_pow3A_1390 : vector<64x128xf32>
    %sub3A_1392 = vector.broadcast %get3A_7 : vector<64x1xf32> to vector<64x128xf32>
    %sub3A_1393 = vector.broadcast %get3A_1382 : vector<1x128xf32> to vector<64x128xf32>
    %sub3A_1394 = arith.subf %sub3A_1392, %sub3A_1393 : vector<64x128xf32>
    %integer_pow3A_1395 = arith.mulf %sub3A_1394, %sub3A_1394 : vector<64x128xf32>
    %add3A_1396 = arith.addf %add3A_1391, %integer_pow3A_1395 : vector<64x128xf32>
    %le3A_1397 = arith.constant 4.000000e-02 : f32
    %le3A_1398 = vector.broadcast %le3A_1397 : f32 to vector<64x128xf32>
    %le3A_1399 = arith.cmpf ole, %add3A_1396, %le3A_1398 : vector<64x128xf32>
    %add3A_1400 = arith.constant 0x49751C00 : f32
    %add3A_1401 = vector.broadcast %add3A_1400 : f32 to vector<64x128xf32>
    %add3A_1402 = arith.addf %add3A_1401, %convert_element_type3A : vector<64x128xf32>
    %select_n3A_1403 = arith.select %le3A_1399, %add3A_1396, %add3A_1402 : vector<64x128xi1>, vector<64x128xf32>
    %swap3A_1404 = arith.constant 0 : index
    %swap3A_1405 = arith.constant 3968 : index
    %swap3A_1406 = vector.load %arg5[%swap3A_1404, %swap3A_1405] : memref<64x8192xf32, #tpu.memory_space<vmem>>, vector<64x128xf32>
    tpu.vector_store %arg5[%swap3A_1404, %swap3A_1405], %select_n3A_1403 {strides = array<i32>} : memref<64x8192xf32, #tpu.memory_space<vmem>>, vector<64x128xf32>,
    %lt3A_1407 = arith.cmpf olt, %select_n3A_1403, %select_n3A_1367 : vector<64x128xf32>
    %jit3A_1408 = arith.constant 31 : i32
    %broadcast_in_dim3A_1409 = vector.broadcast %jit3A_1408 : i32 to vector<64x128xi32>
    %select_n3A_1410 = arith.select %lt3A_1407, %broadcast_in_dim3A_1409, %select_n3A_1366 : vector<64x128xi1>, vector<64x128xi32>
    %select_n3A_1411 = arith.select %lt3A_1407, %select_n3A_1403, %select_n3A_1367 : vector<64x128xi1>, vector<64x128xf32>
    %get3A_1412 = arith.constant 0 : index
    %get3A_1413 = arith.constant 0 : index
    %get3A_1414 = arith.constant 4096 : index
    %get3A_1415 = vector.load %arg2[%get3A_1412, %get3A_1413, %get3A_1414] : memref<1x3x8192xf32, #tpu.memory_space<vmem>>, vector<1x1x128xf32>
    %get3A_1416 = vector.shape_cast %get3A_1415 : vector<1x1x128xf32> to vector<1x128xf32>
    %get3A_1417 = arith.constant 0 : index
    %get3A_1418 = arith.constant 1 : index
    %get3A_1419 = arith.constant 4096 : index
    %get3A_1420 = vector.load %arg2[%get3A_1417, %get3A_1418, %get3A_1419] : memref<1x3x8192xf32, #tpu.memory_space<vmem>>, vector<1x1x128xf32>
    %get3A_1421 = vector.shape_cast %get3A_1420 : vector<1x1x128xf32> to vector<1x128xf32>
    %get3A_1422 = arith.constant 0 : index
    %get3A_1423 = arith.constant 2 : index
    %get3A_1424 = arith.constant 4096 : index
    %get3A_1425 = vector.load %arg2[%get3A_1422, %get3A_1423, %get3A_1424] : memref<1x3x8192xf32, #tpu.memory_space<vmem>>, vector<1x1x128xf32>
    %get3A_1426 = vector.shape_cast %get3A_1425 : vector<1x1x128xf32> to vector<1x128xf32>
    %sub3A_1427 = vector.broadcast %get3A_1 : vector<64x1xf32> to vector<64x128xf32>
    %sub3A_1428 = vector.broadcast %get3A_1416 : vector<1x128xf32> to vector<64x128xf32>
    %sub3A_1429 = arith.subf %sub3A_1427, %sub3A_1428 : vector<64x128xf32>
    %integer_pow3A_1430 = arith.mulf %sub3A_1429, %sub3A_1429 : vector<64x128xf32>
    %sub3A_1431 = vector.broadcast %get3A_4 : vector<64x1xf32> to vector<64x128xf32>
    %sub3A_1432 = vector.broadcast %get3A_1421 : vector<1x128xf32> to vector<64x128xf32>
    %sub3A_1433 = arith.subf %sub3A_1431, %sub3A_1432 : vector<64x128xf32>
    %integer_pow3A_1434 = arith.mulf %sub3A_1433, %sub3A_1433 : vector<64x128xf32>
    %add3A_1435 = arith.addf %integer_pow3A_1430, %integer_pow3A_1434 : vector<64x128xf32>
    %sub3A_1436 = vector.broadcast %get3A_7 : vector<64x1xf32> to vector<64x128xf32>
    %sub3A_1437 = vector.broadcast %get3A_1426 : vector<1x128xf32> to vector<64x128xf32>
    %sub3A_1438 = arith.subf %sub3A_1436, %sub3A_1437 : vector<64x128xf32>
    %integer_pow3A_1439 = arith.mulf %sub3A_1438, %sub3A_1438 : vector<64x128xf32>
    %add3A_1440 = arith.addf %add3A_1435, %integer_pow3A_1439 : vector<64x128xf32>
    %le3A_1441 = arith.constant 4.000000e-02 : f32
    %le3A_1442 = vector.broadcast %le3A_1441 : f32 to vector<64x128xf32>
    %le3A_1443 = arith.cmpf ole, %add3A_1440, %le3A_1442 : vector<64x128xf32>
    %add3A_1444 = arith.constant 0x49752400 : f32
    %add3A_1445 = vector.broadcast %add3A_1444 : f32 to vector<64x128xf32>
    %add3A_1446 = arith.addf %add3A_1445, %convert_element_type3A : vector<64x128xf32>
    %select_n3A_1447 = arith.select %le3A_1443, %add3A_1440, %add3A_1446 : vector<64x128xi1>, vector<64x128xf32>
    %swap3A_1448 = arith.constant 0 : index
    %swap3A_1449 = arith.constant 4096 : index
    %swap3A_1450 = vector.load %arg5[%swap3A_1448, %swap3A_1449] : memref<64x8192xf32, #tpu.memory_space<vmem>>, vector<64x128xf32>
    tpu.vector_store %arg5[%swap3A_1448, %swap3A_1449], %select_n3A_1447 {strides = array<i32>} : memref<64x8192xf32, #tpu.memory_space<vmem>>, vector<64x128xf32>,
    %lt3A_1451 = arith.cmpf olt, %select_n3A_1447, %select_n3A_1411 : vector<64x128xf32>
    %jit3A_1452 = arith.constant 32 : i32
    %broadcast_in_dim3A_1453 = vector.broadcast %jit3A_1452 : i32 to vector<64x128xi32>
    %select_n3A_1454 = arith.select %lt3A_1451, %broadcast_in_dim3A_1453, %select_n3A_1410 : vector<64x128xi1>, vector<64x128xi32>
    %select_n3A_1455 = arith.select %lt3A_1451, %select_n3A_1447, %select_n3A_1411 : vector<64x128xi1>, vector<64x128xf32>
    %get3A_1456 = arith.constant 0 : index
    %get3A_1457 = arith.constant 0 : index
    %get3A_1458 = arith.constant 4224 : index
    %get3A_1459 = vector.load %arg2[%get3A_1456, %get3A_1457, %get3A_1458] : memref<1x3x8192xf32, #tpu.memory_space<vmem>>, vector<1x1x128xf32>
    %get3A_1460 = vector.shape_cast %get3A_1459 : vector<1x1x128xf32> to vector<1x128xf32>
    %get3A_1461 = arith.constant 0 : index
    %get3A_1462 = arith.constant 1 : index
    %get3A_1463 = arith.constant 4224 : index
    %get3A_1464 = vector.load %arg2[%get3A_1461, %get3A_1462, %get3A_1463] : memref<1x3x8192xf32, #tpu.memory_space<vmem>>, vector<1x1x128xf32>
    %get3A_1465 = vector.shape_cast %get3A_1464 : vector<1x1x128xf32> to vector<1x128xf32>
    %get3A_1466 = arith.constant 0 : index
    %get3A_1467 = arith.constant 2 : index
    %get3A_1468 = arith.constant 4224 : index
    %get3A_1469 = vector.load %arg2[%get3A_1466, %get3A_1467, %get3A_1468] : memref<1x3x8192xf32, #tpu.memory_space<vmem>>, vector<1x1x128xf32>
    %get3A_1470 = vector.shape_cast %get3A_1469 : vector<1x1x128xf32> to vector<1x128xf32>
    %sub3A_1471 = vector.broadcast %get3A_1 : vector<64x1xf32> to vector<64x128xf32>
    %sub3A_1472 = vector.broadcast %get3A_1460 : vector<1x128xf32> to vector<64x128xf32>
    %sub3A_1473 = arith.subf %sub3A_1471, %sub3A_1472 : vector<64x128xf32>
    %integer_pow3A_1474 = arith.mulf %sub3A_1473, %sub3A_1473 : vector<64x128xf32>
    %sub3A_1475 = vector.broadcast %get3A_4 : vector<64x1xf32> to vector<64x128xf32>
    %sub3A_1476 = vector.broadcast %get3A_1465 : vector<1x128xf32> to vector<64x128xf32>
    %sub3A_1477 = arith.subf %sub3A_1475, %sub3A_1476 : vector<64x128xf32>
    %integer_pow3A_1478 = arith.mulf %sub3A_1477, %sub3A_1477 : vector<64x128xf32>
    %add3A_1479 = arith.addf %integer_pow3A_1474, %integer_pow3A_1478 : vector<64x128xf32>
    %sub3A_1480 = vector.broadcast %get3A_7 : vector<64x1xf32> to vector<64x128xf32>
    %sub3A_1481 = vector.broadcast %get3A_1470 : vector<1x128xf32> to vector<64x128xf32>
    %sub3A_1482 = arith.subf %sub3A_1480, %sub3A_1481 : vector<64x128xf32>
    %integer_pow3A_1483 = arith.mulf %sub3A_1482, %sub3A_1482 : vector<64x128xf32>
    %add3A_1484 = arith.addf %add3A_1479, %integer_pow3A_1483 : vector<64x128xf32>
    %le3A_1485 = arith.constant 4.000000e-02 : f32
    %le3A_1486 = vector.broadcast %le3A_1485 : f32 to vector<64x128xf32>
    %le3A_1487 = arith.cmpf ole, %add3A_1484, %le3A_1486 : vector<64x128xf32>
    %add3A_1488 = arith.constant 0x49752C00 : f32
    %add3A_1489 = vector.broadcast %add3A_1488 : f32 to vector<64x128xf32>
    %add3A_1490 = arith.addf %add3A_1489, %convert_element_type3A : vector<64x128xf32>
    %select_n3A_1491 = arith.select %le3A_1487, %add3A_1484, %add3A_1490 : vector<64x128xi1>, vector<64x128xf32>
    %swap3A_1492 = arith.constant 0 : index
    %swap3A_1493 = arith.constant 4224 : index
    %swap3A_1494 = vector.load %arg5[%swap3A_1492, %swap3A_1493] : memref<64x8192xf32, #tpu.memory_space<vmem>>, vector<64x128xf32>
    tpu.vector_store %arg5[%swap3A_1492, %swap3A_1493], %select_n3A_1491 {strides = array<i32>} : memref<64x8192xf32, #tpu.memory_space<vmem>>, vector<64x128xf32>,
    %lt3A_1495 = arith.cmpf olt, %select_n3A_1491, %select_n3A_1455 : vector<64x128xf32>
    %jit3A_1496 = arith.constant 33 : i32
    %broadcast_in_dim3A_1497 = vector.broadcast %jit3A_1496 : i32 to vector<64x128xi32>
    %select_n3A_1498 = arith.select %lt3A_1495, %broadcast_in_dim3A_1497, %select_n3A_1454 : vector<64x128xi1>, vector<64x128xi32>
    %select_n3A_1499 = arith.select %lt3A_1495, %select_n3A_1491, %select_n3A_1455 : vector<64x128xi1>, vector<64x128xf32>
    %get3A_1500 = arith.constant 0 : index
    %get3A_1501 = arith.constant 0 : index
    %get3A_1502 = arith.constant 4352 : index
    %get3A_1503 = vector.load %arg2[%get3A_1500, %get3A_1501, %get3A_1502] : memref<1x3x8192xf32, #tpu.memory_space<vmem>>, vector<1x1x128xf32>
    %get3A_1504 = vector.shape_cast %get3A_1503 : vector<1x1x128xf32> to vector<1x128xf32>
    %get3A_1505 = arith.constant 0 : index
    %get3A_1506 = arith.constant 1 : index
    %get3A_1507 = arith.constant 4352 : index
    %get3A_1508 = vector.load %arg2[%get3A_1505, %get3A_1506, %get3A_1507] : memref<1x3x8192xf32, #tpu.memory_space<vmem>>, vector<1x1x128xf32>
    %get3A_1509 = vector.shape_cast %get3A_1508 : vector<1x1x128xf32> to vector<1x128xf32>
    %get3A_1510 = arith.constant 0 : index
    %get3A_1511 = arith.constant 2 : index
    %get3A_1512 = arith.constant 4352 : index
    %get3A_1513 = vector.load %arg2[%get3A_1510, %get3A_1511, %get3A_1512] : memref<1x3x8192xf32, #tpu.memory_space<vmem>>, vector<1x1x128xf32>
    %get3A_1514 = vector.shape_cast %get3A_1513 : vector<1x1x128xf32> to vector<1x128xf32>
    %sub3A_1515 = vector.broadcast %get3A_1 : vector<64x1xf32> to vector<64x128xf32>
    %sub3A_1516 = vector.broadcast %get3A_1504 : vector<1x128xf32> to vector<64x128xf32>
    %sub3A_1517 = arith.subf %sub3A_1515, %sub3A_1516 : vector<64x128xf32>
    %integer_pow3A_1518 = arith.mulf %sub3A_1517, %sub3A_1517 : vector<64x128xf32>
    %sub3A_1519 = vector.broadcast %get3A_4 : vector<64x1xf32> to vector<64x128xf32>
    %sub3A_1520 = vector.broadcast %get3A_1509 : vector<1x128xf32> to vector<64x128xf32>
    %sub3A_1521 = arith.subf %sub3A_1519, %sub3A_1520 : vector<64x128xf32>
    %integer_pow3A_1522 = arith.mulf %sub3A_1521, %sub3A_1521 : vector<64x128xf32>
    %add3A_1523 = arith.addf %integer_pow3A_1518, %integer_pow3A_1522 : vector<64x128xf32>
    %sub3A_1524 = vector.broadcast %get3A_7 : vector<64x1xf32> to vector<64x128xf32>
    %sub3A_1525 = vector.broadcast %get3A_1514 : vector<1x128xf32> to vector<64x128xf32>
    %sub3A_1526 = arith.subf %sub3A_1524, %sub3A_1525 : vector<64x128xf32>
    %integer_pow3A_1527 = arith.mulf %sub3A_1526, %sub3A_1526 : vector<64x128xf32>
    %add3A_1528 = arith.addf %add3A_1523, %integer_pow3A_1527 : vector<64x128xf32>
    %le3A_1529 = arith.constant 4.000000e-02 : f32
    %le3A_1530 = vector.broadcast %le3A_1529 : f32 to vector<64x128xf32>
    %le3A_1531 = arith.cmpf ole, %add3A_1528, %le3A_1530 : vector<64x128xf32>
    %add3A_1532 = arith.constant 0x49753400 : f32
    %add3A_1533 = vector.broadcast %add3A_1532 : f32 to vector<64x128xf32>
    %add3A_1534 = arith.addf %add3A_1533, %convert_element_type3A : vector<64x128xf32>
    %select_n3A_1535 = arith.select %le3A_1531, %add3A_1528, %add3A_1534 : vector<64x128xi1>, vector<64x128xf32>
    %swap3A_1536 = arith.constant 0 : index
    %swap3A_1537 = arith.constant 4352 : index
    %swap3A_1538 = vector.load %arg5[%swap3A_1536, %swap3A_1537] : memref<64x8192xf32, #tpu.memory_space<vmem>>, vector<64x128xf32>
    tpu.vector_store %arg5[%swap3A_1536, %swap3A_1537], %select_n3A_1535 {strides = array<i32>} : memref<64x8192xf32, #tpu.memory_space<vmem>>, vector<64x128xf32>,
    %lt3A_1539 = arith.cmpf olt, %select_n3A_1535, %select_n3A_1499 : vector<64x128xf32>
    %jit3A_1540 = arith.constant 34 : i32
    %broadcast_in_dim3A_1541 = vector.broadcast %jit3A_1540 : i32 to vector<64x128xi32>
    %select_n3A_1542 = arith.select %lt3A_1539, %broadcast_in_dim3A_1541, %select_n3A_1498 : vector<64x128xi1>, vector<64x128xi32>
    %select_n3A_1543 = arith.select %lt3A_1539, %select_n3A_1535, %select_n3A_1499 : vector<64x128xi1>, vector<64x128xf32>
    %get3A_1544 = arith.constant 0 : index
    %get3A_1545 = arith.constant 0 : index
    %get3A_1546 = arith.constant 4480 : index
    %get3A_1547 = vector.load %arg2[%get3A_1544, %get3A_1545, %get3A_1546] : memref<1x3x8192xf32, #tpu.memory_space<vmem>>, vector<1x1x128xf32>
    %get3A_1548 = vector.shape_cast %get3A_1547 : vector<1x1x128xf32> to vector<1x128xf32>
    %get3A_1549 = arith.constant 0 : index
    %get3A_1550 = arith.constant 1 : index
    %get3A_1551 = arith.constant 4480 : index
    %get3A_1552 = vector.load %arg2[%get3A_1549, %get3A_1550, %get3A_1551] : memref<1x3x8192xf32, #tpu.memory_space<vmem>>, vector<1x1x128xf32>
    %get3A_1553 = vector.shape_cast %get3A_1552 : vector<1x1x128xf32> to vector<1x128xf32>
    %get3A_1554 = arith.constant 0 : index
    %get3A_1555 = arith.constant 2 : index
    %get3A_1556 = arith.constant 4480 : index
    %get3A_1557 = vector.load %arg2[%get3A_1554, %get3A_1555, %get3A_1556] : memref<1x3x8192xf32, #tpu.memory_space<vmem>>, vector<1x1x128xf32>
    %get3A_1558 = vector.shape_cast %get3A_1557 : vector<1x1x128xf32> to vector<1x128xf32>
    %sub3A_1559 = vector.broadcast %get3A_1 : vector<64x1xf32> to vector<64x128xf32>
    %sub3A_1560 = vector.broadcast %get3A_1548 : vector<1x128xf32> to vector<64x128xf32>
    %sub3A_1561 = arith.subf %sub3A_1559, %sub3A_1560 : vector<64x128xf32>
    %integer_pow3A_1562 = arith.mulf %sub3A_1561, %sub3A_1561 : vector<64x128xf32>
    %sub3A_1563 = vector.broadcast %get3A_4 : vector<64x1xf32> to vector<64x128xf32>
    %sub3A_1564 = vector.broadcast %get3A_1553 : vector<1x128xf32> to vector<64x128xf32>
    %sub3A_1565 = arith.subf %sub3A_1563, %sub3A_1564 : vector<64x128xf32>
    %integer_pow3A_1566 = arith.mulf %sub3A_1565, %sub3A_1565 : vector<64x128xf32>
    %add3A_1567 = arith.addf %integer_pow3A_1562, %integer_pow3A_1566 : vector<64x128xf32>
    %sub3A_1568 = vector.broadcast %get3A_7 : vector<64x1xf32> to vector<64x128xf32>
    %sub3A_1569 = vector.broadcast %get3A_1558 : vector<1x128xf32> to vector<64x128xf32>
    %sub3A_1570 = arith.subf %sub3A_1568, %sub3A_1569 : vector<64x128xf32>
    %integer_pow3A_1571 = arith.mulf %sub3A_1570, %sub3A_1570 : vector<64x128xf32>
    %add3A_1572 = arith.addf %add3A_1567, %integer_pow3A_1571 : vector<64x128xf32>
    %le3A_1573 = arith.constant 4.000000e-02 : f32
    %le3A_1574 = vector.broadcast %le3A_1573 : f32 to vector<64x128xf32>
    %le3A_1575 = arith.cmpf ole, %add3A_1572, %le3A_1574 : vector<64x128xf32>
    %add3A_1576 = arith.constant 1.004480e+06 : f32
    %add3A_1577 = vector.broadcast %add3A_1576 : f32 to vector<64x128xf32>
    %add3A_1578 = arith.addf %add3A_1577, %convert_element_type3A : vector<64x128xf32>
    %select_n3A_1579 = arith.select %le3A_1575, %add3A_1572, %add3A_1578 : vector<64x128xi1>, vector<64x128xf32>
    %swap3A_1580 = arith.constant 0 : index
    %swap3A_1581 = arith.constant 4480 : index
    %swap3A_1582 = vector.load %arg5[%swap3A_1580, %swap3A_1581] : memref<64x8192xf32, #tpu.memory_space<vmem>>, vector<64x128xf32>
    tpu.vector_store %arg5[%swap3A_1580, %swap3A_1581], %select_n3A_1579 {strides = array<i32>} : memref<64x8192xf32, #tpu.memory_space<vmem>>, vector<64x128xf32>,
    %lt3A_1583 = arith.cmpf olt, %select_n3A_1579, %select_n3A_1543 : vector<64x128xf32>
    %jit3A_1584 = arith.constant 35 : i32
    %broadcast_in_dim3A_1585 = vector.broadcast %jit3A_1584 : i32 to vector<64x128xi32>
    %select_n3A_1586 = arith.select %lt3A_1583, %broadcast_in_dim3A_1585, %select_n3A_1542 : vector<64x128xi1>, vector<64x128xi32>
    %select_n3A_1587 = arith.select %lt3A_1583, %select_n3A_1579, %select_n3A_1543 : vector<64x128xi1>, vector<64x128xf32>
    %get3A_1588 = arith.constant 0 : index
    %get3A_1589 = arith.constant 0 : index
    %get3A_1590 = arith.constant 4608 : index
    %get3A_1591 = vector.load %arg2[%get3A_1588, %get3A_1589, %get3A_1590] : memref<1x3x8192xf32, #tpu.memory_space<vmem>>, vector<1x1x128xf32>
    %get3A_1592 = vector.shape_cast %get3A_1591 : vector<1x1x128xf32> to vector<1x128xf32>
    %get3A_1593 = arith.constant 0 : index
    %get3A_1594 = arith.constant 1 : index
    %get3A_1595 = arith.constant 4608 : index
    %get3A_1596 = vector.load %arg2[%get3A_1593, %get3A_1594, %get3A_1595] : memref<1x3x8192xf32, #tpu.memory_space<vmem>>, vector<1x1x128xf32>
    %get3A_1597 = vector.shape_cast %get3A_1596 : vector<1x1x128xf32> to vector<1x128xf32>
    %get3A_1598 = arith.constant 0 : index
    %get3A_1599 = arith.constant 2 : index
    %get3A_1600 = arith.constant 4608 : index
    %get3A_1601 = vector.load %arg2[%get3A_1598, %get3A_1599, %get3A_1600] : memref<1x3x8192xf32, #tpu.memory_space<vmem>>, vector<1x1x128xf32>
    %get3A_1602 = vector.shape_cast %get3A_1601 : vector<1x1x128xf32> to vector<1x128xf32>
    %sub3A_1603 = vector.broadcast %get3A_1 : vector<64x1xf32> to vector<64x128xf32>
    %sub3A_1604 = vector.broadcast %get3A_1592 : vector<1x128xf32> to vector<64x128xf32>
    %sub3A_1605 = arith.subf %sub3A_1603, %sub3A_1604 : vector<64x128xf32>
    %integer_pow3A_1606 = arith.mulf %sub3A_1605, %sub3A_1605 : vector<64x128xf32>
    %sub3A_1607 = vector.broadcast %get3A_4 : vector<64x1xf32> to vector<64x128xf32>
    %sub3A_1608 = vector.broadcast %get3A_1597 : vector<1x128xf32> to vector<64x128xf32>
    %sub3A_1609 = arith.subf %sub3A_1607, %sub3A_1608 : vector<64x128xf32>
    %integer_pow3A_1610 = arith.mulf %sub3A_1609, %sub3A_1609 : vector<64x128xf32>
    %add3A_1611 = arith.addf %integer_pow3A_1606, %integer_pow3A_1610 : vector<64x128xf32>
    %sub3A_1612 = vector.broadcast %get3A_7 : vector<64x1xf32> to vector<64x128xf32>
    %sub3A_1613 = vector.broadcast %get3A_1602 : vector<1x128xf32> to vector<64x128xf32>
    %sub3A_1614 = arith.subf %sub3A_1612, %sub3A_1613 : vector<64x128xf32>
    %integer_pow3A_1615 = arith.mulf %sub3A_1614, %sub3A_1614 : vector<64x128xf32>
    %add3A_1616 = arith.addf %add3A_1611, %integer_pow3A_1615 : vector<64x128xf32>
    %le3A_1617 = arith.constant 4.000000e-02 : f32
    %le3A_1618 = vector.broadcast %le3A_1617 : f32 to vector<64x128xf32>
    %le3A_1619 = arith.cmpf ole, %add3A_1616, %le3A_1618 : vector<64x128xf32>
    %add3A_1620 = arith.constant 0x49754400 : f32
    %add3A_1621 = vector.broadcast %add3A_1620 : f32 to vector<64x128xf32>
    %add3A_1622 = arith.addf %add3A_1621, %convert_element_type3A : vector<64x128xf32>
    %select_n3A_1623 = arith.select %le3A_1619, %add3A_1616, %add3A_1622 : vector<64x128xi1>, vector<64x128xf32>
    %swap3A_1624 = arith.constant 0 : index
    %swap3A_1625 = arith.constant 4608 : index
    %swap3A_1626 = vector.load %arg5[%swap3A_1624, %swap3A_1625] : memref<64x8192xf32, #tpu.memory_space<vmem>>, vector<64x128xf32>
    tpu.vector_store %arg5[%swap3A_1624, %swap3A_1625], %select_n3A_1623 {strides = array<i32>} : memref<64x8192xf32, #tpu.memory_space<vmem>>, vector<64x128xf32>,
    %lt3A_1627 = arith.cmpf olt, %select_n3A_1623, %select_n3A_1587 : vector<64x128xf32>
    %jit3A_1628 = arith.constant 36 : i32
    %broadcast_in_dim3A_1629 = vector.broadcast %jit3A_1628 : i32 to vector<64x128xi32>
    %select_n3A_1630 = arith.select %lt3A_1627, %broadcast_in_dim3A_1629, %select_n3A_1586 : vector<64x128xi1>, vector<64x128xi32>
    %select_n3A_1631 = arith.select %lt3A_1627, %select_n3A_1623, %select_n3A_1587 : vector<64x128xi1>, vector<64x128xf32>
    %get3A_1632 = arith.constant 0 : index
    %get3A_1633 = arith.constant 0 : index
    %get3A_1634 = arith.constant 4736 : index
    %get3A_1635 = vector.load %arg2[%get3A_1632, %get3A_1633, %get3A_1634] : memref<1x3x8192xf32, #tpu.memory_space<vmem>>, vector<1x1x128xf32>
    %get3A_1636 = vector.shape_cast %get3A_1635 : vector<1x1x128xf32> to vector<1x128xf32>
    %get3A_1637 = arith.constant 0 : index
    %get3A_1638 = arith.constant 1 : index
    %get3A_1639 = arith.constant 4736 : index
    %get3A_1640 = vector.load %arg2[%get3A_1637, %get3A_1638, %get3A_1639] : memref<1x3x8192xf32, #tpu.memory_space<vmem>>, vector<1x1x128xf32>
    %get3A_1641 = vector.shape_cast %get3A_1640 : vector<1x1x128xf32> to vector<1x128xf32>
    %get3A_1642 = arith.constant 0 : index
    %get3A_1643 = arith.constant 2 : index
    %get3A_1644 = arith.constant 4736 : index
    %get3A_1645 = vector.load %arg2[%get3A_1642, %get3A_1643, %get3A_1644] : memref<1x3x8192xf32, #tpu.memory_space<vmem>>, vector<1x1x128xf32>
    %get3A_1646 = vector.shape_cast %get3A_1645 : vector<1x1x128xf32> to vector<1x128xf32>
    %sub3A_1647 = vector.broadcast %get3A_1 : vector<64x1xf32> to vector<64x128xf32>
    %sub3A_1648 = vector.broadcast %get3A_1636 : vector<1x128xf32> to vector<64x128xf32>
    %sub3A_1649 = arith.subf %sub3A_1647, %sub3A_1648 : vector<64x128xf32>
    %integer_pow3A_1650 = arith.mulf %sub3A_1649, %sub3A_1649 : vector<64x128xf32>
    %sub3A_1651 = vector.broadcast %get3A_4 : vector<64x1xf32> to vector<64x128xf32>
    %sub3A_1652 = vector.broadcast %get3A_1641 : vector<1x128xf32> to vector<64x128xf32>
    %sub3A_1653 = arith.subf %sub3A_1651, %sub3A_1652 : vector<64x128xf32>
    %integer_pow3A_1654 = arith.mulf %sub3A_1653, %sub3A_1653 : vector<64x128xf32>
    %add3A_1655 = arith.addf %integer_pow3A_1650, %integer_pow3A_1654 : vector<64x128xf32>
    %sub3A_1656 = vector.broadcast %get3A_7 : vector<64x1xf32> to vector<64x128xf32>
    %sub3A_1657 = vector.broadcast %get3A_1646 : vector<1x128xf32> to vector<64x128xf32>
    %sub3A_1658 = arith.subf %sub3A_1656, %sub3A_1657 : vector<64x128xf32>
    %integer_pow3A_1659 = arith.mulf %sub3A_1658, %sub3A_1658 : vector<64x128xf32>
    %add3A_1660 = arith.addf %add3A_1655, %integer_pow3A_1659 : vector<64x128xf32>
    %le3A_1661 = arith.constant 4.000000e-02 : f32
    %le3A_1662 = vector.broadcast %le3A_1661 : f32 to vector<64x128xf32>
    %le3A_1663 = arith.cmpf ole, %add3A_1660, %le3A_1662 : vector<64x128xf32>
    %add3A_1664 = arith.constant 0x49754C00 : f32
    %add3A_1665 = vector.broadcast %add3A_1664 : f32 to vector<64x128xf32>
    %add3A_1666 = arith.addf %add3A_1665, %convert_element_type3A : vector<64x128xf32>
    %select_n3A_1667 = arith.select %le3A_1663, %add3A_1660, %add3A_1666 : vector<64x128xi1>, vector<64x128xf32>
    %swap3A_1668 = arith.constant 0 : index
    %swap3A_1669 = arith.constant 4736 : index
    %swap3A_1670 = vector.load %arg5[%swap3A_1668, %swap3A_1669] : memref<64x8192xf32, #tpu.memory_space<vmem>>, vector<64x128xf32>
    tpu.vector_store %arg5[%swap3A_1668, %swap3A_1669], %select_n3A_1667 {strides = array<i32>} : memref<64x8192xf32, #tpu.memory_space<vmem>>, vector<64x128xf32>,
    %lt3A_1671 = arith.cmpf olt, %select_n3A_1667, %select_n3A_1631 : vector<64x128xf32>
    %jit3A_1672 = arith.constant 37 : i32
    %broadcast_in_dim3A_1673 = vector.broadcast %jit3A_1672 : i32 to vector<64x128xi32>
    %select_n3A_1674 = arith.select %lt3A_1671, %broadcast_in_dim3A_1673, %select_n3A_1630 : vector<64x128xi1>, vector<64x128xi32>
    %select_n3A_1675 = arith.select %lt3A_1671, %select_n3A_1667, %select_n3A_1631 : vector<64x128xi1>, vector<64x128xf32>
    %get3A_1676 = arith.constant 0 : index
    %get3A_1677 = arith.constant 0 : index
    %get3A_1678 = arith.constant 4864 : index
    %get3A_1679 = vector.load %arg2[%get3A_1676, %get3A_1677, %get3A_1678] : memref<1x3x8192xf32, #tpu.memory_space<vmem>>, vector<1x1x128xf32>
    %get3A_1680 = vector.shape_cast %get3A_1679 : vector<1x1x128xf32> to vector<1x128xf32>
    %get3A_1681 = arith.constant 0 : index
    %get3A_1682 = arith.constant 1 : index
    %get3A_1683 = arith.constant 4864 : index
    %get3A_1684 = vector.load %arg2[%get3A_1681, %get3A_1682, %get3A_1683] : memref<1x3x8192xf32, #tpu.memory_space<vmem>>, vector<1x1x128xf32>
    %get3A_1685 = vector.shape_cast %get3A_1684 : vector<1x1x128xf32> to vector<1x128xf32>
    %get3A_1686 = arith.constant 0 : index
    %get3A_1687 = arith.constant 2 : index
    %get3A_1688 = arith.constant 4864 : index
    %get3A_1689 = vector.load %arg2[%get3A_1686, %get3A_1687, %get3A_1688] : memref<1x3x8192xf32, #tpu.memory_space<vmem>>, vector<1x1x128xf32>
    %get3A_1690 = vector.shape_cast %get3A_1689 : vector<1x1x128xf32> to vector<1x128xf32>
    %sub3A_1691 = vector.broadcast %get3A_1 : vector<64x1xf32> to vector<64x128xf32>
    %sub3A_1692 = vector.broadcast %get3A_1680 : vector<1x128xf32> to vector<64x128xf32>
    %sub3A_1693 = arith.subf %sub3A_1691, %sub3A_1692 : vector<64x128xf32>
    %integer_pow3A_1694 = arith.mulf %sub3A_1693, %sub3A_1693 : vector<64x128xf32>
    %sub3A_1695 = vector.broadcast %get3A_4 : vector<64x1xf32> to vector<64x128xf32>
    %sub3A_1696 = vector.broadcast %get3A_1685 : vector<1x128xf32> to vector<64x128xf32>
    %sub3A_1697 = arith.subf %sub3A_1695, %sub3A_1696 : vector<64x128xf32>
    %integer_pow3A_1698 = arith.mulf %sub3A_1697, %sub3A_1697 : vector<64x128xf32>
    %add3A_1699 = arith.addf %integer_pow3A_1694, %integer_pow3A_1698 : vector<64x128xf32>
    %sub3A_1700 = vector.broadcast %get3A_7 : vector<64x1xf32> to vector<64x128xf32>
    %sub3A_1701 = vector.broadcast %get3A_1690 : vector<1x128xf32> to vector<64x128xf32>
    %sub3A_1702 = arith.subf %sub3A_1700, %sub3A_1701 : vector<64x128xf32>
    %integer_pow3A_1703 = arith.mulf %sub3A_1702, %sub3A_1702 : vector<64x128xf32>
    %add3A_1704 = arith.addf %add3A_1699, %integer_pow3A_1703 : vector<64x128xf32>
    %le3A_1705 = arith.constant 4.000000e-02 : f32
    %le3A_1706 = vector.broadcast %le3A_1705 : f32 to vector<64x128xf32>
    %le3A_1707 = arith.cmpf ole, %add3A_1704, %le3A_1706 : vector<64x128xf32>
    %add3A_1708 = arith.constant 0x49755400 : f32
    %add3A_1709 = vector.broadcast %add3A_1708 : f32 to vector<64x128xf32>
    %add3A_1710 = arith.addf %add3A_1709, %convert_element_type3A : vector<64x128xf32>
    %select_n3A_1711 = arith.select %le3A_1707, %add3A_1704, %add3A_1710 : vector<64x128xi1>, vector<64x128xf32>
    %swap3A_1712 = arith.constant 0 : index
    %swap3A_1713 = arith.constant 4864 : index
    %swap3A_1714 = vector.load %arg5[%swap3A_1712, %swap3A_1713] : memref<64x8192xf32, #tpu.memory_space<vmem>>, vector<64x128xf32>
    tpu.vector_store %arg5[%swap3A_1712, %swap3A_1713], %select_n3A_1711 {strides = array<i32>} : memref<64x8192xf32, #tpu.memory_space<vmem>>, vector<64x128xf32>,
    %lt3A_1715 = arith.cmpf olt, %select_n3A_1711, %select_n3A_1675 : vector<64x128xf32>
    %jit3A_1716 = arith.constant 38 : i32
    %broadcast_in_dim3A_1717 = vector.broadcast %jit3A_1716 : i32 to vector<64x128xi32>
    %select_n3A_1718 = arith.select %lt3A_1715, %broadcast_in_dim3A_1717, %select_n3A_1674 : vector<64x128xi1>, vector<64x128xi32>
    %select_n3A_1719 = arith.select %lt3A_1715, %select_n3A_1711, %select_n3A_1675 : vector<64x128xi1>, vector<64x128xf32>
    %get3A_1720 = arith.constant 0 : index
    %get3A_1721 = arith.constant 0 : index
    %get3A_1722 = arith.constant 4992 : index
    %get3A_1723 = vector.load %arg2[%get3A_1720, %get3A_1721, %get3A_1722] : memref<1x3x8192xf32, #tpu.memory_space<vmem>>, vector<1x1x128xf32>
    %get3A_1724 = vector.shape_cast %get3A_1723 : vector<1x1x128xf32> to vector<1x128xf32>
    %get3A_1725 = arith.constant 0 : index
    %get3A_1726 = arith.constant 1 : index
    %get3A_1727 = arith.constant 4992 : index
    %get3A_1728 = vector.load %arg2[%get3A_1725, %get3A_1726, %get3A_1727] : memref<1x3x8192xf32, #tpu.memory_space<vmem>>, vector<1x1x128xf32>
    %get3A_1729 = vector.shape_cast %get3A_1728 : vector<1x1x128xf32> to vector<1x128xf32>
    %get3A_1730 = arith.constant 0 : index
    %get3A_1731 = arith.constant 2 : index
    %get3A_1732 = arith.constant 4992 : index
    %get3A_1733 = vector.load %arg2[%get3A_1730, %get3A_1731, %get3A_1732] : memref<1x3x8192xf32, #tpu.memory_space<vmem>>, vector<1x1x128xf32>
    %get3A_1734 = vector.shape_cast %get3A_1733 : vector<1x1x128xf32> to vector<1x128xf32>
    %sub3A_1735 = vector.broadcast %get3A_1 : vector<64x1xf32> to vector<64x128xf32>
    %sub3A_1736 = vector.broadcast %get3A_1724 : vector<1x128xf32> to vector<64x128xf32>
    %sub3A_1737 = arith.subf %sub3A_1735, %sub3A_1736 : vector<64x128xf32>
    %integer_pow3A_1738 = arith.mulf %sub3A_1737, %sub3A_1737 : vector<64x128xf32>
    %sub3A_1739 = vector.broadcast %get3A_4 : vector<64x1xf32> to vector<64x128xf32>
    %sub3A_1740 = vector.broadcast %get3A_1729 : vector<1x128xf32> to vector<64x128xf32>
    %sub3A_1741 = arith.subf %sub3A_1739, %sub3A_1740 : vector<64x128xf32>
    %integer_pow3A_1742 = arith.mulf %sub3A_1741, %sub3A_1741 : vector<64x128xf32>
    %add3A_1743 = arith.addf %integer_pow3A_1738, %integer_pow3A_1742 : vector<64x128xf32>
    %sub3A_1744 = vector.broadcast %get3A_7 : vector<64x1xf32> to vector<64x128xf32>
    %sub3A_1745 = vector.broadcast %get3A_1734 : vector<1x128xf32> to vector<64x128xf32>
    %sub3A_1746 = arith.subf %sub3A_1744, %sub3A_1745 : vector<64x128xf32>
    %integer_pow3A_1747 = arith.mulf %sub3A_1746, %sub3A_1746 : vector<64x128xf32>
    %add3A_1748 = arith.addf %add3A_1743, %integer_pow3A_1747 : vector<64x128xf32>
    %le3A_1749 = arith.constant 4.000000e-02 : f32
    %le3A_1750 = vector.broadcast %le3A_1749 : f32 to vector<64x128xf32>
    %le3A_1751 = arith.cmpf ole, %add3A_1748, %le3A_1750 : vector<64x128xf32>
    %add3A_1752 = arith.constant 0x49755C00 : f32
    %add3A_1753 = vector.broadcast %add3A_1752 : f32 to vector<64x128xf32>
    %add3A_1754 = arith.addf %add3A_1753, %convert_element_type3A : vector<64x128xf32>
    %select_n3A_1755 = arith.select %le3A_1751, %add3A_1748, %add3A_1754 : vector<64x128xi1>, vector<64x128xf32>
    %swap3A_1756 = arith.constant 0 : index
    %swap3A_1757 = arith.constant 4992 : index
    %swap3A_1758 = vector.load %arg5[%swap3A_1756, %swap3A_1757] : memref<64x8192xf32, #tpu.memory_space<vmem>>, vector<64x128xf32>
    tpu.vector_store %arg5[%swap3A_1756, %swap3A_1757], %select_n3A_1755 {strides = array<i32>} : memref<64x8192xf32, #tpu.memory_space<vmem>>, vector<64x128xf32>,
    %lt3A_1759 = arith.cmpf olt, %select_n3A_1755, %select_n3A_1719 : vector<64x128xf32>
    %jit3A_1760 = arith.constant 39 : i32
    %broadcast_in_dim3A_1761 = vector.broadcast %jit3A_1760 : i32 to vector<64x128xi32>
    %select_n3A_1762 = arith.select %lt3A_1759, %broadcast_in_dim3A_1761, %select_n3A_1718 : vector<64x128xi1>, vector<64x128xi32>
    %select_n3A_1763 = arith.select %lt3A_1759, %select_n3A_1755, %select_n3A_1719 : vector<64x128xi1>, vector<64x128xf32>
    %get3A_1764 = arith.constant 0 : index
    %get3A_1765 = arith.constant 0 : index
    %get3A_1766 = arith.constant 5120 : index
    %get3A_1767 = vector.load %arg2[%get3A_1764, %get3A_1765, %get3A_1766] : memref<1x3x8192xf32, #tpu.memory_space<vmem>>, vector<1x1x128xf32>
    %get3A_1768 = vector.shape_cast %get3A_1767 : vector<1x1x128xf32> to vector<1x128xf32>
    %get3A_1769 = arith.constant 0 : index
    %get3A_1770 = arith.constant 1 : index
    %get3A_1771 = arith.constant 5120 : index
    %get3A_1772 = vector.load %arg2[%get3A_1769, %get3A_1770, %get3A_1771] : memref<1x3x8192xf32, #tpu.memory_space<vmem>>, vector<1x1x128xf32>
    %get3A_1773 = vector.shape_cast %get3A_1772 : vector<1x1x128xf32> to vector<1x128xf32>
    %get3A_1774 = arith.constant 0 : index
    %get3A_1775 = arith.constant 2 : index
    %get3A_1776 = arith.constant 5120 : index
    %get3A_1777 = vector.load %arg2[%get3A_1774, %get3A_1775, %get3A_1776] : memref<1x3x8192xf32, #tpu.memory_space<vmem>>, vector<1x1x128xf32>
    %get3A_1778 = vector.shape_cast %get3A_1777 : vector<1x1x128xf32> to vector<1x128xf32>
    %sub3A_1779 = vector.broadcast %get3A_1 : vector<64x1xf32> to vector<64x128xf32>
    %sub3A_1780 = vector.broadcast %get3A_1768 : vector<1x128xf32> to vector<64x128xf32>
    %sub3A_1781 = arith.subf %sub3A_1779, %sub3A_1780 : vector<64x128xf32>
    %integer_pow3A_1782 = arith.mulf %sub3A_1781, %sub3A_1781 : vector<64x128xf32>
    %sub3A_1783 = vector.broadcast %get3A_4 : vector<64x1xf32> to vector<64x128xf32>
    %sub3A_1784 = vector.broadcast %get3A_1773 : vector<1x128xf32> to vector<64x128xf32>
    %sub3A_1785 = arith.subf %sub3A_1783, %sub3A_1784 : vector<64x128xf32>
    %integer_pow3A_1786 = arith.mulf %sub3A_1785, %sub3A_1785 : vector<64x128xf32>
    %add3A_1787 = arith.addf %integer_pow3A_1782, %integer_pow3A_1786 : vector<64x128xf32>
    %sub3A_1788 = vector.broadcast %get3A_7 : vector<64x1xf32> to vector<64x128xf32>
    %sub3A_1789 = vector.broadcast %get3A_1778 : vector<1x128xf32> to vector<64x128xf32>
    %sub3A_1790 = arith.subf %sub3A_1788, %sub3A_1789 : vector<64x128xf32>
    %integer_pow3A_1791 = arith.mulf %sub3A_1790, %sub3A_1790 : vector<64x128xf32>
    %add3A_1792 = arith.addf %add3A_1787, %integer_pow3A_1791 : vector<64x128xf32>
    %le3A_1793 = arith.constant 4.000000e-02 : f32
    %le3A_1794 = vector.broadcast %le3A_1793 : f32 to vector<64x128xf32>
    %le3A_1795 = arith.cmpf ole, %add3A_1792, %le3A_1794 : vector<64x128xf32>
    %add3A_1796 = arith.constant 1.005120e+06 : f32
    %add3A_1797 = vector.broadcast %add3A_1796 : f32 to vector<64x128xf32>
    %add3A_1798 = arith.addf %add3A_1797, %convert_element_type3A : vector<64x128xf32>
    %select_n3A_1799 = arith.select %le3A_1795, %add3A_1792, %add3A_1798 : vector<64x128xi1>, vector<64x128xf32>
    %swap3A_1800 = arith.constant 0 : index
    %swap3A_1801 = arith.constant 5120 : index
    %swap3A_1802 = vector.load %arg5[%swap3A_1800, %swap3A_1801] : memref<64x8192xf32, #tpu.memory_space<vmem>>, vector<64x128xf32>
    tpu.vector_store %arg5[%swap3A_1800, %swap3A_1801], %select_n3A_1799 {strides = array<i32>} : memref<64x8192xf32, #tpu.memory_space<vmem>>, vector<64x128xf32>,
    %lt3A_1803 = arith.cmpf olt, %select_n3A_1799, %select_n3A_1763 : vector<64x128xf32>
    %jit3A_1804 = arith.constant 40 : i32
    %broadcast_in_dim3A_1805 = vector.broadcast %jit3A_1804 : i32 to vector<64x128xi32>
    %select_n3A_1806 = arith.select %lt3A_1803, %broadcast_in_dim3A_1805, %select_n3A_1762 : vector<64x128xi1>, vector<64x128xi32>
    %select_n3A_1807 = arith.select %lt3A_1803, %select_n3A_1799, %select_n3A_1763 : vector<64x128xi1>, vector<64x128xf32>
    %get3A_1808 = arith.constant 0 : index
    %get3A_1809 = arith.constant 0 : index
    %get3A_1810 = arith.constant 5248 : index
    %get3A_1811 = vector.load %arg2[%get3A_1808, %get3A_1809, %get3A_1810] : memref<1x3x8192xf32, #tpu.memory_space<vmem>>, vector<1x1x128xf32>
    %get3A_1812 = vector.shape_cast %get3A_1811 : vector<1x1x128xf32> to vector<1x128xf32>
    %get3A_1813 = arith.constant 0 : index
    %get3A_1814 = arith.constant 1 : index
    %get3A_1815 = arith.constant 5248 : index
    %get3A_1816 = vector.load %arg2[%get3A_1813, %get3A_1814, %get3A_1815] : memref<1x3x8192xf32, #tpu.memory_space<vmem>>, vector<1x1x128xf32>
    %get3A_1817 = vector.shape_cast %get3A_1816 : vector<1x1x128xf32> to vector<1x128xf32>
    %get3A_1818 = arith.constant 0 : index
    %get3A_1819 = arith.constant 2 : index
    %get3A_1820 = arith.constant 5248 : index
    %get3A_1821 = vector.load %arg2[%get3A_1818, %get3A_1819, %get3A_1820] : memref<1x3x8192xf32, #tpu.memory_space<vmem>>, vector<1x1x128xf32>
    %get3A_1822 = vector.shape_cast %get3A_1821 : vector<1x1x128xf32> to vector<1x128xf32>
    %sub3A_1823 = vector.broadcast %get3A_1 : vector<64x1xf32> to vector<64x128xf32>
    %sub3A_1824 = vector.broadcast %get3A_1812 : vector<1x128xf32> to vector<64x128xf32>
    %sub3A_1825 = arith.subf %sub3A_1823, %sub3A_1824 : vector<64x128xf32>
    %integer_pow3A_1826 = arith.mulf %sub3A_1825, %sub3A_1825 : vector<64x128xf32>
    %sub3A_1827 = vector.broadcast %get3A_4 : vector<64x1xf32> to vector<64x128xf32>
    %sub3A_1828 = vector.broadcast %get3A_1817 : vector<1x128xf32> to vector<64x128xf32>
    %sub3A_1829 = arith.subf %sub3A_1827, %sub3A_1828 : vector<64x128xf32>
    %integer_pow3A_1830 = arith.mulf %sub3A_1829, %sub3A_1829 : vector<64x128xf32>
    %add3A_1831 = arith.addf %integer_pow3A_1826, %integer_pow3A_1830 : vector<64x128xf32>
    %sub3A_1832 = vector.broadcast %get3A_7 : vector<64x1xf32> to vector<64x128xf32>
    %sub3A_1833 = vector.broadcast %get3A_1822 : vector<1x128xf32> to vector<64x128xf32>
    %sub3A_1834 = arith.subf %sub3A_1832, %sub3A_1833 : vector<64x128xf32>
    %integer_pow3A_1835 = arith.mulf %sub3A_1834, %sub3A_1834 : vector<64x128xf32>
    %add3A_1836 = arith.addf %add3A_1831, %integer_pow3A_1835 : vector<64x128xf32>
    %le3A_1837 = arith.constant 4.000000e-02 : f32
    %le3A_1838 = vector.broadcast %le3A_1837 : f32 to vector<64x128xf32>
    %le3A_1839 = arith.cmpf ole, %add3A_1836, %le3A_1838 : vector<64x128xf32>
    %add3A_1840 = arith.constant 0x49756C00 : f32
    %add3A_1841 = vector.broadcast %add3A_1840 : f32 to vector<64x128xf32>
    %add3A_1842 = arith.addf %add3A_1841, %convert_element_type3A : vector<64x128xf32>
    %select_n3A_1843 = arith.select %le3A_1839, %add3A_1836, %add3A_1842 : vector<64x128xi1>, vector<64x128xf32>
    %swap3A_1844 = arith.constant 0 : index
    %swap3A_1845 = arith.constant 5248 : index
    %swap3A_1846 = vector.load %arg5[%swap3A_1844, %swap3A_1845] : memref<64x8192xf32, #tpu.memory_space<vmem>>, vector<64x128xf32>
    tpu.vector_store %arg5[%swap3A_1844, %swap3A_1845], %select_n3A_1843 {strides = array<i32>} : memref<64x8192xf32, #tpu.memory_space<vmem>>, vector<64x128xf32>,
    %lt3A_1847 = arith.cmpf olt, %select_n3A_1843, %select_n3A_1807 : vector<64x128xf32>
    %jit3A_1848 = arith.constant 41 : i32
    %broadcast_in_dim3A_1849 = vector.broadcast %jit3A_1848 : i32 to vector<64x128xi32>
    %select_n3A_1850 = arith.select %lt3A_1847, %broadcast_in_dim3A_1849, %select_n3A_1806 : vector<64x128xi1>, vector<64x128xi32>
    %select_n3A_1851 = arith.select %lt3A_1847, %select_n3A_1843, %select_n3A_1807 : vector<64x128xi1>, vector<64x128xf32>
    %get3A_1852 = arith.constant 0 : index
    %get3A_1853 = arith.constant 0 : index
    %get3A_1854 = arith.constant 5376 : index
    %get3A_1855 = vector.load %arg2[%get3A_1852, %get3A_1853, %get3A_1854] : memref<1x3x8192xf32, #tpu.memory_space<vmem>>, vector<1x1x128xf32>
    %get3A_1856 = vector.shape_cast %get3A_1855 : vector<1x1x128xf32> to vector<1x128xf32>
    %get3A_1857 = arith.constant 0 : index
    %get3A_1858 = arith.constant 1 : index
    %get3A_1859 = arith.constant 5376 : index
    %get3A_1860 = vector.load %arg2[%get3A_1857, %get3A_1858, %get3A_1859] : memref<1x3x8192xf32, #tpu.memory_space<vmem>>, vector<1x1x128xf32>
    %get3A_1861 = vector.shape_cast %get3A_1860 : vector<1x1x128xf32> to vector<1x128xf32>
    %get3A_1862 = arith.constant 0 : index
    %get3A_1863 = arith.constant 2 : index
    %get3A_1864 = arith.constant 5376 : index
    %get3A_1865 = vector.load %arg2[%get3A_1862, %get3A_1863, %get3A_1864] : memref<1x3x8192xf32, #tpu.memory_space<vmem>>, vector<1x1x128xf32>
    %get3A_1866 = vector.shape_cast %get3A_1865 : vector<1x1x128xf32> to vector<1x128xf32>
    %sub3A_1867 = vector.broadcast %get3A_1 : vector<64x1xf32> to vector<64x128xf32>
    %sub3A_1868 = vector.broadcast %get3A_1856 : vector<1x128xf32> to vector<64x128xf32>
    %sub3A_1869 = arith.subf %sub3A_1867, %sub3A_1868 : vector<64x128xf32>
    %integer_pow3A_1870 = arith.mulf %sub3A_1869, %sub3A_1869 : vector<64x128xf32>
    %sub3A_1871 = vector.broadcast %get3A_4 : vector<64x1xf32> to vector<64x128xf32>
    %sub3A_1872 = vector.broadcast %get3A_1861 : vector<1x128xf32> to vector<64x128xf32>
    %sub3A_1873 = arith.subf %sub3A_1871, %sub3A_1872 : vector<64x128xf32>
    %integer_pow3A_1874 = arith.mulf %sub3A_1873, %sub3A_1873 : vector<64x128xf32>
    %add3A_1875 = arith.addf %integer_pow3A_1870, %integer_pow3A_1874 : vector<64x128xf32>
    %sub3A_1876 = vector.broadcast %get3A_7 : vector<64x1xf32> to vector<64x128xf32>
    %sub3A_1877 = vector.broadcast %get3A_1866 : vector<1x128xf32> to vector<64x128xf32>
    %sub3A_1878 = arith.subf %sub3A_1876, %sub3A_1877 : vector<64x128xf32>
    %integer_pow3A_1879 = arith.mulf %sub3A_1878, %sub3A_1878 : vector<64x128xf32>
    %add3A_1880 = arith.addf %add3A_1875, %integer_pow3A_1879 : vector<64x128xf32>
    %le3A_1881 = arith.constant 4.000000e-02 : f32
    %le3A_1882 = vector.broadcast %le3A_1881 : f32 to vector<64x128xf32>
    %le3A_1883 = arith.cmpf ole, %add3A_1880, %le3A_1882 : vector<64x128xf32>
    %add3A_1884 = arith.constant 0x49757400 : f32
    %add3A_1885 = vector.broadcast %add3A_1884 : f32 to vector<64x128xf32>
    %add3A_1886 = arith.addf %add3A_1885, %convert_element_type3A : vector<64x128xf32>
    %select_n3A_1887 = arith.select %le3A_1883, %add3A_1880, %add3A_1886 : vector<64x128xi1>, vector<64x128xf32>
    %swap3A_1888 = arith.constant 0 : index
    %swap3A_1889 = arith.constant 5376 : index
    %swap3A_1890 = vector.load %arg5[%swap3A_1888, %swap3A_1889] : memref<64x8192xf32, #tpu.memory_space<vmem>>, vector<64x128xf32>
    tpu.vector_store %arg5[%swap3A_1888, %swap3A_1889], %select_n3A_1887 {strides = array<i32>} : memref<64x8192xf32, #tpu.memory_space<vmem>>, vector<64x128xf32>,
    %lt3A_1891 = arith.cmpf olt, %select_n3A_1887, %select_n3A_1851 : vector<64x128xf32>
    %jit3A_1892 = arith.constant 42 : i32
    %broadcast_in_dim3A_1893 = vector.broadcast %jit3A_1892 : i32 to vector<64x128xi32>
    %select_n3A_1894 = arith.select %lt3A_1891, %broadcast_in_dim3A_1893, %select_n3A_1850 : vector<64x128xi1>, vector<64x128xi32>
    %select_n3A_1895 = arith.select %lt3A_1891, %select_n3A_1887, %select_n3A_1851 : vector<64x128xi1>, vector<64x128xf32>
    %get3A_1896 = arith.constant 0 : index
    %get3A_1897 = arith.constant 0 : index
    %get3A_1898 = arith.constant 5504 : index
    %get3A_1899 = vector.load %arg2[%get3A_1896, %get3A_1897, %get3A_1898] : memref<1x3x8192xf32, #tpu.memory_space<vmem>>, vector<1x1x128xf32>
    %get3A_1900 = vector.shape_cast %get3A_1899 : vector<1x1x128xf32> to vector<1x128xf32>
    %get3A_1901 = arith.constant 0 : index
    %get3A_1902 = arith.constant 1 : index
    %get3A_1903 = arith.constant 5504 : index
    %get3A_1904 = vector.load %arg2[%get3A_1901, %get3A_1902, %get3A_1903] : memref<1x3x8192xf32, #tpu.memory_space<vmem>>, vector<1x1x128xf32>
    %get3A_1905 = vector.shape_cast %get3A_1904 : vector<1x1x128xf32> to vector<1x128xf32>
    %get3A_1906 = arith.constant 0 : index
    %get3A_1907 = arith.constant 2 : index
    %get3A_1908 = arith.constant 5504 : index
    %get3A_1909 = vector.load %arg2[%get3A_1906, %get3A_1907, %get3A_1908] : memref<1x3x8192xf32, #tpu.memory_space<vmem>>, vector<1x1x128xf32>
    %get3A_1910 = vector.shape_cast %get3A_1909 : vector<1x1x128xf32> to vector<1x128xf32>
    %sub3A_1911 = vector.broadcast %get3A_1 : vector<64x1xf32> to vector<64x128xf32>
    %sub3A_1912 = vector.broadcast %get3A_1900 : vector<1x128xf32> to vector<64x128xf32>
    %sub3A_1913 = arith.subf %sub3A_1911, %sub3A_1912 : vector<64x128xf32>
    %integer_pow3A_1914 = arith.mulf %sub3A_1913, %sub3A_1913 : vector<64x128xf32>
    %sub3A_1915 = vector.broadcast %get3A_4 : vector<64x1xf32> to vector<64x128xf32>
    %sub3A_1916 = vector.broadcast %get3A_1905 : vector<1x128xf32> to vector<64x128xf32>
    %sub3A_1917 = arith.subf %sub3A_1915, %sub3A_1916 : vector<64x128xf32>
    %integer_pow3A_1918 = arith.mulf %sub3A_1917, %sub3A_1917 : vector<64x128xf32>
    %add3A_1919 = arith.addf %integer_pow3A_1914, %integer_pow3A_1918 : vector<64x128xf32>
    %sub3A_1920 = vector.broadcast %get3A_7 : vector<64x1xf32> to vector<64x128xf32>
    %sub3A_1921 = vector.broadcast %get3A_1910 : vector<1x128xf32> to vector<64x128xf32>
    %sub3A_1922 = arith.subf %sub3A_1920, %sub3A_1921 : vector<64x128xf32>
    %integer_pow3A_1923 = arith.mulf %sub3A_1922, %sub3A_1922 : vector<64x128xf32>
    %add3A_1924 = arith.addf %add3A_1919, %integer_pow3A_1923 : vector<64x128xf32>
    %le3A_1925 = arith.constant 4.000000e-02 : f32
    %le3A_1926 = vector.broadcast %le3A_1925 : f32 to vector<64x128xf32>
    %le3A_1927 = arith.cmpf ole, %add3A_1924, %le3A_1926 : vector<64x128xf32>
    %add3A_1928 = arith.constant 0x49757C00 : f32
    %add3A_1929 = vector.broadcast %add3A_1928 : f32 to vector<64x128xf32>
    %add3A_1930 = arith.addf %add3A_1929, %convert_element_type3A : vector<64x128xf32>
    %select_n3A_1931 = arith.select %le3A_1927, %add3A_1924, %add3A_1930 : vector<64x128xi1>, vector<64x128xf32>
    %swap3A_1932 = arith.constant 0 : index
    %swap3A_1933 = arith.constant 5504 : index
    %swap3A_1934 = vector.load %arg5[%swap3A_1932, %swap3A_1933] : memref<64x8192xf32, #tpu.memory_space<vmem>>, vector<64x128xf32>
    tpu.vector_store %arg5[%swap3A_1932, %swap3A_1933], %select_n3A_1931 {strides = array<i32>} : memref<64x8192xf32, #tpu.memory_space<vmem>>, vector<64x128xf32>,
    %lt3A_1935 = arith.cmpf olt, %select_n3A_1931, %select_n3A_1895 : vector<64x128xf32>
    %jit3A_1936 = arith.constant 43 : i32
    %broadcast_in_dim3A_1937 = vector.broadcast %jit3A_1936 : i32 to vector<64x128xi32>
    %select_n3A_1938 = arith.select %lt3A_1935, %broadcast_in_dim3A_1937, %select_n3A_1894 : vector<64x128xi1>, vector<64x128xi32>
    %select_n3A_1939 = arith.select %lt3A_1935, %select_n3A_1931, %select_n3A_1895 : vector<64x128xi1>, vector<64x128xf32>
    %get3A_1940 = arith.constant 0 : index
    %get3A_1941 = arith.constant 0 : index
    %get3A_1942 = arith.constant 5632 : index
    %get3A_1943 = vector.load %arg2[%get3A_1940, %get3A_1941, %get3A_1942] : memref<1x3x8192xf32, #tpu.memory_space<vmem>>, vector<1x1x128xf32>
    %get3A_1944 = vector.shape_cast %get3A_1943 : vector<1x1x128xf32> to vector<1x128xf32>
    %get3A_1945 = arith.constant 0 : index
    %get3A_1946 = arith.constant 1 : index
    %get3A_1947 = arith.constant 5632 : index
    %get3A_1948 = vector.load %arg2[%get3A_1945, %get3A_1946, %get3A_1947] : memref<1x3x8192xf32, #tpu.memory_space<vmem>>, vector<1x1x128xf32>
    %get3A_1949 = vector.shape_cast %get3A_1948 : vector<1x1x128xf32> to vector<1x128xf32>
    %get3A_1950 = arith.constant 0 : index
    %get3A_1951 = arith.constant 2 : index
    %get3A_1952 = arith.constant 5632 : index
    %get3A_1953 = vector.load %arg2[%get3A_1950, %get3A_1951, %get3A_1952] : memref<1x3x8192xf32, #tpu.memory_space<vmem>>, vector<1x1x128xf32>
    %get3A_1954 = vector.shape_cast %get3A_1953 : vector<1x1x128xf32> to vector<1x128xf32>
    %sub3A_1955 = vector.broadcast %get3A_1 : vector<64x1xf32> to vector<64x128xf32>
    %sub3A_1956 = vector.broadcast %get3A_1944 : vector<1x128xf32> to vector<64x128xf32>
    %sub3A_1957 = arith.subf %sub3A_1955, %sub3A_1956 : vector<64x128xf32>
    %integer_pow3A_1958 = arith.mulf %sub3A_1957, %sub3A_1957 : vector<64x128xf32>
    %sub3A_1959 = vector.broadcast %get3A_4 : vector<64x1xf32> to vector<64x128xf32>
    %sub3A_1960 = vector.broadcast %get3A_1949 : vector<1x128xf32> to vector<64x128xf32>
    %sub3A_1961 = arith.subf %sub3A_1959, %sub3A_1960 : vector<64x128xf32>
    %integer_pow3A_1962 = arith.mulf %sub3A_1961, %sub3A_1961 : vector<64x128xf32>
    %add3A_1963 = arith.addf %integer_pow3A_1958, %integer_pow3A_1962 : vector<64x128xf32>
    %sub3A_1964 = vector.broadcast %get3A_7 : vector<64x1xf32> to vector<64x128xf32>
    %sub3A_1965 = vector.broadcast %get3A_1954 : vector<1x128xf32> to vector<64x128xf32>
    %sub3A_1966 = arith.subf %sub3A_1964, %sub3A_1965 : vector<64x128xf32>
    %integer_pow3A_1967 = arith.mulf %sub3A_1966, %sub3A_1966 : vector<64x128xf32>
    %add3A_1968 = arith.addf %add3A_1963, %integer_pow3A_1967 : vector<64x128xf32>
    %le3A_1969 = arith.constant 4.000000e-02 : f32
    %le3A_1970 = vector.broadcast %le3A_1969 : f32 to vector<64x128xf32>
    %le3A_1971 = arith.cmpf ole, %add3A_1968, %le3A_1970 : vector<64x128xf32>
    %add3A_1972 = arith.constant 0x49758400 : f32
    %add3A_1973 = vector.broadcast %add3A_1972 : f32 to vector<64x128xf32>
    %add3A_1974 = arith.addf %add3A_1973, %convert_element_type3A : vector<64x128xf32>
    %select_n3A_1975 = arith.select %le3A_1971, %add3A_1968, %add3A_1974 : vector<64x128xi1>, vector<64x128xf32>
    %swap3A_1976 = arith.constant 0 : index
    %swap3A_1977 = arith.constant 5632 : index
    %swap3A_1978 = vector.load %arg5[%swap3A_1976, %swap3A_1977] : memref<64x8192xf32, #tpu.memory_space<vmem>>, vector<64x128xf32>
    tpu.vector_store %arg5[%swap3A_1976, %swap3A_1977], %select_n3A_1975 {strides = array<i32>} : memref<64x8192xf32, #tpu.memory_space<vmem>>, vector<64x128xf32>,
    %lt3A_1979 = arith.cmpf olt, %select_n3A_1975, %select_n3A_1939 : vector<64x128xf32>
    %jit3A_1980 = arith.constant 44 : i32
    %broadcast_in_dim3A_1981 = vector.broadcast %jit3A_1980 : i32 to vector<64x128xi32>
    %select_n3A_1982 = arith.select %lt3A_1979, %broadcast_in_dim3A_1981, %select_n3A_1938 : vector<64x128xi1>, vector<64x128xi32>
    %select_n3A_1983 = arith.select %lt3A_1979, %select_n3A_1975, %select_n3A_1939 : vector<64x128xi1>, vector<64x128xf32>
    %get3A_1984 = arith.constant 0 : index
    %get3A_1985 = arith.constant 0 : index
    %get3A_1986 = arith.constant 5760 : index
    %get3A_1987 = vector.load %arg2[%get3A_1984, %get3A_1985, %get3A_1986] : memref<1x3x8192xf32, #tpu.memory_space<vmem>>, vector<1x1x128xf32>
    %get3A_1988 = vector.shape_cast %get3A_1987 : vector<1x1x128xf32> to vector<1x128xf32>
    %get3A_1989 = arith.constant 0 : index
    %get3A_1990 = arith.constant 1 : index
    %get3A_1991 = arith.constant 5760 : index
    %get3A_1992 = vector.load %arg2[%get3A_1989, %get3A_1990, %get3A_1991] : memref<1x3x8192xf32, #tpu.memory_space<vmem>>, vector<1x1x128xf32>
    %get3A_1993 = vector.shape_cast %get3A_1992 : vector<1x1x128xf32> to vector<1x128xf32>
    %get3A_1994 = arith.constant 0 : index
    %get3A_1995 = arith.constant 2 : index
    %get3A_1996 = arith.constant 5760 : index
    %get3A_1997 = vector.load %arg2[%get3A_1994, %get3A_1995, %get3A_1996] : memref<1x3x8192xf32, #tpu.memory_space<vmem>>, vector<1x1x128xf32>
    %get3A_1998 = vector.shape_cast %get3A_1997 : vector<1x1x128xf32> to vector<1x128xf32>
    %sub3A_1999 = vector.broadcast %get3A_1 : vector<64x1xf32> to vector<64x128xf32>
    %sub3A_2000 = vector.broadcast %get3A_1988 : vector<1x128xf32> to vector<64x128xf32>
    %sub3A_2001 = arith.subf %sub3A_1999, %sub3A_2000 : vector<64x128xf32>
    %integer_pow3A_2002 = arith.mulf %sub3A_2001, %sub3A_2001 : vector<64x128xf32>
    %sub3A_2003 = vector.broadcast %get3A_4 : vector<64x1xf32> to vector<64x128xf32>
    %sub3A_2004 = vector.broadcast %get3A_1993 : vector<1x128xf32> to vector<64x128xf32>
    %sub3A_2005 = arith.subf %sub3A_2003, %sub3A_2004 : vector<64x128xf32>
    %integer_pow3A_2006 = arith.mulf %sub3A_2005, %sub3A_2005 : vector<64x128xf32>
    %add3A_2007 = arith.addf %integer_pow3A_2002, %integer_pow3A_2006 : vector<64x128xf32>
    %sub3A_2008 = vector.broadcast %get3A_7 : vector<64x1xf32> to vector<64x128xf32>
    %sub3A_2009 = vector.broadcast %get3A_1998 : vector<1x128xf32> to vector<64x128xf32>
    %sub3A_2010 = arith.subf %sub3A_2008, %sub3A_2009 : vector<64x128xf32>
    %integer_pow3A_2011 = arith.mulf %sub3A_2010, %sub3A_2010 : vector<64x128xf32>
    %add3A_2012 = arith.addf %add3A_2007, %integer_pow3A_2011 : vector<64x128xf32>
    %le3A_2013 = arith.constant 4.000000e-02 : f32
    %le3A_2014 = vector.broadcast %le3A_2013 : f32 to vector<64x128xf32>
    %le3A_2015 = arith.cmpf ole, %add3A_2012, %le3A_2014 : vector<64x128xf32>
    %add3A_2016 = arith.constant 1.005760e+06 : f32
    %add3A_2017 = vector.broadcast %add3A_2016 : f32 to vector<64x128xf32>
    %add3A_2018 = arith.addf %add3A_2017, %convert_element_type3A : vector<64x128xf32>
    %select_n3A_2019 = arith.select %le3A_2015, %add3A_2012, %add3A_2018 : vector<64x128xi1>, vector<64x128xf32>
    %swap3A_2020 = arith.constant 0 : index
    %swap3A_2021 = arith.constant 5760 : index
    %swap3A_2022 = vector.load %arg5[%swap3A_2020, %swap3A_2021] : memref<64x8192xf32, #tpu.memory_space<vmem>>, vector<64x128xf32>
    tpu.vector_store %arg5[%swap3A_2020, %swap3A_2021], %select_n3A_2019 {strides = array<i32>} : memref<64x8192xf32, #tpu.memory_space<vmem>>, vector<64x128xf32>,
    %lt3A_2023 = arith.cmpf olt, %select_n3A_2019, %select_n3A_1983 : vector<64x128xf32>
    %jit3A_2024 = arith.constant 45 : i32
    %broadcast_in_dim3A_2025 = vector.broadcast %jit3A_2024 : i32 to vector<64x128xi32>
    %select_n3A_2026 = arith.select %lt3A_2023, %broadcast_in_dim3A_2025, %select_n3A_1982 : vector<64x128xi1>, vector<64x128xi32>
    %select_n3A_2027 = arith.select %lt3A_2023, %select_n3A_2019, %select_n3A_1983 : vector<64x128xi1>, vector<64x128xf32>
    %get3A_2028 = arith.constant 0 : index
    %get3A_2029 = arith.constant 0 : index
    %get3A_2030 = arith.constant 5888 : index
    %get3A_2031 = vector.load %arg2[%get3A_2028, %get3A_2029, %get3A_2030] : memref<1x3x8192xf32, #tpu.memory_space<vmem>>, vector<1x1x128xf32>
    %get3A_2032 = vector.shape_cast %get3A_2031 : vector<1x1x128xf32> to vector<1x128xf32>
    %get3A_2033 = arith.constant 0 : index
    %get3A_2034 = arith.constant 1 : index
    %get3A_2035 = arith.constant 5888 : index
    %get3A_2036 = vector.load %arg2[%get3A_2033, %get3A_2034, %get3A_2035] : memref<1x3x8192xf32, #tpu.memory_space<vmem>>, vector<1x1x128xf32>
    %get3A_2037 = vector.shape_cast %get3A_2036 : vector<1x1x128xf32> to vector<1x128xf32>
    %get3A_2038 = arith.constant 0 : index
    %get3A_2039 = arith.constant 2 : index
    %get3A_2040 = arith.constant 5888 : index
    %get3A_2041 = vector.load %arg2[%get3A_2038, %get3A_2039, %get3A_2040] : memref<1x3x8192xf32, #tpu.memory_space<vmem>>, vector<1x1x128xf32>
    %get3A_2042 = vector.shape_cast %get3A_2041 : vector<1x1x128xf32> to vector<1x128xf32>
    %sub3A_2043 = vector.broadcast %get3A_1 : vector<64x1xf32> to vector<64x128xf32>
    %sub3A_2044 = vector.broadcast %get3A_2032 : vector<1x128xf32> to vector<64x128xf32>
    %sub3A_2045 = arith.subf %sub3A_2043, %sub3A_2044 : vector<64x128xf32>
    %integer_pow3A_2046 = arith.mulf %sub3A_2045, %sub3A_2045 : vector<64x128xf32>
    %sub3A_2047 = vector.broadcast %get3A_4 : vector<64x1xf32> to vector<64x128xf32>
    %sub3A_2048 = vector.broadcast %get3A_2037 : vector<1x128xf32> to vector<64x128xf32>
    %sub3A_2049 = arith.subf %sub3A_2047, %sub3A_2048 : vector<64x128xf32>
    %integer_pow3A_2050 = arith.mulf %sub3A_2049, %sub3A_2049 : vector<64x128xf32>
    %add3A_2051 = arith.addf %integer_pow3A_2046, %integer_pow3A_2050 : vector<64x128xf32>
    %sub3A_2052 = vector.broadcast %get3A_7 : vector<64x1xf32> to vector<64x128xf32>
    %sub3A_2053 = vector.broadcast %get3A_2042 : vector<1x128xf32> to vector<64x128xf32>
    %sub3A_2054 = arith.subf %sub3A_2052, %sub3A_2053 : vector<64x128xf32>
    %integer_pow3A_2055 = arith.mulf %sub3A_2054, %sub3A_2054 : vector<64x128xf32>
    %add3A_2056 = arith.addf %add3A_2051, %integer_pow3A_2055 : vector<64x128xf32>
    %le3A_2057 = arith.constant 4.000000e-02 : f32
    %le3A_2058 = vector.broadcast %le3A_2057 : f32 to vector<64x128xf32>
    %le3A_2059 = arith.cmpf ole, %add3A_2056, %le3A_2058 : vector<64x128xf32>
    %add3A_2060 = arith.constant 0x49759400 : f32
    %add3A_2061 = vector.broadcast %add3A_2060 : f32 to vector<64x128xf32>
    %add3A_2062 = arith.addf %add3A_2061, %convert_element_type3A : vector<64x128xf32>
    %select_n3A_2063 = arith.select %le3A_2059, %add3A_2056, %add3A_2062 : vector<64x128xi1>, vector<64x128xf32>
    %swap3A_2064 = arith.constant 0 : index
    %swap3A_2065 = arith.constant 5888 : index
    %swap3A_2066 = vector.load %arg5[%swap3A_2064, %swap3A_2065] : memref<64x8192xf32, #tpu.memory_space<vmem>>, vector<64x128xf32>
    tpu.vector_store %arg5[%swap3A_2064, %swap3A_2065], %select_n3A_2063 {strides = array<i32>} : memref<64x8192xf32, #tpu.memory_space<vmem>>, vector<64x128xf32>,
    %lt3A_2067 = arith.cmpf olt, %select_n3A_2063, %select_n3A_2027 : vector<64x128xf32>
    %jit3A_2068 = arith.constant 46 : i32
    %broadcast_in_dim3A_2069 = vector.broadcast %jit3A_2068 : i32 to vector<64x128xi32>
    %select_n3A_2070 = arith.select %lt3A_2067, %broadcast_in_dim3A_2069, %select_n3A_2026 : vector<64x128xi1>, vector<64x128xi32>
    %select_n3A_2071 = arith.select %lt3A_2067, %select_n3A_2063, %select_n3A_2027 : vector<64x128xi1>, vector<64x128xf32>
    %get3A_2072 = arith.constant 0 : index
    %get3A_2073 = arith.constant 0 : index
    %get3A_2074 = arith.constant 6016 : index
    %get3A_2075 = vector.load %arg2[%get3A_2072, %get3A_2073, %get3A_2074] : memref<1x3x8192xf32, #tpu.memory_space<vmem>>, vector<1x1x128xf32>
    %get3A_2076 = vector.shape_cast %get3A_2075 : vector<1x1x128xf32> to vector<1x128xf32>
    %get3A_2077 = arith.constant 0 : index
    %get3A_2078 = arith.constant 1 : index
    %get3A_2079 = arith.constant 6016 : index
    %get3A_2080 = vector.load %arg2[%get3A_2077, %get3A_2078, %get3A_2079] : memref<1x3x8192xf32, #tpu.memory_space<vmem>>, vector<1x1x128xf32>
    %get3A_2081 = vector.shape_cast %get3A_2080 : vector<1x1x128xf32> to vector<1x128xf32>
    %get3A_2082 = arith.constant 0 : index
    %get3A_2083 = arith.constant 2 : index
    %get3A_2084 = arith.constant 6016 : index
    %get3A_2085 = vector.load %arg2[%get3A_2082, %get3A_2083, %get3A_2084] : memref<1x3x8192xf32, #tpu.memory_space<vmem>>, vector<1x1x128xf32>
    %get3A_2086 = vector.shape_cast %get3A_2085 : vector<1x1x128xf32> to vector<1x128xf32>
    %sub3A_2087 = vector.broadcast %get3A_1 : vector<64x1xf32> to vector<64x128xf32>
    %sub3A_2088 = vector.broadcast %get3A_2076 : vector<1x128xf32> to vector<64x128xf32>
    %sub3A_2089 = arith.subf %sub3A_2087, %sub3A_2088 : vector<64x128xf32>
    %integer_pow3A_2090 = arith.mulf %sub3A_2089, %sub3A_2089 : vector<64x128xf32>
    %sub3A_2091 = vector.broadcast %get3A_4 : vector<64x1xf32> to vector<64x128xf32>
    %sub3A_2092 = vector.broadcast %get3A_2081 : vector<1x128xf32> to vector<64x128xf32>
    %sub3A_2093 = arith.subf %sub3A_2091, %sub3A_2092 : vector<64x128xf32>
    %integer_pow3A_2094 = arith.mulf %sub3A_2093, %sub3A_2093 : vector<64x128xf32>
    %add3A_2095 = arith.addf %integer_pow3A_2090, %integer_pow3A_2094 : vector<64x128xf32>
    %sub3A_2096 = vector.broadcast %get3A_7 : vector<64x1xf32> to vector<64x128xf32>
    %sub3A_2097 = vector.broadcast %get3A_2086 : vector<1x128xf32> to vector<64x128xf32>
    %sub3A_2098 = arith.subf %sub3A_2096, %sub3A_2097 : vector<64x128xf32>
    %integer_pow3A_2099 = arith.mulf %sub3A_2098, %sub3A_2098 : vector<64x128xf32>
    %add3A_2100 = arith.addf %add3A_2095, %integer_pow3A_2099 : vector<64x128xf32>
    %le3A_2101 = arith.constant 4.000000e-02 : f32
    %le3A_2102 = vector.broadcast %le3A_2101 : f32 to vector<64x128xf32>
    %le3A_2103 = arith.cmpf ole, %add3A_2100, %le3A_2102 : vector<64x128xf32>
    %add3A_2104 = arith.constant 0x49759C00 : f32
    %add3A_2105 = vector.broadcast %add3A_2104 : f32 to vector<64x128xf32>
    %add3A_2106 = arith.addf %add3A_2105, %convert_element_type3A : vector<64x128xf32>
    %select_n3A_2107 = arith.select %le3A_2103, %add3A_2100, %add3A_2106 : vector<64x128xi1>, vector<64x128xf32>
    %swap3A_2108 = arith.constant 0 : index
    %swap3A_2109 = arith.constant 6016 : index
    %swap3A_2110 = vector.load %arg5[%swap3A_2108, %swap3A_2109] : memref<64x8192xf32, #tpu.memory_space<vmem>>, vector<64x128xf32>
    tpu.vector_store %arg5[%swap3A_2108, %swap3A_2109], %select_n3A_2107 {strides = array<i32>} : memref<64x8192xf32, #tpu.memory_space<vmem>>, vector<64x128xf32>,
    %lt3A_2111 = arith.cmpf olt, %select_n3A_2107, %select_n3A_2071 : vector<64x128xf32>
    %jit3A_2112 = arith.constant 47 : i32
    %broadcast_in_dim3A_2113 = vector.broadcast %jit3A_2112 : i32 to vector<64x128xi32>
    %select_n3A_2114 = arith.select %lt3A_2111, %broadcast_in_dim3A_2113, %select_n3A_2070 : vector<64x128xi1>, vector<64x128xi32>
    %select_n3A_2115 = arith.select %lt3A_2111, %select_n3A_2107, %select_n3A_2071 : vector<64x128xi1>, vector<64x128xf32>
    %get3A_2116 = arith.constant 0 : index
    %get3A_2117 = arith.constant 0 : index
    %get3A_2118 = arith.constant 6144 : index
    %get3A_2119 = vector.load %arg2[%get3A_2116, %get3A_2117, %get3A_2118] : memref<1x3x8192xf32, #tpu.memory_space<vmem>>, vector<1x1x128xf32>
    %get3A_2120 = vector.shape_cast %get3A_2119 : vector<1x1x128xf32> to vector<1x128xf32>
    %get3A_2121 = arith.constant 0 : index
    %get3A_2122 = arith.constant 1 : index
    %get3A_2123 = arith.constant 6144 : index
    %get3A_2124 = vector.load %arg2[%get3A_2121, %get3A_2122, %get3A_2123] : memref<1x3x8192xf32, #tpu.memory_space<vmem>>, vector<1x1x128xf32>
    %get3A_2125 = vector.shape_cast %get3A_2124 : vector<1x1x128xf32> to vector<1x128xf32>
    %get3A_2126 = arith.constant 0 : index
    %get3A_2127 = arith.constant 2 : index
    %get3A_2128 = arith.constant 6144 : index
    %get3A_2129 = vector.load %arg2[%get3A_2126, %get3A_2127, %get3A_2128] : memref<1x3x8192xf32, #tpu.memory_space<vmem>>, vector<1x1x128xf32>
    %get3A_2130 = vector.shape_cast %get3A_2129 : vector<1x1x128xf32> to vector<1x128xf32>
    %sub3A_2131 = vector.broadcast %get3A_1 : vector<64x1xf32> to vector<64x128xf32>
    %sub3A_2132 = vector.broadcast %get3A_2120 : vector<1x128xf32> to vector<64x128xf32>
    %sub3A_2133 = arith.subf %sub3A_2131, %sub3A_2132 : vector<64x128xf32>
    %integer_pow3A_2134 = arith.mulf %sub3A_2133, %sub3A_2133 : vector<64x128xf32>
    %sub3A_2135 = vector.broadcast %get3A_4 : vector<64x1xf32> to vector<64x128xf32>
    %sub3A_2136 = vector.broadcast %get3A_2125 : vector<1x128xf32> to vector<64x128xf32>
    %sub3A_2137 = arith.subf %sub3A_2135, %sub3A_2136 : vector<64x128xf32>
    %integer_pow3A_2138 = arith.mulf %sub3A_2137, %sub3A_2137 : vector<64x128xf32>
    %add3A_2139 = arith.addf %integer_pow3A_2134, %integer_pow3A_2138 : vector<64x128xf32>
    %sub3A_2140 = vector.broadcast %get3A_7 : vector<64x1xf32> to vector<64x128xf32>
    %sub3A_2141 = vector.broadcast %get3A_2130 : vector<1x128xf32> to vector<64x128xf32>
    %sub3A_2142 = arith.subf %sub3A_2140, %sub3A_2141 : vector<64x128xf32>
    %integer_pow3A_2143 = arith.mulf %sub3A_2142, %sub3A_2142 : vector<64x128xf32>
    %add3A_2144 = arith.addf %add3A_2139, %integer_pow3A_2143 : vector<64x128xf32>
    %le3A_2145 = arith.constant 4.000000e-02 : f32
    %le3A_2146 = vector.broadcast %le3A_2145 : f32 to vector<64x128xf32>
    %le3A_2147 = arith.cmpf ole, %add3A_2144, %le3A_2146 : vector<64x128xf32>
    %add3A_2148 = arith.constant 0x4975A400 : f32
    %add3A_2149 = vector.broadcast %add3A_2148 : f32 to vector<64x128xf32>
    %add3A_2150 = arith.addf %add3A_2149, %convert_element_type3A : vector<64x128xf32>
    %select_n3A_2151 = arith.select %le3A_2147, %add3A_2144, %add3A_2150 : vector<64x128xi1>, vector<64x128xf32>
    %swap3A_2152 = arith.constant 0 : index
    %swap3A_2153 = arith.constant 6144 : index
    %swap3A_2154 = vector.load %arg5[%swap3A_2152, %swap3A_2153] : memref<64x8192xf32, #tpu.memory_space<vmem>>, vector<64x128xf32>
    tpu.vector_store %arg5[%swap3A_2152, %swap3A_2153], %select_n3A_2151 {strides = array<i32>} : memref<64x8192xf32, #tpu.memory_space<vmem>>, vector<64x128xf32>,
    %lt3A_2155 = arith.cmpf olt, %select_n3A_2151, %select_n3A_2115 : vector<64x128xf32>
    %jit3A_2156 = arith.constant 48 : i32
    %broadcast_in_dim3A_2157 = vector.broadcast %jit3A_2156 : i32 to vector<64x128xi32>
    %select_n3A_2158 = arith.select %lt3A_2155, %broadcast_in_dim3A_2157, %select_n3A_2114 : vector<64x128xi1>, vector<64x128xi32>
    %select_n3A_2159 = arith.select %lt3A_2155, %select_n3A_2151, %select_n3A_2115 : vector<64x128xi1>, vector<64x128xf32>
    %get3A_2160 = arith.constant 0 : index
    %get3A_2161 = arith.constant 0 : index
    %get3A_2162 = arith.constant 6272 : index
    %get3A_2163 = vector.load %arg2[%get3A_2160, %get3A_2161, %get3A_2162] : memref<1x3x8192xf32, #tpu.memory_space<vmem>>, vector<1x1x128xf32>
    %get3A_2164 = vector.shape_cast %get3A_2163 : vector<1x1x128xf32> to vector<1x128xf32>
    %get3A_2165 = arith.constant 0 : index
    %get3A_2166 = arith.constant 1 : index
    %get3A_2167 = arith.constant 6272 : index
    %get3A_2168 = vector.load %arg2[%get3A_2165, %get3A_2166, %get3A_2167] : memref<1x3x8192xf32, #tpu.memory_space<vmem>>, vector<1x1x128xf32>
    %get3A_2169 = vector.shape_cast %get3A_2168 : vector<1x1x128xf32> to vector<1x128xf32>
    %get3A_2170 = arith.constant 0 : index
    %get3A_2171 = arith.constant 2 : index
    %get3A_2172 = arith.constant 6272 : index
    %get3A_2173 = vector.load %arg2[%get3A_2170, %get3A_2171, %get3A_2172] : memref<1x3x8192xf32, #tpu.memory_space<vmem>>, vector<1x1x128xf32>
    %get3A_2174 = vector.shape_cast %get3A_2173 : vector<1x1x128xf32> to vector<1x128xf32>
    %sub3A_2175 = vector.broadcast %get3A_1 : vector<64x1xf32> to vector<64x128xf32>
    %sub3A_2176 = vector.broadcast %get3A_2164 : vector<1x128xf32> to vector<64x128xf32>
    %sub3A_2177 = arith.subf %sub3A_2175, %sub3A_2176 : vector<64x128xf32>
    %integer_pow3A_2178 = arith.mulf %sub3A_2177, %sub3A_2177 : vector<64x128xf32>
    %sub3A_2179 = vector.broadcast %get3A_4 : vector<64x1xf32> to vector<64x128xf32>
    %sub3A_2180 = vector.broadcast %get3A_2169 : vector<1x128xf32> to vector<64x128xf32>
    %sub3A_2181 = arith.subf %sub3A_2179, %sub3A_2180 : vector<64x128xf32>
    %integer_pow3A_2182 = arith.mulf %sub3A_2181, %sub3A_2181 : vector<64x128xf32>
    %add3A_2183 = arith.addf %integer_pow3A_2178, %integer_pow3A_2182 : vector<64x128xf32>
    %sub3A_2184 = vector.broadcast %get3A_7 : vector<64x1xf32> to vector<64x128xf32>
    %sub3A_2185 = vector.broadcast %get3A_2174 : vector<1x128xf32> to vector<64x128xf32>
    %sub3A_2186 = arith.subf %sub3A_2184, %sub3A_2185 : vector<64x128xf32>
    %integer_pow3A_2187 = arith.mulf %sub3A_2186, %sub3A_2186 : vector<64x128xf32>
    %add3A_2188 = arith.addf %add3A_2183, %integer_pow3A_2187 : vector<64x128xf32>
    %le3A_2189 = arith.constant 4.000000e-02 : f32
    %le3A_2190 = vector.broadcast %le3A_2189 : f32 to vector<64x128xf32>
    %le3A_2191 = arith.cmpf ole, %add3A_2188, %le3A_2190 : vector<64x128xf32>
    %add3A_2192 = arith.constant 0x4975AC00 : f32
    %add3A_2193 = vector.broadcast %add3A_2192 : f32 to vector<64x128xf32>
    %add3A_2194 = arith.addf %add3A_2193, %convert_element_type3A : vector<64x128xf32>
    %select_n3A_2195 = arith.select %le3A_2191, %add3A_2188, %add3A_2194 : vector<64x128xi1>, vector<64x128xf32>
    %swap3A_2196 = arith.constant 0 : index
    %swap3A_2197 = arith.constant 6272 : index
    %swap3A_2198 = vector.load %arg5[%swap3A_2196, %swap3A_2197] : memref<64x8192xf32, #tpu.memory_space<vmem>>, vector<64x128xf32>
    tpu.vector_store %arg5[%swap3A_2196, %swap3A_2197], %select_n3A_2195 {strides = array<i32>} : memref<64x8192xf32, #tpu.memory_space<vmem>>, vector<64x128xf32>,
    %lt3A_2199 = arith.cmpf olt, %select_n3A_2195, %select_n3A_2159 : vector<64x128xf32>
    %jit3A_2200 = arith.constant 49 : i32
    %broadcast_in_dim3A_2201 = vector.broadcast %jit3A_2200 : i32 to vector<64x128xi32>
    %select_n3A_2202 = arith.select %lt3A_2199, %broadcast_in_dim3A_2201, %select_n3A_2158 : vector<64x128xi1>, vector<64x128xi32>
    %select_n3A_2203 = arith.select %lt3A_2199, %select_n3A_2195, %select_n3A_2159 : vector<64x128xi1>, vector<64x128xf32>
    %get3A_2204 = arith.constant 0 : index
    %get3A_2205 = arith.constant 0 : index
    %get3A_2206 = arith.constant 6400 : index
    %get3A_2207 = vector.load %arg2[%get3A_2204, %get3A_2205, %get3A_2206] : memref<1x3x8192xf32, #tpu.memory_space<vmem>>, vector<1x1x128xf32>
    %get3A_2208 = vector.shape_cast %get3A_2207 : vector<1x1x128xf32> to vector<1x128xf32>
    %get3A_2209 = arith.constant 0 : index
    %get3A_2210 = arith.constant 1 : index
    %get3A_2211 = arith.constant 6400 : index
    %get3A_2212 = vector.load %arg2[%get3A_2209, %get3A_2210, %get3A_2211] : memref<1x3x8192xf32, #tpu.memory_space<vmem>>, vector<1x1x128xf32>
    %get3A_2213 = vector.shape_cast %get3A_2212 : vector<1x1x128xf32> to vector<1x128xf32>
    %get3A_2214 = arith.constant 0 : index
    %get3A_2215 = arith.constant 2 : index
    %get3A_2216 = arith.constant 6400 : index
    %get3A_2217 = vector.load %arg2[%get3A_2214, %get3A_2215, %get3A_2216] : memref<1x3x8192xf32, #tpu.memory_space<vmem>>, vector<1x1x128xf32>
    %get3A_2218 = vector.shape_cast %get3A_2217 : vector<1x1x128xf32> to vector<1x128xf32>
    %sub3A_2219 = vector.broadcast %get3A_1 : vector<64x1xf32> to vector<64x128xf32>
    %sub3A_2220 = vector.broadcast %get3A_2208 : vector<1x128xf32> to vector<64x128xf32>
    %sub3A_2221 = arith.subf %sub3A_2219, %sub3A_2220 : vector<64x128xf32>
    %integer_pow3A_2222 = arith.mulf %sub3A_2221, %sub3A_2221 : vector<64x128xf32>
    %sub3A_2223 = vector.broadcast %get3A_4 : vector<64x1xf32> to vector<64x128xf32>
    %sub3A_2224 = vector.broadcast %get3A_2213 : vector<1x128xf32> to vector<64x128xf32>
    %sub3A_2225 = arith.subf %sub3A_2223, %sub3A_2224 : vector<64x128xf32>
    %integer_pow3A_2226 = arith.mulf %sub3A_2225, %sub3A_2225 : vector<64x128xf32>
    %add3A_2227 = arith.addf %integer_pow3A_2222, %integer_pow3A_2226 : vector<64x128xf32>
    %sub3A_2228 = vector.broadcast %get3A_7 : vector<64x1xf32> to vector<64x128xf32>
    %sub3A_2229 = vector.broadcast %get3A_2218 : vector<1x128xf32> to vector<64x128xf32>
    %sub3A_2230 = arith.subf %sub3A_2228, %sub3A_2229 : vector<64x128xf32>
    %integer_pow3A_2231 = arith.mulf %sub3A_2230, %sub3A_2230 : vector<64x128xf32>
    %add3A_2232 = arith.addf %add3A_2227, %integer_pow3A_2231 : vector<64x128xf32>
    %le3A_2233 = arith.constant 4.000000e-02 : f32
    %le3A_2234 = vector.broadcast %le3A_2233 : f32 to vector<64x128xf32>
    %le3A_2235 = arith.cmpf ole, %add3A_2232, %le3A_2234 : vector<64x128xf32>
    %add3A_2236 = arith.constant 1.006400e+06 : f32
    %add3A_2237 = vector.broadcast %add3A_2236 : f32 to vector<64x128xf32>
    %add3A_2238 = arith.addf %add3A_2237, %convert_element_type3A : vector<64x128xf32>
    %select_n3A_2239 = arith.select %le3A_2235, %add3A_2232, %add3A_2238 : vector<64x128xi1>, vector<64x128xf32>
    %swap3A_2240 = arith.constant 0 : index
    %swap3A_2241 = arith.constant 6400 : index
    %swap3A_2242 = vector.load %arg5[%swap3A_2240, %swap3A_2241] : memref<64x8192xf32, #tpu.memory_space<vmem>>, vector<64x128xf32>
    tpu.vector_store %arg5[%swap3A_2240, %swap3A_2241], %select_n3A_2239 {strides = array<i32>} : memref<64x8192xf32, #tpu.memory_space<vmem>>, vector<64x128xf32>,
    %lt3A_2243 = arith.cmpf olt, %select_n3A_2239, %select_n3A_2203 : vector<64x128xf32>
    %jit3A_2244 = arith.constant 50 : i32
    %broadcast_in_dim3A_2245 = vector.broadcast %jit3A_2244 : i32 to vector<64x128xi32>
    %select_n3A_2246 = arith.select %lt3A_2243, %broadcast_in_dim3A_2245, %select_n3A_2202 : vector<64x128xi1>, vector<64x128xi32>
    %select_n3A_2247 = arith.select %lt3A_2243, %select_n3A_2239, %select_n3A_2203 : vector<64x128xi1>, vector<64x128xf32>
    %get3A_2248 = arith.constant 0 : index
    %get3A_2249 = arith.constant 0 : index
    %get3A_2250 = arith.constant 6528 : index
    %get3A_2251 = vector.load %arg2[%get3A_2248, %get3A_2249, %get3A_2250] : memref<1x3x8192xf32, #tpu.memory_space<vmem>>, vector<1x1x128xf32>
    %get3A_2252 = vector.shape_cast %get3A_2251 : vector<1x1x128xf32> to vector<1x128xf32>
    %get3A_2253 = arith.constant 0 : index
    %get3A_2254 = arith.constant 1 : index
    %get3A_2255 = arith.constant 6528 : index
    %get3A_2256 = vector.load %arg2[%get3A_2253, %get3A_2254, %get3A_2255] : memref<1x3x8192xf32, #tpu.memory_space<vmem>>, vector<1x1x128xf32>
    %get3A_2257 = vector.shape_cast %get3A_2256 : vector<1x1x128xf32> to vector<1x128xf32>
    %get3A_2258 = arith.constant 0 : index
    %get3A_2259 = arith.constant 2 : index
    %get3A_2260 = arith.constant 6528 : index
    %get3A_2261 = vector.load %arg2[%get3A_2258, %get3A_2259, %get3A_2260] : memref<1x3x8192xf32, #tpu.memory_space<vmem>>, vector<1x1x128xf32>
    %get3A_2262 = vector.shape_cast %get3A_2261 : vector<1x1x128xf32> to vector<1x128xf32>
    %sub3A_2263 = vector.broadcast %get3A_1 : vector<64x1xf32> to vector<64x128xf32>
    %sub3A_2264 = vector.broadcast %get3A_2252 : vector<1x128xf32> to vector<64x128xf32>
    %sub3A_2265 = arith.subf %sub3A_2263, %sub3A_2264 : vector<64x128xf32>
    %integer_pow3A_2266 = arith.mulf %sub3A_2265, %sub3A_2265 : vector<64x128xf32>
    %sub3A_2267 = vector.broadcast %get3A_4 : vector<64x1xf32> to vector<64x128xf32>
    %sub3A_2268 = vector.broadcast %get3A_2257 : vector<1x128xf32> to vector<64x128xf32>
    %sub3A_2269 = arith.subf %sub3A_2267, %sub3A_2268 : vector<64x128xf32>
    %integer_pow3A_2270 = arith.mulf %sub3A_2269, %sub3A_2269 : vector<64x128xf32>
    %add3A_2271 = arith.addf %integer_pow3A_2266, %integer_pow3A_2270 : vector<64x128xf32>
    %sub3A_2272 = vector.broadcast %get3A_7 : vector<64x1xf32> to vector<64x128xf32>
    %sub3A_2273 = vector.broadcast %get3A_2262 : vector<1x128xf32> to vector<64x128xf32>
    %sub3A_2274 = arith.subf %sub3A_2272, %sub3A_2273 : vector<64x128xf32>
    %integer_pow3A_2275 = arith.mulf %sub3A_2274, %sub3A_2274 : vector<64x128xf32>
    %add3A_2276 = arith.addf %add3A_2271, %integer_pow3A_2275 : vector<64x128xf32>
    %le3A_2277 = arith.constant 4.000000e-02 : f32
    %le3A_2278 = vector.broadcast %le3A_2277 : f32 to vector<64x128xf32>
    %le3A_2279 = arith.cmpf ole, %add3A_2276, %le3A_2278 : vector<64x128xf32>
    %add3A_2280 = arith.constant 0x4975BC00 : f32
    %add3A_2281 = vector.broadcast %add3A_2280 : f32 to vector<64x128xf32>
    %add3A_2282 = arith.addf %add3A_2281, %convert_element_type3A : vector<64x128xf32>
    %select_n3A_2283 = arith.select %le3A_2279, %add3A_2276, %add3A_2282 : vector<64x128xi1>, vector<64x128xf32>
    %swap3A_2284 = arith.constant 0 : index
    %swap3A_2285 = arith.constant 6528 : index
    %swap3A_2286 = vector.load %arg5[%swap3A_2284, %swap3A_2285] : memref<64x8192xf32, #tpu.memory_space<vmem>>, vector<64x128xf32>
    tpu.vector_store %arg5[%swap3A_2284, %swap3A_2285], %select_n3A_2283 {strides = array<i32>} : memref<64x8192xf32, #tpu.memory_space<vmem>>, vector<64x128xf32>,
    %lt3A_2287 = arith.cmpf olt, %select_n3A_2283, %select_n3A_2247 : vector<64x128xf32>
    %jit3A_2288 = arith.constant 51 : i32
    %broadcast_in_dim3A_2289 = vector.broadcast %jit3A_2288 : i32 to vector<64x128xi32>
    %select_n3A_2290 = arith.select %lt3A_2287, %broadcast_in_dim3A_2289, %select_n3A_2246 : vector<64x128xi1>, vector<64x128xi32>
    %select_n3A_2291 = arith.select %lt3A_2287, %select_n3A_2283, %select_n3A_2247 : vector<64x128xi1>, vector<64x128xf32>
    %get3A_2292 = arith.constant 0 : index
    %get3A_2293 = arith.constant 0 : index
    %get3A_2294 = arith.constant 6656 : index
    %get3A_2295 = vector.load %arg2[%get3A_2292, %get3A_2293, %get3A_2294] : memref<1x3x8192xf32, #tpu.memory_space<vmem>>, vector<1x1x128xf32>
    %get3A_2296 = vector.shape_cast %get3A_2295 : vector<1x1x128xf32> to vector<1x128xf32>
    %get3A_2297 = arith.constant 0 : index
    %get3A_2298 = arith.constant 1 : index
    %get3A_2299 = arith.constant 6656 : index
    %get3A_2300 = vector.load %arg2[%get3A_2297, %get3A_2298, %get3A_2299] : memref<1x3x8192xf32, #tpu.memory_space<vmem>>, vector<1x1x128xf32>
    %get3A_2301 = vector.shape_cast %get3A_2300 : vector<1x1x128xf32> to vector<1x128xf32>
    %get3A_2302 = arith.constant 0 : index
    %get3A_2303 = arith.constant 2 : index
    %get3A_2304 = arith.constant 6656 : index
    %get3A_2305 = vector.load %arg2[%get3A_2302, %get3A_2303, %get3A_2304] : memref<1x3x8192xf32, #tpu.memory_space<vmem>>, vector<1x1x128xf32>
    %get3A_2306 = vector.shape_cast %get3A_2305 : vector<1x1x128xf32> to vector<1x128xf32>
    %sub3A_2307 = vector.broadcast %get3A_1 : vector<64x1xf32> to vector<64x128xf32>
    %sub3A_2308 = vector.broadcast %get3A_2296 : vector<1x128xf32> to vector<64x128xf32>
    %sub3A_2309 = arith.subf %sub3A_2307, %sub3A_2308 : vector<64x128xf32>
    %integer_pow3A_2310 = arith.mulf %sub3A_2309, %sub3A_2309 : vector<64x128xf32>
    %sub3A_2311 = vector.broadcast %get3A_4 : vector<64x1xf32> to vector<64x128xf32>
    %sub3A_2312 = vector.broadcast %get3A_2301 : vector<1x128xf32> to vector<64x128xf32>
    %sub3A_2313 = arith.subf %sub3A_2311, %sub3A_2312 : vector<64x128xf32>
    %integer_pow3A_2314 = arith.mulf %sub3A_2313, %sub3A_2313 : vector<64x128xf32>
    %add3A_2315 = arith.addf %integer_pow3A_2310, %integer_pow3A_2314 : vector<64x128xf32>
    %sub3A_2316 = vector.broadcast %get3A_7 : vector<64x1xf32> to vector<64x128xf32>
    %sub3A_2317 = vector.broadcast %get3A_2306 : vector<1x128xf32> to vector<64x128xf32>
    %sub3A_2318 = arith.subf %sub3A_2316, %sub3A_2317 : vector<64x128xf32>
    %integer_pow3A_2319 = arith.mulf %sub3A_2318, %sub3A_2318 : vector<64x128xf32>
    %add3A_2320 = arith.addf %add3A_2315, %integer_pow3A_2319 : vector<64x128xf32>
    %le3A_2321 = arith.constant 4.000000e-02 : f32
    %le3A_2322 = vector.broadcast %le3A_2321 : f32 to vector<64x128xf32>
    %le3A_2323 = arith.cmpf ole, %add3A_2320, %le3A_2322 : vector<64x128xf32>
    %add3A_2324 = arith.constant 0x4975C400 : f32
    %add3A_2325 = vector.broadcast %add3A_2324 : f32 to vector<64x128xf32>
    %add3A_2326 = arith.addf %add3A_2325, %convert_element_type3A : vector<64x128xf32>
    %select_n3A_2327 = arith.select %le3A_2323, %add3A_2320, %add3A_2326 : vector<64x128xi1>, vector<64x128xf32>
    %swap3A_2328 = arith.constant 0 : index
    %swap3A_2329 = arith.constant 6656 : index
    %swap3A_2330 = vector.load %arg5[%swap3A_2328, %swap3A_2329] : memref<64x8192xf32, #tpu.memory_space<vmem>>, vector<64x128xf32>
    tpu.vector_store %arg5[%swap3A_2328, %swap3A_2329], %select_n3A_2327 {strides = array<i32>} : memref<64x8192xf32, #tpu.memory_space<vmem>>, vector<64x128xf32>,
    %lt3A_2331 = arith.cmpf olt, %select_n3A_2327, %select_n3A_2291 : vector<64x128xf32>
    %jit3A_2332 = arith.constant 52 : i32
    %broadcast_in_dim3A_2333 = vector.broadcast %jit3A_2332 : i32 to vector<64x128xi32>
    %select_n3A_2334 = arith.select %lt3A_2331, %broadcast_in_dim3A_2333, %select_n3A_2290 : vector<64x128xi1>, vector<64x128xi32>
    %select_n3A_2335 = arith.select %lt3A_2331, %select_n3A_2327, %select_n3A_2291 : vector<64x128xi1>, vector<64x128xf32>
    %get3A_2336 = arith.constant 0 : index
    %get3A_2337 = arith.constant 0 : index
    %get3A_2338 = arith.constant 6784 : index
    %get3A_2339 = vector.load %arg2[%get3A_2336, %get3A_2337, %get3A_2338] : memref<1x3x8192xf32, #tpu.memory_space<vmem>>, vector<1x1x128xf32>
    %get3A_2340 = vector.shape_cast %get3A_2339 : vector<1x1x128xf32> to vector<1x128xf32>
    %get3A_2341 = arith.constant 0 : index
    %get3A_2342 = arith.constant 1 : index
    %get3A_2343 = arith.constant 6784 : index
    %get3A_2344 = vector.load %arg2[%get3A_2341, %get3A_2342, %get3A_2343] : memref<1x3x8192xf32, #tpu.memory_space<vmem>>, vector<1x1x128xf32>
    %get3A_2345 = vector.shape_cast %get3A_2344 : vector<1x1x128xf32> to vector<1x128xf32>
    %get3A_2346 = arith.constant 0 : index
    %get3A_2347 = arith.constant 2 : index
    %get3A_2348 = arith.constant 6784 : index
    %get3A_2349 = vector.load %arg2[%get3A_2346, %get3A_2347, %get3A_2348] : memref<1x3x8192xf32, #tpu.memory_space<vmem>>, vector<1x1x128xf32>
    %get3A_2350 = vector.shape_cast %get3A_2349 : vector<1x1x128xf32> to vector<1x128xf32>
    %sub3A_2351 = vector.broadcast %get3A_1 : vector<64x1xf32> to vector<64x128xf32>
    %sub3A_2352 = vector.broadcast %get3A_2340 : vector<1x128xf32> to vector<64x128xf32>
    %sub3A_2353 = arith.subf %sub3A_2351, %sub3A_2352 : vector<64x128xf32>
    %integer_pow3A_2354 = arith.mulf %sub3A_2353, %sub3A_2353 : vector<64x128xf32>
    %sub3A_2355 = vector.broadcast %get3A_4 : vector<64x1xf32> to vector<64x128xf32>
    %sub3A_2356 = vector.broadcast %get3A_2345 : vector<1x128xf32> to vector<64x128xf32>
    %sub3A_2357 = arith.subf %sub3A_2355, %sub3A_2356 : vector<64x128xf32>
    %integer_pow3A_2358 = arith.mulf %sub3A_2357, %sub3A_2357 : vector<64x128xf32>
    %add3A_2359 = arith.addf %integer_pow3A_2354, %integer_pow3A_2358 : vector<64x128xf32>
    %sub3A_2360 = vector.broadcast %get3A_7 : vector<64x1xf32> to vector<64x128xf32>
    %sub3A_2361 = vector.broadcast %get3A_2350 : vector<1x128xf32> to vector<64x128xf32>
    %sub3A_2362 = arith.subf %sub3A_2360, %sub3A_2361 : vector<64x128xf32>
    %integer_pow3A_2363 = arith.mulf %sub3A_2362, %sub3A_2362 : vector<64x128xf32>
    %add3A_2364 = arith.addf %add3A_2359, %integer_pow3A_2363 : vector<64x128xf32>
    %le3A_2365 = arith.constant 4.000000e-02 : f32
    %le3A_2366 = vector.broadcast %le3A_2365 : f32 to vector<64x128xf32>
    %le3A_2367 = arith.cmpf ole, %add3A_2364, %le3A_2366 : vector<64x128xf32>
    %add3A_2368 = arith.constant 0x4975CC00 : f32
    %add3A_2369 = vector.broadcast %add3A_2368 : f32 to vector<64x128xf32>
    %add3A_2370 = arith.addf %add3A_2369, %convert_element_type3A : vector<64x128xf32>
    %select_n3A_2371 = arith.select %le3A_2367, %add3A_2364, %add3A_2370 : vector<64x128xi1>, vector<64x128xf32>
    %swap3A_2372 = arith.constant 0 : index
    %swap3A_2373 = arith.constant 6784 : index
    %swap3A_2374 = vector.load %arg5[%swap3A_2372, %swap3A_2373] : memref<64x8192xf32, #tpu.memory_space<vmem>>, vector<64x128xf32>
    tpu.vector_store %arg5[%swap3A_2372, %swap3A_2373], %select_n3A_2371 {strides = array<i32>} : memref<64x8192xf32, #tpu.memory_space<vmem>>, vector<64x128xf32>,
    %lt3A_2375 = arith.cmpf olt, %select_n3A_2371, %select_n3A_2335 : vector<64x128xf32>
    %jit3A_2376 = arith.constant 53 : i32
    %broadcast_in_dim3A_2377 = vector.broadcast %jit3A_2376 : i32 to vector<64x128xi32>
    %select_n3A_2378 = arith.select %lt3A_2375, %broadcast_in_dim3A_2377, %select_n3A_2334 : vector<64x128xi1>, vector<64x128xi32>
    %select_n3A_2379 = arith.select %lt3A_2375, %select_n3A_2371, %select_n3A_2335 : vector<64x128xi1>, vector<64x128xf32>
    %get3A_2380 = arith.constant 0 : index
    %get3A_2381 = arith.constant 0 : index
    %get3A_2382 = arith.constant 6912 : index
    %get3A_2383 = vector.load %arg2[%get3A_2380, %get3A_2381, %get3A_2382] : memref<1x3x8192xf32, #tpu.memory_space<vmem>>, vector<1x1x128xf32>
    %get3A_2384 = vector.shape_cast %get3A_2383 : vector<1x1x128xf32> to vector<1x128xf32>
    %get3A_2385 = arith.constant 0 : index
    %get3A_2386 = arith.constant 1 : index
    %get3A_2387 = arith.constant 6912 : index
    %get3A_2388 = vector.load %arg2[%get3A_2385, %get3A_2386, %get3A_2387] : memref<1x3x8192xf32, #tpu.memory_space<vmem>>, vector<1x1x128xf32>
    %get3A_2389 = vector.shape_cast %get3A_2388 : vector<1x1x128xf32> to vector<1x128xf32>
    %get3A_2390 = arith.constant 0 : index
    %get3A_2391 = arith.constant 2 : index
    %get3A_2392 = arith.constant 6912 : index
    %get3A_2393 = vector.load %arg2[%get3A_2390, %get3A_2391, %get3A_2392] : memref<1x3x8192xf32, #tpu.memory_space<vmem>>, vector<1x1x128xf32>
    %get3A_2394 = vector.shape_cast %get3A_2393 : vector<1x1x128xf32> to vector<1x128xf32>
    %sub3A_2395 = vector.broadcast %get3A_1 : vector<64x1xf32> to vector<64x128xf32>
    %sub3A_2396 = vector.broadcast %get3A_2384 : vector<1x128xf32> to vector<64x128xf32>
    %sub3A_2397 = arith.subf %sub3A_2395, %sub3A_2396 : vector<64x128xf32>
    %integer_pow3A_2398 = arith.mulf %sub3A_2397, %sub3A_2397 : vector<64x128xf32>
    %sub3A_2399 = vector.broadcast %get3A_4 : vector<64x1xf32> to vector<64x128xf32>
    %sub3A_2400 = vector.broadcast %get3A_2389 : vector<1x128xf32> to vector<64x128xf32>
    %sub3A_2401 = arith.subf %sub3A_2399, %sub3A_2400 : vector<64x128xf32>
    %integer_pow3A_2402 = arith.mulf %sub3A_2401, %sub3A_2401 : vector<64x128xf32>
    %add3A_2403 = arith.addf %integer_pow3A_2398, %integer_pow3A_2402 : vector<64x128xf32>
    %sub3A_2404 = vector.broadcast %get3A_7 : vector<64x1xf32> to vector<64x128xf32>
    %sub3A_2405 = vector.broadcast %get3A_2394 : vector<1x128xf32> to vector<64x128xf32>
    %sub3A_2406 = arith.subf %sub3A_2404, %sub3A_2405 : vector<64x128xf32>
    %integer_pow3A_2407 = arith.mulf %sub3A_2406, %sub3A_2406 : vector<64x128xf32>
    %add3A_2408 = arith.addf %add3A_2403, %integer_pow3A_2407 : vector<64x128xf32>
    %le3A_2409 = arith.constant 4.000000e-02 : f32
    %le3A_2410 = vector.broadcast %le3A_2409 : f32 to vector<64x128xf32>
    %le3A_2411 = arith.cmpf ole, %add3A_2408, %le3A_2410 : vector<64x128xf32>
    %add3A_2412 = arith.constant 0x4975D400 : f32
    %add3A_2413 = vector.broadcast %add3A_2412 : f32 to vector<64x128xf32>
    %add3A_2414 = arith.addf %add3A_2413, %convert_element_type3A : vector<64x128xf32>
    %select_n3A_2415 = arith.select %le3A_2411, %add3A_2408, %add3A_2414 : vector<64x128xi1>, vector<64x128xf32>
    %swap3A_2416 = arith.constant 0 : index
    %swap3A_2417 = arith.constant 6912 : index
    %swap3A_2418 = vector.load %arg5[%swap3A_2416, %swap3A_2417] : memref<64x8192xf32, #tpu.memory_space<vmem>>, vector<64x128xf32>
    tpu.vector_store %arg5[%swap3A_2416, %swap3A_2417], %select_n3A_2415 {strides = array<i32>} : memref<64x8192xf32, #tpu.memory_space<vmem>>, vector<64x128xf32>,
    %lt3A_2419 = arith.cmpf olt, %select_n3A_2415, %select_n3A_2379 : vector<64x128xf32>
    %jit3A_2420 = arith.constant 54 : i32
    %broadcast_in_dim3A_2421 = vector.broadcast %jit3A_2420 : i32 to vector<64x128xi32>
    %select_n3A_2422 = arith.select %lt3A_2419, %broadcast_in_dim3A_2421, %select_n3A_2378 : vector<64x128xi1>, vector<64x128xi32>
    %select_n3A_2423 = arith.select %lt3A_2419, %select_n3A_2415, %select_n3A_2379 : vector<64x128xi1>, vector<64x128xf32>
    %get3A_2424 = arith.constant 0 : index
    %get3A_2425 = arith.constant 0 : index
    %get3A_2426 = arith.constant 7040 : index
    %get3A_2427 = vector.load %arg2[%get3A_2424, %get3A_2425, %get3A_2426] : memref<1x3x8192xf32, #tpu.memory_space<vmem>>, vector<1x1x128xf32>
    %get3A_2428 = vector.shape_cast %get3A_2427 : vector<1x1x128xf32> to vector<1x128xf32>
    %get3A_2429 = arith.constant 0 : index
    %get3A_2430 = arith.constant 1 : index
    %get3A_2431 = arith.constant 7040 : index
    %get3A_2432 = vector.load %arg2[%get3A_2429, %get3A_2430, %get3A_2431] : memref<1x3x8192xf32, #tpu.memory_space<vmem>>, vector<1x1x128xf32>
    %get3A_2433 = vector.shape_cast %get3A_2432 : vector<1x1x128xf32> to vector<1x128xf32>
    %get3A_2434 = arith.constant 0 : index
    %get3A_2435 = arith.constant 2 : index
    %get3A_2436 = arith.constant 7040 : index
    %get3A_2437 = vector.load %arg2[%get3A_2434, %get3A_2435, %get3A_2436] : memref<1x3x8192xf32, #tpu.memory_space<vmem>>, vector<1x1x128xf32>
    %get3A_2438 = vector.shape_cast %get3A_2437 : vector<1x1x128xf32> to vector<1x128xf32>
    %sub3A_2439 = vector.broadcast %get3A_1 : vector<64x1xf32> to vector<64x128xf32>
    %sub3A_2440 = vector.broadcast %get3A_2428 : vector<1x128xf32> to vector<64x128xf32>
    %sub3A_2441 = arith.subf %sub3A_2439, %sub3A_2440 : vector<64x128xf32>
    %integer_pow3A_2442 = arith.mulf %sub3A_2441, %sub3A_2441 : vector<64x128xf32>
    %sub3A_2443 = vector.broadcast %get3A_4 : vector<64x1xf32> to vector<64x128xf32>
    %sub3A_2444 = vector.broadcast %get3A_2433 : vector<1x128xf32> to vector<64x128xf32>
    %sub3A_2445 = arith.subf %sub3A_2443, %sub3A_2444 : vector<64x128xf32>
    %integer_pow3A_2446 = arith.mulf %sub3A_2445, %sub3A_2445 : vector<64x128xf32>
    %add3A_2447 = arith.addf %integer_pow3A_2442, %integer_pow3A_2446 : vector<64x128xf32>
    %sub3A_2448 = vector.broadcast %get3A_7 : vector<64x1xf32> to vector<64x128xf32>
    %sub3A_2449 = vector.broadcast %get3A_2438 : vector<1x128xf32> to vector<64x128xf32>
    %sub3A_2450 = arith.subf %sub3A_2448, %sub3A_2449 : vector<64x128xf32>
    %integer_pow3A_2451 = arith.mulf %sub3A_2450, %sub3A_2450 : vector<64x128xf32>
    %add3A_2452 = arith.addf %add3A_2447, %integer_pow3A_2451 : vector<64x128xf32>
    %le3A_2453 = arith.constant 4.000000e-02 : f32
    %le3A_2454 = vector.broadcast %le3A_2453 : f32 to vector<64x128xf32>
    %le3A_2455 = arith.cmpf ole, %add3A_2452, %le3A_2454 : vector<64x128xf32>
    %add3A_2456 = arith.constant 1.007040e+06 : f32
    %add3A_2457 = vector.broadcast %add3A_2456 : f32 to vector<64x128xf32>
    %add3A_2458 = arith.addf %add3A_2457, %convert_element_type3A : vector<64x128xf32>
    %select_n3A_2459 = arith.select %le3A_2455, %add3A_2452, %add3A_2458 : vector<64x128xi1>, vector<64x128xf32>
    %swap3A_2460 = arith.constant 0 : index
    %swap3A_2461 = arith.constant 7040 : index
    %swap3A_2462 = vector.load %arg5[%swap3A_2460, %swap3A_2461] : memref<64x8192xf32, #tpu.memory_space<vmem>>, vector<64x128xf32>
    tpu.vector_store %arg5[%swap3A_2460, %swap3A_2461], %select_n3A_2459 {strides = array<i32>} : memref<64x8192xf32, #tpu.memory_space<vmem>>, vector<64x128xf32>,
    %lt3A_2463 = arith.cmpf olt, %select_n3A_2459, %select_n3A_2423 : vector<64x128xf32>
    %jit3A_2464 = arith.constant 55 : i32
    %broadcast_in_dim3A_2465 = vector.broadcast %jit3A_2464 : i32 to vector<64x128xi32>
    %select_n3A_2466 = arith.select %lt3A_2463, %broadcast_in_dim3A_2465, %select_n3A_2422 : vector<64x128xi1>, vector<64x128xi32>
    %select_n3A_2467 = arith.select %lt3A_2463, %select_n3A_2459, %select_n3A_2423 : vector<64x128xi1>, vector<64x128xf32>
    %get3A_2468 = arith.constant 0 : index
    %get3A_2469 = arith.constant 0 : index
    %get3A_2470 = arith.constant 7168 : index
    %get3A_2471 = vector.load %arg2[%get3A_2468, %get3A_2469, %get3A_2470] : memref<1x3x8192xf32, #tpu.memory_space<vmem>>, vector<1x1x128xf32>
    %get3A_2472 = vector.shape_cast %get3A_2471 : vector<1x1x128xf32> to vector<1x128xf32>
    %get3A_2473 = arith.constant 0 : index
    %get3A_2474 = arith.constant 1 : index
    %get3A_2475 = arith.constant 7168 : index
    %get3A_2476 = vector.load %arg2[%get3A_2473, %get3A_2474, %get3A_2475] : memref<1x3x8192xf32, #tpu.memory_space<vmem>>, vector<1x1x128xf32>
    %get3A_2477 = vector.shape_cast %get3A_2476 : vector<1x1x128xf32> to vector<1x128xf32>
    %get3A_2478 = arith.constant 0 : index
    %get3A_2479 = arith.constant 2 : index
    %get3A_2480 = arith.constant 7168 : index
    %get3A_2481 = vector.load %arg2[%get3A_2478, %get3A_2479, %get3A_2480] : memref<1x3x8192xf32, #tpu.memory_space<vmem>>, vector<1x1x128xf32>
    %get3A_2482 = vector.shape_cast %get3A_2481 : vector<1x1x128xf32> to vector<1x128xf32>
    %sub3A_2483 = vector.broadcast %get3A_1 : vector<64x1xf32> to vector<64x128xf32>
    %sub3A_2484 = vector.broadcast %get3A_2472 : vector<1x128xf32> to vector<64x128xf32>
    %sub3A_2485 = arith.subf %sub3A_2483, %sub3A_2484 : vector<64x128xf32>
    %integer_pow3A_2486 = arith.mulf %sub3A_2485, %sub3A_2485 : vector<64x128xf32>
    %sub3A_2487 = vector.broadcast %get3A_4 : vector<64x1xf32> to vector<64x128xf32>
    %sub3A_2488 = vector.broadcast %get3A_2477 : vector<1x128xf32> to vector<64x128xf32>
    %sub3A_2489 = arith.subf %sub3A_2487, %sub3A_2488 : vector<64x128xf32>
    %integer_pow3A_2490 = arith.mulf %sub3A_2489, %sub3A_2489 : vector<64x128xf32>
    %add3A_2491 = arith.addf %integer_pow3A_2486, %integer_pow3A_2490 : vector<64x128xf32>
    %sub3A_2492 = vector.broadcast %get3A_7 : vector<64x1xf32> to vector<64x128xf32>
    %sub3A_2493 = vector.broadcast %get3A_2482 : vector<1x128xf32> to vector<64x128xf32>
    %sub3A_2494 = arith.subf %sub3A_2492, %sub3A_2493 : vector<64x128xf32>
    %integer_pow3A_2495 = arith.mulf %sub3A_2494, %sub3A_2494 : vector<64x128xf32>
    %add3A_2496 = arith.addf %add3A_2491, %integer_pow3A_2495 : vector<64x128xf32>
    %le3A_2497 = arith.constant 4.000000e-02 : f32
    %le3A_2498 = vector.broadcast %le3A_2497 : f32 to vector<64x128xf32>
    %le3A_2499 = arith.cmpf ole, %add3A_2496, %le3A_2498 : vector<64x128xf32>
    %add3A_2500 = arith.constant 0x4975E400 : f32
    %add3A_2501 = vector.broadcast %add3A_2500 : f32 to vector<64x128xf32>
    %add3A_2502 = arith.addf %add3A_2501, %convert_element_type3A : vector<64x128xf32>
    %select_n3A_2503 = arith.select %le3A_2499, %add3A_2496, %add3A_2502 : vector<64x128xi1>, vector<64x128xf32>
    %swap3A_2504 = arith.constant 0 : index
    %swap3A_2505 = arith.constant 7168 : index
    %swap3A_2506 = vector.load %arg5[%swap3A_2504, %swap3A_2505] : memref<64x8192xf32, #tpu.memory_space<vmem>>, vector<64x128xf32>
    tpu.vector_store %arg5[%swap3A_2504, %swap3A_2505], %select_n3A_2503 {strides = array<i32>} : memref<64x8192xf32, #tpu.memory_space<vmem>>, vector<64x128xf32>,
    %lt3A_2507 = arith.cmpf olt, %select_n3A_2503, %select_n3A_2467 : vector<64x128xf32>
    %jit3A_2508 = arith.constant 56 : i32
    %broadcast_in_dim3A_2509 = vector.broadcast %jit3A_2508 : i32 to vector<64x128xi32>
    %select_n3A_2510 = arith.select %lt3A_2507, %broadcast_in_dim3A_2509, %select_n3A_2466 : vector<64x128xi1>, vector<64x128xi32>
    %select_n3A_2511 = arith.select %lt3A_2507, %select_n3A_2503, %select_n3A_2467 : vector<64x128xi1>, vector<64x128xf32>
    %get3A_2512 = arith.constant 0 : index
    %get3A_2513 = arith.constant 0 : index
    %get3A_2514 = arith.constant 7296 : index
    %get3A_2515 = vector.load %arg2[%get3A_2512, %get3A_2513, %get3A_2514] : memref<1x3x8192xf32, #tpu.memory_space<vmem>>, vector<1x1x128xf32>
    %get3A_2516 = vector.shape_cast %get3A_2515 : vector<1x1x128xf32> to vector<1x128xf32>
    %get3A_2517 = arith.constant 0 : index
    %get3A_2518 = arith.constant 1 : index
    %get3A_2519 = arith.constant 7296 : index
    %get3A_2520 = vector.load %arg2[%get3A_2517, %get3A_2518, %get3A_2519] : memref<1x3x8192xf32, #tpu.memory_space<vmem>>, vector<1x1x128xf32>
    %get3A_2521 = vector.shape_cast %get3A_2520 : vector<1x1x128xf32> to vector<1x128xf32>
    %get3A_2522 = arith.constant 0 : index
    %get3A_2523 = arith.constant 2 : index
    %get3A_2524 = arith.constant 7296 : index
    %get3A_2525 = vector.load %arg2[%get3A_2522, %get3A_2523, %get3A_2524] : memref<1x3x8192xf32, #tpu.memory_space<vmem>>, vector<1x1x128xf32>
    %get3A_2526 = vector.shape_cast %get3A_2525 : vector<1x1x128xf32> to vector<1x128xf32>
    %sub3A_2527 = vector.broadcast %get3A_1 : vector<64x1xf32> to vector<64x128xf32>
    %sub3A_2528 = vector.broadcast %get3A_2516 : vector<1x128xf32> to vector<64x128xf32>
    %sub3A_2529 = arith.subf %sub3A_2527, %sub3A_2528 : vector<64x128xf32>
    %integer_pow3A_2530 = arith.mulf %sub3A_2529, %sub3A_2529 : vector<64x128xf32>
    %sub3A_2531 = vector.broadcast %get3A_4 : vector<64x1xf32> to vector<64x128xf32>
    %sub3A_2532 = vector.broadcast %get3A_2521 : vector<1x128xf32> to vector<64x128xf32>
    %sub3A_2533 = arith.subf %sub3A_2531, %sub3A_2532 : vector<64x128xf32>
    %integer_pow3A_2534 = arith.mulf %sub3A_2533, %sub3A_2533 : vector<64x128xf32>
    %add3A_2535 = arith.addf %integer_pow3A_2530, %integer_pow3A_2534 : vector<64x128xf32>
    %sub3A_2536 = vector.broadcast %get3A_7 : vector<64x1xf32> to vector<64x128xf32>
    %sub3A_2537 = vector.broadcast %get3A_2526 : vector<1x128xf32> to vector<64x128xf32>
    %sub3A_2538 = arith.subf %sub3A_2536, %sub3A_2537 : vector<64x128xf32>
    %integer_pow3A_2539 = arith.mulf %sub3A_2538, %sub3A_2538 : vector<64x128xf32>
    %add3A_2540 = arith.addf %add3A_2535, %integer_pow3A_2539 : vector<64x128xf32>
    %le3A_2541 = arith.constant 4.000000e-02 : f32
    %le3A_2542 = vector.broadcast %le3A_2541 : f32 to vector<64x128xf32>
    %le3A_2543 = arith.cmpf ole, %add3A_2540, %le3A_2542 : vector<64x128xf32>
    %add3A_2544 = arith.constant 0x4975EC00 : f32
    %add3A_2545 = vector.broadcast %add3A_2544 : f32 to vector<64x128xf32>
    %add3A_2546 = arith.addf %add3A_2545, %convert_element_type3A : vector<64x128xf32>
    %select_n3A_2547 = arith.select %le3A_2543, %add3A_2540, %add3A_2546 : vector<64x128xi1>, vector<64x128xf32>
    %swap3A_2548 = arith.constant 0 : index
    %swap3A_2549 = arith.constant 7296 : index
    %swap3A_2550 = vector.load %arg5[%swap3A_2548, %swap3A_2549] : memref<64x8192xf32, #tpu.memory_space<vmem>>, vector<64x128xf32>
    tpu.vector_store %arg5[%swap3A_2548, %swap3A_2549], %select_n3A_2547 {strides = array<i32>} : memref<64x8192xf32, #tpu.memory_space<vmem>>, vector<64x128xf32>,
    %lt3A_2551 = arith.cmpf olt, %select_n3A_2547, %select_n3A_2511 : vector<64x128xf32>
    %jit3A_2552 = arith.constant 57 : i32
    %broadcast_in_dim3A_2553 = vector.broadcast %jit3A_2552 : i32 to vector<64x128xi32>
    %select_n3A_2554 = arith.select %lt3A_2551, %broadcast_in_dim3A_2553, %select_n3A_2510 : vector<64x128xi1>, vector<64x128xi32>
    %select_n3A_2555 = arith.select %lt3A_2551, %select_n3A_2547, %select_n3A_2511 : vector<64x128xi1>, vector<64x128xf32>
    %get3A_2556 = arith.constant 0 : index
    %get3A_2557 = arith.constant 0 : index
    %get3A_2558 = arith.constant 7424 : index
    %get3A_2559 = vector.load %arg2[%get3A_2556, %get3A_2557, %get3A_2558] : memref<1x3x8192xf32, #tpu.memory_space<vmem>>, vector<1x1x128xf32>
    %get3A_2560 = vector.shape_cast %get3A_2559 : vector<1x1x128xf32> to vector<1x128xf32>
    %get3A_2561 = arith.constant 0 : index
    %get3A_2562 = arith.constant 1 : index
    %get3A_2563 = arith.constant 7424 : index
    %get3A_2564 = vector.load %arg2[%get3A_2561, %get3A_2562, %get3A_2563] : memref<1x3x8192xf32, #tpu.memory_space<vmem>>, vector<1x1x128xf32>
    %get3A_2565 = vector.shape_cast %get3A_2564 : vector<1x1x128xf32> to vector<1x128xf32>
    %get3A_2566 = arith.constant 0 : index
    %get3A_2567 = arith.constant 2 : index
    %get3A_2568 = arith.constant 7424 : index
    %get3A_2569 = vector.load %arg2[%get3A_2566, %get3A_2567, %get3A_2568] : memref<1x3x8192xf32, #tpu.memory_space<vmem>>, vector<1x1x128xf32>
    %get3A_2570 = vector.shape_cast %get3A_2569 : vector<1x1x128xf32> to vector<1x128xf32>
    %sub3A_2571 = vector.broadcast %get3A_1 : vector<64x1xf32> to vector<64x128xf32>
    %sub3A_2572 = vector.broadcast %get3A_2560 : vector<1x128xf32> to vector<64x128xf32>
    %sub3A_2573 = arith.subf %sub3A_2571, %sub3A_2572 : vector<64x128xf32>
    %integer_pow3A_2574 = arith.mulf %sub3A_2573, %sub3A_2573 : vector<64x128xf32>
    %sub3A_2575 = vector.broadcast %get3A_4 : vector<64x1xf32> to vector<64x128xf32>
    %sub3A_2576 = vector.broadcast %get3A_2565 : vector<1x128xf32> to vector<64x128xf32>
    %sub3A_2577 = arith.subf %sub3A_2575, %sub3A_2576 : vector<64x128xf32>
    %integer_pow3A_2578 = arith.mulf %sub3A_2577, %sub3A_2577 : vector<64x128xf32>
    %add3A_2579 = arith.addf %integer_pow3A_2574, %integer_pow3A_2578 : vector<64x128xf32>
    %sub3A_2580 = vector.broadcast %get3A_7 : vector<64x1xf32> to vector<64x128xf32>
    %sub3A_2581 = vector.broadcast %get3A_2570 : vector<1x128xf32> to vector<64x128xf32>
    %sub3A_2582 = arith.subf %sub3A_2580, %sub3A_2581 : vector<64x128xf32>
    %integer_pow3A_2583 = arith.mulf %sub3A_2582, %sub3A_2582 : vector<64x128xf32>
    %add3A_2584 = arith.addf %add3A_2579, %integer_pow3A_2583 : vector<64x128xf32>
    %le3A_2585 = arith.constant 4.000000e-02 : f32
    %le3A_2586 = vector.broadcast %le3A_2585 : f32 to vector<64x128xf32>
    %le3A_2587 = arith.cmpf ole, %add3A_2584, %le3A_2586 : vector<64x128xf32>
    %add3A_2588 = arith.constant 0x4975F400 : f32
    %add3A_2589 = vector.broadcast %add3A_2588 : f32 to vector<64x128xf32>
    %add3A_2590 = arith.addf %add3A_2589, %convert_element_type3A : vector<64x128xf32>
    %select_n3A_2591 = arith.select %le3A_2587, %add3A_2584, %add3A_2590 : vector<64x128xi1>, vector<64x128xf32>
    %swap3A_2592 = arith.constant 0 : index
    %swap3A_2593 = arith.constant 7424 : index
    %swap3A_2594 = vector.load %arg5[%swap3A_2592, %swap3A_2593] : memref<64x8192xf32, #tpu.memory_space<vmem>>, vector<64x128xf32>
    tpu.vector_store %arg5[%swap3A_2592, %swap3A_2593], %select_n3A_2591 {strides = array<i32>} : memref<64x8192xf32, #tpu.memory_space<vmem>>, vector<64x128xf32>,
    %lt3A_2595 = arith.cmpf olt, %select_n3A_2591, %select_n3A_2555 : vector<64x128xf32>
    %jit3A_2596 = arith.constant 58 : i32
    %broadcast_in_dim3A_2597 = vector.broadcast %jit3A_2596 : i32 to vector<64x128xi32>
    %select_n3A_2598 = arith.select %lt3A_2595, %broadcast_in_dim3A_2597, %select_n3A_2554 : vector<64x128xi1>, vector<64x128xi32>
    %select_n3A_2599 = arith.select %lt3A_2595, %select_n3A_2591, %select_n3A_2555 : vector<64x128xi1>, vector<64x128xf32>
    %get3A_2600 = arith.constant 0 : index
    %get3A_2601 = arith.constant 0 : index
    %get3A_2602 = arith.constant 7552 : index
    %get3A_2603 = vector.load %arg2[%get3A_2600, %get3A_2601, %get3A_2602] : memref<1x3x8192xf32, #tpu.memory_space<vmem>>, vector<1x1x128xf32>
    %get3A_2604 = vector.shape_cast %get3A_2603 : vector<1x1x128xf32> to vector<1x128xf32>
    %get3A_2605 = arith.constant 0 : index
    %get3A_2606 = arith.constant 1 : index
    %get3A_2607 = arith.constant 7552 : index
    %get3A_2608 = vector.load %arg2[%get3A_2605, %get3A_2606, %get3A_2607] : memref<1x3x8192xf32, #tpu.memory_space<vmem>>, vector<1x1x128xf32>
    %get3A_2609 = vector.shape_cast %get3A_2608 : vector<1x1x128xf32> to vector<1x128xf32>
    %get3A_2610 = arith.constant 0 : index
    %get3A_2611 = arith.constant 2 : index
    %get3A_2612 = arith.constant 7552 : index
    %get3A_2613 = vector.load %arg2[%get3A_2610, %get3A_2611, %get3A_2612] : memref<1x3x8192xf32, #tpu.memory_space<vmem>>, vector<1x1x128xf32>
    %get3A_2614 = vector.shape_cast %get3A_2613 : vector<1x1x128xf32> to vector<1x128xf32>
    %sub3A_2615 = vector.broadcast %get3A_1 : vector<64x1xf32> to vector<64x128xf32>
    %sub3A_2616 = vector.broadcast %get3A_2604 : vector<1x128xf32> to vector<64x128xf32>
    %sub3A_2617 = arith.subf %sub3A_2615, %sub3A_2616 : vector<64x128xf32>
    %integer_pow3A_2618 = arith.mulf %sub3A_2617, %sub3A_2617 : vector<64x128xf32>
    %sub3A_2619 = vector.broadcast %get3A_4 : vector<64x1xf32> to vector<64x128xf32>
    %sub3A_2620 = vector.broadcast %get3A_2609 : vector<1x128xf32> to vector<64x128xf32>
    %sub3A_2621 = arith.subf %sub3A_2619, %sub3A_2620 : vector<64x128xf32>
    %integer_pow3A_2622 = arith.mulf %sub3A_2621, %sub3A_2621 : vector<64x128xf32>
    %add3A_2623 = arith.addf %integer_pow3A_2618, %integer_pow3A_2622 : vector<64x128xf32>
    %sub3A_2624 = vector.broadcast %get3A_7 : vector<64x1xf32> to vector<64x128xf32>
    %sub3A_2625 = vector.broadcast %get3A_2614 : vector<1x128xf32> to vector<64x128xf32>
    %sub3A_2626 = arith.subf %sub3A_2624, %sub3A_2625 : vector<64x128xf32>
    %integer_pow3A_2627 = arith.mulf %sub3A_2626, %sub3A_2626 : vector<64x128xf32>
    %add3A_2628 = arith.addf %add3A_2623, %integer_pow3A_2627 : vector<64x128xf32>
    %le3A_2629 = arith.constant 4.000000e-02 : f32
    %le3A_2630 = vector.broadcast %le3A_2629 : f32 to vector<64x128xf32>
    %le3A_2631 = arith.cmpf ole, %add3A_2628, %le3A_2630 : vector<64x128xf32>
    %add3A_2632 = arith.constant 0x4975FC00 : f32
    %add3A_2633 = vector.broadcast %add3A_2632 : f32 to vector<64x128xf32>
    %add3A_2634 = arith.addf %add3A_2633, %convert_element_type3A : vector<64x128xf32>
    %select_n3A_2635 = arith.select %le3A_2631, %add3A_2628, %add3A_2634 : vector<64x128xi1>, vector<64x128xf32>
    %swap3A_2636 = arith.constant 0 : index
    %swap3A_2637 = arith.constant 7552 : index
    %swap3A_2638 = vector.load %arg5[%swap3A_2636, %swap3A_2637] : memref<64x8192xf32, #tpu.memory_space<vmem>>, vector<64x128xf32>
    tpu.vector_store %arg5[%swap3A_2636, %swap3A_2637], %select_n3A_2635 {strides = array<i32>} : memref<64x8192xf32, #tpu.memory_space<vmem>>, vector<64x128xf32>,
    %lt3A_2639 = arith.cmpf olt, %select_n3A_2635, %select_n3A_2599 : vector<64x128xf32>
    %jit3A_2640 = arith.constant 59 : i32
    %broadcast_in_dim3A_2641 = vector.broadcast %jit3A_2640 : i32 to vector<64x128xi32>
    %select_n3A_2642 = arith.select %lt3A_2639, %broadcast_in_dim3A_2641, %select_n3A_2598 : vector<64x128xi1>, vector<64x128xi32>
    %select_n3A_2643 = arith.select %lt3A_2639, %select_n3A_2635, %select_n3A_2599 : vector<64x128xi1>, vector<64x128xf32>
    %get3A_2644 = arith.constant 0 : index
    %get3A_2645 = arith.constant 0 : index
    %get3A_2646 = arith.constant 7680 : index
    %get3A_2647 = vector.load %arg2[%get3A_2644, %get3A_2645, %get3A_2646] : memref<1x3x8192xf32, #tpu.memory_space<vmem>>, vector<1x1x128xf32>
    %get3A_2648 = vector.shape_cast %get3A_2647 : vector<1x1x128xf32> to vector<1x128xf32>
    %get3A_2649 = arith.constant 0 : index
    %get3A_2650 = arith.constant 1 : index
    %get3A_2651 = arith.constant 7680 : index
    %get3A_2652 = vector.load %arg2[%get3A_2649, %get3A_2650, %get3A_2651] : memref<1x3x8192xf32, #tpu.memory_space<vmem>>, vector<1x1x128xf32>
    %get3A_2653 = vector.shape_cast %get3A_2652 : vector<1x1x128xf32> to vector<1x128xf32>
    %get3A_2654 = arith.constant 0 : index
    %get3A_2655 = arith.constant 2 : index
    %get3A_2656 = arith.constant 7680 : index
    %get3A_2657 = vector.load %arg2[%get3A_2654, %get3A_2655, %get3A_2656] : memref<1x3x8192xf32, #tpu.memory_space<vmem>>, vector<1x1x128xf32>
    %get3A_2658 = vector.shape_cast %get3A_2657 : vector<1x1x128xf32> to vector<1x128xf32>
    %sub3A_2659 = vector.broadcast %get3A_1 : vector<64x1xf32> to vector<64x128xf32>
    %sub3A_2660 = vector.broadcast %get3A_2648 : vector<1x128xf32> to vector<64x128xf32>
    %sub3A_2661 = arith.subf %sub3A_2659, %sub3A_2660 : vector<64x128xf32>
    %integer_pow3A_2662 = arith.mulf %sub3A_2661, %sub3A_2661 : vector<64x128xf32>
    %sub3A_2663 = vector.broadcast %get3A_4 : vector<64x1xf32> to vector<64x128xf32>
    %sub3A_2664 = vector.broadcast %get3A_2653 : vector<1x128xf32> to vector<64x128xf32>
    %sub3A_2665 = arith.subf %sub3A_2663, %sub3A_2664 : vector<64x128xf32>
    %integer_pow3A_2666 = arith.mulf %sub3A_2665, %sub3A_2665 : vector<64x128xf32>
    %add3A_2667 = arith.addf %integer_pow3A_2662, %integer_pow3A_2666 : vector<64x128xf32>
    %sub3A_2668 = vector.broadcast %get3A_7 : vector<64x1xf32> to vector<64x128xf32>
    %sub3A_2669 = vector.broadcast %get3A_2658 : vector<1x128xf32> to vector<64x128xf32>
    %sub3A_2670 = arith.subf %sub3A_2668, %sub3A_2669 : vector<64x128xf32>
    %integer_pow3A_2671 = arith.mulf %sub3A_2670, %sub3A_2670 : vector<64x128xf32>
    %add3A_2672 = arith.addf %add3A_2667, %integer_pow3A_2671 : vector<64x128xf32>
    %le3A_2673 = arith.constant 4.000000e-02 : f32
    %le3A_2674 = vector.broadcast %le3A_2673 : f32 to vector<64x128xf32>
    %le3A_2675 = arith.cmpf ole, %add3A_2672, %le3A_2674 : vector<64x128xf32>
    %add3A_2676 = arith.constant 1.007680e+06 : f32
    %add3A_2677 = vector.broadcast %add3A_2676 : f32 to vector<64x128xf32>
    %add3A_2678 = arith.addf %add3A_2677, %convert_element_type3A : vector<64x128xf32>
    %select_n3A_2679 = arith.select %le3A_2675, %add3A_2672, %add3A_2678 : vector<64x128xi1>, vector<64x128xf32>
    %swap3A_2680 = arith.constant 0 : index
    %swap3A_2681 = arith.constant 7680 : index
    %swap3A_2682 = vector.load %arg5[%swap3A_2680, %swap3A_2681] : memref<64x8192xf32, #tpu.memory_space<vmem>>, vector<64x128xf32>
    tpu.vector_store %arg5[%swap3A_2680, %swap3A_2681], %select_n3A_2679 {strides = array<i32>} : memref<64x8192xf32, #tpu.memory_space<vmem>>, vector<64x128xf32>,
    %lt3A_2683 = arith.cmpf olt, %select_n3A_2679, %select_n3A_2643 : vector<64x128xf32>
    %jit3A_2684 = arith.constant 60 : i32
    %broadcast_in_dim3A_2685 = vector.broadcast %jit3A_2684 : i32 to vector<64x128xi32>
    %select_n3A_2686 = arith.select %lt3A_2683, %broadcast_in_dim3A_2685, %select_n3A_2642 : vector<64x128xi1>, vector<64x128xi32>
    %select_n3A_2687 = arith.select %lt3A_2683, %select_n3A_2679, %select_n3A_2643 : vector<64x128xi1>, vector<64x128xf32>
    %get3A_2688 = arith.constant 0 : index
    %get3A_2689 = arith.constant 0 : index
    %get3A_2690 = arith.constant 7808 : index
    %get3A_2691 = vector.load %arg2[%get3A_2688, %get3A_2689, %get3A_2690] : memref<1x3x8192xf32, #tpu.memory_space<vmem>>, vector<1x1x128xf32>
    %get3A_2692 = vector.shape_cast %get3A_2691 : vector<1x1x128xf32> to vector<1x128xf32>
    %get3A_2693 = arith.constant 0 : index
    %get3A_2694 = arith.constant 1 : index
    %get3A_2695 = arith.constant 7808 : index
    %get3A_2696 = vector.load %arg2[%get3A_2693, %get3A_2694, %get3A_2695] : memref<1x3x8192xf32, #tpu.memory_space<vmem>>, vector<1x1x128xf32>
    %get3A_2697 = vector.shape_cast %get3A_2696 : vector<1x1x128xf32> to vector<1x128xf32>
    %get3A_2698 = arith.constant 0 : index
    %get3A_2699 = arith.constant 2 : index
    %get3A_2700 = arith.constant 7808 : index
    %get3A_2701 = vector.load %arg2[%get3A_2698, %get3A_2699, %get3A_2700] : memref<1x3x8192xf32, #tpu.memory_space<vmem>>, vector<1x1x128xf32>
    %get3A_2702 = vector.shape_cast %get3A_2701 : vector<1x1x128xf32> to vector<1x128xf32>
    %sub3A_2703 = vector.broadcast %get3A_1 : vector<64x1xf32> to vector<64x128xf32>
    %sub3A_2704 = vector.broadcast %get3A_2692 : vector<1x128xf32> to vector<64x128xf32>
    %sub3A_2705 = arith.subf %sub3A_2703, %sub3A_2704 : vector<64x128xf32>
    %integer_pow3A_2706 = arith.mulf %sub3A_2705, %sub3A_2705 : vector<64x128xf32>
    %sub3A_2707 = vector.broadcast %get3A_4 : vector<64x1xf32> to vector<64x128xf32>
    %sub3A_2708 = vector.broadcast %get3A_2697 : vector<1x128xf32> to vector<64x128xf32>
    %sub3A_2709 = arith.subf %sub3A_2707, %sub3A_2708 : vector<64x128xf32>
    %integer_pow3A_2710 = arith.mulf %sub3A_2709, %sub3A_2709 : vector<64x128xf32>
    %add3A_2711 = arith.addf %integer_pow3A_2706, %integer_pow3A_2710 : vector<64x128xf32>
    %sub3A_2712 = vector.broadcast %get3A_7 : vector<64x1xf32> to vector<64x128xf32>
    %sub3A_2713 = vector.broadcast %get3A_2702 : vector<1x128xf32> to vector<64x128xf32>
    %sub3A_2714 = arith.subf %sub3A_2712, %sub3A_2713 : vector<64x128xf32>
    %integer_pow3A_2715 = arith.mulf %sub3A_2714, %sub3A_2714 : vector<64x128xf32>
    %add3A_2716 = arith.addf %add3A_2711, %integer_pow3A_2715 : vector<64x128xf32>
    %le3A_2717 = arith.constant 4.000000e-02 : f32
    %le3A_2718 = vector.broadcast %le3A_2717 : f32 to vector<64x128xf32>
    %le3A_2719 = arith.cmpf ole, %add3A_2716, %le3A_2718 : vector<64x128xf32>
    %add3A_2720 = arith.constant 0x49760C00 : f32
    %add3A_2721 = vector.broadcast %add3A_2720 : f32 to vector<64x128xf32>
    %add3A_2722 = arith.addf %add3A_2721, %convert_element_type3A : vector<64x128xf32>
    %select_n3A_2723 = arith.select %le3A_2719, %add3A_2716, %add3A_2722 : vector<64x128xi1>, vector<64x128xf32>
    %swap3A_2724 = arith.constant 0 : index
    %swap3A_2725 = arith.constant 7808 : index
    %swap3A_2726 = vector.load %arg5[%swap3A_2724, %swap3A_2725] : memref<64x8192xf32, #tpu.memory_space<vmem>>, vector<64x128xf32>
    tpu.vector_store %arg5[%swap3A_2724, %swap3A_2725], %select_n3A_2723 {strides = array<i32>} : memref<64x8192xf32, #tpu.memory_space<vmem>>, vector<64x128xf32>,
    %lt3A_2727 = arith.cmpf olt, %select_n3A_2723, %select_n3A_2687 : vector<64x128xf32>
    %jit3A_2728 = arith.constant 61 : i32
    %broadcast_in_dim3A_2729 = vector.broadcast %jit3A_2728 : i32 to vector<64x128xi32>
    %select_n3A_2730 = arith.select %lt3A_2727, %broadcast_in_dim3A_2729, %select_n3A_2686 : vector<64x128xi1>, vector<64x128xi32>
    %select_n3A_2731 = arith.select %lt3A_2727, %select_n3A_2723, %select_n3A_2687 : vector<64x128xi1>, vector<64x128xf32>
    %get3A_2732 = arith.constant 0 : index
    %get3A_2733 = arith.constant 0 : index
    %get3A_2734 = arith.constant 7936 : index
    %get3A_2735 = vector.load %arg2[%get3A_2732, %get3A_2733, %get3A_2734] : memref<1x3x8192xf32, #tpu.memory_space<vmem>>, vector<1x1x128xf32>
    %get3A_2736 = vector.shape_cast %get3A_2735 : vector<1x1x128xf32> to vector<1x128xf32>
    %get3A_2737 = arith.constant 0 : index
    %get3A_2738 = arith.constant 1 : index
    %get3A_2739 = arith.constant 7936 : index
    %get3A_2740 = vector.load %arg2[%get3A_2737, %get3A_2738, %get3A_2739] : memref<1x3x8192xf32, #tpu.memory_space<vmem>>, vector<1x1x128xf32>
    %get3A_2741 = vector.shape_cast %get3A_2740 : vector<1x1x128xf32> to vector<1x128xf32>
    %get3A_2742 = arith.constant 0 : index
    %get3A_2743 = arith.constant 2 : index
    %get3A_2744 = arith.constant 7936 : index
    %get3A_2745 = vector.load %arg2[%get3A_2742, %get3A_2743, %get3A_2744] : memref<1x3x8192xf32, #tpu.memory_space<vmem>>, vector<1x1x128xf32>
    %get3A_2746 = vector.shape_cast %get3A_2745 : vector<1x1x128xf32> to vector<1x128xf32>
    %sub3A_2747 = vector.broadcast %get3A_1 : vector<64x1xf32> to vector<64x128xf32>
    %sub3A_2748 = vector.broadcast %get3A_2736 : vector<1x128xf32> to vector<64x128xf32>
    %sub3A_2749 = arith.subf %sub3A_2747, %sub3A_2748 : vector<64x128xf32>
    %integer_pow3A_2750 = arith.mulf %sub3A_2749, %sub3A_2749 : vector<64x128xf32>
    %sub3A_2751 = vector.broadcast %get3A_4 : vector<64x1xf32> to vector<64x128xf32>
    %sub3A_2752 = vector.broadcast %get3A_2741 : vector<1x128xf32> to vector<64x128xf32>
    %sub3A_2753 = arith.subf %sub3A_2751, %sub3A_2752 : vector<64x128xf32>
    %integer_pow3A_2754 = arith.mulf %sub3A_2753, %sub3A_2753 : vector<64x128xf32>
    %add3A_2755 = arith.addf %integer_pow3A_2750, %integer_pow3A_2754 : vector<64x128xf32>
    %sub3A_2756 = vector.broadcast %get3A_7 : vector<64x1xf32> to vector<64x128xf32>
    %sub3A_2757 = vector.broadcast %get3A_2746 : vector<1x128xf32> to vector<64x128xf32>
    %sub3A_2758 = arith.subf %sub3A_2756, %sub3A_2757 : vector<64x128xf32>
    %integer_pow3A_2759 = arith.mulf %sub3A_2758, %sub3A_2758 : vector<64x128xf32>
    %add3A_2760 = arith.addf %add3A_2755, %integer_pow3A_2759 : vector<64x128xf32>
    %le3A_2761 = arith.constant 4.000000e-02 : f32
    %le3A_2762 = vector.broadcast %le3A_2761 : f32 to vector<64x128xf32>
    %le3A_2763 = arith.cmpf ole, %add3A_2760, %le3A_2762 : vector<64x128xf32>
    %add3A_2764 = arith.constant 0x49761400 : f32
    %add3A_2765 = vector.broadcast %add3A_2764 : f32 to vector<64x128xf32>
    %add3A_2766 = arith.addf %add3A_2765, %convert_element_type3A : vector<64x128xf32>
    %select_n3A_2767 = arith.select %le3A_2763, %add3A_2760, %add3A_2766 : vector<64x128xi1>, vector<64x128xf32>
    %swap3A_2768 = arith.constant 0 : index
    %swap3A_2769 = arith.constant 7936 : index
    %swap3A_2770 = vector.load %arg5[%swap3A_2768, %swap3A_2769] : memref<64x8192xf32, #tpu.memory_space<vmem>>, vector<64x128xf32>
    tpu.vector_store %arg5[%swap3A_2768, %swap3A_2769], %select_n3A_2767 {strides = array<i32>} : memref<64x8192xf32, #tpu.memory_space<vmem>>, vector<64x128xf32>,
    %lt3A_2771 = arith.cmpf olt, %select_n3A_2767, %select_n3A_2731 : vector<64x128xf32>
    %jit3A_2772 = arith.constant 62 : i32
    %broadcast_in_dim3A_2773 = vector.broadcast %jit3A_2772 : i32 to vector<64x128xi32>
    %select_n3A_2774 = arith.select %lt3A_2771, %broadcast_in_dim3A_2773, %select_n3A_2730 : vector<64x128xi1>, vector<64x128xi32>
    %select_n3A_2775 = arith.select %lt3A_2771, %select_n3A_2767, %select_n3A_2731 : vector<64x128xi1>, vector<64x128xf32>
    %get3A_2776 = arith.constant 0 : index
    %get3A_2777 = arith.constant 0 : index
    %get3A_2778 = arith.constant 8064 : index
    %get3A_2779 = vector.load %arg2[%get3A_2776, %get3A_2777, %get3A_2778] : memref<1x3x8192xf32, #tpu.memory_space<vmem>>, vector<1x1x128xf32>
    %get3A_2780 = vector.shape_cast %get3A_2779 : vector<1x1x128xf32> to vector<1x128xf32>
    %get3A_2781 = arith.constant 0 : index
    %get3A_2782 = arith.constant 1 : index
    %get3A_2783 = arith.constant 8064 : index
    %get3A_2784 = vector.load %arg2[%get3A_2781, %get3A_2782, %get3A_2783] : memref<1x3x8192xf32, #tpu.memory_space<vmem>>, vector<1x1x128xf32>
    %get3A_2785 = vector.shape_cast %get3A_2784 : vector<1x1x128xf32> to vector<1x128xf32>
    %get3A_2786 = arith.constant 0 : index
    %get3A_2787 = arith.constant 2 : index
    %get3A_2788 = arith.constant 8064 : index
    %get3A_2789 = vector.load %arg2[%get3A_2786, %get3A_2787, %get3A_2788] : memref<1x3x8192xf32, #tpu.memory_space<vmem>>, vector<1x1x128xf32>
    %get3A_2790 = vector.shape_cast %get3A_2789 : vector<1x1x128xf32> to vector<1x128xf32>
    %sub3A_2791 = vector.broadcast %get3A_1 : vector<64x1xf32> to vector<64x128xf32>
    %sub3A_2792 = vector.broadcast %get3A_2780 : vector<1x128xf32> to vector<64x128xf32>
    %sub3A_2793 = arith.subf %sub3A_2791, %sub3A_2792 : vector<64x128xf32>
    %integer_pow3A_2794 = arith.mulf %sub3A_2793, %sub3A_2793 : vector<64x128xf32>
    %sub3A_2795 = vector.broadcast %get3A_4 : vector<64x1xf32> to vector<64x128xf32>
    %sub3A_2796 = vector.broadcast %get3A_2785 : vector<1x128xf32> to vector<64x128xf32>
    %sub3A_2797 = arith.subf %sub3A_2795, %sub3A_2796 : vector<64x128xf32>
    %integer_pow3A_2798 = arith.mulf %sub3A_2797, %sub3A_2797 : vector<64x128xf32>
    %add3A_2799 = arith.addf %integer_pow3A_2794, %integer_pow3A_2798 : vector<64x128xf32>
    %sub3A_2800 = vector.broadcast %get3A_7 : vector<64x1xf32> to vector<64x128xf32>
    %sub3A_2801 = vector.broadcast %get3A_2790 : vector<1x128xf32> to vector<64x128xf32>
    %sub3A_2802 = arith.subf %sub3A_2800, %sub3A_2801 : vector<64x128xf32>
    %integer_pow3A_2803 = arith.mulf %sub3A_2802, %sub3A_2802 : vector<64x128xf32>
    %add3A_2804 = arith.addf %add3A_2799, %integer_pow3A_2803 : vector<64x128xf32>
    %le3A_2805 = arith.constant 4.000000e-02 : f32
    %le3A_2806 = vector.broadcast %le3A_2805 : f32 to vector<64x128xf32>
    %le3A_2807 = arith.cmpf ole, %add3A_2804, %le3A_2806 : vector<64x128xf32>
    %add3A_2808 = arith.constant 0x49761C00 : f32
    %add3A_2809 = vector.broadcast %add3A_2808 : f32 to vector<64x128xf32>
    %add3A_2810 = arith.addf %add3A_2809, %convert_element_type3A : vector<64x128xf32>
    %select_n3A_2811 = arith.select %le3A_2807, %add3A_2804, %add3A_2810 : vector<64x128xi1>, vector<64x128xf32>
    %swap3A_2812 = arith.constant 0 : index
    %swap3A_2813 = arith.constant 8064 : index
    %swap3A_2814 = vector.load %arg5[%swap3A_2812, %swap3A_2813] : memref<64x8192xf32, #tpu.memory_space<vmem>>, vector<64x128xf32>
    tpu.vector_store %arg5[%swap3A_2812, %swap3A_2813], %select_n3A_2811 {strides = array<i32>} : memref<64x8192xf32, #tpu.memory_space<vmem>>, vector<64x128xf32>,
    %lt3A_2815 = arith.cmpf olt, %select_n3A_2811, %select_n3A_2775 : vector<64x128xf32>
    %jit3A_2816 = arith.constant 63 : i32
    %broadcast_in_dim3A_2817 = vector.broadcast %jit3A_2816 : i32 to vector<64x128xi32>
    %select_n3A_2818 = arith.select %lt3A_2815, %broadcast_in_dim3A_2817, %select_n3A_2774 : vector<64x128xi1>, vector<64x128xi32>
    %select_n3A_2819 = arith.select %lt3A_2815, %select_n3A_2811, %select_n3A_2775 : vector<64x128xi1>, vector<64x128xf32>
    %broadcast_in_dim3A_2820 = arith.constant 0 : i32
    %broadcast_in_dim3A_2821 = vector.broadcast %broadcast_in_dim3A_2820 : i32 to vector<64x32xi32>
    %scan3A = arith.constant 0 : i32
    %scan3A_2822 = arith.constant 32 : i32
    %scan3A_2823 = arith.addi %scan3A, %scan3A_2822 : i32
    %scan3A_2824 = arith.constant 1 : i32
    %scan3A_2825:3 = scf.for %scan3A_2830 = %scan3A to %scan3A_2823 step %scan3A_2824 iter_args(%scan3A_2831 = %select_n3A_2819, %scan3A_2832 = %select_n3A_2818, %scan3A_2833 = %broadcast_in_dim3A_2821) -> (vector<64x128xf32>, vector<64x128xi32>, vector<64x32xi32>)  : i32 {
      %reduce_min3A = arith.constant dense<0x7F800000> : vector<64xf32>
      %reduce_min3A_2834 = vector.multi_reduction <minimumf>, %scan3A_2831, %reduce_min3A [1] : vector<64x128xf32> to vector<64xf32>
      %broadcast_in_dim3A_2835 = vector.shape_cast %reduce_min3A_2834 : vector<64xf32> to vector<64x1xf32>
      %eq3A = vector.broadcast %broadcast_in_dim3A_2835 : vector<64x1xf32> to vector<64x128xf32>
      %eq3A_2836 = arith.cmpf oeq, %scan3A_2831, %eq3A : vector<64x128xf32>
      %mul3A = arith.constant 128 : i32
      %mul3A_2837 = vector.broadcast %mul3A : i32 to vector<64x128xi32>
      %mul3A_2838 = arith.muli %scan3A_2832, %mul3A_2837 : vector<64x128xi32>
      %add3A_2839 = arith.addi %mul3A_2838, %iota3A : vector<64x128xi32>
      %jit3A_2840 = arith.constant 1048576 : i32
      %broadcast_in_dim3A_2841 = vector.broadcast %jit3A_2840 : i32 to vector<64x128xi32>
      %select_n3A_2842 = arith.select %eq3A_2836, %add3A_2839, %broadcast_in_dim3A_2841 : vector<64x128xi1>, vector<64x128xi32>
      %reduce_min3A_2843 = arith.constant dense<2147483647> : vector<64xi32>
      %reduce_min3A_2844 = vector.multi_reduction <minsi>, %select_n3A_2842, %reduce_min3A_2843 [1] : vector<64x128xi32> to vector<64xi32>
      %broadcast_in_dim3A_2845 = vector.shape_cast %reduce_min3A_2844 : vector<64xi32> to vector<64x1xi32>
      %eq3A_2846 = vector.broadcast %scan3A_2830 : i32 to vector<64x32xi32>
      %eq3A_2847 = arith.cmpi eq, %iota3A_8, %eq3A_2846 : vector<64x32xi32>
      %broadcast_in_dim3A_2848 = vector.shape_cast %broadcast_in_dim3A_2845 : vector<64x1xi32> to vector<64x1xi32>
      %broadcast_in_dim3A_2849 = vector.broadcast %broadcast_in_dim3A_2848 : vector<64x1xi32> to vector<64x32xi32>
      %select_n3A_2850 = arith.select %eq3A_2847, %broadcast_in_dim3A_2849, %scan3A_2833 : vector<64x32xi1>, vector<64x32xi32>
      %broadcast_in_dim3A_2851 = arith.constant 0x7F800000 : f32
      %broadcast_in_dim3A_2852 = vector.broadcast %broadcast_in_dim3A_2851 : f32 to vector<64x128xf32>
      %broadcast_in_dim3A_2853 = arith.constant 0 : i32
      %broadcast_in_dim3A_2854 = vector.broadcast %broadcast_in_dim3A_2853 : i32 to vector<64x128xi32>
      %get3A_2855 = arith.constant 0 : index
      %get3A_2856 = arith.constant 0 : index
      %get3A_2857 = vector.load %arg5[%get3A_2855, %get3A_2856] : memref<64x8192xf32, #tpu.memory_space<vmem>>, vector<64x128xf32>
      %sub3A_2858 = arith.constant 0 : i32
      %sub3A_2859 = vector.broadcast %sub3A_2858 : i32 to vector<64x1xi32>
      %sub3A_2860 = arith.subi %broadcast_in_dim3A_2845, %sub3A_2859 : vector<64x1xi32>
      %eq3A_2861 = vector.broadcast %sub3A_2860 : vector<64x1xi32> to vector<64x128xi32>
      %eq3A_2862 = arith.cmpi eq, %iota3A, %eq3A_2861 : vector<64x128xi32>
      %jit3A_2863 = arith.constant 0x7F800000 : f32
      %broadcast_in_dim3A_2864 = vector.broadcast %jit3A_2863 : f32 to vector<64x128xf32>
      %select_n3A_2865 = arith.select %eq3A_2862, %broadcast_in_dim3A_2864, %get3A_2857 : vector<64x128xi1>, vector<64x128xf32>
      %swap3A_2866 = arith.constant 0 : index
      %swap3A_2867 = arith.constant 0 : index
      %swap3A_2868 = vector.load %arg5[%swap3A_2866, %swap3A_2867] : memref<64x8192xf32, #tpu.memory_space<vmem>>, vector<64x128xf32>
      tpu.vector_store %arg5[%swap3A_2866, %swap3A_2867], %select_n3A_2865 {strides = array<i32>} : memref<64x8192xf32, #tpu.memory_space<vmem>>, vector<64x128xf32>,
      %lt3A_2869 = arith.cmpf olt, %select_n3A_2865, %broadcast_in_dim3A_2852 : vector<64x128xf32>
      %jit3A_2870 = arith.constant 0 : i32
      %broadcast_in_dim3A_2871 = vector.broadcast %jit3A_2870 : i32 to vector<64x128xi32>
      %select_n3A_2872 = arith.select %lt3A_2869, %broadcast_in_dim3A_2871, %broadcast_in_dim3A_2854 : vector<64x128xi1>, vector<64x128xi32>
      %select_n3A_2873 = arith.select %lt3A_2869, %select_n3A_2865, %broadcast_in_dim3A_2852 : vector<64x128xi1>, vector<64x128xf32>
      %get3A_2874 = arith.constant 0 : index
      %get3A_2875 = arith.constant 128 : index
      %get3A_2876 = vector.load %arg5[%get3A_2874, %get3A_2875] : memref<64x8192xf32, #tpu.memory_space<vmem>>, vector<64x128xf32>
      %sub3A_2877 = arith.constant 128 : i32
      %sub3A_2878 = vector.broadcast %sub3A_2877 : i32 to vector<64x1xi32>
      %sub3A_2879 = arith.subi %broadcast_in_dim3A_2845, %sub3A_2878 : vector<64x1xi32>
      %eq3A_2880 = vector.broadcast %sub3A_2879 : vector<64x1xi32> to vector<64x128xi32>
      %eq3A_2881 = arith.cmpi eq, %iota3A, %eq3A_2880 : vector<64x128xi32>
      %jit3A_2882 = arith.constant 0x7F800000 : f32
      %broadcast_in_dim3A_2883 = vector.broadcast %jit3A_2882 : f32 to vector<64x128xf32>
      %select_n3A_2884 = arith.select %eq3A_2881, %broadcast_in_dim3A_2883, %get3A_2876 : vector<64x128xi1>, vector<64x128xf32>
      %swap3A_2885 = arith.constant 0 : index
      %swap3A_2886 = arith.constant 128 : index
      %swap3A_2887 = vector.load %arg5[%swap3A_2885, %swap3A_2886] : memref<64x8192xf32, #tpu.memory_space<vmem>>, vector<64x128xf32>
      tpu.vector_store %arg5[%swap3A_2885, %swap3A_2886], %select_n3A_2884 {strides = array<i32>} : memref<64x8192xf32, #tpu.memory_space<vmem>>, vector<64x128xf32>,
      %lt3A_2888 = arith.cmpf olt, %select_n3A_2884, %select_n3A_2873 : vector<64x128xf32>
      %jit3A_2889 = arith.constant 1 : i32
      %broadcast_in_dim3A_2890 = vector.broadcast %jit3A_2889 : i32 to vector<64x128xi32>
      %select_n3A_2891 = arith.select %lt3A_2888, %broadcast_in_dim3A_2890, %select_n3A_2872 : vector<64x128xi1>, vector<64x128xi32>
      %select_n3A_2892 = arith.select %lt3A_2888, %select_n3A_2884, %select_n3A_2873 : vector<64x128xi1>, vector<64x128xf32>
      %get3A_2893 = arith.constant 0 : index
      %get3A_2894 = arith.constant 256 : index
      %get3A_2895 = vector.load %arg5[%get3A_2893, %get3A_2894] : memref<64x8192xf32, #tpu.memory_space<vmem>>, vector<64x128xf32>
      %sub3A_2896 = arith.constant 256 : i32
      %sub3A_2897 = vector.broadcast %sub3A_2896 : i32 to vector<64x1xi32>
      %sub3A_2898 = arith.subi %broadcast_in_dim3A_2845, %sub3A_2897 : vector<64x1xi32>
      %eq3A_2899 = vector.broadcast %sub3A_2898 : vector<64x1xi32> to vector<64x128xi32>
      %eq3A_2900 = arith.cmpi eq, %iota3A, %eq3A_2899 : vector<64x128xi32>
      %jit3A_2901 = arith.constant 0x7F800000 : f32
      %broadcast_in_dim3A_2902 = vector.broadcast %jit3A_2901 : f32 to vector<64x128xf32>
      %select_n3A_2903 = arith.select %eq3A_2900, %broadcast_in_dim3A_2902, %get3A_2895 : vector<64x128xi1>, vector<64x128xf32>
      %swap3A_2904 = arith.constant 0 : index
      %swap3A_2905 = arith.constant 256 : index
      %swap3A_2906 = vector.load %arg5[%swap3A_2904, %swap3A_2905] : memref<64x8192xf32, #tpu.memory_space<vmem>>, vector<64x128xf32>
      tpu.vector_store %arg5[%swap3A_2904, %swap3A_2905], %select_n3A_2903 {strides = array<i32>} : memref<64x8192xf32, #tpu.memory_space<vmem>>, vector<64x128xf32>,
      %lt3A_2907 = arith.cmpf olt, %select_n3A_2903, %select_n3A_2892 : vector<64x128xf32>
      %jit3A_2908 = arith.constant 2 : i32
      %broadcast_in_dim3A_2909 = vector.broadcast %jit3A_2908 : i32 to vector<64x128xi32>
      %select_n3A_2910 = arith.select %lt3A_2907, %broadcast_in_dim3A_2909, %select_n3A_2891 : vector<64x128xi1>, vector<64x128xi32>
      %select_n3A_2911 = arith.select %lt3A_2907, %select_n3A_2903, %select_n3A_2892 : vector<64x128xi1>, vector<64x128xf32>
      %get3A_2912 = arith.constant 0 : index
      %get3A_2913 = arith.constant 384 : index
      %get3A_2914 = vector.load %arg5[%get3A_2912, %get3A_2913] : memref<64x8192xf32, #tpu.memory_space<vmem>>, vector<64x128xf32>
      %sub3A_2915 = arith.constant 384 : i32
      %sub3A_2916 = vector.broadcast %sub3A_2915 : i32 to vector<64x1xi32>
      %sub3A_2917 = arith.subi %broadcast_in_dim3A_2845, %sub3A_2916 : vector<64x1xi32>
      %eq3A_2918 = vector.broadcast %sub3A_2917 : vector<64x1xi32> to vector<64x128xi32>
      %eq3A_2919 = arith.cmpi eq, %iota3A, %eq3A_2918 : vector<64x128xi32>
      %jit3A_2920 = arith.constant 0x7F800000 : f32
      %broadcast_in_dim3A_2921 = vector.broadcast %jit3A_2920 : f32 to vector<64x128xf32>
      %select_n3A_2922 = arith.select %eq3A_2919, %broadcast_in_dim3A_2921, %get3A_2914 : vector<64x128xi1>, vector<64x128xf32>
      %swap3A_2923 = arith.constant 0 : index
      %swap3A_2924 = arith.constant 384 : index
      %swap3A_2925 = vector.load %arg5[%swap3A_2923, %swap3A_2924] : memref<64x8192xf32, #tpu.memory_space<vmem>>, vector<64x128xf32>
      tpu.vector_store %arg5[%swap3A_2923, %swap3A_2924], %select_n3A_2922 {strides = array<i32>} : memref<64x8192xf32, #tpu.memory_space<vmem>>, vector<64x128xf32>,
      %lt3A_2926 = arith.cmpf olt, %select_n3A_2922, %select_n3A_2911 : vector<64x128xf32>
      %jit3A_2927 = arith.constant 3 : i32
      %broadcast_in_dim3A_2928 = vector.broadcast %jit3A_2927 : i32 to vector<64x128xi32>
      %select_n3A_2929 = arith.select %lt3A_2926, %broadcast_in_dim3A_2928, %select_n3A_2910 : vector<64x128xi1>, vector<64x128xi32>
      %select_n3A_2930 = arith.select %lt3A_2926, %select_n3A_2922, %select_n3A_2911 : vector<64x128xi1>, vector<64x128xf32>
      %get3A_2931 = arith.constant 0 : index
      %get3A_2932 = arith.constant 512 : index
      %get3A_2933 = vector.load %arg5[%get3A_2931, %get3A_2932] : memref<64x8192xf32, #tpu.memory_space<vmem>>, vector<64x128xf32>
      %sub3A_2934 = arith.constant 512 : i32
      %sub3A_2935 = vector.broadcast %sub3A_2934 : i32 to vector<64x1xi32>
      %sub3A_2936 = arith.subi %broadcast_in_dim3A_2845, %sub3A_2935 : vector<64x1xi32>
      %eq3A_2937 = vector.broadcast %sub3A_2936 : vector<64x1xi32> to vector<64x128xi32>
      %eq3A_2938 = arith.cmpi eq, %iota3A, %eq3A_2937 : vector<64x128xi32>
      %jit3A_2939 = arith.constant 0x7F800000 : f32
      %broadcast_in_dim3A_2940 = vector.broadcast %jit3A_2939 : f32 to vector<64x128xf32>
      %select_n3A_2941 = arith.select %eq3A_2938, %broadcast_in_dim3A_2940, %get3A_2933 : vector<64x128xi1>, vector<64x128xf32>
      %swap3A_2942 = arith.constant 0 : index
      %swap3A_2943 = arith.constant 512 : index
      %swap3A_2944 = vector.load %arg5[%swap3A_2942, %swap3A_2943] : memref<64x8192xf32, #tpu.memory_space<vmem>>, vector<64x128xf32>
      tpu.vector_store %arg5[%swap3A_2942, %swap3A_2943], %select_n3A_2941 {strides = array<i32>} : memref<64x8192xf32, #tpu.memory_space<vmem>>, vector<64x128xf32>,
      %lt3A_2945 = arith.cmpf olt, %select_n3A_2941, %select_n3A_2930 : vector<64x128xf32>
      %jit3A_2946 = arith.constant 4 : i32
      %broadcast_in_dim3A_2947 = vector.broadcast %jit3A_2946 : i32 to vector<64x128xi32>
      %select_n3A_2948 = arith.select %lt3A_2945, %broadcast_in_dim3A_2947, %select_n3A_2929 : vector<64x128xi1>, vector<64x128xi32>
      %select_n3A_2949 = arith.select %lt3A_2945, %select_n3A_2941, %select_n3A_2930 : vector<64x128xi1>, vector<64x128xf32>
      %get3A_2950 = arith.constant 0 : index
      %get3A_2951 = arith.constant 640 : index
      %get3A_2952 = vector.load %arg5[%get3A_2950, %get3A_2951] : memref<64x8192xf32, #tpu.memory_space<vmem>>, vector<64x128xf32>
      %sub3A_2953 = arith.constant 640 : i32
      %sub3A_2954 = vector.broadcast %sub3A_2953 : i32 to vector<64x1xi32>
      %sub3A_2955 = arith.subi %broadcast_in_dim3A_2845, %sub3A_2954 : vector<64x1xi32>
      %eq3A_2956 = vector.broadcast %sub3A_2955 : vector<64x1xi32> to vector<64x128xi32>
      %eq3A_2957 = arith.cmpi eq, %iota3A, %eq3A_2956 : vector<64x128xi32>
      %jit3A_2958 = arith.constant 0x7F800000 : f32
      %broadcast_in_dim3A_2959 = vector.broadcast %jit3A_2958 : f32 to vector<64x128xf32>
      %select_n3A_2960 = arith.select %eq3A_2957, %broadcast_in_dim3A_2959, %get3A_2952 : vector<64x128xi1>, vector<64x128xf32>
      %swap3A_2961 = arith.constant 0 : index
      %swap3A_2962 = arith.constant 640 : index
      %swap3A_2963 = vector.load %arg5[%swap3A_2961, %swap3A_2962] : memref<64x8192xf32, #tpu.memory_space<vmem>>, vector<64x128xf32>
      tpu.vector_store %arg5[%swap3A_2961, %swap3A_2962], %select_n3A_2960 {strides = array<i32>} : memref<64x8192xf32, #tpu.memory_space<vmem>>, vector<64x128xf32>,
      %lt3A_2964 = arith.cmpf olt, %select_n3A_2960, %select_n3A_2949 : vector<64x128xf32>
      %jit3A_2965 = arith.constant 5 : i32
      %broadcast_in_dim3A_2966 = vector.broadcast %jit3A_2965 : i32 to vector<64x128xi32>
      %select_n3A_2967 = arith.select %lt3A_2964, %broadcast_in_dim3A_2966, %select_n3A_2948 : vector<64x128xi1>, vector<64x128xi32>
      %select_n3A_2968 = arith.select %lt3A_2964, %select_n3A_2960, %select_n3A_2949 : vector<64x128xi1>, vector<64x128xf32>
      %get3A_2969 = arith.constant 0 : index
      %get3A_2970 = arith.constant 768 : index
      %get3A_2971 = vector.load %arg5[%get3A_2969, %get3A_2970] : memref<64x8192xf32, #tpu.memory_space<vmem>>, vector<64x128xf32>
      %sub3A_2972 = arith.constant 768 : i32
      %sub3A_2973 = vector.broadcast %sub3A_2972 : i32 to vector<64x1xi32>
      %sub3A_2974 = arith.subi %broadcast_in_dim3A_2845, %sub3A_2973 : vector<64x1xi32>
      %eq3A_2975 = vector.broadcast %sub3A_2974 : vector<64x1xi32> to vector<64x128xi32>
      %eq3A_2976 = arith.cmpi eq, %iota3A, %eq3A_2975 : vector<64x128xi32>
      %jit3A_2977 = arith.constant 0x7F800000 : f32
      %broadcast_in_dim3A_2978 = vector.broadcast %jit3A_2977 : f32 to vector<64x128xf32>
      %select_n3A_2979 = arith.select %eq3A_2976, %broadcast_in_dim3A_2978, %get3A_2971 : vector<64x128xi1>, vector<64x128xf32>
      %swap3A_2980 = arith.constant 0 : index
      %swap3A_2981 = arith.constant 768 : index
      %swap3A_2982 = vector.load %arg5[%swap3A_2980, %swap3A_2981] : memref<64x8192xf32, #tpu.memory_space<vmem>>, vector<64x128xf32>
      tpu.vector_store %arg5[%swap3A_2980, %swap3A_2981], %select_n3A_2979 {strides = array<i32>} : memref<64x8192xf32, #tpu.memory_space<vmem>>, vector<64x128xf32>,
      %lt3A_2983 = arith.cmpf olt, %select_n3A_2979, %select_n3A_2968 : vector<64x128xf32>
      %jit3A_2984 = arith.constant 6 : i32
      %broadcast_in_dim3A_2985 = vector.broadcast %jit3A_2984 : i32 to vector<64x128xi32>
      %select_n3A_2986 = arith.select %lt3A_2983, %broadcast_in_dim3A_2985, %select_n3A_2967 : vector<64x128xi1>, vector<64x128xi32>
      %select_n3A_2987 = arith.select %lt3A_2983, %select_n3A_2979, %select_n3A_2968 : vector<64x128xi1>, vector<64x128xf32>
      %get3A_2988 = arith.constant 0 : index
      %get3A_2989 = arith.constant 896 : index
      %get3A_2990 = vector.load %arg5[%get3A_2988, %get3A_2989] : memref<64x8192xf32, #tpu.memory_space<vmem>>, vector<64x128xf32>
      %sub3A_2991 = arith.constant 896 : i32
      %sub3A_2992 = vector.broadcast %sub3A_2991 : i32 to vector<64x1xi32>
      %sub3A_2993 = arith.subi %broadcast_in_dim3A_2845, %sub3A_2992 : vector<64x1xi32>
      %eq3A_2994 = vector.broadcast %sub3A_2993 : vector<64x1xi32> to vector<64x128xi32>
      %eq3A_2995 = arith.cmpi eq, %iota3A, %eq3A_2994 : vector<64x128xi32>
      %jit3A_2996 = arith.constant 0x7F800000 : f32
      %broadcast_in_dim3A_2997 = vector.broadcast %jit3A_2996 : f32 to vector<64x128xf32>
      %select_n3A_2998 = arith.select %eq3A_2995, %broadcast_in_dim3A_2997, %get3A_2990 : vector<64x128xi1>, vector<64x128xf32>
      %swap3A_2999 = arith.constant 0 : index
      %swap3A_3000 = arith.constant 896 : index
      %swap3A_3001 = vector.load %arg5[%swap3A_2999, %swap3A_3000] : memref<64x8192xf32, #tpu.memory_space<vmem>>, vector<64x128xf32>
      tpu.vector_store %arg5[%swap3A_2999, %swap3A_3000], %select_n3A_2998 {strides = array<i32>} : memref<64x8192xf32, #tpu.memory_space<vmem>>, vector<64x128xf32>,
      %lt3A_3002 = arith.cmpf olt, %select_n3A_2998, %select_n3A_2987 : vector<64x128xf32>
      %jit3A_3003 = arith.constant 7 : i32
      %broadcast_in_dim3A_3004 = vector.broadcast %jit3A_3003 : i32 to vector<64x128xi32>
      %select_n3A_3005 = arith.select %lt3A_3002, %broadcast_in_dim3A_3004, %select_n3A_2986 : vector<64x128xi1>, vector<64x128xi32>
      %select_n3A_3006 = arith.select %lt3A_3002, %select_n3A_2998, %select_n3A_2987 : vector<64x128xi1>, vector<64x128xf32>
      %get3A_3007 = arith.constant 0 : index
      %get3A_3008 = arith.constant 1024 : index
      %get3A_3009 = vector.load %arg5[%get3A_3007, %get3A_3008] : memref<64x8192xf32, #tpu.memory_space<vmem>>, vector<64x128xf32>
      %sub3A_3010 = arith.constant 1024 : i32
      %sub3A_3011 = vector.broadcast %sub3A_3010 : i32 to vector<64x1xi32>
      %sub3A_3012 = arith.subi %broadcast_in_dim3A_2845, %sub3A_3011 : vector<64x1xi32>
      %eq3A_3013 = vector.broadcast %sub3A_3012 : vector<64x1xi32> to vector<64x128xi32>
      %eq3A_3014 = arith.cmpi eq, %iota3A, %eq3A_3013 : vector<64x128xi32>
      %jit3A_3015 = arith.constant 0x7F800000 : f32
      %broadcast_in_dim3A_3016 = vector.broadcast %jit3A_3015 : f32 to vector<64x128xf32>
      %select_n3A_3017 = arith.select %eq3A_3014, %broadcast_in_dim3A_3016, %get3A_3009 : vector<64x128xi1>, vector<64x128xf32>
      %swap3A_3018 = arith.constant 0 : index
      %swap3A_3019 = arith.constant 1024 : index
      %swap3A_3020 = vector.load %arg5[%swap3A_3018, %swap3A_3019] : memref<64x8192xf32, #tpu.memory_space<vmem>>, vector<64x128xf32>
      tpu.vector_store %arg5[%swap3A_3018, %swap3A_3019], %select_n3A_3017 {strides = array<i32>} : memref<64x8192xf32, #tpu.memory_space<vmem>>, vector<64x128xf32>,
      %lt3A_3021 = arith.cmpf olt, %select_n3A_3017, %select_n3A_3006 : vector<64x128xf32>
      %jit3A_3022 = arith.constant 8 : i32
      %broadcast_in_dim3A_3023 = vector.broadcast %jit3A_3022 : i32 to vector<64x128xi32>
      %select_n3A_3024 = arith.select %lt3A_3021, %broadcast_in_dim3A_3023, %select_n3A_3005 : vector<64x128xi1>, vector<64x128xi32>
      %select_n3A_3025 = arith.select %lt3A_3021, %select_n3A_3017, %select_n3A_3006 : vector<64x128xi1>, vector<64x128xf32>
      %get3A_3026 = arith.constant 0 : index
      %get3A_3027 = arith.constant 1152 : index
      %get3A_3028 = vector.load %arg5[%get3A_3026, %get3A_3027] : memref<64x8192xf32, #tpu.memory_space<vmem>>, vector<64x128xf32>
      %sub3A_3029 = arith.constant 1152 : i32
      %sub3A_3030 = vector.broadcast %sub3A_3029 : i32 to vector<64x1xi32>
      %sub3A_3031 = arith.subi %broadcast_in_dim3A_2845, %sub3A_3030 : vector<64x1xi32>
      %eq3A_3032 = vector.broadcast %sub3A_3031 : vector<64x1xi32> to vector<64x128xi32>
      %eq3A_3033 = arith.cmpi eq, %iota3A, %eq3A_3032 : vector<64x128xi32>
      %jit3A_3034 = arith.constant 0x7F800000 : f32
      %broadcast_in_dim3A_3035 = vector.broadcast %jit3A_3034 : f32 to vector<64x128xf32>
      %select_n3A_3036 = arith.select %eq3A_3033, %broadcast_in_dim3A_3035, %get3A_3028 : vector<64x128xi1>, vector<64x128xf32>
      %swap3A_3037 = arith.constant 0 : index
      %swap3A_3038 = arith.constant 1152 : index
      %swap3A_3039 = vector.load %arg5[%swap3A_3037, %swap3A_3038] : memref<64x8192xf32, #tpu.memory_space<vmem>>, vector<64x128xf32>
      tpu.vector_store %arg5[%swap3A_3037, %swap3A_3038], %select_n3A_3036 {strides = array<i32>} : memref<64x8192xf32, #tpu.memory_space<vmem>>, vector<64x128xf32>,
      %lt3A_3040 = arith.cmpf olt, %select_n3A_3036, %select_n3A_3025 : vector<64x128xf32>
      %jit3A_3041 = arith.constant 9 : i32
      %broadcast_in_dim3A_3042 = vector.broadcast %jit3A_3041 : i32 to vector<64x128xi32>
      %select_n3A_3043 = arith.select %lt3A_3040, %broadcast_in_dim3A_3042, %select_n3A_3024 : vector<64x128xi1>, vector<64x128xi32>
      %select_n3A_3044 = arith.select %lt3A_3040, %select_n3A_3036, %select_n3A_3025 : vector<64x128xi1>, vector<64x128xf32>
      %get3A_3045 = arith.constant 0 : index
      %get3A_3046 = arith.constant 1280 : index
      %get3A_3047 = vector.load %arg5[%get3A_3045, %get3A_3046] : memref<64x8192xf32, #tpu.memory_space<vmem>>, vector<64x128xf32>
      %sub3A_3048 = arith.constant 1280 : i32
      %sub3A_3049 = vector.broadcast %sub3A_3048 : i32 to vector<64x1xi32>
      %sub3A_3050 = arith.subi %broadcast_in_dim3A_2845, %sub3A_3049 : vector<64x1xi32>
      %eq3A_3051 = vector.broadcast %sub3A_3050 : vector<64x1xi32> to vector<64x128xi32>
      %eq3A_3052 = arith.cmpi eq, %iota3A, %eq3A_3051 : vector<64x128xi32>
      %jit3A_3053 = arith.constant 0x7F800000 : f32
      %broadcast_in_dim3A_3054 = vector.broadcast %jit3A_3053 : f32 to vector<64x128xf32>
      %select_n3A_3055 = arith.select %eq3A_3052, %broadcast_in_dim3A_3054, %get3A_3047 : vector<64x128xi1>, vector<64x128xf32>
      %swap3A_3056 = arith.constant 0 : index
      %swap3A_3057 = arith.constant 1280 : index
      %swap3A_3058 = vector.load %arg5[%swap3A_3056, %swap3A_3057] : memref<64x8192xf32, #tpu.memory_space<vmem>>, vector<64x128xf32>
      tpu.vector_store %arg5[%swap3A_3056, %swap3A_3057], %select_n3A_3055 {strides = array<i32>} : memref<64x8192xf32, #tpu.memory_space<vmem>>, vector<64x128xf32>,
      %lt3A_3059 = arith.cmpf olt, %select_n3A_3055, %select_n3A_3044 : vector<64x128xf32>
      %jit3A_3060 = arith.constant 10 : i32
      %broadcast_in_dim3A_3061 = vector.broadcast %jit3A_3060 : i32 to vector<64x128xi32>
      %select_n3A_3062 = arith.select %lt3A_3059, %broadcast_in_dim3A_3061, %select_n3A_3043 : vector<64x128xi1>, vector<64x128xi32>
      %select_n3A_3063 = arith.select %lt3A_3059, %select_n3A_3055, %select_n3A_3044 : vector<64x128xi1>, vector<64x128xf32>
      %get3A_3064 = arith.constant 0 : index
      %get3A_3065 = arith.constant 1408 : index
      %get3A_3066 = vector.load %arg5[%get3A_3064, %get3A_3065] : memref<64x8192xf32, #tpu.memory_space<vmem>>, vector<64x128xf32>
      %sub3A_3067 = arith.constant 1408 : i32
      %sub3A_3068 = vector.broadcast %sub3A_3067 : i32 to vector<64x1xi32>
      %sub3A_3069 = arith.subi %broadcast_in_dim3A_2845, %sub3A_3068 : vector<64x1xi32>
      %eq3A_3070 = vector.broadcast %sub3A_3069 : vector<64x1xi32> to vector<64x128xi32>
      %eq3A_3071 = arith.cmpi eq, %iota3A, %eq3A_3070 : vector<64x128xi32>
      %jit3A_3072 = arith.constant 0x7F800000 : f32
      %broadcast_in_dim3A_3073 = vector.broadcast %jit3A_3072 : f32 to vector<64x128xf32>
      %select_n3A_3074 = arith.select %eq3A_3071, %broadcast_in_dim3A_3073, %get3A_3066 : vector<64x128xi1>, vector<64x128xf32>
      %swap3A_3075 = arith.constant 0 : index
      %swap3A_3076 = arith.constant 1408 : index
      %swap3A_3077 = vector.load %arg5[%swap3A_3075, %swap3A_3076] : memref<64x8192xf32, #tpu.memory_space<vmem>>, vector<64x128xf32>
      tpu.vector_store %arg5[%swap3A_3075, %swap3A_3076], %select_n3A_3074 {strides = array<i32>} : memref<64x8192xf32, #tpu.memory_space<vmem>>, vector<64x128xf32>,
      %lt3A_3078 = arith.cmpf olt, %select_n3A_3074, %select_n3A_3063 : vector<64x128xf32>
      %jit3A_3079 = arith.constant 11 : i32
      %broadcast_in_dim3A_3080 = vector.broadcast %jit3A_3079 : i32 to vector<64x128xi32>
      %select_n3A_3081 = arith.select %lt3A_3078, %broadcast_in_dim3A_3080, %select_n3A_3062 : vector<64x128xi1>, vector<64x128xi32>
      %select_n3A_3082 = arith.select %lt3A_3078, %select_n3A_3074, %select_n3A_3063 : vector<64x128xi1>, vector<64x128xf32>
      %get3A_3083 = arith.constant 0 : index
      %get3A_3084 = arith.constant 1536 : index
      %get3A_3085 = vector.load %arg5[%get3A_3083, %get3A_3084] : memref<64x8192xf32, #tpu.memory_space<vmem>>, vector<64x128xf32>
      %sub3A_3086 = arith.constant 1536 : i32
      %sub3A_3087 = vector.broadcast %sub3A_3086 : i32 to vector<64x1xi32>
      %sub3A_3088 = arith.subi %broadcast_in_dim3A_2845, %sub3A_3087 : vector<64x1xi32>
      %eq3A_3089 = vector.broadcast %sub3A_3088 : vector<64x1xi32> to vector<64x128xi32>
      %eq3A_3090 = arith.cmpi eq, %iota3A, %eq3A_3089 : vector<64x128xi32>
      %jit3A_3091 = arith.constant 0x7F800000 : f32
      %broadcast_in_dim3A_3092 = vector.broadcast %jit3A_3091 : f32 to vector<64x128xf32>
      %select_n3A_3093 = arith.select %eq3A_3090, %broadcast_in_dim3A_3092, %get3A_3085 : vector<64x128xi1>, vector<64x128xf32>
      %swap3A_3094 = arith.constant 0 : index
      %swap3A_3095 = arith.constant 1536 : index
      %swap3A_3096 = vector.load %arg5[%swap3A_3094, %swap3A_3095] : memref<64x8192xf32, #tpu.memory_space<vmem>>, vector<64x128xf32>
      tpu.vector_store %arg5[%swap3A_3094, %swap3A_3095], %select_n3A_3093 {strides = array<i32>} : memref<64x8192xf32, #tpu.memory_space<vmem>>, vector<64x128xf32>,
      %lt3A_3097 = arith.cmpf olt, %select_n3A_3093, %select_n3A_3082 : vector<64x128xf32>
      %jit3A_3098 = arith.constant 12 : i32
      %broadcast_in_dim3A_3099 = vector.broadcast %jit3A_3098 : i32 to vector<64x128xi32>
      %select_n3A_3100 = arith.select %lt3A_3097, %broadcast_in_dim3A_3099, %select_n3A_3081 : vector<64x128xi1>, vector<64x128xi32>
      %select_n3A_3101 = arith.select %lt3A_3097, %select_n3A_3093, %select_n3A_3082 : vector<64x128xi1>, vector<64x128xf32>
      %get3A_3102 = arith.constant 0 : index
      %get3A_3103 = arith.constant 1664 : index
      %get3A_3104 = vector.load %arg5[%get3A_3102, %get3A_3103] : memref<64x8192xf32, #tpu.memory_space<vmem>>, vector<64x128xf32>
      %sub3A_3105 = arith.constant 1664 : i32
      %sub3A_3106 = vector.broadcast %sub3A_3105 : i32 to vector<64x1xi32>
      %sub3A_3107 = arith.subi %broadcast_in_dim3A_2845, %sub3A_3106 : vector<64x1xi32>
      %eq3A_3108 = vector.broadcast %sub3A_3107 : vector<64x1xi32> to vector<64x128xi32>
      %eq3A_3109 = arith.cmpi eq, %iota3A, %eq3A_3108 : vector<64x128xi32>
      %jit3A_3110 = arith.constant 0x7F800000 : f32
      %broadcast_in_dim3A_3111 = vector.broadcast %jit3A_3110 : f32 to vector<64x128xf32>
      %select_n3A_3112 = arith.select %eq3A_3109, %broadcast_in_dim3A_3111, %get3A_3104 : vector<64x128xi1>, vector<64x128xf32>
      %swap3A_3113 = arith.constant 0 : index
      %swap3A_3114 = arith.constant 1664 : index
      %swap3A_3115 = vector.load %arg5[%swap3A_3113, %swap3A_3114] : memref<64x8192xf32, #tpu.memory_space<vmem>>, vector<64x128xf32>
      tpu.vector_store %arg5[%swap3A_3113, %swap3A_3114], %select_n3A_3112 {strides = array<i32>} : memref<64x8192xf32, #tpu.memory_space<vmem>>, vector<64x128xf32>,
      %lt3A_3116 = arith.cmpf olt, %select_n3A_3112, %select_n3A_3101 : vector<64x128xf32>
      %jit3A_3117 = arith.constant 13 : i32
      %broadcast_in_dim3A_3118 = vector.broadcast %jit3A_3117 : i32 to vector<64x128xi32>
      %select_n3A_3119 = arith.select %lt3A_3116, %broadcast_in_dim3A_3118, %select_n3A_3100 : vector<64x128xi1>, vector<64x128xi32>
      %select_n3A_3120 = arith.select %lt3A_3116, %select_n3A_3112, %select_n3A_3101 : vector<64x128xi1>, vector<64x128xf32>
      %get3A_3121 = arith.constant 0 : index
      %get3A_3122 = arith.constant 1792 : index
      %get3A_3123 = vector.load %arg5[%get3A_3121, %get3A_3122] : memref<64x8192xf32, #tpu.memory_space<vmem>>, vector<64x128xf32>
      %sub3A_3124 = arith.constant 1792 : i32
      %sub3A_3125 = vector.broadcast %sub3A_3124 : i32 to vector<64x1xi32>
      %sub3A_3126 = arith.subi %broadcast_in_dim3A_2845, %sub3A_3125 : vector<64x1xi32>
      %eq3A_3127 = vector.broadcast %sub3A_3126 : vector<64x1xi32> to vector<64x128xi32>
      %eq3A_3128 = arith.cmpi eq, %iota3A, %eq3A_3127 : vector<64x128xi32>
      %jit3A_3129 = arith.constant 0x7F800000 : f32
      %broadcast_in_dim3A_3130 = vector.broadcast %jit3A_3129 : f32 to vector<64x128xf32>
      %select_n3A_3131 = arith.select %eq3A_3128, %broadcast_in_dim3A_3130, %get3A_3123 : vector<64x128xi1>, vector<64x128xf32>
      %swap3A_3132 = arith.constant 0 : index
      %swap3A_3133 = arith.constant 1792 : index
      %swap3A_3134 = vector.load %arg5[%swap3A_3132, %swap3A_3133] : memref<64x8192xf32, #tpu.memory_space<vmem>>, vector<64x128xf32>
      tpu.vector_store %arg5[%swap3A_3132, %swap3A_3133], %select_n3A_3131 {strides = array<i32>} : memref<64x8192xf32, #tpu.memory_space<vmem>>, vector<64x128xf32>,
      %lt3A_3135 = arith.cmpf olt, %select_n3A_3131, %select_n3A_3120 : vector<64x128xf32>
      %jit3A_3136 = arith.constant 14 : i32
      %broadcast_in_dim3A_3137 = vector.broadcast %jit3A_3136 : i32 to vector<64x128xi32>
      %select_n3A_3138 = arith.select %lt3A_3135, %broadcast_in_dim3A_3137, %select_n3A_3119 : vector<64x128xi1>, vector<64x128xi32>
      %select_n3A_3139 = arith.select %lt3A_3135, %select_n3A_3131, %select_n3A_3120 : vector<64x128xi1>, vector<64x128xf32>
      %get3A_3140 = arith.constant 0 : index
      %get3A_3141 = arith.constant 1920 : index
      %get3A_3142 = vector.load %arg5[%get3A_3140, %get3A_3141] : memref<64x8192xf32, #tpu.memory_space<vmem>>, vector<64x128xf32>
      %sub3A_3143 = arith.constant 1920 : i32
      %sub3A_3144 = vector.broadcast %sub3A_3143 : i32 to vector<64x1xi32>
      %sub3A_3145 = arith.subi %broadcast_in_dim3A_2845, %sub3A_3144 : vector<64x1xi32>
      %eq3A_3146 = vector.broadcast %sub3A_3145 : vector<64x1xi32> to vector<64x128xi32>
      %eq3A_3147 = arith.cmpi eq, %iota3A, %eq3A_3146 : vector<64x128xi32>
      %jit3A_3148 = arith.constant 0x7F800000 : f32
      %broadcast_in_dim3A_3149 = vector.broadcast %jit3A_3148 : f32 to vector<64x128xf32>
      %select_n3A_3150 = arith.select %eq3A_3147, %broadcast_in_dim3A_3149, %get3A_3142 : vector<64x128xi1>, vector<64x128xf32>
      %swap3A_3151 = arith.constant 0 : index
      %swap3A_3152 = arith.constant 1920 : index
      %swap3A_3153 = vector.load %arg5[%swap3A_3151, %swap3A_3152] : memref<64x8192xf32, #tpu.memory_space<vmem>>, vector<64x128xf32>
      tpu.vector_store %arg5[%swap3A_3151, %swap3A_3152], %select_n3A_3150 {strides = array<i32>} : memref<64x8192xf32, #tpu.memory_space<vmem>>, vector<64x128xf32>,
      %lt3A_3154 = arith.cmpf olt, %select_n3A_3150, %select_n3A_3139 : vector<64x128xf32>
      %jit3A_3155 = arith.constant 15 : i32
      %broadcast_in_dim3A_3156 = vector.broadcast %jit3A_3155 : i32 to vector<64x128xi32>
      %select_n3A_3157 = arith.select %lt3A_3154, %broadcast_in_dim3A_3156, %select_n3A_3138 : vector<64x128xi1>, vector<64x128xi32>
      %select_n3A_3158 = arith.select %lt3A_3154, %select_n3A_3150, %select_n3A_3139 : vector<64x128xi1>, vector<64x128xf32>
      %get3A_3159 = arith.constant 0 : index
      %get3A_3160 = arith.constant 2048 : index
      %get3A_3161 = vector.load %arg5[%get3A_3159, %get3A_3160] : memref<64x8192xf32, #tpu.memory_space<vmem>>, vector<64x128xf32>
      %sub3A_3162 = arith.constant 2048 : i32
      %sub3A_3163 = vector.broadcast %sub3A_3162 : i32 to vector<64x1xi32>
      %sub3A_3164 = arith.subi %broadcast_in_dim3A_2845, %sub3A_3163 : vector<64x1xi32>
      %eq3A_3165 = vector.broadcast %sub3A_3164 : vector<64x1xi32> to vector<64x128xi32>
      %eq3A_3166 = arith.cmpi eq, %iota3A, %eq3A_3165 : vector<64x128xi32>
      %jit3A_3167 = arith.constant 0x7F800000 : f32
      %broadcast_in_dim3A_3168 = vector.broadcast %jit3A_3167 : f32 to vector<64x128xf32>
      %select_n3A_3169 = arith.select %eq3A_3166, %broadcast_in_dim3A_3168, %get3A_3161 : vector<64x128xi1>, vector<64x128xf32>
      %swap3A_3170 = arith.constant 0 : index
      %swap3A_3171 = arith.constant 2048 : index
      %swap3A_3172 = vector.load %arg5[%swap3A_3170, %swap3A_3171] : memref<64x8192xf32, #tpu.memory_space<vmem>>, vector<64x128xf32>
      tpu.vector_store %arg5[%swap3A_3170, %swap3A_3171], %select_n3A_3169 {strides = array<i32>} : memref<64x8192xf32, #tpu.memory_space<vmem>>, vector<64x128xf32>,
      %lt3A_3173 = arith.cmpf olt, %select_n3A_3169, %select_n3A_3158 : vector<64x128xf32>
      %jit3A_3174 = arith.constant 16 : i32
      %broadcast_in_dim3A_3175 = vector.broadcast %jit3A_3174 : i32 to vector<64x128xi32>
      %select_n3A_3176 = arith.select %lt3A_3173, %broadcast_in_dim3A_3175, %select_n3A_3157 : vector<64x128xi1>, vector<64x128xi32>
      %select_n3A_3177 = arith.select %lt3A_3173, %select_n3A_3169, %select_n3A_3158 : vector<64x128xi1>, vector<64x128xf32>
      %get3A_3178 = arith.constant 0 : index
      %get3A_3179 = arith.constant 2176 : index
      %get3A_3180 = vector.load %arg5[%get3A_3178, %get3A_3179] : memref<64x8192xf32, #tpu.memory_space<vmem>>, vector<64x128xf32>
      %sub3A_3181 = arith.constant 2176 : i32
      %sub3A_3182 = vector.broadcast %sub3A_3181 : i32 to vector<64x1xi32>
      %sub3A_3183 = arith.subi %broadcast_in_dim3A_2845, %sub3A_3182 : vector<64x1xi32>
      %eq3A_3184 = vector.broadcast %sub3A_3183 : vector<64x1xi32> to vector<64x128xi32>
      %eq3A_3185 = arith.cmpi eq, %iota3A, %eq3A_3184 : vector<64x128xi32>
      %jit3A_3186 = arith.constant 0x7F800000 : f32
      %broadcast_in_dim3A_3187 = vector.broadcast %jit3A_3186 : f32 to vector<64x128xf32>
      %select_n3A_3188 = arith.select %eq3A_3185, %broadcast_in_dim3A_3187, %get3A_3180 : vector<64x128xi1>, vector<64x128xf32>
      %swap3A_3189 = arith.constant 0 : index
      %swap3A_3190 = arith.constant 2176 : index
      %swap3A_3191 = vector.load %arg5[%swap3A_3189, %swap3A_3190] : memref<64x8192xf32, #tpu.memory_space<vmem>>, vector<64x128xf32>
      tpu.vector_store %arg5[%swap3A_3189, %swap3A_3190], %select_n3A_3188 {strides = array<i32>} : memref<64x8192xf32, #tpu.memory_space<vmem>>, vector<64x128xf32>,
      %lt3A_3192 = arith.cmpf olt, %select_n3A_3188, %select_n3A_3177 : vector<64x128xf32>
      %jit3A_3193 = arith.constant 17 : i32
      %broadcast_in_dim3A_3194 = vector.broadcast %jit3A_3193 : i32 to vector<64x128xi32>
      %select_n3A_3195 = arith.select %lt3A_3192, %broadcast_in_dim3A_3194, %select_n3A_3176 : vector<64x128xi1>, vector<64x128xi32>
      %select_n3A_3196 = arith.select %lt3A_3192, %select_n3A_3188, %select_n3A_3177 : vector<64x128xi1>, vector<64x128xf32>
      %get3A_3197 = arith.constant 0 : index
      %get3A_3198 = arith.constant 2304 : index
      %get3A_3199 = vector.load %arg5[%get3A_3197, %get3A_3198] : memref<64x8192xf32, #tpu.memory_space<vmem>>, vector<64x128xf32>
      %sub3A_3200 = arith.constant 2304 : i32
      %sub3A_3201 = vector.broadcast %sub3A_3200 : i32 to vector<64x1xi32>
      %sub3A_3202 = arith.subi %broadcast_in_dim3A_2845, %sub3A_3201 : vector<64x1xi32>
      %eq3A_3203 = vector.broadcast %sub3A_3202 : vector<64x1xi32> to vector<64x128xi32>
      %eq3A_3204 = arith.cmpi eq, %iota3A, %eq3A_3203 : vector<64x128xi32>
      %jit3A_3205 = arith.constant 0x7F800000 : f32
      %broadcast_in_dim3A_3206 = vector.broadcast %jit3A_3205 : f32 to vector<64x128xf32>
      %select_n3A_3207 = arith.select %eq3A_3204, %broadcast_in_dim3A_3206, %get3A_3199 : vector<64x128xi1>, vector<64x128xf32>
      %swap3A_3208 = arith.constant 0 : index
      %swap3A_3209 = arith.constant 2304 : index
      %swap3A_3210 = vector.load %arg5[%swap3A_3208, %swap3A_3209] : memref<64x8192xf32, #tpu.memory_space<vmem>>, vector<64x128xf32>
      tpu.vector_store %arg5[%swap3A_3208, %swap3A_3209], %select_n3A_3207 {strides = array<i32>} : memref<64x8192xf32, #tpu.memory_space<vmem>>, vector<64x128xf32>,
      %lt3A_3211 = arith.cmpf olt, %select_n3A_3207, %select_n3A_3196 : vector<64x128xf32>
      %jit3A_3212 = arith.constant 18 : i32
      %broadcast_in_dim3A_3213 = vector.broadcast %jit3A_3212 : i32 to vector<64x128xi32>
      %select_n3A_3214 = arith.select %lt3A_3211, %broadcast_in_dim3A_3213, %select_n3A_3195 : vector<64x128xi1>, vector<64x128xi32>
      %select_n3A_3215 = arith.select %lt3A_3211, %select_n3A_3207, %select_n3A_3196 : vector<64x128xi1>, vector<64x128xf32>
      %get3A_3216 = arith.constant 0 : index
      %get3A_3217 = arith.constant 2432 : index
      %get3A_3218 = vector.load %arg5[%get3A_3216, %get3A_3217] : memref<64x8192xf32, #tpu.memory_space<vmem>>, vector<64x128xf32>
      %sub3A_3219 = arith.constant 2432 : i32
      %sub3A_3220 = vector.broadcast %sub3A_3219 : i32 to vector<64x1xi32>
      %sub3A_3221 = arith.subi %broadcast_in_dim3A_2845, %sub3A_3220 : vector<64x1xi32>
      %eq3A_3222 = vector.broadcast %sub3A_3221 : vector<64x1xi32> to vector<64x128xi32>
      %eq3A_3223 = arith.cmpi eq, %iota3A, %eq3A_3222 : vector<64x128xi32>
      %jit3A_3224 = arith.constant 0x7F800000 : f32
      %broadcast_in_dim3A_3225 = vector.broadcast %jit3A_3224 : f32 to vector<64x128xf32>
      %select_n3A_3226 = arith.select %eq3A_3223, %broadcast_in_dim3A_3225, %get3A_3218 : vector<64x128xi1>, vector<64x128xf32>
      %swap3A_3227 = arith.constant 0 : index
      %swap3A_3228 = arith.constant 2432 : index
      %swap3A_3229 = vector.load %arg5[%swap3A_3227, %swap3A_3228] : memref<64x8192xf32, #tpu.memory_space<vmem>>, vector<64x128xf32>
      tpu.vector_store %arg5[%swap3A_3227, %swap3A_3228], %select_n3A_3226 {strides = array<i32>} : memref<64x8192xf32, #tpu.memory_space<vmem>>, vector<64x128xf32>,
      %lt3A_3230 = arith.cmpf olt, %select_n3A_3226, %select_n3A_3215 : vector<64x128xf32>
      %jit3A_3231 = arith.constant 19 : i32
      %broadcast_in_dim3A_3232 = vector.broadcast %jit3A_3231 : i32 to vector<64x128xi32>
      %select_n3A_3233 = arith.select %lt3A_3230, %broadcast_in_dim3A_3232, %select_n3A_3214 : vector<64x128xi1>, vector<64x128xi32>
      %select_n3A_3234 = arith.select %lt3A_3230, %select_n3A_3226, %select_n3A_3215 : vector<64x128xi1>, vector<64x128xf32>
      %get3A_3235 = arith.constant 0 : index
      %get3A_3236 = arith.constant 2560 : index
      %get3A_3237 = vector.load %arg5[%get3A_3235, %get3A_3236] : memref<64x8192xf32, #tpu.memory_space<vmem>>, vector<64x128xf32>
      %sub3A_3238 = arith.constant 2560 : i32
      %sub3A_3239 = vector.broadcast %sub3A_3238 : i32 to vector<64x1xi32>
      %sub3A_3240 = arith.subi %broadcast_in_dim3A_2845, %sub3A_3239 : vector<64x1xi32>
      %eq3A_3241 = vector.broadcast %sub3A_3240 : vector<64x1xi32> to vector<64x128xi32>
      %eq3A_3242 = arith.cmpi eq, %iota3A, %eq3A_3241 : vector<64x128xi32>
      %jit3A_3243 = arith.constant 0x7F800000 : f32
      %broadcast_in_dim3A_3244 = vector.broadcast %jit3A_3243 : f32 to vector<64x128xf32>
      %select_n3A_3245 = arith.select %eq3A_3242, %broadcast_in_dim3A_3244, %get3A_3237 : vector<64x128xi1>, vector<64x128xf32>
      %swap3A_3246 = arith.constant 0 : index
      %swap3A_3247 = arith.constant 2560 : index
      %swap3A_3248 = vector.load %arg5[%swap3A_3246, %swap3A_3247] : memref<64x8192xf32, #tpu.memory_space<vmem>>, vector<64x128xf32>
      tpu.vector_store %arg5[%swap3A_3246, %swap3A_3247], %select_n3A_3245 {strides = array<i32>} : memref<64x8192xf32, #tpu.memory_space<vmem>>, vector<64x128xf32>,
      %lt3A_3249 = arith.cmpf olt, %select_n3A_3245, %select_n3A_3234 : vector<64x128xf32>
      %jit3A_3250 = arith.constant 20 : i32
      %broadcast_in_dim3A_3251 = vector.broadcast %jit3A_3250 : i32 to vector<64x128xi32>
      %select_n3A_3252 = arith.select %lt3A_3249, %broadcast_in_dim3A_3251, %select_n3A_3233 : vector<64x128xi1>, vector<64x128xi32>
      %select_n3A_3253 = arith.select %lt3A_3249, %select_n3A_3245, %select_n3A_3234 : vector<64x128xi1>, vector<64x128xf32>
      %get3A_3254 = arith.constant 0 : index
      %get3A_3255 = arith.constant 2688 : index
      %get3A_3256 = vector.load %arg5[%get3A_3254, %get3A_3255] : memref<64x8192xf32, #tpu.memory_space<vmem>>, vector<64x128xf32>
      %sub3A_3257 = arith.constant 2688 : i32
      %sub3A_3258 = vector.broadcast %sub3A_3257 : i32 to vector<64x1xi32>
      %sub3A_3259 = arith.subi %broadcast_in_dim3A_2845, %sub3A_3258 : vector<64x1xi32>
      %eq3A_3260 = vector.broadcast %sub3A_3259 : vector<64x1xi32> to vector<64x128xi32>
      %eq3A_3261 = arith.cmpi eq, %iota3A, %eq3A_3260 : vector<64x128xi32>
      %jit3A_3262 = arith.constant 0x7F800000 : f32
      %broadcast_in_dim3A_3263 = vector.broadcast %jit3A_3262 : f32 to vector<64x128xf32>
      %select_n3A_3264 = arith.select %eq3A_3261, %broadcast_in_dim3A_3263, %get3A_3256 : vector<64x128xi1>, vector<64x128xf32>
      %swap3A_3265 = arith.constant 0 : index
      %swap3A_3266 = arith.constant 2688 : index
      %swap3A_3267 = vector.load %arg5[%swap3A_3265, %swap3A_3266] : memref<64x8192xf32, #tpu.memory_space<vmem>>, vector<64x128xf32>
      tpu.vector_store %arg5[%swap3A_3265, %swap3A_3266], %select_n3A_3264 {strides = array<i32>} : memref<64x8192xf32, #tpu.memory_space<vmem>>, vector<64x128xf32>,
      %lt3A_3268 = arith.cmpf olt, %select_n3A_3264, %select_n3A_3253 : vector<64x128xf32>
      %jit3A_3269 = arith.constant 21 : i32
      %broadcast_in_dim3A_3270 = vector.broadcast %jit3A_3269 : i32 to vector<64x128xi32>
      %select_n3A_3271 = arith.select %lt3A_3268, %broadcast_in_dim3A_3270, %select_n3A_3252 : vector<64x128xi1>, vector<64x128xi32>
      %select_n3A_3272 = arith.select %lt3A_3268, %select_n3A_3264, %select_n3A_3253 : vector<64x128xi1>, vector<64x128xf32>
      %get3A_3273 = arith.constant 0 : index
      %get3A_3274 = arith.constant 2816 : index
      %get3A_3275 = vector.load %arg5[%get3A_3273, %get3A_3274] : memref<64x8192xf32, #tpu.memory_space<vmem>>, vector<64x128xf32>
      %sub3A_3276 = arith.constant 2816 : i32
      %sub3A_3277 = vector.broadcast %sub3A_3276 : i32 to vector<64x1xi32>
      %sub3A_3278 = arith.subi %broadcast_in_dim3A_2845, %sub3A_3277 : vector<64x1xi32>
      %eq3A_3279 = vector.broadcast %sub3A_3278 : vector<64x1xi32> to vector<64x128xi32>
      %eq3A_3280 = arith.cmpi eq, %iota3A, %eq3A_3279 : vector<64x128xi32>
      %jit3A_3281 = arith.constant 0x7F800000 : f32
      %broadcast_in_dim3A_3282 = vector.broadcast %jit3A_3281 : f32 to vector<64x128xf32>
      %select_n3A_3283 = arith.select %eq3A_3280, %broadcast_in_dim3A_3282, %get3A_3275 : vector<64x128xi1>, vector<64x128xf32>
      %swap3A_3284 = arith.constant 0 : index
      %swap3A_3285 = arith.constant 2816 : index
      %swap3A_3286 = vector.load %arg5[%swap3A_3284, %swap3A_3285] : memref<64x8192xf32, #tpu.memory_space<vmem>>, vector<64x128xf32>
      tpu.vector_store %arg5[%swap3A_3284, %swap3A_3285], %select_n3A_3283 {strides = array<i32>} : memref<64x8192xf32, #tpu.memory_space<vmem>>, vector<64x128xf32>,
      %lt3A_3287 = arith.cmpf olt, %select_n3A_3283, %select_n3A_3272 : vector<64x128xf32>
      %jit3A_3288 = arith.constant 22 : i32
      %broadcast_in_dim3A_3289 = vector.broadcast %jit3A_3288 : i32 to vector<64x128xi32>
      %select_n3A_3290 = arith.select %lt3A_3287, %broadcast_in_dim3A_3289, %select_n3A_3271 : vector<64x128xi1>, vector<64x128xi32>
      %select_n3A_3291 = arith.select %lt3A_3287, %select_n3A_3283, %select_n3A_3272 : vector<64x128xi1>, vector<64x128xf32>
      %get3A_3292 = arith.constant 0 : index
      %get3A_3293 = arith.constant 2944 : index
      %get3A_3294 = vector.load %arg5[%get3A_3292, %get3A_3293] : memref<64x8192xf32, #tpu.memory_space<vmem>>, vector<64x128xf32>
      %sub3A_3295 = arith.constant 2944 : i32
      %sub3A_3296 = vector.broadcast %sub3A_3295 : i32 to vector<64x1xi32>
      %sub3A_3297 = arith.subi %broadcast_in_dim3A_2845, %sub3A_3296 : vector<64x1xi32>
      %eq3A_3298 = vector.broadcast %sub3A_3297 : vector<64x1xi32> to vector<64x128xi32>
      %eq3A_3299 = arith.cmpi eq, %iota3A, %eq3A_3298 : vector<64x128xi32>
      %jit3A_3300 = arith.constant 0x7F800000 : f32
      %broadcast_in_dim3A_3301 = vector.broadcast %jit3A_3300 : f32 to vector<64x128xf32>
      %select_n3A_3302 = arith.select %eq3A_3299, %broadcast_in_dim3A_3301, %get3A_3294 : vector<64x128xi1>, vector<64x128xf32>
      %swap3A_3303 = arith.constant 0 : index
      %swap3A_3304 = arith.constant 2944 : index
      %swap3A_3305 = vector.load %arg5[%swap3A_3303, %swap3A_3304] : memref<64x8192xf32, #tpu.memory_space<vmem>>, vector<64x128xf32>
      tpu.vector_store %arg5[%swap3A_3303, %swap3A_3304], %select_n3A_3302 {strides = array<i32>} : memref<64x8192xf32, #tpu.memory_space<vmem>>, vector<64x128xf32>,
      %lt3A_3306 = arith.cmpf olt, %select_n3A_3302, %select_n3A_3291 : vector<64x128xf32>
      %jit3A_3307 = arith.constant 23 : i32
      %broadcast_in_dim3A_3308 = vector.broadcast %jit3A_3307 : i32 to vector<64x128xi32>
      %select_n3A_3309 = arith.select %lt3A_3306, %broadcast_in_dim3A_3308, %select_n3A_3290 : vector<64x128xi1>, vector<64x128xi32>
      %select_n3A_3310 = arith.select %lt3A_3306, %select_n3A_3302, %select_n3A_3291 : vector<64x128xi1>, vector<64x128xf32>
      %get3A_3311 = arith.constant 0 : index
      %get3A_3312 = arith.constant 3072 : index
      %get3A_3313 = vector.load %arg5[%get3A_3311, %get3A_3312] : memref<64x8192xf32, #tpu.memory_space<vmem>>, vector<64x128xf32>
      %sub3A_3314 = arith.constant 3072 : i32
      %sub3A_3315 = vector.broadcast %sub3A_3314 : i32 to vector<64x1xi32>
      %sub3A_3316 = arith.subi %broadcast_in_dim3A_2845, %sub3A_3315 : vector<64x1xi32>
      %eq3A_3317 = vector.broadcast %sub3A_3316 : vector<64x1xi32> to vector<64x128xi32>
      %eq3A_3318 = arith.cmpi eq, %iota3A, %eq3A_3317 : vector<64x128xi32>
      %jit3A_3319 = arith.constant 0x7F800000 : f32
      %broadcast_in_dim3A_3320 = vector.broadcast %jit3A_3319 : f32 to vector<64x128xf32>
      %select_n3A_3321 = arith.select %eq3A_3318, %broadcast_in_dim3A_3320, %get3A_3313 : vector<64x128xi1>, vector<64x128xf32>
      %swap3A_3322 = arith.constant 0 : index
      %swap3A_3323 = arith.constant 3072 : index
      %swap3A_3324 = vector.load %arg5[%swap3A_3322, %swap3A_3323] : memref<64x8192xf32, #tpu.memory_space<vmem>>, vector<64x128xf32>
      tpu.vector_store %arg5[%swap3A_3322, %swap3A_3323], %select_n3A_3321 {strides = array<i32>} : memref<64x8192xf32, #tpu.memory_space<vmem>>, vector<64x128xf32>,
      %lt3A_3325 = arith.cmpf olt, %select_n3A_3321, %select_n3A_3310 : vector<64x128xf32>
      %jit3A_3326 = arith.constant 24 : i32
      %broadcast_in_dim3A_3327 = vector.broadcast %jit3A_3326 : i32 to vector<64x128xi32>
      %select_n3A_3328 = arith.select %lt3A_3325, %broadcast_in_dim3A_3327, %select_n3A_3309 : vector<64x128xi1>, vector<64x128xi32>
      %select_n3A_3329 = arith.select %lt3A_3325, %select_n3A_3321, %select_n3A_3310 : vector<64x128xi1>, vector<64x128xf32>
      %get3A_3330 = arith.constant 0 : index
      %get3A_3331 = arith.constant 3200 : index
      %get3A_3332 = vector.load %arg5[%get3A_3330, %get3A_3331] : memref<64x8192xf32, #tpu.memory_space<vmem>>, vector<64x128xf32>
      %sub3A_3333 = arith.constant 3200 : i32
      %sub3A_3334 = vector.broadcast %sub3A_3333 : i32 to vector<64x1xi32>
      %sub3A_3335 = arith.subi %broadcast_in_dim3A_2845, %sub3A_3334 : vector<64x1xi32>
      %eq3A_3336 = vector.broadcast %sub3A_3335 : vector<64x1xi32> to vector<64x128xi32>
      %eq3A_3337 = arith.cmpi eq, %iota3A, %eq3A_3336 : vector<64x128xi32>
      %jit3A_3338 = arith.constant 0x7F800000 : f32
      %broadcast_in_dim3A_3339 = vector.broadcast %jit3A_3338 : f32 to vector<64x128xf32>
      %select_n3A_3340 = arith.select %eq3A_3337, %broadcast_in_dim3A_3339, %get3A_3332 : vector<64x128xi1>, vector<64x128xf32>
      %swap3A_3341 = arith.constant 0 : index
      %swap3A_3342 = arith.constant 3200 : index
      %swap3A_3343 = vector.load %arg5[%swap3A_3341, %swap3A_3342] : memref<64x8192xf32, #tpu.memory_space<vmem>>, vector<64x128xf32>
      tpu.vector_store %arg5[%swap3A_3341, %swap3A_3342], %select_n3A_3340 {strides = array<i32>} : memref<64x8192xf32, #tpu.memory_space<vmem>>, vector<64x128xf32>,
      %lt3A_3344 = arith.cmpf olt, %select_n3A_3340, %select_n3A_3329 : vector<64x128xf32>
      %jit3A_3345 = arith.constant 25 : i32
      %broadcast_in_dim3A_3346 = vector.broadcast %jit3A_3345 : i32 to vector<64x128xi32>
      %select_n3A_3347 = arith.select %lt3A_3344, %broadcast_in_dim3A_3346, %select_n3A_3328 : vector<64x128xi1>, vector<64x128xi32>
      %select_n3A_3348 = arith.select %lt3A_3344, %select_n3A_3340, %select_n3A_3329 : vector<64x128xi1>, vector<64x128xf32>
      %get3A_3349 = arith.constant 0 : index
      %get3A_3350 = arith.constant 3328 : index
      %get3A_3351 = vector.load %arg5[%get3A_3349, %get3A_3350] : memref<64x8192xf32, #tpu.memory_space<vmem>>, vector<64x128xf32>
      %sub3A_3352 = arith.constant 3328 : i32
      %sub3A_3353 = vector.broadcast %sub3A_3352 : i32 to vector<64x1xi32>
      %sub3A_3354 = arith.subi %broadcast_in_dim3A_2845, %sub3A_3353 : vector<64x1xi32>
      %eq3A_3355 = vector.broadcast %sub3A_3354 : vector<64x1xi32> to vector<64x128xi32>
      %eq3A_3356 = arith.cmpi eq, %iota3A, %eq3A_3355 : vector<64x128xi32>
      %jit3A_3357 = arith.constant 0x7F800000 : f32
      %broadcast_in_dim3A_3358 = vector.broadcast %jit3A_3357 : f32 to vector<64x128xf32>
      %select_n3A_3359 = arith.select %eq3A_3356, %broadcast_in_dim3A_3358, %get3A_3351 : vector<64x128xi1>, vector<64x128xf32>
      %swap3A_3360 = arith.constant 0 : index
      %swap3A_3361 = arith.constant 3328 : index
      %swap3A_3362 = vector.load %arg5[%swap3A_3360, %swap3A_3361] : memref<64x8192xf32, #tpu.memory_space<vmem>>, vector<64x128xf32>
      tpu.vector_store %arg5[%swap3A_3360, %swap3A_3361], %select_n3A_3359 {strides = array<i32>} : memref<64x8192xf32, #tpu.memory_space<vmem>>, vector<64x128xf32>,
      %lt3A_3363 = arith.cmpf olt, %select_n3A_3359, %select_n3A_3348 : vector<64x128xf32>
      %jit3A_3364 = arith.constant 26 : i32
      %broadcast_in_dim3A_3365 = vector.broadcast %jit3A_3364 : i32 to vector<64x128xi32>
      %select_n3A_3366 = arith.select %lt3A_3363, %broadcast_in_dim3A_3365, %select_n3A_3347 : vector<64x128xi1>, vector<64x128xi32>
      %select_n3A_3367 = arith.select %lt3A_3363, %select_n3A_3359, %select_n3A_3348 : vector<64x128xi1>, vector<64x128xf32>
      %get3A_3368 = arith.constant 0 : index
      %get3A_3369 = arith.constant 3456 : index
      %get3A_3370 = vector.load %arg5[%get3A_3368, %get3A_3369] : memref<64x8192xf32, #tpu.memory_space<vmem>>, vector<64x128xf32>
      %sub3A_3371 = arith.constant 3456 : i32
      %sub3A_3372 = vector.broadcast %sub3A_3371 : i32 to vector<64x1xi32>
      %sub3A_3373 = arith.subi %broadcast_in_dim3A_2845, %sub3A_3372 : vector<64x1xi32>
      %eq3A_3374 = vector.broadcast %sub3A_3373 : vector<64x1xi32> to vector<64x128xi32>
      %eq3A_3375 = arith.cmpi eq, %iota3A, %eq3A_3374 : vector<64x128xi32>
      %jit3A_3376 = arith.constant 0x7F800000 : f32
      %broadcast_in_dim3A_3377 = vector.broadcast %jit3A_3376 : f32 to vector<64x128xf32>
      %select_n3A_3378 = arith.select %eq3A_3375, %broadcast_in_dim3A_3377, %get3A_3370 : vector<64x128xi1>, vector<64x128xf32>
      %swap3A_3379 = arith.constant 0 : index
      %swap3A_3380 = arith.constant 3456 : index
      %swap3A_3381 = vector.load %arg5[%swap3A_3379, %swap3A_3380] : memref<64x8192xf32, #tpu.memory_space<vmem>>, vector<64x128xf32>
      tpu.vector_store %arg5[%swap3A_3379, %swap3A_3380], %select_n3A_3378 {strides = array<i32>} : memref<64x8192xf32, #tpu.memory_space<vmem>>, vector<64x128xf32>,
      %lt3A_3382 = arith.cmpf olt, %select_n3A_3378, %select_n3A_3367 : vector<64x128xf32>
      %jit3A_3383 = arith.constant 27 : i32
      %broadcast_in_dim3A_3384 = vector.broadcast %jit3A_3383 : i32 to vector<64x128xi32>
      %select_n3A_3385 = arith.select %lt3A_3382, %broadcast_in_dim3A_3384, %select_n3A_3366 : vector<64x128xi1>, vector<64x128xi32>
      %select_n3A_3386 = arith.select %lt3A_3382, %select_n3A_3378, %select_n3A_3367 : vector<64x128xi1>, vector<64x128xf32>
      %get3A_3387 = arith.constant 0 : index
      %get3A_3388 = arith.constant 3584 : index
      %get3A_3389 = vector.load %arg5[%get3A_3387, %get3A_3388] : memref<64x8192xf32, #tpu.memory_space<vmem>>, vector<64x128xf32>
      %sub3A_3390 = arith.constant 3584 : i32
      %sub3A_3391 = vector.broadcast %sub3A_3390 : i32 to vector<64x1xi32>
      %sub3A_3392 = arith.subi %broadcast_in_dim3A_2845, %sub3A_3391 : vector<64x1xi32>
      %eq3A_3393 = vector.broadcast %sub3A_3392 : vector<64x1xi32> to vector<64x128xi32>
      %eq3A_3394 = arith.cmpi eq, %iota3A, %eq3A_3393 : vector<64x128xi32>
      %jit3A_3395 = arith.constant 0x7F800000 : f32
      %broadcast_in_dim3A_3396 = vector.broadcast %jit3A_3395 : f32 to vector<64x128xf32>
      %select_n3A_3397 = arith.select %eq3A_3394, %broadcast_in_dim3A_3396, %get3A_3389 : vector<64x128xi1>, vector<64x128xf32>
      %swap3A_3398 = arith.constant 0 : index
      %swap3A_3399 = arith.constant 3584 : index
      %swap3A_3400 = vector.load %arg5[%swap3A_3398, %swap3A_3399] : memref<64x8192xf32, #tpu.memory_space<vmem>>, vector<64x128xf32>
      tpu.vector_store %arg5[%swap3A_3398, %swap3A_3399], %select_n3A_3397 {strides = array<i32>} : memref<64x8192xf32, #tpu.memory_space<vmem>>, vector<64x128xf32>,
      %lt3A_3401 = arith.cmpf olt, %select_n3A_3397, %select_n3A_3386 : vector<64x128xf32>
      %jit3A_3402 = arith.constant 28 : i32
      %broadcast_in_dim3A_3403 = vector.broadcast %jit3A_3402 : i32 to vector<64x128xi32>
      %select_n3A_3404 = arith.select %lt3A_3401, %broadcast_in_dim3A_3403, %select_n3A_3385 : vector<64x128xi1>, vector<64x128xi32>
      %select_n3A_3405 = arith.select %lt3A_3401, %select_n3A_3397, %select_n3A_3386 : vector<64x128xi1>, vector<64x128xf32>
      %get3A_3406 = arith.constant 0 : index
      %get3A_3407 = arith.constant 3712 : index
      %get3A_3408 = vector.load %arg5[%get3A_3406, %get3A_3407] : memref<64x8192xf32, #tpu.memory_space<vmem>>, vector<64x128xf32>
      %sub3A_3409 = arith.constant 3712 : i32
      %sub3A_3410 = vector.broadcast %sub3A_3409 : i32 to vector<64x1xi32>
      %sub3A_3411 = arith.subi %broadcast_in_dim3A_2845, %sub3A_3410 : vector<64x1xi32>
      %eq3A_3412 = vector.broadcast %sub3A_3411 : vector<64x1xi32> to vector<64x128xi32>
      %eq3A_3413 = arith.cmpi eq, %iota3A, %eq3A_3412 : vector<64x128xi32>
      %jit3A_3414 = arith.constant 0x7F800000 : f32
      %broadcast_in_dim3A_3415 = vector.broadcast %jit3A_3414 : f32 to vector<64x128xf32>
      %select_n3A_3416 = arith.select %eq3A_3413, %broadcast_in_dim3A_3415, %get3A_3408 : vector<64x128xi1>, vector<64x128xf32>
      %swap3A_3417 = arith.constant 0 : index
      %swap3A_3418 = arith.constant 3712 : index
      %swap3A_3419 = vector.load %arg5[%swap3A_3417, %swap3A_3418] : memref<64x8192xf32, #tpu.memory_space<vmem>>, vector<64x128xf32>
      tpu.vector_store %arg5[%swap3A_3417, %swap3A_3418], %select_n3A_3416 {strides = array<i32>} : memref<64x8192xf32, #tpu.memory_space<vmem>>, vector<64x128xf32>,
      %lt3A_3420 = arith.cmpf olt, %select_n3A_3416, %select_n3A_3405 : vector<64x128xf32>
      %jit3A_3421 = arith.constant 29 : i32
      %broadcast_in_dim3A_3422 = vector.broadcast %jit3A_3421 : i32 to vector<64x128xi32>
      %select_n3A_3423 = arith.select %lt3A_3420, %broadcast_in_dim3A_3422, %select_n3A_3404 : vector<64x128xi1>, vector<64x128xi32>
      %select_n3A_3424 = arith.select %lt3A_3420, %select_n3A_3416, %select_n3A_3405 : vector<64x128xi1>, vector<64x128xf32>
      %get3A_3425 = arith.constant 0 : index
      %get3A_3426 = arith.constant 3840 : index
      %get3A_3427 = vector.load %arg5[%get3A_3425, %get3A_3426] : memref<64x8192xf32, #tpu.memory_space<vmem>>, vector<64x128xf32>
      %sub3A_3428 = arith.constant 3840 : i32
      %sub3A_3429 = vector.broadcast %sub3A_3428 : i32 to vector<64x1xi32>
      %sub3A_3430 = arith.subi %broadcast_in_dim3A_2845, %sub3A_3429 : vector<64x1xi32>
      %eq3A_3431 = vector.broadcast %sub3A_3430 : vector<64x1xi32> to vector<64x128xi32>
      %eq3A_3432 = arith.cmpi eq, %iota3A, %eq3A_3431 : vector<64x128xi32>
      %jit3A_3433 = arith.constant 0x7F800000 : f32
      %broadcast_in_dim3A_3434 = vector.broadcast %jit3A_3433 : f32 to vector<64x128xf32>
      %select_n3A_3435 = arith.select %eq3A_3432, %broadcast_in_dim3A_3434, %get3A_3427 : vector<64x128xi1>, vector<64x128xf32>
      %swap3A_3436 = arith.constant 0 : index
      %swap3A_3437 = arith.constant 3840 : index
      %swap3A_3438 = vector.load %arg5[%swap3A_3436, %swap3A_3437] : memref<64x8192xf32, #tpu.memory_space<vmem>>, vector<64x128xf32>
      tpu.vector_store %arg5[%swap3A_3436, %swap3A_3437], %select_n3A_3435 {strides = array<i32>} : memref<64x8192xf32, #tpu.memory_space<vmem>>, vector<64x128xf32>,
      %lt3A_3439 = arith.cmpf olt, %select_n3A_3435, %select_n3A_3424 : vector<64x128xf32>
      %jit3A_3440 = arith.constant 30 : i32
      %broadcast_in_dim3A_3441 = vector.broadcast %jit3A_3440 : i32 to vector<64x128xi32>
      %select_n3A_3442 = arith.select %lt3A_3439, %broadcast_in_dim3A_3441, %select_n3A_3423 : vector<64x128xi1>, vector<64x128xi32>
      %select_n3A_3443 = arith.select %lt3A_3439, %select_n3A_3435, %select_n3A_3424 : vector<64x128xi1>, vector<64x128xf32>
      %get3A_3444 = arith.constant 0 : index
      %get3A_3445 = arith.constant 3968 : index
      %get3A_3446 = vector.load %arg5[%get3A_3444, %get3A_3445] : memref<64x8192xf32, #tpu.memory_space<vmem>>, vector<64x128xf32>
      %sub3A_3447 = arith.constant 3968 : i32
      %sub3A_3448 = vector.broadcast %sub3A_3447 : i32 to vector<64x1xi32>
      %sub3A_3449 = arith.subi %broadcast_in_dim3A_2845, %sub3A_3448 : vector<64x1xi32>
      %eq3A_3450 = vector.broadcast %sub3A_3449 : vector<64x1xi32> to vector<64x128xi32>
      %eq3A_3451 = arith.cmpi eq, %iota3A, %eq3A_3450 : vector<64x128xi32>
      %jit3A_3452 = arith.constant 0x7F800000 : f32
      %broadcast_in_dim3A_3453 = vector.broadcast %jit3A_3452 : f32 to vector<64x128xf32>
      %select_n3A_3454 = arith.select %eq3A_3451, %broadcast_in_dim3A_3453, %get3A_3446 : vector<64x128xi1>, vector<64x128xf32>
      %swap3A_3455 = arith.constant 0 : index
      %swap3A_3456 = arith.constant 3968 : index
      %swap3A_3457 = vector.load %arg5[%swap3A_3455, %swap3A_3456] : memref<64x8192xf32, #tpu.memory_space<vmem>>, vector<64x128xf32>
      tpu.vector_store %arg5[%swap3A_3455, %swap3A_3456], %select_n3A_3454 {strides = array<i32>} : memref<64x8192xf32, #tpu.memory_space<vmem>>, vector<64x128xf32>,
      %lt3A_3458 = arith.cmpf olt, %select_n3A_3454, %select_n3A_3443 : vector<64x128xf32>
      %jit3A_3459 = arith.constant 31 : i32
      %broadcast_in_dim3A_3460 = vector.broadcast %jit3A_3459 : i32 to vector<64x128xi32>
      %select_n3A_3461 = arith.select %lt3A_3458, %broadcast_in_dim3A_3460, %select_n3A_3442 : vector<64x128xi1>, vector<64x128xi32>
      %select_n3A_3462 = arith.select %lt3A_3458, %select_n3A_3454, %select_n3A_3443 : vector<64x128xi1>, vector<64x128xf32>
      %get3A_3463 = arith.constant 0 : index
      %get3A_3464 = arith.constant 4096 : index
      %get3A_3465 = vector.load %arg5[%get3A_3463, %get3A_3464] : memref<64x8192xf32, #tpu.memory_space<vmem>>, vector<64x128xf32>
      %sub3A_3466 = arith.constant 4096 : i32
      %sub3A_3467 = vector.broadcast %sub3A_3466 : i32 to vector<64x1xi32>
      %sub3A_3468 = arith.subi %broadcast_in_dim3A_2845, %sub3A_3467 : vector<64x1xi32>
      %eq3A_3469 = vector.broadcast %sub3A_3468 : vector<64x1xi32> to vector<64x128xi32>
      %eq3A_3470 = arith.cmpi eq, %iota3A, %eq3A_3469 : vector<64x128xi32>
      %jit3A_3471 = arith.constant 0x7F800000 : f32
      %broadcast_in_dim3A_3472 = vector.broadcast %jit3A_3471 : f32 to vector<64x128xf32>
      %select_n3A_3473 = arith.select %eq3A_3470, %broadcast_in_dim3A_3472, %get3A_3465 : vector<64x128xi1>, vector<64x128xf32>
      %swap3A_3474 = arith.constant 0 : index
      %swap3A_3475 = arith.constant 4096 : index
      %swap3A_3476 = vector.load %arg5[%swap3A_3474, %swap3A_3475] : memref<64x8192xf32, #tpu.memory_space<vmem>>, vector<64x128xf32>
      tpu.vector_store %arg5[%swap3A_3474, %swap3A_3475], %select_n3A_3473 {strides = array<i32>} : memref<64x8192xf32, #tpu.memory_space<vmem>>, vector<64x128xf32>,
      %lt3A_3477 = arith.cmpf olt, %select_n3A_3473, %select_n3A_3462 : vector<64x128xf32>
      %jit3A_3478 = arith.constant 32 : i32
      %broadcast_in_dim3A_3479 = vector.broadcast %jit3A_3478 : i32 to vector<64x128xi32>
      %select_n3A_3480 = arith.select %lt3A_3477, %broadcast_in_dim3A_3479, %select_n3A_3461 : vector<64x128xi1>, vector<64x128xi32>
      %select_n3A_3481 = arith.select %lt3A_3477, %select_n3A_3473, %select_n3A_3462 : vector<64x128xi1>, vector<64x128xf32>
      %get3A_3482 = arith.constant 0 : index
      %get3A_3483 = arith.constant 4224 : index
      %get3A_3484 = vector.load %arg5[%get3A_3482, %get3A_3483] : memref<64x8192xf32, #tpu.memory_space<vmem>>, vector<64x128xf32>
      %sub3A_3485 = arith.constant 4224 : i32
      %sub3A_3486 = vector.broadcast %sub3A_3485 : i32 to vector<64x1xi32>
      %sub3A_3487 = arith.subi %broadcast_in_dim3A_2845, %sub3A_3486 : vector<64x1xi32>
      %eq3A_3488 = vector.broadcast %sub3A_3487 : vector<64x1xi32> to vector<64x128xi32>
      %eq3A_3489 = arith.cmpi eq, %iota3A, %eq3A_3488 : vector<64x128xi32>
      %jit3A_3490 = arith.constant 0x7F800000 : f32
      %broadcast_in_dim3A_3491 = vector.broadcast %jit3A_3490 : f32 to vector<64x128xf32>
      %select_n3A_3492 = arith.select %eq3A_3489, %broadcast_in_dim3A_3491, %get3A_3484 : vector<64x128xi1>, vector<64x128xf32>
      %swap3A_3493 = arith.constant 0 : index
      %swap3A_3494 = arith.constant 4224 : index
      %swap3A_3495 = vector.load %arg5[%swap3A_3493, %swap3A_3494] : memref<64x8192xf32, #tpu.memory_space<vmem>>, vector<64x128xf32>
      tpu.vector_store %arg5[%swap3A_3493, %swap3A_3494], %select_n3A_3492 {strides = array<i32>} : memref<64x8192xf32, #tpu.memory_space<vmem>>, vector<64x128xf32>,
      %lt3A_3496 = arith.cmpf olt, %select_n3A_3492, %select_n3A_3481 : vector<64x128xf32>
      %jit3A_3497 = arith.constant 33 : i32
      %broadcast_in_dim3A_3498 = vector.broadcast %jit3A_3497 : i32 to vector<64x128xi32>
      %select_n3A_3499 = arith.select %lt3A_3496, %broadcast_in_dim3A_3498, %select_n3A_3480 : vector<64x128xi1>, vector<64x128xi32>
      %select_n3A_3500 = arith.select %lt3A_3496, %select_n3A_3492, %select_n3A_3481 : vector<64x128xi1>, vector<64x128xf32>
      %get3A_3501 = arith.constant 0 : index
      %get3A_3502 = arith.constant 4352 : index
      %get3A_3503 = vector.load %arg5[%get3A_3501, %get3A_3502] : memref<64x8192xf32, #tpu.memory_space<vmem>>, vector<64x128xf32>
      %sub3A_3504 = arith.constant 4352 : i32
      %sub3A_3505 = vector.broadcast %sub3A_3504 : i32 to vector<64x1xi32>
      %sub3A_3506 = arith.subi %broadcast_in_dim3A_2845, %sub3A_3505 : vector<64x1xi32>
      %eq3A_3507 = vector.broadcast %sub3A_3506 : vector<64x1xi32> to vector<64x128xi32>
      %eq3A_3508 = arith.cmpi eq, %iota3A, %eq3A_3507 : vector<64x128xi32>
      %jit3A_3509 = arith.constant 0x7F800000 : f32
      %broadcast_in_dim3A_3510 = vector.broadcast %jit3A_3509 : f32 to vector<64x128xf32>
      %select_n3A_3511 = arith.select %eq3A_3508, %broadcast_in_dim3A_3510, %get3A_3503 : vector<64x128xi1>, vector<64x128xf32>
      %swap3A_3512 = arith.constant 0 : index
      %swap3A_3513 = arith.constant 4352 : index
      %swap3A_3514 = vector.load %arg5[%swap3A_3512, %swap3A_3513] : memref<64x8192xf32, #tpu.memory_space<vmem>>, vector<64x128xf32>
      tpu.vector_store %arg5[%swap3A_3512, %swap3A_3513], %select_n3A_3511 {strides = array<i32>} : memref<64x8192xf32, #tpu.memory_space<vmem>>, vector<64x128xf32>,
      %lt3A_3515 = arith.cmpf olt, %select_n3A_3511, %select_n3A_3500 : vector<64x128xf32>
      %jit3A_3516 = arith.constant 34 : i32
      %broadcast_in_dim3A_3517 = vector.broadcast %jit3A_3516 : i32 to vector<64x128xi32>
      %select_n3A_3518 = arith.select %lt3A_3515, %broadcast_in_dim3A_3517, %select_n3A_3499 : vector<64x128xi1>, vector<64x128xi32>
      %select_n3A_3519 = arith.select %lt3A_3515, %select_n3A_3511, %select_n3A_3500 : vector<64x128xi1>, vector<64x128xf32>
      %get3A_3520 = arith.constant 0 : index
      %get3A_3521 = arith.constant 4480 : index
      %get3A_3522 = vector.load %arg5[%get3A_3520, %get3A_3521] : memref<64x8192xf32, #tpu.memory_space<vmem>>, vector<64x128xf32>
      %sub3A_3523 = arith.constant 4480 : i32
      %sub3A_3524 = vector.broadcast %sub3A_3523 : i32 to vector<64x1xi32>
      %sub3A_3525 = arith.subi %broadcast_in_dim3A_2845, %sub3A_3524 : vector<64x1xi32>
      %eq3A_3526 = vector.broadcast %sub3A_3525 : vector<64x1xi32> to vector<64x128xi32>
      %eq3A_3527 = arith.cmpi eq, %iota3A, %eq3A_3526 : vector<64x128xi32>
      %jit3A_3528 = arith.constant 0x7F800000 : f32
      %broadcast_in_dim3A_3529 = vector.broadcast %jit3A_3528 : f32 to vector<64x128xf32>
      %select_n3A_3530 = arith.select %eq3A_3527, %broadcast_in_dim3A_3529, %get3A_3522 : vector<64x128xi1>, vector<64x128xf32>
      %swap3A_3531 = arith.constant 0 : index
      %swap3A_3532 = arith.constant 4480 : index
      %swap3A_3533 = vector.load %arg5[%swap3A_3531, %swap3A_3532] : memref<64x8192xf32, #tpu.memory_space<vmem>>, vector<64x128xf32>
      tpu.vector_store %arg5[%swap3A_3531, %swap3A_3532], %select_n3A_3530 {strides = array<i32>} : memref<64x8192xf32, #tpu.memory_space<vmem>>, vector<64x128xf32>,
      %lt3A_3534 = arith.cmpf olt, %select_n3A_3530, %select_n3A_3519 : vector<64x128xf32>
      %jit3A_3535 = arith.constant 35 : i32
      %broadcast_in_dim3A_3536 = vector.broadcast %jit3A_3535 : i32 to vector<64x128xi32>
      %select_n3A_3537 = arith.select %lt3A_3534, %broadcast_in_dim3A_3536, %select_n3A_3518 : vector<64x128xi1>, vector<64x128xi32>
      %select_n3A_3538 = arith.select %lt3A_3534, %select_n3A_3530, %select_n3A_3519 : vector<64x128xi1>, vector<64x128xf32>
      %get3A_3539 = arith.constant 0 : index
      %get3A_3540 = arith.constant 4608 : index
      %get3A_3541 = vector.load %arg5[%get3A_3539, %get3A_3540] : memref<64x8192xf32, #tpu.memory_space<vmem>>, vector<64x128xf32>
      %sub3A_3542 = arith.constant 4608 : i32
      %sub3A_3543 = vector.broadcast %sub3A_3542 : i32 to vector<64x1xi32>
      %sub3A_3544 = arith.subi %broadcast_in_dim3A_2845, %sub3A_3543 : vector<64x1xi32>
      %eq3A_3545 = vector.broadcast %sub3A_3544 : vector<64x1xi32> to vector<64x128xi32>
      %eq3A_3546 = arith.cmpi eq, %iota3A, %eq3A_3545 : vector<64x128xi32>
      %jit3A_3547 = arith.constant 0x7F800000 : f32
      %broadcast_in_dim3A_3548 = vector.broadcast %jit3A_3547 : f32 to vector<64x128xf32>
      %select_n3A_3549 = arith.select %eq3A_3546, %broadcast_in_dim3A_3548, %get3A_3541 : vector<64x128xi1>, vector<64x128xf32>
      %swap3A_3550 = arith.constant 0 : index
      %swap3A_3551 = arith.constant 4608 : index
      %swap3A_3552 = vector.load %arg5[%swap3A_3550, %swap3A_3551] : memref<64x8192xf32, #tpu.memory_space<vmem>>, vector<64x128xf32>
      tpu.vector_store %arg5[%swap3A_3550, %swap3A_3551], %select_n3A_3549 {strides = array<i32>} : memref<64x8192xf32, #tpu.memory_space<vmem>>, vector<64x128xf32>,
      %lt3A_3553 = arith.cmpf olt, %select_n3A_3549, %select_n3A_3538 : vector<64x128xf32>
      %jit3A_3554 = arith.constant 36 : i32
      %broadcast_in_dim3A_3555 = vector.broadcast %jit3A_3554 : i32 to vector<64x128xi32>
      %select_n3A_3556 = arith.select %lt3A_3553, %broadcast_in_dim3A_3555, %select_n3A_3537 : vector<64x128xi1>, vector<64x128xi32>
      %select_n3A_3557 = arith.select %lt3A_3553, %select_n3A_3549, %select_n3A_3538 : vector<64x128xi1>, vector<64x128xf32>
      %get3A_3558 = arith.constant 0 : index
      %get3A_3559 = arith.constant 4736 : index
      %get3A_3560 = vector.load %arg5[%get3A_3558, %get3A_3559] : memref<64x8192xf32, #tpu.memory_space<vmem>>, vector<64x128xf32>
      %sub3A_3561 = arith.constant 4736 : i32
      %sub3A_3562 = vector.broadcast %sub3A_3561 : i32 to vector<64x1xi32>
      %sub3A_3563 = arith.subi %broadcast_in_dim3A_2845, %sub3A_3562 : vector<64x1xi32>
      %eq3A_3564 = vector.broadcast %sub3A_3563 : vector<64x1xi32> to vector<64x128xi32>
      %eq3A_3565 = arith.cmpi eq, %iota3A, %eq3A_3564 : vector<64x128xi32>
      %jit3A_3566 = arith.constant 0x7F800000 : f32
      %broadcast_in_dim3A_3567 = vector.broadcast %jit3A_3566 : f32 to vector<64x128xf32>
      %select_n3A_3568 = arith.select %eq3A_3565, %broadcast_in_dim3A_3567, %get3A_3560 : vector<64x128xi1>, vector<64x128xf32>
      %swap3A_3569 = arith.constant 0 : index
      %swap3A_3570 = arith.constant 4736 : index
      %swap3A_3571 = vector.load %arg5[%swap3A_3569, %swap3A_3570] : memref<64x8192xf32, #tpu.memory_space<vmem>>, vector<64x128xf32>
      tpu.vector_store %arg5[%swap3A_3569, %swap3A_3570], %select_n3A_3568 {strides = array<i32>} : memref<64x8192xf32, #tpu.memory_space<vmem>>, vector<64x128xf32>,
      %lt3A_3572 = arith.cmpf olt, %select_n3A_3568, %select_n3A_3557 : vector<64x128xf32>
      %jit3A_3573 = arith.constant 37 : i32
      %broadcast_in_dim3A_3574 = vector.broadcast %jit3A_3573 : i32 to vector<64x128xi32>
      %select_n3A_3575 = arith.select %lt3A_3572, %broadcast_in_dim3A_3574, %select_n3A_3556 : vector<64x128xi1>, vector<64x128xi32>
      %select_n3A_3576 = arith.select %lt3A_3572, %select_n3A_3568, %select_n3A_3557 : vector<64x128xi1>, vector<64x128xf32>
      %get3A_3577 = arith.constant 0 : index
      %get3A_3578 = arith.constant 4864 : index
      %get3A_3579 = vector.load %arg5[%get3A_3577, %get3A_3578] : memref<64x8192xf32, #tpu.memory_space<vmem>>, vector<64x128xf32>
      %sub3A_3580 = arith.constant 4864 : i32
      %sub3A_3581 = vector.broadcast %sub3A_3580 : i32 to vector<64x1xi32>
      %sub3A_3582 = arith.subi %broadcast_in_dim3A_2845, %sub3A_3581 : vector<64x1xi32>
      %eq3A_3583 = vector.broadcast %sub3A_3582 : vector<64x1xi32> to vector<64x128xi32>
      %eq3A_3584 = arith.cmpi eq, %iota3A, %eq3A_3583 : vector<64x128xi32>
      %jit3A_3585 = arith.constant 0x7F800000 : f32
      %broadcast_in_dim3A_3586 = vector.broadcast %jit3A_3585 : f32 to vector<64x128xf32>
      %select_n3A_3587 = arith.select %eq3A_3584, %broadcast_in_dim3A_3586, %get3A_3579 : vector<64x128xi1>, vector<64x128xf32>
      %swap3A_3588 = arith.constant 0 : index
      %swap3A_3589 = arith.constant 4864 : index
      %swap3A_3590 = vector.load %arg5[%swap3A_3588, %swap3A_3589] : memref<64x8192xf32, #tpu.memory_space<vmem>>, vector<64x128xf32>
      tpu.vector_store %arg5[%swap3A_3588, %swap3A_3589], %select_n3A_3587 {strides = array<i32>} : memref<64x8192xf32, #tpu.memory_space<vmem>>, vector<64x128xf32>,
      %lt3A_3591 = arith.cmpf olt, %select_n3A_3587, %select_n3A_3576 : vector<64x128xf32>
      %jit3A_3592 = arith.constant 38 : i32
      %broadcast_in_dim3A_3593 = vector.broadcast %jit3A_3592 : i32 to vector<64x128xi32>
      %select_n3A_3594 = arith.select %lt3A_3591, %broadcast_in_dim3A_3593, %select_n3A_3575 : vector<64x128xi1>, vector<64x128xi32>
      %select_n3A_3595 = arith.select %lt3A_3591, %select_n3A_3587, %select_n3A_3576 : vector<64x128xi1>, vector<64x128xf32>
      %get3A_3596 = arith.constant 0 : index
      %get3A_3597 = arith.constant 4992 : index
      %get3A_3598 = vector.load %arg5[%get3A_3596, %get3A_3597] : memref<64x8192xf32, #tpu.memory_space<vmem>>, vector<64x128xf32>
      %sub3A_3599 = arith.constant 4992 : i32
      %sub3A_3600 = vector.broadcast %sub3A_3599 : i32 to vector<64x1xi32>
      %sub3A_3601 = arith.subi %broadcast_in_dim3A_2845, %sub3A_3600 : vector<64x1xi32>
      %eq3A_3602 = vector.broadcast %sub3A_3601 : vector<64x1xi32> to vector<64x128xi32>
      %eq3A_3603 = arith.cmpi eq, %iota3A, %eq3A_3602 : vector<64x128xi32>
      %jit3A_3604 = arith.constant 0x7F800000 : f32
      %broadcast_in_dim3A_3605 = vector.broadcast %jit3A_3604 : f32 to vector<64x128xf32>
      %select_n3A_3606 = arith.select %eq3A_3603, %broadcast_in_dim3A_3605, %get3A_3598 : vector<64x128xi1>, vector<64x128xf32>
      %swap3A_3607 = arith.constant 0 : index
      %swap3A_3608 = arith.constant 4992 : index
      %swap3A_3609 = vector.load %arg5[%swap3A_3607, %swap3A_3608] : memref<64x8192xf32, #tpu.memory_space<vmem>>, vector<64x128xf32>
      tpu.vector_store %arg5[%swap3A_3607, %swap3A_3608], %select_n3A_3606 {strides = array<i32>} : memref<64x8192xf32, #tpu.memory_space<vmem>>, vector<64x128xf32>,
      %lt3A_3610 = arith.cmpf olt, %select_n3A_3606, %select_n3A_3595 : vector<64x128xf32>
      %jit3A_3611 = arith.constant 39 : i32
      %broadcast_in_dim3A_3612 = vector.broadcast %jit3A_3611 : i32 to vector<64x128xi32>
      %select_n3A_3613 = arith.select %lt3A_3610, %broadcast_in_dim3A_3612, %select_n3A_3594 : vector<64x128xi1>, vector<64x128xi32>
      %select_n3A_3614 = arith.select %lt3A_3610, %select_n3A_3606, %select_n3A_3595 : vector<64x128xi1>, vector<64x128xf32>
      %get3A_3615 = arith.constant 0 : index
      %get3A_3616 = arith.constant 5120 : index
      %get3A_3617 = vector.load %arg5[%get3A_3615, %get3A_3616] : memref<64x8192xf32, #tpu.memory_space<vmem>>, vector<64x128xf32>
      %sub3A_3618 = arith.constant 5120 : i32
      %sub3A_3619 = vector.broadcast %sub3A_3618 : i32 to vector<64x1xi32>
      %sub3A_3620 = arith.subi %broadcast_in_dim3A_2845, %sub3A_3619 : vector<64x1xi32>
      %eq3A_3621 = vector.broadcast %sub3A_3620 : vector<64x1xi32> to vector<64x128xi32>
      %eq3A_3622 = arith.cmpi eq, %iota3A, %eq3A_3621 : vector<64x128xi32>
      %jit3A_3623 = arith.constant 0x7F800000 : f32
      %broadcast_in_dim3A_3624 = vector.broadcast %jit3A_3623 : f32 to vector<64x128xf32>
      %select_n3A_3625 = arith.select %eq3A_3622, %broadcast_in_dim3A_3624, %get3A_3617 : vector<64x128xi1>, vector<64x128xf32>
      %swap3A_3626 = arith.constant 0 : index
      %swap3A_3627 = arith.constant 5120 : index
      %swap3A_3628 = vector.load %arg5[%swap3A_3626, %swap3A_3627] : memref<64x8192xf32, #tpu.memory_space<vmem>>, vector<64x128xf32>
      tpu.vector_store %arg5[%swap3A_3626, %swap3A_3627], %select_n3A_3625 {strides = array<i32>} : memref<64x8192xf32, #tpu.memory_space<vmem>>, vector<64x128xf32>,
      %lt3A_3629 = arith.cmpf olt, %select_n3A_3625, %select_n3A_3614 : vector<64x128xf32>
      %jit3A_3630 = arith.constant 40 : i32
      %broadcast_in_dim3A_3631 = vector.broadcast %jit3A_3630 : i32 to vector<64x128xi32>
      %select_n3A_3632 = arith.select %lt3A_3629, %broadcast_in_dim3A_3631, %select_n3A_3613 : vector<64x128xi1>, vector<64x128xi32>
      %select_n3A_3633 = arith.select %lt3A_3629, %select_n3A_3625, %select_n3A_3614 : vector<64x128xi1>, vector<64x128xf32>
      %get3A_3634 = arith.constant 0 : index
      %get3A_3635 = arith.constant 5248 : index
      %get3A_3636 = vector.load %arg5[%get3A_3634, %get3A_3635] : memref<64x8192xf32, #tpu.memory_space<vmem>>, vector<64x128xf32>
      %sub3A_3637 = arith.constant 5248 : i32
      %sub3A_3638 = vector.broadcast %sub3A_3637 : i32 to vector<64x1xi32>
      %sub3A_3639 = arith.subi %broadcast_in_dim3A_2845, %sub3A_3638 : vector<64x1xi32>
      %eq3A_3640 = vector.broadcast %sub3A_3639 : vector<64x1xi32> to vector<64x128xi32>
      %eq3A_3641 = arith.cmpi eq, %iota3A, %eq3A_3640 : vector<64x128xi32>
      %jit3A_3642 = arith.constant 0x7F800000 : f32
      %broadcast_in_dim3A_3643 = vector.broadcast %jit3A_3642 : f32 to vector<64x128xf32>
      %select_n3A_3644 = arith.select %eq3A_3641, %broadcast_in_dim3A_3643, %get3A_3636 : vector<64x128xi1>, vector<64x128xf32>
      %swap3A_3645 = arith.constant 0 : index
      %swap3A_3646 = arith.constant 5248 : index
      %swap3A_3647 = vector.load %arg5[%swap3A_3645, %swap3A_3646] : memref<64x8192xf32, #tpu.memory_space<vmem>>, vector<64x128xf32>
      tpu.vector_store %arg5[%swap3A_3645, %swap3A_3646], %select_n3A_3644 {strides = array<i32>} : memref<64x8192xf32, #tpu.memory_space<vmem>>, vector<64x128xf32>,
      %lt3A_3648 = arith.cmpf olt, %select_n3A_3644, %select_n3A_3633 : vector<64x128xf32>
      %jit3A_3649 = arith.constant 41 : i32
      %broadcast_in_dim3A_3650 = vector.broadcast %jit3A_3649 : i32 to vector<64x128xi32>
      %select_n3A_3651 = arith.select %lt3A_3648, %broadcast_in_dim3A_3650, %select_n3A_3632 : vector<64x128xi1>, vector<64x128xi32>
      %select_n3A_3652 = arith.select %lt3A_3648, %select_n3A_3644, %select_n3A_3633 : vector<64x128xi1>, vector<64x128xf32>
      %get3A_3653 = arith.constant 0 : index
      %get3A_3654 = arith.constant 5376 : index
      %get3A_3655 = vector.load %arg5[%get3A_3653, %get3A_3654] : memref<64x8192xf32, #tpu.memory_space<vmem>>, vector<64x128xf32>
      %sub3A_3656 = arith.constant 5376 : i32
      %sub3A_3657 = vector.broadcast %sub3A_3656 : i32 to vector<64x1xi32>
      %sub3A_3658 = arith.subi %broadcast_in_dim3A_2845, %sub3A_3657 : vector<64x1xi32>
      %eq3A_3659 = vector.broadcast %sub3A_3658 : vector<64x1xi32> to vector<64x128xi32>
      %eq3A_3660 = arith.cmpi eq, %iota3A, %eq3A_3659 : vector<64x128xi32>
      %jit3A_3661 = arith.constant 0x7F800000 : f32
      %broadcast_in_dim3A_3662 = vector.broadcast %jit3A_3661 : f32 to vector<64x128xf32>
      %select_n3A_3663 = arith.select %eq3A_3660, %broadcast_in_dim3A_3662, %get3A_3655 : vector<64x128xi1>, vector<64x128xf32>
      %swap3A_3664 = arith.constant 0 : index
      %swap3A_3665 = arith.constant 5376 : index
      %swap3A_3666 = vector.load %arg5[%swap3A_3664, %swap3A_3665] : memref<64x8192xf32, #tpu.memory_space<vmem>>, vector<64x128xf32>
      tpu.vector_store %arg5[%swap3A_3664, %swap3A_3665], %select_n3A_3663 {strides = array<i32>} : memref<64x8192xf32, #tpu.memory_space<vmem>>, vector<64x128xf32>,
      %lt3A_3667 = arith.cmpf olt, %select_n3A_3663, %select_n3A_3652 : vector<64x128xf32>
      %jit3A_3668 = arith.constant 42 : i32
      %broadcast_in_dim3A_3669 = vector.broadcast %jit3A_3668 : i32 to vector<64x128xi32>
      %select_n3A_3670 = arith.select %lt3A_3667, %broadcast_in_dim3A_3669, %select_n3A_3651 : vector<64x128xi1>, vector<64x128xi32>
      %select_n3A_3671 = arith.select %lt3A_3667, %select_n3A_3663, %select_n3A_3652 : vector<64x128xi1>, vector<64x128xf32>
      %get3A_3672 = arith.constant 0 : index
      %get3A_3673 = arith.constant 5504 : index
      %get3A_3674 = vector.load %arg5[%get3A_3672, %get3A_3673] : memref<64x8192xf32, #tpu.memory_space<vmem>>, vector<64x128xf32>
      %sub3A_3675 = arith.constant 5504 : i32
      %sub3A_3676 = vector.broadcast %sub3A_3675 : i32 to vector<64x1xi32>
      %sub3A_3677 = arith.subi %broadcast_in_dim3A_2845, %sub3A_3676 : vector<64x1xi32>
      %eq3A_3678 = vector.broadcast %sub3A_3677 : vector<64x1xi32> to vector<64x128xi32>
      %eq3A_3679 = arith.cmpi eq, %iota3A, %eq3A_3678 : vector<64x128xi32>
      %jit3A_3680 = arith.constant 0x7F800000 : f32
      %broadcast_in_dim3A_3681 = vector.broadcast %jit3A_3680 : f32 to vector<64x128xf32>
      %select_n3A_3682 = arith.select %eq3A_3679, %broadcast_in_dim3A_3681, %get3A_3674 : vector<64x128xi1>, vector<64x128xf32>
      %swap3A_3683 = arith.constant 0 : index
      %swap3A_3684 = arith.constant 5504 : index
      %swap3A_3685 = vector.load %arg5[%swap3A_3683, %swap3A_3684] : memref<64x8192xf32, #tpu.memory_space<vmem>>, vector<64x128xf32>
      tpu.vector_store %arg5[%swap3A_3683, %swap3A_3684], %select_n3A_3682 {strides = array<i32>} : memref<64x8192xf32, #tpu.memory_space<vmem>>, vector<64x128xf32>,
      %lt3A_3686 = arith.cmpf olt, %select_n3A_3682, %select_n3A_3671 : vector<64x128xf32>
      %jit3A_3687 = arith.constant 43 : i32
      %broadcast_in_dim3A_3688 = vector.broadcast %jit3A_3687 : i32 to vector<64x128xi32>
      %select_n3A_3689 = arith.select %lt3A_3686, %broadcast_in_dim3A_3688, %select_n3A_3670 : vector<64x128xi1>, vector<64x128xi32>
      %select_n3A_3690 = arith.select %lt3A_3686, %select_n3A_3682, %select_n3A_3671 : vector<64x128xi1>, vector<64x128xf32>
      %get3A_3691 = arith.constant 0 : index
      %get3A_3692 = arith.constant 5632 : index
      %get3A_3693 = vector.load %arg5[%get3A_3691, %get3A_3692] : memref<64x8192xf32, #tpu.memory_space<vmem>>, vector<64x128xf32>
      %sub3A_3694 = arith.constant 5632 : i32
      %sub3A_3695 = vector.broadcast %sub3A_3694 : i32 to vector<64x1xi32>
      %sub3A_3696 = arith.subi %broadcast_in_dim3A_2845, %sub3A_3695 : vector<64x1xi32>
      %eq3A_3697 = vector.broadcast %sub3A_3696 : vector<64x1xi32> to vector<64x128xi32>
      %eq3A_3698 = arith.cmpi eq, %iota3A, %eq3A_3697 : vector<64x128xi32>
      %jit3A_3699 = arith.constant 0x7F800000 : f32
      %broadcast_in_dim3A_3700 = vector.broadcast %jit3A_3699 : f32 to vector<64x128xf32>
      %select_n3A_3701 = arith.select %eq3A_3698, %broadcast_in_dim3A_3700, %get3A_3693 : vector<64x128xi1>, vector<64x128xf32>
      %swap3A_3702 = arith.constant 0 : index
      %swap3A_3703 = arith.constant 5632 : index
      %swap3A_3704 = vector.load %arg5[%swap3A_3702, %swap3A_3703] : memref<64x8192xf32, #tpu.memory_space<vmem>>, vector<64x128xf32>
      tpu.vector_store %arg5[%swap3A_3702, %swap3A_3703], %select_n3A_3701 {strides = array<i32>} : memref<64x8192xf32, #tpu.memory_space<vmem>>, vector<64x128xf32>,
      %lt3A_3705 = arith.cmpf olt, %select_n3A_3701, %select_n3A_3690 : vector<64x128xf32>
      %jit3A_3706 = arith.constant 44 : i32
      %broadcast_in_dim3A_3707 = vector.broadcast %jit3A_3706 : i32 to vector<64x128xi32>
      %select_n3A_3708 = arith.select %lt3A_3705, %broadcast_in_dim3A_3707, %select_n3A_3689 : vector<64x128xi1>, vector<64x128xi32>
      %select_n3A_3709 = arith.select %lt3A_3705, %select_n3A_3701, %select_n3A_3690 : vector<64x128xi1>, vector<64x128xf32>
      %get3A_3710 = arith.constant 0 : index
      %get3A_3711 = arith.constant 5760 : index
      %get3A_3712 = vector.load %arg5[%get3A_3710, %get3A_3711] : memref<64x8192xf32, #tpu.memory_space<vmem>>, vector<64x128xf32>
      %sub3A_3713 = arith.constant 5760 : i32
      %sub3A_3714 = vector.broadcast %sub3A_3713 : i32 to vector<64x1xi32>
      %sub3A_3715 = arith.subi %broadcast_in_dim3A_2845, %sub3A_3714 : vector<64x1xi32>
      %eq3A_3716 = vector.broadcast %sub3A_3715 : vector<64x1xi32> to vector<64x128xi32>
      %eq3A_3717 = arith.cmpi eq, %iota3A, %eq3A_3716 : vector<64x128xi32>
      %jit3A_3718 = arith.constant 0x7F800000 : f32
      %broadcast_in_dim3A_3719 = vector.broadcast %jit3A_3718 : f32 to vector<64x128xf32>
      %select_n3A_3720 = arith.select %eq3A_3717, %broadcast_in_dim3A_3719, %get3A_3712 : vector<64x128xi1>, vector<64x128xf32>
      %swap3A_3721 = arith.constant 0 : index
      %swap3A_3722 = arith.constant 5760 : index
      %swap3A_3723 = vector.load %arg5[%swap3A_3721, %swap3A_3722] : memref<64x8192xf32, #tpu.memory_space<vmem>>, vector<64x128xf32>
      tpu.vector_store %arg5[%swap3A_3721, %swap3A_3722], %select_n3A_3720 {strides = array<i32>} : memref<64x8192xf32, #tpu.memory_space<vmem>>, vector<64x128xf32>,
      %lt3A_3724 = arith.cmpf olt, %select_n3A_3720, %select_n3A_3709 : vector<64x128xf32>
      %jit3A_3725 = arith.constant 45 : i32
      %broadcast_in_dim3A_3726 = vector.broadcast %jit3A_3725 : i32 to vector<64x128xi32>
      %select_n3A_3727 = arith.select %lt3A_3724, %broadcast_in_dim3A_3726, %select_n3A_3708 : vector<64x128xi1>, vector<64x128xi32>
      %select_n3A_3728 = arith.select %lt3A_3724, %select_n3A_3720, %select_n3A_3709 : vector<64x128xi1>, vector<64x128xf32>
      %get3A_3729 = arith.constant 0 : index
      %get3A_3730 = arith.constant 5888 : index
      %get3A_3731 = vector.load %arg5[%get3A_3729, %get3A_3730] : memref<64x8192xf32, #tpu.memory_space<vmem>>, vector<64x128xf32>
      %sub3A_3732 = arith.constant 5888 : i32
      %sub3A_3733 = vector.broadcast %sub3A_3732 : i32 to vector<64x1xi32>
      %sub3A_3734 = arith.subi %broadcast_in_dim3A_2845, %sub3A_3733 : vector<64x1xi32>
      %eq3A_3735 = vector.broadcast %sub3A_3734 : vector<64x1xi32> to vector<64x128xi32>
      %eq3A_3736 = arith.cmpi eq, %iota3A, %eq3A_3735 : vector<64x128xi32>
      %jit3A_3737 = arith.constant 0x7F800000 : f32
      %broadcast_in_dim3A_3738 = vector.broadcast %jit3A_3737 : f32 to vector<64x128xf32>
      %select_n3A_3739 = arith.select %eq3A_3736, %broadcast_in_dim3A_3738, %get3A_3731 : vector<64x128xi1>, vector<64x128xf32>
      %swap3A_3740 = arith.constant 0 : index
      %swap3A_3741 = arith.constant 5888 : index
      %swap3A_3742 = vector.load %arg5[%swap3A_3740, %swap3A_3741] : memref<64x8192xf32, #tpu.memory_space<vmem>>, vector<64x128xf32>
      tpu.vector_store %arg5[%swap3A_3740, %swap3A_3741], %select_n3A_3739 {strides = array<i32>} : memref<64x8192xf32, #tpu.memory_space<vmem>>, vector<64x128xf32>,
      %lt3A_3743 = arith.cmpf olt, %select_n3A_3739, %select_n3A_3728 : vector<64x128xf32>
      %jit3A_3744 = arith.constant 46 : i32
      %broadcast_in_dim3A_3745 = vector.broadcast %jit3A_3744 : i32 to vector<64x128xi32>
      %select_n3A_3746 = arith.select %lt3A_3743, %broadcast_in_dim3A_3745, %select_n3A_3727 : vector<64x128xi1>, vector<64x128xi32>
      %select_n3A_3747 = arith.select %lt3A_3743, %select_n3A_3739, %select_n3A_3728 : vector<64x128xi1>, vector<64x128xf32>
      %get3A_3748 = arith.constant 0 : index
      %get3A_3749 = arith.constant 6016 : index
      %get3A_3750 = vector.load %arg5[%get3A_3748, %get3A_3749] : memref<64x8192xf32, #tpu.memory_space<vmem>>, vector<64x128xf32>
      %sub3A_3751 = arith.constant 6016 : i32
      %sub3A_3752 = vector.broadcast %sub3A_3751 : i32 to vector<64x1xi32>
      %sub3A_3753 = arith.subi %broadcast_in_dim3A_2845, %sub3A_3752 : vector<64x1xi32>
      %eq3A_3754 = vector.broadcast %sub3A_3753 : vector<64x1xi32> to vector<64x128xi32>
      %eq3A_3755 = arith.cmpi eq, %iota3A, %eq3A_3754 : vector<64x128xi32>
      %jit3A_3756 = arith.constant 0x7F800000 : f32
      %broadcast_in_dim3A_3757 = vector.broadcast %jit3A_3756 : f32 to vector<64x128xf32>
      %select_n3A_3758 = arith.select %eq3A_3755, %broadcast_in_dim3A_3757, %get3A_3750 : vector<64x128xi1>, vector<64x128xf32>
      %swap3A_3759 = arith.constant 0 : index
      %swap3A_3760 = arith.constant 6016 : index
      %swap3A_3761 = vector.load %arg5[%swap3A_3759, %swap3A_3760] : memref<64x8192xf32, #tpu.memory_space<vmem>>, vector<64x128xf32>
      tpu.vector_store %arg5[%swap3A_3759, %swap3A_3760], %select_n3A_3758 {strides = array<i32>} : memref<64x8192xf32, #tpu.memory_space<vmem>>, vector<64x128xf32>,
      %lt3A_3762 = arith.cmpf olt, %select_n3A_3758, %select_n3A_3747 : vector<64x128xf32>
      %jit3A_3763 = arith.constant 47 : i32
      %broadcast_in_dim3A_3764 = vector.broadcast %jit3A_3763 : i32 to vector<64x128xi32>
      %select_n3A_3765 = arith.select %lt3A_3762, %broadcast_in_dim3A_3764, %select_n3A_3746 : vector<64x128xi1>, vector<64x128xi32>
      %select_n3A_3766 = arith.select %lt3A_3762, %select_n3A_3758, %select_n3A_3747 : vector<64x128xi1>, vector<64x128xf32>
      %get3A_3767 = arith.constant 0 : index
      %get3A_3768 = arith.constant 6144 : index
      %get3A_3769 = vector.load %arg5[%get3A_3767, %get3A_3768] : memref<64x8192xf32, #tpu.memory_space<vmem>>, vector<64x128xf32>
      %sub3A_3770 = arith.constant 6144 : i32
      %sub3A_3771 = vector.broadcast %sub3A_3770 : i32 to vector<64x1xi32>
      %sub3A_3772 = arith.subi %broadcast_in_dim3A_2845, %sub3A_3771 : vector<64x1xi32>
      %eq3A_3773 = vector.broadcast %sub3A_3772 : vector<64x1xi32> to vector<64x128xi32>
      %eq3A_3774 = arith.cmpi eq, %iota3A, %eq3A_3773 : vector<64x128xi32>
      %jit3A_3775 = arith.constant 0x7F800000 : f32
      %broadcast_in_dim3A_3776 = vector.broadcast %jit3A_3775 : f32 to vector<64x128xf32>
      %select_n3A_3777 = arith.select %eq3A_3774, %broadcast_in_dim3A_3776, %get3A_3769 : vector<64x128xi1>, vector<64x128xf32>
      %swap3A_3778 = arith.constant 0 : index
      %swap3A_3779 = arith.constant 6144 : index
      %swap3A_3780 = vector.load %arg5[%swap3A_3778, %swap3A_3779] : memref<64x8192xf32, #tpu.memory_space<vmem>>, vector<64x128xf32>
      tpu.vector_store %arg5[%swap3A_3778, %swap3A_3779], %select_n3A_3777 {strides = array<i32>} : memref<64x8192xf32, #tpu.memory_space<vmem>>, vector<64x128xf32>,
      %lt3A_3781 = arith.cmpf olt, %select_n3A_3777, %select_n3A_3766 : vector<64x128xf32>
      %jit3A_3782 = arith.constant 48 : i32
      %broadcast_in_dim3A_3783 = vector.broadcast %jit3A_3782 : i32 to vector<64x128xi32>
      %select_n3A_3784 = arith.select %lt3A_3781, %broadcast_in_dim3A_3783, %select_n3A_3765 : vector<64x128xi1>, vector<64x128xi32>
      %select_n3A_3785 = arith.select %lt3A_3781, %select_n3A_3777, %select_n3A_3766 : vector<64x128xi1>, vector<64x128xf32>
      %get3A_3786 = arith.constant 0 : index
      %get3A_3787 = arith.constant 6272 : index
      %get3A_3788 = vector.load %arg5[%get3A_3786, %get3A_3787] : memref<64x8192xf32, #tpu.memory_space<vmem>>, vector<64x128xf32>
      %sub3A_3789 = arith.constant 6272 : i32
      %sub3A_3790 = vector.broadcast %sub3A_3789 : i32 to vector<64x1xi32>
      %sub3A_3791 = arith.subi %broadcast_in_dim3A_2845, %sub3A_3790 : vector<64x1xi32>
      %eq3A_3792 = vector.broadcast %sub3A_3791 : vector<64x1xi32> to vector<64x128xi32>
      %eq3A_3793 = arith.cmpi eq, %iota3A, %eq3A_3792 : vector<64x128xi32>
      %jit3A_3794 = arith.constant 0x7F800000 : f32
      %broadcast_in_dim3A_3795 = vector.broadcast %jit3A_3794 : f32 to vector<64x128xf32>
      %select_n3A_3796 = arith.select %eq3A_3793, %broadcast_in_dim3A_3795, %get3A_3788 : vector<64x128xi1>, vector<64x128xf32>
      %swap3A_3797 = arith.constant 0 : index
      %swap3A_3798 = arith.constant 6272 : index
      %swap3A_3799 = vector.load %arg5[%swap3A_3797, %swap3A_3798] : memref<64x8192xf32, #tpu.memory_space<vmem>>, vector<64x128xf32>
      tpu.vector_store %arg5[%swap3A_3797, %swap3A_3798], %select_n3A_3796 {strides = array<i32>} : memref<64x8192xf32, #tpu.memory_space<vmem>>, vector<64x128xf32>,
      %lt3A_3800 = arith.cmpf olt, %select_n3A_3796, %select_n3A_3785 : vector<64x128xf32>
      %jit3A_3801 = arith.constant 49 : i32
      %broadcast_in_dim3A_3802 = vector.broadcast %jit3A_3801 : i32 to vector<64x128xi32>
      %select_n3A_3803 = arith.select %lt3A_3800, %broadcast_in_dim3A_3802, %select_n3A_3784 : vector<64x128xi1>, vector<64x128xi32>
      %select_n3A_3804 = arith.select %lt3A_3800, %select_n3A_3796, %select_n3A_3785 : vector<64x128xi1>, vector<64x128xf32>
      %get3A_3805 = arith.constant 0 : index
      %get3A_3806 = arith.constant 6400 : index
      %get3A_3807 = vector.load %arg5[%get3A_3805, %get3A_3806] : memref<64x8192xf32, #tpu.memory_space<vmem>>, vector<64x128xf32>
      %sub3A_3808 = arith.constant 6400 : i32
      %sub3A_3809 = vector.broadcast %sub3A_3808 : i32 to vector<64x1xi32>
      %sub3A_3810 = arith.subi %broadcast_in_dim3A_2845, %sub3A_3809 : vector<64x1xi32>
      %eq3A_3811 = vector.broadcast %sub3A_3810 : vector<64x1xi32> to vector<64x128xi32>
      %eq3A_3812 = arith.cmpi eq, %iota3A, %eq3A_3811 : vector<64x128xi32>
      %jit3A_3813 = arith.constant 0x7F800000 : f32
      %broadcast_in_dim3A_3814 = vector.broadcast %jit3A_3813 : f32 to vector<64x128xf32>
      %select_n3A_3815 = arith.select %eq3A_3812, %broadcast_in_dim3A_3814, %get3A_3807 : vector<64x128xi1>, vector<64x128xf32>
      %swap3A_3816 = arith.constant 0 : index
      %swap3A_3817 = arith.constant 6400 : index
      %swap3A_3818 = vector.load %arg5[%swap3A_3816, %swap3A_3817] : memref<64x8192xf32, #tpu.memory_space<vmem>>, vector<64x128xf32>
      tpu.vector_store %arg5[%swap3A_3816, %swap3A_3817], %select_n3A_3815 {strides = array<i32>} : memref<64x8192xf32, #tpu.memory_space<vmem>>, vector<64x128xf32>,
      %lt3A_3819 = arith.cmpf olt, %select_n3A_3815, %select_n3A_3804 : vector<64x128xf32>
      %jit3A_3820 = arith.constant 50 : i32
      %broadcast_in_dim3A_3821 = vector.broadcast %jit3A_3820 : i32 to vector<64x128xi32>
      %select_n3A_3822 = arith.select %lt3A_3819, %broadcast_in_dim3A_3821, %select_n3A_3803 : vector<64x128xi1>, vector<64x128xi32>
      %select_n3A_3823 = arith.select %lt3A_3819, %select_n3A_3815, %select_n3A_3804 : vector<64x128xi1>, vector<64x128xf32>
      %get3A_3824 = arith.constant 0 : index
      %get3A_3825 = arith.constant 6528 : index
      %get3A_3826 = vector.load %arg5[%get3A_3824, %get3A_3825] : memref<64x8192xf32, #tpu.memory_space<vmem>>, vector<64x128xf32>
      %sub3A_3827 = arith.constant 6528 : i32
      %sub3A_3828 = vector.broadcast %sub3A_3827 : i32 to vector<64x1xi32>
      %sub3A_3829 = arith.subi %broadcast_in_dim3A_2845, %sub3A_3828 : vector<64x1xi32>
      %eq3A_3830 = vector.broadcast %sub3A_3829 : vector<64x1xi32> to vector<64x128xi32>
      %eq3A_3831 = arith.cmpi eq, %iota3A, %eq3A_3830 : vector<64x128xi32>
      %jit3A_3832 = arith.constant 0x7F800000 : f32
      %broadcast_in_dim3A_3833 = vector.broadcast %jit3A_3832 : f32 to vector<64x128xf32>
      %select_n3A_3834 = arith.select %eq3A_3831, %broadcast_in_dim3A_3833, %get3A_3826 : vector<64x128xi1>, vector<64x128xf32>
      %swap3A_3835 = arith.constant 0 : index
      %swap3A_3836 = arith.constant 6528 : index
      %swap3A_3837 = vector.load %arg5[%swap3A_3835, %swap3A_3836] : memref<64x8192xf32, #tpu.memory_space<vmem>>, vector<64x128xf32>
      tpu.vector_store %arg5[%swap3A_3835, %swap3A_3836], %select_n3A_3834 {strides = array<i32>} : memref<64x8192xf32, #tpu.memory_space<vmem>>, vector<64x128xf32>,
      %lt3A_3838 = arith.cmpf olt, %select_n3A_3834, %select_n3A_3823 : vector<64x128xf32>
      %jit3A_3839 = arith.constant 51 : i32
      %broadcast_in_dim3A_3840 = vector.broadcast %jit3A_3839 : i32 to vector<64x128xi32>
      %select_n3A_3841 = arith.select %lt3A_3838, %broadcast_in_dim3A_3840, %select_n3A_3822 : vector<64x128xi1>, vector<64x128xi32>
      %select_n3A_3842 = arith.select %lt3A_3838, %select_n3A_3834, %select_n3A_3823 : vector<64x128xi1>, vector<64x128xf32>
      %get3A_3843 = arith.constant 0 : index
      %get3A_3844 = arith.constant 6656 : index
      %get3A_3845 = vector.load %arg5[%get3A_3843, %get3A_3844] : memref<64x8192xf32, #tpu.memory_space<vmem>>, vector<64x128xf32>
      %sub3A_3846 = arith.constant 6656 : i32
      %sub3A_3847 = vector.broadcast %sub3A_3846 : i32 to vector<64x1xi32>
      %sub3A_3848 = arith.subi %broadcast_in_dim3A_2845, %sub3A_3847 : vector<64x1xi32>
      %eq3A_3849 = vector.broadcast %sub3A_3848 : vector<64x1xi32> to vector<64x128xi32>
      %eq3A_3850 = arith.cmpi eq, %iota3A, %eq3A_3849 : vector<64x128xi32>
      %jit3A_3851 = arith.constant 0x7F800000 : f32
      %broadcast_in_dim3A_3852 = vector.broadcast %jit3A_3851 : f32 to vector<64x128xf32>
      %select_n3A_3853 = arith.select %eq3A_3850, %broadcast_in_dim3A_3852, %get3A_3845 : vector<64x128xi1>, vector<64x128xf32>
      %swap3A_3854 = arith.constant 0 : index
      %swap3A_3855 = arith.constant 6656 : index
      %swap3A_3856 = vector.load %arg5[%swap3A_3854, %swap3A_3855] : memref<64x8192xf32, #tpu.memory_space<vmem>>, vector<64x128xf32>
      tpu.vector_store %arg5[%swap3A_3854, %swap3A_3855], %select_n3A_3853 {strides = array<i32>} : memref<64x8192xf32, #tpu.memory_space<vmem>>, vector<64x128xf32>,
      %lt3A_3857 = arith.cmpf olt, %select_n3A_3853, %select_n3A_3842 : vector<64x128xf32>
      %jit3A_3858 = arith.constant 52 : i32
      %broadcast_in_dim3A_3859 = vector.broadcast %jit3A_3858 : i32 to vector<64x128xi32>
      %select_n3A_3860 = arith.select %lt3A_3857, %broadcast_in_dim3A_3859, %select_n3A_3841 : vector<64x128xi1>, vector<64x128xi32>
      %select_n3A_3861 = arith.select %lt3A_3857, %select_n3A_3853, %select_n3A_3842 : vector<64x128xi1>, vector<64x128xf32>
      %get3A_3862 = arith.constant 0 : index
      %get3A_3863 = arith.constant 6784 : index
      %get3A_3864 = vector.load %arg5[%get3A_3862, %get3A_3863] : memref<64x8192xf32, #tpu.memory_space<vmem>>, vector<64x128xf32>
      %sub3A_3865 = arith.constant 6784 : i32
      %sub3A_3866 = vector.broadcast %sub3A_3865 : i32 to vector<64x1xi32>
      %sub3A_3867 = arith.subi %broadcast_in_dim3A_2845, %sub3A_3866 : vector<64x1xi32>
      %eq3A_3868 = vector.broadcast %sub3A_3867 : vector<64x1xi32> to vector<64x128xi32>
      %eq3A_3869 = arith.cmpi eq, %iota3A, %eq3A_3868 : vector<64x128xi32>
      %jit3A_3870 = arith.constant 0x7F800000 : f32
      %broadcast_in_dim3A_3871 = vector.broadcast %jit3A_3870 : f32 to vector<64x128xf32>
      %select_n3A_3872 = arith.select %eq3A_3869, %broadcast_in_dim3A_3871, %get3A_3864 : vector<64x128xi1>, vector<64x128xf32>
      %swap3A_3873 = arith.constant 0 : index
      %swap3A_3874 = arith.constant 6784 : index
      %swap3A_3875 = vector.load %arg5[%swap3A_3873, %swap3A_3874] : memref<64x8192xf32, #tpu.memory_space<vmem>>, vector<64x128xf32>
      tpu.vector_store %arg5[%swap3A_3873, %swap3A_3874], %select_n3A_3872 {strides = array<i32>} : memref<64x8192xf32, #tpu.memory_space<vmem>>, vector<64x128xf32>,
      %lt3A_3876 = arith.cmpf olt, %select_n3A_3872, %select_n3A_3861 : vector<64x128xf32>
      %jit3A_3877 = arith.constant 53 : i32
      %broadcast_in_dim3A_3878 = vector.broadcast %jit3A_3877 : i32 to vector<64x128xi32>
      %select_n3A_3879 = arith.select %lt3A_3876, %broadcast_in_dim3A_3878, %select_n3A_3860 : vector<64x128xi1>, vector<64x128xi32>
      %select_n3A_3880 = arith.select %lt3A_3876, %select_n3A_3872, %select_n3A_3861 : vector<64x128xi1>, vector<64x128xf32>
      %get3A_3881 = arith.constant 0 : index
      %get3A_3882 = arith.constant 6912 : index
      %get3A_3883 = vector.load %arg5[%get3A_3881, %get3A_3882] : memref<64x8192xf32, #tpu.memory_space<vmem>>, vector<64x128xf32>
      %sub3A_3884 = arith.constant 6912 : i32
      %sub3A_3885 = vector.broadcast %sub3A_3884 : i32 to vector<64x1xi32>
      %sub3A_3886 = arith.subi %broadcast_in_dim3A_2845, %sub3A_3885 : vector<64x1xi32>
      %eq3A_3887 = vector.broadcast %sub3A_3886 : vector<64x1xi32> to vector<64x128xi32>
      %eq3A_3888 = arith.cmpi eq, %iota3A, %eq3A_3887 : vector<64x128xi32>
      %jit3A_3889 = arith.constant 0x7F800000 : f32
      %broadcast_in_dim3A_3890 = vector.broadcast %jit3A_3889 : f32 to vector<64x128xf32>
      %select_n3A_3891 = arith.select %eq3A_3888, %broadcast_in_dim3A_3890, %get3A_3883 : vector<64x128xi1>, vector<64x128xf32>
      %swap3A_3892 = arith.constant 0 : index
      %swap3A_3893 = arith.constant 6912 : index
      %swap3A_3894 = vector.load %arg5[%swap3A_3892, %swap3A_3893] : memref<64x8192xf32, #tpu.memory_space<vmem>>, vector<64x128xf32>
      tpu.vector_store %arg5[%swap3A_3892, %swap3A_3893], %select_n3A_3891 {strides = array<i32>} : memref<64x8192xf32, #tpu.memory_space<vmem>>, vector<64x128xf32>,
      %lt3A_3895 = arith.cmpf olt, %select_n3A_3891, %select_n3A_3880 : vector<64x128xf32>
      %jit3A_3896 = arith.constant 54 : i32
      %broadcast_in_dim3A_3897 = vector.broadcast %jit3A_3896 : i32 to vector<64x128xi32>
      %select_n3A_3898 = arith.select %lt3A_3895, %broadcast_in_dim3A_3897, %select_n3A_3879 : vector<64x128xi1>, vector<64x128xi32>
      %select_n3A_3899 = arith.select %lt3A_3895, %select_n3A_3891, %select_n3A_3880 : vector<64x128xi1>, vector<64x128xf32>
      %get3A_3900 = arith.constant 0 : index
      %get3A_3901 = arith.constant 7040 : index
      %get3A_3902 = vector.load %arg5[%get3A_3900, %get3A_3901] : memref<64x8192xf32, #tpu.memory_space<vmem>>, vector<64x128xf32>
      %sub3A_3903 = arith.constant 7040 : i32
      %sub3A_3904 = vector.broadcast %sub3A_3903 : i32 to vector<64x1xi32>
      %sub3A_3905 = arith.subi %broadcast_in_dim3A_2845, %sub3A_3904 : vector<64x1xi32>
      %eq3A_3906 = vector.broadcast %sub3A_3905 : vector<64x1xi32> to vector<64x128xi32>
      %eq3A_3907 = arith.cmpi eq, %iota3A, %eq3A_3906 : vector<64x128xi32>
      %jit3A_3908 = arith.constant 0x7F800000 : f32
      %broadcast_in_dim3A_3909 = vector.broadcast %jit3A_3908 : f32 to vector<64x128xf32>
      %select_n3A_3910 = arith.select %eq3A_3907, %broadcast_in_dim3A_3909, %get3A_3902 : vector<64x128xi1>, vector<64x128xf32>
      %swap3A_3911 = arith.constant 0 : index
      %swap3A_3912 = arith.constant 7040 : index
      %swap3A_3913 = vector.load %arg5[%swap3A_3911, %swap3A_3912] : memref<64x8192xf32, #tpu.memory_space<vmem>>, vector<64x128xf32>
      tpu.vector_store %arg5[%swap3A_3911, %swap3A_3912], %select_n3A_3910 {strides = array<i32>} : memref<64x8192xf32, #tpu.memory_space<vmem>>, vector<64x128xf32>,
      %lt3A_3914 = arith.cmpf olt, %select_n3A_3910, %select_n3A_3899 : vector<64x128xf32>
      %jit3A_3915 = arith.constant 55 : i32
      %broadcast_in_dim3A_3916 = vector.broadcast %jit3A_3915 : i32 to vector<64x128xi32>
      %select_n3A_3917 = arith.select %lt3A_3914, %broadcast_in_dim3A_3916, %select_n3A_3898 : vector<64x128xi1>, vector<64x128xi32>
      %select_n3A_3918 = arith.select %lt3A_3914, %select_n3A_3910, %select_n3A_3899 : vector<64x128xi1>, vector<64x128xf32>
      %get3A_3919 = arith.constant 0 : index
      %get3A_3920 = arith.constant 7168 : index
      %get3A_3921 = vector.load %arg5[%get3A_3919, %get3A_3920] : memref<64x8192xf32, #tpu.memory_space<vmem>>, vector<64x128xf32>
      %sub3A_3922 = arith.constant 7168 : i32
      %sub3A_3923 = vector.broadcast %sub3A_3922 : i32 to vector<64x1xi32>
      %sub3A_3924 = arith.subi %broadcast_in_dim3A_2845, %sub3A_3923 : vector<64x1xi32>
      %eq3A_3925 = vector.broadcast %sub3A_3924 : vector<64x1xi32> to vector<64x128xi32>
      %eq3A_3926 = arith.cmpi eq, %iota3A, %eq3A_3925 : vector<64x128xi32>
      %jit3A_3927 = arith.constant 0x7F800000 : f32
      %broadcast_in_dim3A_3928 = vector.broadcast %jit3A_3927 : f32 to vector<64x128xf32>
      %select_n3A_3929 = arith.select %eq3A_3926, %broadcast_in_dim3A_3928, %get3A_3921 : vector<64x128xi1>, vector<64x128xf32>
      %swap3A_3930 = arith.constant 0 : index
      %swap3A_3931 = arith.constant 7168 : index
      %swap3A_3932 = vector.load %arg5[%swap3A_3930, %swap3A_3931] : memref<64x8192xf32, #tpu.memory_space<vmem>>, vector<64x128xf32>
      tpu.vector_store %arg5[%swap3A_3930, %swap3A_3931], %select_n3A_3929 {strides = array<i32>} : memref<64x8192xf32, #tpu.memory_space<vmem>>, vector<64x128xf32>,
      %lt3A_3933 = arith.cmpf olt, %select_n3A_3929, %select_n3A_3918 : vector<64x128xf32>
      %jit3A_3934 = arith.constant 56 : i32
      %broadcast_in_dim3A_3935 = vector.broadcast %jit3A_3934 : i32 to vector<64x128xi32>
      %select_n3A_3936 = arith.select %lt3A_3933, %broadcast_in_dim3A_3935, %select_n3A_3917 : vector<64x128xi1>, vector<64x128xi32>
      %select_n3A_3937 = arith.select %lt3A_3933, %select_n3A_3929, %select_n3A_3918 : vector<64x128xi1>, vector<64x128xf32>
      %get3A_3938 = arith.constant 0 : index
      %get3A_3939 = arith.constant 7296 : index
      %get3A_3940 = vector.load %arg5[%get3A_3938, %get3A_3939] : memref<64x8192xf32, #tpu.memory_space<vmem>>, vector<64x128xf32>
      %sub3A_3941 = arith.constant 7296 : i32
      %sub3A_3942 = vector.broadcast %sub3A_3941 : i32 to vector<64x1xi32>
      %sub3A_3943 = arith.subi %broadcast_in_dim3A_2845, %sub3A_3942 : vector<64x1xi32>
      %eq3A_3944 = vector.broadcast %sub3A_3943 : vector<64x1xi32> to vector<64x128xi32>
      %eq3A_3945 = arith.cmpi eq, %iota3A, %eq3A_3944 : vector<64x128xi32>
      %jit3A_3946 = arith.constant 0x7F800000 : f32
      %broadcast_in_dim3A_3947 = vector.broadcast %jit3A_3946 : f32 to vector<64x128xf32>
      %select_n3A_3948 = arith.select %eq3A_3945, %broadcast_in_dim3A_3947, %get3A_3940 : vector<64x128xi1>, vector<64x128xf32>
      %swap3A_3949 = arith.constant 0 : index
      %swap3A_3950 = arith.constant 7296 : index
      %swap3A_3951 = vector.load %arg5[%swap3A_3949, %swap3A_3950] : memref<64x8192xf32, #tpu.memory_space<vmem>>, vector<64x128xf32>
      tpu.vector_store %arg5[%swap3A_3949, %swap3A_3950], %select_n3A_3948 {strides = array<i32>} : memref<64x8192xf32, #tpu.memory_space<vmem>>, vector<64x128xf32>,
      %lt3A_3952 = arith.cmpf olt, %select_n3A_3948, %select_n3A_3937 : vector<64x128xf32>
      %jit3A_3953 = arith.constant 57 : i32
      %broadcast_in_dim3A_3954 = vector.broadcast %jit3A_3953 : i32 to vector<64x128xi32>
      %select_n3A_3955 = arith.select %lt3A_3952, %broadcast_in_dim3A_3954, %select_n3A_3936 : vector<64x128xi1>, vector<64x128xi32>
      %select_n3A_3956 = arith.select %lt3A_3952, %select_n3A_3948, %select_n3A_3937 : vector<64x128xi1>, vector<64x128xf32>
      %get3A_3957 = arith.constant 0 : index
      %get3A_3958 = arith.constant 7424 : index
      %get3A_3959 = vector.load %arg5[%get3A_3957, %get3A_3958] : memref<64x8192xf32, #tpu.memory_space<vmem>>, vector<64x128xf32>
      %sub3A_3960 = arith.constant 7424 : i32
      %sub3A_3961 = vector.broadcast %sub3A_3960 : i32 to vector<64x1xi32>
      %sub3A_3962 = arith.subi %broadcast_in_dim3A_2845, %sub3A_3961 : vector<64x1xi32>
      %eq3A_3963 = vector.broadcast %sub3A_3962 : vector<64x1xi32> to vector<64x128xi32>
      %eq3A_3964 = arith.cmpi eq, %iota3A, %eq3A_3963 : vector<64x128xi32>
      %jit3A_3965 = arith.constant 0x7F800000 : f32
      %broadcast_in_dim3A_3966 = vector.broadcast %jit3A_3965 : f32 to vector<64x128xf32>
      %select_n3A_3967 = arith.select %eq3A_3964, %broadcast_in_dim3A_3966, %get3A_3959 : vector<64x128xi1>, vector<64x128xf32>
      %swap3A_3968 = arith.constant 0 : index
      %swap3A_3969 = arith.constant 7424 : index
      %swap3A_3970 = vector.load %arg5[%swap3A_3968, %swap3A_3969] : memref<64x8192xf32, #tpu.memory_space<vmem>>, vector<64x128xf32>
      tpu.vector_store %arg5[%swap3A_3968, %swap3A_3969], %select_n3A_3967 {strides = array<i32>} : memref<64x8192xf32, #tpu.memory_space<vmem>>, vector<64x128xf32>,
      %lt3A_3971 = arith.cmpf olt, %select_n3A_3967, %select_n3A_3956 : vector<64x128xf32>
      %jit3A_3972 = arith.constant 58 : i32
      %broadcast_in_dim3A_3973 = vector.broadcast %jit3A_3972 : i32 to vector<64x128xi32>
      %select_n3A_3974 = arith.select %lt3A_3971, %broadcast_in_dim3A_3973, %select_n3A_3955 : vector<64x128xi1>, vector<64x128xi32>
      %select_n3A_3975 = arith.select %lt3A_3971, %select_n3A_3967, %select_n3A_3956 : vector<64x128xi1>, vector<64x128xf32>
      %get3A_3976 = arith.constant 0 : index
      %get3A_3977 = arith.constant 7552 : index
      %get3A_3978 = vector.load %arg5[%get3A_3976, %get3A_3977] : memref<64x8192xf32, #tpu.memory_space<vmem>>, vector<64x128xf32>
      %sub3A_3979 = arith.constant 7552 : i32
      %sub3A_3980 = vector.broadcast %sub3A_3979 : i32 to vector<64x1xi32>
      %sub3A_3981 = arith.subi %broadcast_in_dim3A_2845, %sub3A_3980 : vector<64x1xi32>
      %eq3A_3982 = vector.broadcast %sub3A_3981 : vector<64x1xi32> to vector<64x128xi32>
      %eq3A_3983 = arith.cmpi eq, %iota3A, %eq3A_3982 : vector<64x128xi32>
      %jit3A_3984 = arith.constant 0x7F800000 : f32
      %broadcast_in_dim3A_3985 = vector.broadcast %jit3A_3984 : f32 to vector<64x128xf32>
      %select_n3A_3986 = arith.select %eq3A_3983, %broadcast_in_dim3A_3985, %get3A_3978 : vector<64x128xi1>, vector<64x128xf32>
      %swap3A_3987 = arith.constant 0 : index
      %swap3A_3988 = arith.constant 7552 : index
      %swap3A_3989 = vector.load %arg5[%swap3A_3987, %swap3A_3988] : memref<64x8192xf32, #tpu.memory_space<vmem>>, vector<64x128xf32>
      tpu.vector_store %arg5[%swap3A_3987, %swap3A_3988], %select_n3A_3986 {strides = array<i32>} : memref<64x8192xf32, #tpu.memory_space<vmem>>, vector<64x128xf32>,
      %lt3A_3990 = arith.cmpf olt, %select_n3A_3986, %select_n3A_3975 : vector<64x128xf32>
      %jit3A_3991 = arith.constant 59 : i32
      %broadcast_in_dim3A_3992 = vector.broadcast %jit3A_3991 : i32 to vector<64x128xi32>
      %select_n3A_3993 = arith.select %lt3A_3990, %broadcast_in_dim3A_3992, %select_n3A_3974 : vector<64x128xi1>, vector<64x128xi32>
      %select_n3A_3994 = arith.select %lt3A_3990, %select_n3A_3986, %select_n3A_3975 : vector<64x128xi1>, vector<64x128xf32>
      %get3A_3995 = arith.constant 0 : index
      %get3A_3996 = arith.constant 7680 : index
      %get3A_3997 = vector.load %arg5[%get3A_3995, %get3A_3996] : memref<64x8192xf32, #tpu.memory_space<vmem>>, vector<64x128xf32>
      %sub3A_3998 = arith.constant 7680 : i32
      %sub3A_3999 = vector.broadcast %sub3A_3998 : i32 to vector<64x1xi32>
      %sub3A_4000 = arith.subi %broadcast_in_dim3A_2845, %sub3A_3999 : vector<64x1xi32>
      %eq3A_4001 = vector.broadcast %sub3A_4000 : vector<64x1xi32> to vector<64x128xi32>
      %eq3A_4002 = arith.cmpi eq, %iota3A, %eq3A_4001 : vector<64x128xi32>
      %jit3A_4003 = arith.constant 0x7F800000 : f32
      %broadcast_in_dim3A_4004 = vector.broadcast %jit3A_4003 : f32 to vector<64x128xf32>
      %select_n3A_4005 = arith.select %eq3A_4002, %broadcast_in_dim3A_4004, %get3A_3997 : vector<64x128xi1>, vector<64x128xf32>
      %swap3A_4006 = arith.constant 0 : index
      %swap3A_4007 = arith.constant 7680 : index
      %swap3A_4008 = vector.load %arg5[%swap3A_4006, %swap3A_4007] : memref<64x8192xf32, #tpu.memory_space<vmem>>, vector<64x128xf32>
      tpu.vector_store %arg5[%swap3A_4006, %swap3A_4007], %select_n3A_4005 {strides = array<i32>} : memref<64x8192xf32, #tpu.memory_space<vmem>>, vector<64x128xf32>,
      %lt3A_4009 = arith.cmpf olt, %select_n3A_4005, %select_n3A_3994 : vector<64x128xf32>
      %jit3A_4010 = arith.constant 60 : i32
      %broadcast_in_dim3A_4011 = vector.broadcast %jit3A_4010 : i32 to vector<64x128xi32>
      %select_n3A_4012 = arith.select %lt3A_4009, %broadcast_in_dim3A_4011, %select_n3A_3993 : vector<64x128xi1>, vector<64x128xi32>
      %select_n3A_4013 = arith.select %lt3A_4009, %select_n3A_4005, %select_n3A_3994 : vector<64x128xi1>, vector<64x128xf32>
      %get3A_4014 = arith.constant 0 : index
      %get3A_4015 = arith.constant 7808 : index
      %get3A_4016 = vector.load %arg5[%get3A_4014, %get3A_4015] : memref<64x8192xf32, #tpu.memory_space<vmem>>, vector<64x128xf32>
      %sub3A_4017 = arith.constant 7808 : i32
      %sub3A_4018 = vector.broadcast %sub3A_4017 : i32 to vector<64x1xi32>
      %sub3A_4019 = arith.subi %broadcast_in_dim3A_2845, %sub3A_4018 : vector<64x1xi32>
      %eq3A_4020 = vector.broadcast %sub3A_4019 : vector<64x1xi32> to vector<64x128xi32>
      %eq3A_4021 = arith.cmpi eq, %iota3A, %eq3A_4020 : vector<64x128xi32>
      %jit3A_4022 = arith.constant 0x7F800000 : f32
      %broadcast_in_dim3A_4023 = vector.broadcast %jit3A_4022 : f32 to vector<64x128xf32>
      %select_n3A_4024 = arith.select %eq3A_4021, %broadcast_in_dim3A_4023, %get3A_4016 : vector<64x128xi1>, vector<64x128xf32>
      %swap3A_4025 = arith.constant 0 : index
      %swap3A_4026 = arith.constant 7808 : index
      %swap3A_4027 = vector.load %arg5[%swap3A_4025, %swap3A_4026] : memref<64x8192xf32, #tpu.memory_space<vmem>>, vector<64x128xf32>
      tpu.vector_store %arg5[%swap3A_4025, %swap3A_4026], %select_n3A_4024 {strides = array<i32>} : memref<64x8192xf32, #tpu.memory_space<vmem>>, vector<64x128xf32>,
      %lt3A_4028 = arith.cmpf olt, %select_n3A_4024, %select_n3A_4013 : vector<64x128xf32>
      %jit3A_4029 = arith.constant 61 : i32
      %broadcast_in_dim3A_4030 = vector.broadcast %jit3A_4029 : i32 to vector<64x128xi32>
      %select_n3A_4031 = arith.select %lt3A_4028, %broadcast_in_dim3A_4030, %select_n3A_4012 : vector<64x128xi1>, vector<64x128xi32>
      %select_n3A_4032 = arith.select %lt3A_4028, %select_n3A_4024, %select_n3A_4013 : vector<64x128xi1>, vector<64x128xf32>
      %get3A_4033 = arith.constant 0 : index
      %get3A_4034 = arith.constant 7936 : index
      %get3A_4035 = vector.load %arg5[%get3A_4033, %get3A_4034] : memref<64x8192xf32, #tpu.memory_space<vmem>>, vector<64x128xf32>
      %sub3A_4036 = arith.constant 7936 : i32
      %sub3A_4037 = vector.broadcast %sub3A_4036 : i32 to vector<64x1xi32>
      %sub3A_4038 = arith.subi %broadcast_in_dim3A_2845, %sub3A_4037 : vector<64x1xi32>
      %eq3A_4039 = vector.broadcast %sub3A_4038 : vector<64x1xi32> to vector<64x128xi32>
      %eq3A_4040 = arith.cmpi eq, %iota3A, %eq3A_4039 : vector<64x128xi32>
      %jit3A_4041 = arith.constant 0x7F800000 : f32
      %broadcast_in_dim3A_4042 = vector.broadcast %jit3A_4041 : f32 to vector<64x128xf32>
      %select_n3A_4043 = arith.select %eq3A_4040, %broadcast_in_dim3A_4042, %get3A_4035 : vector<64x128xi1>, vector<64x128xf32>
      %swap3A_4044 = arith.constant 0 : index
      %swap3A_4045 = arith.constant 7936 : index
      %swap3A_4046 = vector.load %arg5[%swap3A_4044, %swap3A_4045] : memref<64x8192xf32, #tpu.memory_space<vmem>>, vector<64x128xf32>
      tpu.vector_store %arg5[%swap3A_4044, %swap3A_4045], %select_n3A_4043 {strides = array<i32>} : memref<64x8192xf32, #tpu.memory_space<vmem>>, vector<64x128xf32>,
      %lt3A_4047 = arith.cmpf olt, %select_n3A_4043, %select_n3A_4032 : vector<64x128xf32>
      %jit3A_4048 = arith.constant 62 : i32
      %broadcast_in_dim3A_4049 = vector.broadcast %jit3A_4048 : i32 to vector<64x128xi32>
      %select_n3A_4050 = arith.select %lt3A_4047, %broadcast_in_dim3A_4049, %select_n3A_4031 : vector<64x128xi1>, vector<64x128xi32>
      %select_n3A_4051 = arith.select %lt3A_4047, %select_n3A_4043, %select_n3A_4032 : vector<64x128xi1>, vector<64x128xf32>
      %get3A_4052 = arith.constant 0 : index
      %get3A_4053 = arith.constant 8064 : index
      %get3A_4054 = vector.load %arg5[%get3A_4052, %get3A_4053] : memref<64x8192xf32, #tpu.memory_space<vmem>>, vector<64x128xf32>
      %sub3A_4055 = arith.constant 8064 : i32
      %sub3A_4056 = vector.broadcast %sub3A_4055 : i32 to vector<64x1xi32>
      %sub3A_4057 = arith.subi %broadcast_in_dim3A_2845, %sub3A_4056 : vector<64x1xi32>
      %eq3A_4058 = vector.broadcast %sub3A_4057 : vector<64x1xi32> to vector<64x128xi32>
      %eq3A_4059 = arith.cmpi eq, %iota3A, %eq3A_4058 : vector<64x128xi32>
      %jit3A_4060 = arith.constant 0x7F800000 : f32
      %broadcast_in_dim3A_4061 = vector.broadcast %jit3A_4060 : f32 to vector<64x128xf32>
      %select_n3A_4062 = arith.select %eq3A_4059, %broadcast_in_dim3A_4061, %get3A_4054 : vector<64x128xi1>, vector<64x128xf32>
      %swap3A_4063 = arith.constant 0 : index
      %swap3A_4064 = arith.constant 8064 : index
      %swap3A_4065 = vector.load %arg5[%swap3A_4063, %swap3A_4064] : memref<64x8192xf32, #tpu.memory_space<vmem>>, vector<64x128xf32>
      tpu.vector_store %arg5[%swap3A_4063, %swap3A_4064], %select_n3A_4062 {strides = array<i32>} : memref<64x8192xf32, #tpu.memory_space<vmem>>, vector<64x128xf32>,
      %lt3A_4066 = arith.cmpf olt, %select_n3A_4062, %select_n3A_4051 : vector<64x128xf32>
      %jit3A_4067 = arith.constant 63 : i32
      %broadcast_in_dim3A_4068 = vector.broadcast %jit3A_4067 : i32 to vector<64x128xi32>
      %select_n3A_4069 = arith.select %lt3A_4066, %broadcast_in_dim3A_4068, %select_n3A_4050 : vector<64x128xi1>, vector<64x128xi32>
      %select_n3A_4070 = arith.select %lt3A_4066, %select_n3A_4062, %select_n3A_4051 : vector<64x128xi1>, vector<64x128xf32>
      scf.yield %select_n3A_4070, %select_n3A_4069, %select_n3A_2850 : vector<64x128xf32>, vector<64x128xi32>, vector<64x32xi32>
    }
    %scan3A_2826 = arith.constant 32 : i32
    %swap3A_2827 = arith.constant 0 : index
    %swap3A_2828 = arith.constant 0 : index
    %swap3A_2829 = vector.load %arg4[%swap3A_2827, %swap3A_2828] : memref<64x32xi32, #tpu.memory_space<vmem>>, vector<64x32xi32>
    tpu.vector_store %arg4[%swap3A_2827, %swap3A_2828], %scan3A_2825#2 {strides = array<i32>} : memref<64x32xi32, #tpu.memory_space<vmem>>, vector<64x32xi32>,
    return
  }
  func.func @transform_0(%arg0: i32, %arg1: i32) -> (i32, i32, i32) {
    %c0_i32 = arith.constant 0 : i32
    %c0_i32_0 = arith.constant 0 : i32
    %c0_i32_1 = arith.constant 0 : i32
    return %arg0, %c0_i32, %c0_i32_0 : i32, i32, i32
  }
  func.func @transform_1(%arg0: i32, %arg1: i32) -> (i32, i32) {
    %mul3A = arith.constant 8 : i32
    %mul3A_0 = arith.muli %arg0, %mul3A : i32
    %add3A = arith.addi %mul3A_0, %arg1 : i32
    %c0_i32 = arith.constant 0 : i32
    %c0_i32_1 = arith.constant 0 : i32
    return %add3A, %c0_i32 : i32, i32
  }
  func.func @transform_2(%arg0: i32, %arg1: i32) -> (i32, i32) {
    %mul3A = arith.constant 8 : i32
    %mul3A_0 = arith.muli %arg0, %mul3A : i32
    %add3A = arith.addi %mul3A_0, %arg1 : i32
    %c0_i32 = arith.constant 0 : i32
    %c0_i32_1 = arith.constant 0 : i32
    return %add3A, %c0_i32 : i32, i32
  }
}

module attributes {stable_mosaic.version = 14 : i64} {
  func.func @_mlp_body(%arg0: i32, %arg1: memref<4096x48xf32, #tpu.memory_space<vmem>>, %arg2: memref<128x48xf32, #tpu.memory_space<vmem>>, %arg3: memref<48x64xf32, #tpu.memory_space<vmem>>, %arg4: memref<1x64xf32, #tpu.memory_space<vmem>>, %arg5: memref<64x64xf32, #tpu.memory_space<vmem>>, %arg6: memref<1x64xf32, #tpu.memory_space<vmem>>, %arg7: memref<48x64xf32, #tpu.memory_space<vmem>>, %arg8: memref<64x64xf32, #tpu.memory_space<vmem>>, %arg9: memref<1x64xf32, #tpu.memory_space<vmem>>, %arg10: memref<64x64xf32, #tpu.memory_space<vmem>>, %arg11: memref<1x64xf32, #tpu.memory_space<vmem>>, %arg12: memref<128x3xf32, #tpu.memory_space<vmem>>, %arg13: memref<128x64xf32, #tpu.memory_space<vmem>>) attributes {dimension_semantics = [#tpu.dimension_semantics<arbitrary>], iteration_bounds = array<i64: 16>, scalar_prefetch = 0 : i64, scratch_operands = 0 : i64, tpu.core_type = #tpu.core_type<tc>, window_params = [{transform_indices = @transform_0, window_bounds = array<i64: 4096, 48>}, {transform_indices = @transform_1, window_bounds = array<i64: 128, 48>}, {pipeline_mode = #tpu.pipeline_mode<synchronous>, transform_indices = @transform_2, window_bounds = array<i64: 48, 64>}, {pipeline_mode = #tpu.pipeline_mode<synchronous>, transform_indices = @transform_3, window_bounds = array<i64: 1, 64>}, {pipeline_mode = #tpu.pipeline_mode<synchronous>, transform_indices = @transform_4, window_bounds = array<i64: 64, 64>}, {pipeline_mode = #tpu.pipeline_mode<synchronous>, transform_indices = @transform_5, window_bounds = array<i64: 1, 64>}, {pipeline_mode = #tpu.pipeline_mode<synchronous>, transform_indices = @transform_6, window_bounds = array<i64: 48, 64>}, {pipeline_mode = #tpu.pipeline_mode<synchronous>, transform_indices = @transform_7, window_bounds = array<i64: 64, 64>}, {pipeline_mode = #tpu.pipeline_mode<synchronous>, transform_indices = @transform_8, window_bounds = array<i64: 1, 64>}, {pipeline_mode = #tpu.pipeline_mode<synchronous>, transform_indices = @transform_9, window_bounds = array<i64: 64, 64>}, {pipeline_mode = #tpu.pipeline_mode<synchronous>, transform_indices = @transform_10, window_bounds = array<i64: 1, 64>}, {transform_indices = @transform_11, window_bounds = array<i64: 128, 3>}, {transform_indices = @transform_12, window_bounds = array<i64: 128, 64>}]} {
    %get3A = arith.constant 0 : index
    %get3A_0 = arith.constant 0 : index
    %get3A_1 = vector.load %arg1[%get3A, %get3A_0] : memref<4096x48xf32, #tpu.memory_space<vmem>>, vector<4096x48xf32>
    %get3A_2 = arith.constant 0 : index
    %get3A_3 = arith.constant 0 : index
    %get3A_4 = vector.load %arg2[%get3A_2, %get3A_3] : memref<128x48xf32, #tpu.memory_space<vmem>>, vector<128x48xf32>
    %broadcast_in_dim3A = vector.shape_cast %get3A_4 : vector<128x48xf32> to vector<128x1x48xf32>
    %broadcast_in_dim3A_5 = vector.shape_cast %broadcast_in_dim3A : vector<128x1x48xf32> to vector<128x1x48xf32>
    %broadcast_in_dim3A_6 = vector.broadcast %broadcast_in_dim3A_5 : vector<128x1x48xf32> to vector<128x32x48xf32>
    %reshape3A = vector.shape_cast %broadcast_in_dim3A_6 : vector<128x32x48xf32> to vector<4096x48xf32>
    %sub3A = arith.subf %get3A_1, %reshape3A : vector<4096x48xf32>
    %get3A_7 = arith.constant 0 : index
    %get3A_8 = arith.constant 0 : index
    %get3A_9 = vector.load %arg3[%get3A_7, %get3A_8] : memref<48x64xf32, #tpu.memory_space<vmem>>, vector<48x64xf32>
    %dot_general3A = arith.constant dense<0.000000e+00> : vector<4096x64xf32>
    %dot_general3A_10 = tpu.matmul %sub3A, %get3A_9, %dot_general3A {dimension_numbers = #tpu.dot_dimension_numbers<[1], [0], [0], [1], [0, 0, 1, 1], [], []>, transpose_lhs_hint = false} : vector<4096x48xf32>, vector<48x64xf32>, vector<4096x64xf32> -> vector<4096x64xf32>
    %get3A_11 = arith.constant 0 : index
    %get3A_12 = arith.constant 0 : index
    %get3A_13 = vector.load %arg4[%get3A_11, %get3A_12] : memref<1x64xf32, #tpu.memory_space<vmem>>, vector<1x64xf32>
    %add3A = vector.broadcast %get3A_13 : vector<1x64xf32> to vector<4096x64xf32>
    %add3A_14 = arith.addf %dot_general3A_10, %add3A : vector<4096x64xf32>
    %max3A = arith.constant 0.000000e+00 : f32
    %max3A_15 = vector.broadcast %max3A : f32 to vector<4096x64xf32>
    %max3A_16 = arith.maximumf %add3A_14, %max3A_15 : vector<4096x64xf32>
    %get3A_17 = arith.constant 0 : index
    %get3A_18 = arith.constant 0 : index
    %get3A_19 = vector.load %arg5[%get3A_17, %get3A_18] : memref<64x64xf32, #tpu.memory_space<vmem>>, vector<64x64xf32>
    %dot_general3A_20 = arith.constant dense<0.000000e+00> : vector<4096x64xf32>
    %dot_general3A_21 = tpu.matmul %max3A_16, %get3A_19, %dot_general3A_20 {dimension_numbers = #tpu.dot_dimension_numbers<[1], [0], [0], [1], [0, 0, 1, 1], [], []>, transpose_lhs_hint = false} : vector<4096x64xf32>, vector<64x64xf32>, vector<4096x64xf32> -> vector<4096x64xf32>
    %get3A_22 = arith.constant 0 : index
    %get3A_23 = arith.constant 0 : index
    %get3A_24 = vector.load %arg6[%get3A_22, %get3A_23] : memref<1x64xf32, #tpu.memory_space<vmem>>, vector<1x64xf32>
    %add3A_25 = vector.broadcast %get3A_24 : vector<1x64xf32> to vector<4096x64xf32>
    %add3A_26 = arith.addf %dot_general3A_21, %add3A_25 : vector<4096x64xf32>
    %max3A_27 = arith.constant 0.000000e+00 : f32
    %max3A_28 = vector.broadcast %max3A_27 : f32 to vector<4096x64xf32>
    %max3A_29 = arith.maximumf %add3A_26, %max3A_28 : vector<4096x64xf32>
    %reshape3A_30 = vector.shape_cast %max3A_29 : vector<4096x64xf32> to vector<128x32x64xf32>
    %reduce_sum3A = arith.constant dense<0.000000e+00> : vector<128x64xf32>
    %reduce_sum3A_31 = vector.multi_reduction <add>, %reshape3A_30, %reduce_sum3A [1] : vector<128x32x64xf32> to vector<128x64xf32>
    %broadcast_in_dim3A_32 = vector.shape_cast %reduce_sum3A_31 : vector<128x64xf32> to vector<128x1x64xf32>
    %div3A = arith.constant 3.200000e+01 : f32
    %div3A_33 = vector.broadcast %div3A : f32 to vector<128x1x64xf32>
    %div3A_34 = arith.divf %broadcast_in_dim3A_32, %div3A_33 : vector<128x1x64xf32>
    %sub3A_35 = vector.broadcast %div3A_34 : vector<128x1x64xf32> to vector<128x32x64xf32>
    %sub3A_36 = arith.subf %reshape3A_30, %sub3A_35 : vector<128x32x64xf32>
    %reshape3A_37 = vector.shape_cast %sub3A_36 : vector<128x32x64xf32> to vector<4096x64xf32>
    %get3A_38 = arith.constant 0 : index
    %get3A_39 = arith.constant 0 : index
    %get3A_40 = vector.load %arg7[%get3A_38, %get3A_39] : memref<48x64xf32, #tpu.memory_space<vmem>>, vector<48x64xf32>
    %dot_general3A_41 = arith.constant dense<0.000000e+00> : vector<4096x64xf32>
    %dot_general3A_42 = tpu.matmul %sub3A, %get3A_40, %dot_general3A_41 {dimension_numbers = #tpu.dot_dimension_numbers<[1], [0], [0], [1], [0, 0, 1, 1], [], []>, transpose_lhs_hint = false} : vector<4096x48xf32>, vector<48x64xf32>, vector<4096x64xf32> -> vector<4096x64xf32>
    %get3A_43 = arith.constant 0 : index
    %get3A_44 = arith.constant 0 : index
    %get3A_45 = vector.load %arg8[%get3A_43, %get3A_44] : memref<64x64xf32, #tpu.memory_space<vmem>>, vector<64x64xf32>
    %dot_general3A_46 = arith.constant dense<0.000000e+00> : vector<4096x64xf32>
    %dot_general3A_47 = tpu.matmul %reshape3A_37, %get3A_45, %dot_general3A_46 {dimension_numbers = #tpu.dot_dimension_numbers<[1], [0], [0], [1], [0, 0, 1, 1], [], []>, transpose_lhs_hint = false} : vector<4096x64xf32>, vector<64x64xf32>, vector<4096x64xf32> -> vector<4096x64xf32>
    %add3A_48 = arith.addf %dot_general3A_42, %dot_general3A_47 : vector<4096x64xf32>
    %get3A_49 = arith.constant 0 : index
    %get3A_50 = arith.constant 0 : index
    %get3A_51 = vector.load %arg9[%get3A_49, %get3A_50] : memref<1x64xf32, #tpu.memory_space<vmem>>, vector<1x64xf32>
    %add3A_52 = vector.broadcast %get3A_51 : vector<1x64xf32> to vector<4096x64xf32>
    %add3A_53 = arith.addf %add3A_48, %add3A_52 : vector<4096x64xf32>
    %max3A_54 = arith.constant 0.000000e+00 : f32
    %max3A_55 = vector.broadcast %max3A_54 : f32 to vector<4096x64xf32>
    %max3A_56 = arith.maximumf %add3A_53, %max3A_55 : vector<4096x64xf32>
    %get3A_57 = arith.constant 0 : index
    %get3A_58 = arith.constant 0 : index
    %get3A_59 = vector.load %arg10[%get3A_57, %get3A_58] : memref<64x64xf32, #tpu.memory_space<vmem>>, vector<64x64xf32>
    %dot_general3A_60 = arith.constant dense<0.000000e+00> : vector<4096x64xf32>
    %dot_general3A_61 = tpu.matmul %max3A_56, %get3A_59, %dot_general3A_60 {dimension_numbers = #tpu.dot_dimension_numbers<[1], [0], [0], [1], [0, 0, 1, 1], [], []>, transpose_lhs_hint = false} : vector<4096x64xf32>, vector<64x64xf32>, vector<4096x64xf32> -> vector<4096x64xf32>
    %get3A_62 = arith.constant 0 : index
    %get3A_63 = arith.constant 0 : index
    %get3A_64 = vector.load %arg11[%get3A_62, %get3A_63] : memref<1x64xf32, #tpu.memory_space<vmem>>, vector<1x64xf32>
    %add3A_65 = vector.broadcast %get3A_64 : vector<1x64xf32> to vector<4096x64xf32>
    %add3A_66 = arith.addf %dot_general3A_61, %add3A_65 : vector<4096x64xf32>
    %logistic3A = arith.negf %add3A_66 : vector<4096x64xf32>
    %logistic3A_67 = math.exp %logistic3A : vector<4096x64xf32>
    %logistic3A_68 = arith.constant 1.000000e+00 : f32
    %logistic3A_69 = vector.broadcast %logistic3A_68 : f32 to vector<4096x64xf32>
    %logistic3A_70 = arith.addf %logistic3A_69, %logistic3A_67 : vector<4096x64xf32>
    %logistic3A_71 = arith.divf %logistic3A_69, %logistic3A_70 : vector<4096x64xf32>
    %mul3A = arith.mulf %logistic3A_71, %max3A_29 : vector<4096x64xf32>
    %reshape3A_72 = vector.shape_cast %mul3A : vector<4096x64xf32> to vector<128x32x64xf32>
    %reduce_sum3A_73 = arith.constant dense<0.000000e+00> : vector<128x64xf32>
    %reduce_sum3A_74 = vector.multi_reduction <add>, %reshape3A_72, %reduce_sum3A_73 [1] : vector<128x32x64xf32> to vector<128x64xf32>
    %swap3A = arith.constant 0 : index
    %swap3A_75 = arith.constant 0 : index
    %swap3A_76 = vector.load %arg13[%swap3A, %swap3A_75] : memref<128x64xf32, #tpu.memory_space<vmem>>, vector<128x64xf32>
    tpu.vector_store %arg13[%swap3A, %swap3A_75], %reduce_sum3A_74 {strides = array<i32>} : memref<128x64xf32, #tpu.memory_space<vmem>>, vector<128x64xf32>,
    %slice3A = vector.extract_strided_slice %get3A_4 {offsets = [0, 0], sizes = [128, 3], strides = [1, 1]} : vector<128x48xf32> to vector<128x3xf32>
    %swap3A_77 = arith.constant 0 : index
    %swap3A_78 = arith.constant 0 : index
    %swap3A_79 = vector.load %arg12[%swap3A_77, %swap3A_78] : memref<128x3xf32, #tpu.memory_space<vmem>>, vector<128x3xf32>
    tpu.vector_store %arg12[%swap3A_77, %swap3A_78], %slice3A {strides = array<i32>} : memref<128x3xf32, #tpu.memory_space<vmem>>, vector<128x3xf32>,
    return
  }
  func.func @transform_0(%arg0: i32) -> (i32, i32) {
    %c0_i32 = arith.constant 0 : i32
    %c0_i32_0 = arith.constant 0 : i32
    return %arg0, %c0_i32 : i32, i32
  }
  func.func @transform_1(%arg0: i32) -> (i32, i32) {
    %c0_i32 = arith.constant 0 : i32
    %c0_i32_0 = arith.constant 0 : i32
    return %arg0, %c0_i32 : i32, i32
  }
  func.func @transform_2(%arg0: i32) -> (i32, i32) {
    %c0_i32 = arith.constant 0 : i32
    %c0_i32_0 = arith.constant 0 : i32
    %c0_i32_1 = arith.constant 0 : i32
    return %c0_i32, %c0_i32_0 : i32, i32
  }
  func.func @transform_3(%arg0: i32) -> (i32, i32) {
    %c0_i32 = arith.constant 0 : i32
    %c0_i32_0 = arith.constant 0 : i32
    %c0_i32_1 = arith.constant 0 : i32
    return %c0_i32, %c0_i32_0 : i32, i32
  }
  func.func @transform_4(%arg0: i32) -> (i32, i32) {
    %c0_i32 = arith.constant 0 : i32
    %c0_i32_0 = arith.constant 0 : i32
    %c0_i32_1 = arith.constant 0 : i32
    return %c0_i32, %c0_i32_0 : i32, i32
  }
  func.func @transform_5(%arg0: i32) -> (i32, i32) {
    %c0_i32 = arith.constant 0 : i32
    %c0_i32_0 = arith.constant 0 : i32
    %c0_i32_1 = arith.constant 0 : i32
    return %c0_i32, %c0_i32_0 : i32, i32
  }
  func.func @transform_6(%arg0: i32) -> (i32, i32) {
    %c0_i32 = arith.constant 0 : i32
    %c0_i32_0 = arith.constant 0 : i32
    %c0_i32_1 = arith.constant 0 : i32
    return %c0_i32, %c0_i32_0 : i32, i32
  }
  func.func @transform_7(%arg0: i32) -> (i32, i32) {
    %c0_i32 = arith.constant 0 : i32
    %c0_i32_0 = arith.constant 0 : i32
    %c0_i32_1 = arith.constant 0 : i32
    return %c0_i32, %c0_i32_0 : i32, i32
  }
  func.func @transform_8(%arg0: i32) -> (i32, i32) {
    %c0_i32 = arith.constant 0 : i32
    %c0_i32_0 = arith.constant 0 : i32
    %c0_i32_1 = arith.constant 0 : i32
    return %c0_i32, %c0_i32_0 : i32, i32
  }
  func.func @transform_9(%arg0: i32) -> (i32, i32) {
    %c0_i32 = arith.constant 0 : i32
    %c0_i32_0 = arith.constant 0 : i32
    %c0_i32_1 = arith.constant 0 : i32
    return %c0_i32, %c0_i32_0 : i32, i32
  }
  func.func @transform_10(%arg0: i32) -> (i32, i32) {
    %c0_i32 = arith.constant 0 : i32
    %c0_i32_0 = arith.constant 0 : i32
    %c0_i32_1 = arith.constant 0 : i32
    return %c0_i32, %c0_i32_0 : i32, i32
  }
  func.func @transform_11(%arg0: i32) -> (i32, i32) {
    %c0_i32 = arith.constant 0 : i32
    %c0_i32_0 = arith.constant 0 : i32
    return %arg0, %c0_i32 : i32, i32
  }
  func.func @transform_12(%arg0: i32) -> (i32, i32) {
    %c0_i32 = arith.constant 0 : i32
    %c0_i32_0 = arith.constant 0 : i32
    return %arg0, %c0_i32 : i32, i32
  }
}

</mosaic_0001>

<sc_bundles>
// kernel: kernel.6.cloned.1.call-start
scs
__scs_entry_jumppad:
0x0: {  	(pc) =	sbr.rel $0x88, $3  }
0x1: {  	(tag) =	ssettag $0x0;
	lr =	simm.s32 $0x1  }
0x2: {  	[smem:$0x3F97] =	sst lr;
	_ =	strace $0xD0000000  }
0x3: {  	_ = 	snop  }
0x4: {  	_ = 	snop  }
0x5: {  	_ = 	snop  }
0x6: {  	_ = 	snop  }
0x7: {  	_ = 	snop  }
__scs_overlays_trampoline_lowered:
0x8: {  	[smem:$0x3FA6] =	sst s0  }
0x9: {  	[smem:$0x3FA7] =	sst s1  }
0xa: {  	[smem:$0x3FA8] =	sst s2  }
0xb: {  	[smem:$0x3FA9] =	sst s3  }
0xc: {  	[smem:$0x3FAA] =	sst s4  }
0xd: {  	[smem:$0x3FAB] =	sst s5  }
0xe: {  	[smem:$0x3FAC] =	sst s6  }
0xf: {  	[smem:$0x3FAD] =	sst s7  }
0x10: {  	[smem:$0x3FAE] =	sst s8  }
0x11: {  	[smem:$0x3FAF] =	sst s9;
	s0 =	simm.s32 @!p0 $0x0  }
0x12: {  	s1 =	sld [smem:$0x3F95];
	s0 =	simm.s32 @p0 $0x1  }
0x13: {  	[smem:$0x3FB0] =	sst s0;
	s0 =	simm.s32 @!p1 $0x0  }
0x14: {  	s2 =	sld [smem:$0x3F94];
	s0 =	simm.s32 @p1 $0x1  }
0x15: {  	[smem:$0x3FB1] =	sst s0;
	s0 =	simm.s32 @!p2 $0x0  }
0x16: {  	s3 =	sld [smem:$0x3FDB];
	s0 =	simm.s32 @p2 $0x1  }
0x17: {  	s4 =	simm.s32 $0x1BF5;
	[smem:$0x3FB3] =	sst s0  }
0x18: {  	s0 =	sld [smem:$0x3F96];
	_ =	swait.ge [sflag:s4], $0x0  }
0x19: {  	s7 =	sld [smem:$0x3F97]  }
0x1a: {  	s8 =	sadd.s32 $0xFFFFE003, lr  }
0x1b: {  	s9 =	sadd.s32 $0xFFFFFEF7, lr;
	s5 =	simm.s32 $0xFFFFFFFF;
	p2 =	slt.u32 s8, $0xFFFFF086  }
0x1c: {  	p1 =	slt.u32 s9, $0xF7A;
	s5 =	simm.s32 @!p2 $0x0  }
0x1d: {  	s5 =	simm.s32 @p1 $0x1;
	p0 =	seq.s32 s7, s2  }
0x1e: {  	s7 =	smul.u32 @!p0 $0xF7A, s2;
	p2 =	seq.s32 @!p0 s5, $0x0  }
0x1f: {  	s9 =	smul.u32 $0xF7A, s1;
	s8 =	simm.s32 @!p0 $0x1BF5;
	p2 =	por !p2, p0  }
0x20: {  	[sflag:s8] =	ssyncset.s32 @!p0 $0xFFFFF086;
	s6 =	sadd.s32 @!p0 s3, s7;
	s7 =	simm.s32 @!p0 $0x108  }
0x21: {  	s3 =	sadd.s32 s3, s9;
	s6 =	sadd.s32 @!p0 $0x88, s6;
	s7 =	simm.s32 @p2 $0x1082  }
0x22: {  	[simem:s7], [sflag:s8] =	dma.local @!p0 [hbm:s6], $0xF7A  }
0x23: {  	s9 =	sor.u32 $0xD0000000, s2;
	s6 =	simm.s32 $0x108;
	_ =	swait.ge @!p0 [sflag:s8], $0x0  }
0x24: {  	s3 =	sadd.s32 $0x88, s3;
	s6 =	simm.s32 @!p1 $0x1082;
	[sflag:s4] =	ssyncset.s32 $0xFFFFF086  }
0x25: {  	[simem:s6], [sflag:s4] =	dma.local [hbm:s3], $0xF7A  }
0x26: {  	[smem:$0x3F97] =	sst s1;
	(tag) =	ssettag s2;
	_ =	strace s9  }
0x27: {  	s1 =	sld [smem:$0x3FA7]  }
0x28: {  	s2 =	sld [smem:$0x3FA8]  }
0x29: {  	s4 =	sld [smem:$0x3FAA]  }
0x2a: {  	p0 =	seq.s32 s5, $0x0;
	s5 =	sld [smem:$0x3FAB]  }
0x2b: {  	s6 =	sld [smem:$0x3FAC]  }
0x2c: {  	s7 =	sld [smem:$0x3FAD]  }
0x2d: {  	s3 =	simm.s32 $0x108;
	s8 =	sld [smem:$0x3FAE]  }
0x2e: {  	s3 =	simm.s32 @!p0 $0x1082;
	s9 =	sld [smem:$0x3FAF]  }
0x2f: {  	lr =	sadd.s32 s0, s3;
	s0 =	sld [smem:$0x3FA6]  }
0x30: {  	s3 =	sld [smem:$0x3FA9]  }
0x31: {  	[smem:$0x3FB2] =	sst s10  }
0x32: {  	s10 =	sld [smem:$0x3FB0];
	_ =	sdelay $0x3  }
0x33: {  	p0 =	seq.s32 s10, $0x1;
	s10 =	sld [smem:$0x3FB2];
	_ =	sdelay $0x3  }
0x34: {  	[smem:$0x3FB2] =	sst s10  }
0x35: {  	s10 =	sld [smem:$0x3FB1];
	_ =	sdelay $0x3  }
0x36: {  	p1 =	seq.s32 s10, $0x1;
	s10 =	sld [smem:$0x3FB2];
	_ =	sdelay $0x3  }
0x37: {  	[smem:$0x3FB2] =	sst s10  }
0x38: {  	s10 =	sld [smem:$0x3FB3]  }
0x39: {  	_ = 	snop;
	(pc) =	sbr.ind lr, $3  }
0x3a: {  	_ = 	snop  }
0x3b: {  	_ = 	snop  }
0x3c: {  	p2 =	seq.s32 s10, $0x1;
	s10 =	sld [smem:$0x3FB2]  }
0x3d: {  	_ =	shalt  }
0x3e: {  	_ =	shalt  }
0x3f: {  	_ =	shalt  }
0x40: {  	_ =	shalt  }
0x41: {  	_ =	shalt  }
0x42: {  	_ =	shalt  }
0x43: {  	_ =	shalt  }
0x44: {  	_ =	shalt  }
0x45: {  	_ =	shalt  }
0x46: {  	_ =	shalt  }
0x47: {  	_ =	shalt  }
0x48: {  	_ =	shalt  }
0x49: {  	_ =	shalt  }
0x4a: {  	_ =	shalt  }
0x4b: {  	_ =	shalt  }
0x4c: {  	_ =	shalt  }
0x4d: {  	_ =	shalt  }
0x4e: {  	_ =	shalt  }
0x4f: {  	_ =	shalt  }
0x50: {  	_ =	shalt  }
0x51: {  	_ =	shalt  }
0x52: {  	_ =	shalt  }
0x53: {  	_ =	shalt  }
0x54: {  	_ =	shalt  }
0x55: {  	_ =	shalt  }
0x56: {  	_ =	shalt  }
0x57: {  	_ =	shalt  }
0x58: {  	_ =	shalt  }
0x59: {  	_ =	shalt  }
0x5a: {  	_ =	shalt  }
0x5b: {  	_ =	shalt  }
0x5c: {  	_ =	shalt  }
0x5d: {  	_ =	shalt  }
0x5e: {  	_ =	shalt  }
0x5f: {  	_ =	shalt  }
0x60: {  	_ =	shalt  }
0x61: {  	_ =	shalt  }
0x62: {  	_ =	shalt  }
0x63: {  	_ =	shalt  }
0x64: {  	_ =	shalt  }
0x65: {  	_ =	shalt  }
0x66: {  	_ =	shalt  }
0x67: {  	_ =	shalt  }
0x68: {  	_ =	shalt  }
0x69: {  	_ =	shalt  }
0x6a: {  	_ =	shalt  }
0x6b: {  	_ =	shalt  }
0x6c: {  	_ =	shalt  }
0x6d: {  	_ =	shalt  }
0x6e: {  	_ =	shalt  }
0x6f: {  	_ =	shalt  }
0x70: {  	_ =	shalt  }
0x71: {  	_ =	shalt  }
0x72: {  	_ =	shalt  }
0x73: {  	_ =	shalt  }
0x74: {  	_ =	shalt  }
0x75: {  	_ =	shalt  }
0x76: {  	_ =	shalt  }
0x77: {  	_ =	shalt  }
0x78: {  	_ =	shalt  }
0x79: {  	_ =	shalt  }
0x7a: {  	_ =	shalt  }
0x7b: {  	_ =	shalt  }
0x7c: {  	_ =	shalt  }
0x7d: {  	_ =	shalt  }
0x7e: {  	_ =	shalt  }
0x7f: {  	_ =	shalt  }
0x80: {  	_ =	shalt  }
0x81: {  	_ =	shalt  }
0x82: {  	_ =	shalt  }
0x83: {  	_ =	shalt  }
0x84: {  	_ =	shalt  }
0x85: {  	_ =	shalt  }
0x86: {  	_ =	shalt  }
0x87: {  	_ =	shalt  }
.Lfunc_end0:
.L_simem_size_0:
called_computation_lowered:
.L_overlay_start_0:
0x88: {  	s2 =	sld [smem:$0x3FD9]  }
0x89: {  	s3 =	sld [smem:$0x3FFE];
	_ =	sdelay $0x1  }
0x8a: {  	s1 =	srdreg.scid  }
0x8b: {  	s0 =	sand.u32 $0x1, s1  }
0x8c: {  	s14 =	sshll.u32 s0, $0xA;
	s2 =	sadd.s32 s3, s2  }
0x8d: {  	s2 =	sadd.s32 s2, s14  }
0x8e: {  	[smem:$0x3FBE] =	sst s2  }
0x8f: {  	_ = 	snop  }
0x90: {  	s2 =	sld [smem:$0x3FD0];
	_ =	sdelay $0x2  }
0x91: {  	s15 =	simm.s32 $0xA;
	s4 =	simm.s32 $0x10  }
0x92: {  	[smem:s4], [sflag:s15] =	dma.local [hbm:s2], $0x1  }
0x93: {  	_ =	swait.eq [sflag:s15], $0x1  }
0x94: {  	[sflag:s15] =	ssyncset.done $0x0  }
0x95: {  	[sflag:s15] =	ssyncadd.s32 $0xFFFFFFFF  }
0x96: {  	s16 =	sld [smem:$0x11];
	(tm) =	ssettm $0x1  }
0x97: {  	s17 =	sld [smem:$0x3FFB];
	_ =	sdelay $0x3  }
0x98: {  	_ =	strace s17  }
0x99: {  	s3 =	sld [smem:$0x3FFC];
	_ =	sdelay $0x3  }
0x9a: {  	_ =	strace s3  }
0x9b: {  	s3 =	sld [smem:$0x3FFD];
	_ =	sdelay $0x3  }
0x9c: {  	_ =	strace s3  }
0x9d: {  	_ =	strace $0x8FFFFFFF  }
0x9e: {  	s18 =	sld [smem:$0x3FDB];
	_ =	sdelay $0x1  }
0x9f: {  	s19 =	simm.s32 $_scs_section_size  }
0xa0: {  	s5 =	simm.s32 $_size__tile_overlayer_lowered;
	s6 =	simm.s32 $_tile_overlayer_lowered  }
0xa1: {  	s22 =	simm.s32 $0x1BFF;
	s21 =	sshll.u32 s6, $0x1;
	s3 =	sadd.s32 s19, s18  }
0xa2: {  	s7 =	simm.s32 $0x0;
	s20 =	sshll.u32 s5, $0x1;
	s5 =	sadd.s32 s21, s3  }
0xa3: {  	[timem:s7], [sflag:s22] =	dma.local [hbm:s5], s20  }
0xa4: {  	_ =	swait.ge [sflag:s22], s20  }
0xa5: {  	s4 =	ssub.s32 $0x0, s20;
	[sflag:s22] =	ssyncset.done $0x0  }
0xa6: {  	[sflag:s22] =	ssyncadd.s32 s4;
	_ =	sdelay $0x1  }
0xa7: {  	s23 =	simm.s32 $0x1B8B  }
0xa8: {  	_ =	swait.ge [sflag:s23], $0x1  }
0xa9: {  	[sflag:s23] =	ssyncset.done $0x0  }
0xaa: {  	s25 =	simm.s32 $0x1B8E;
	s24 =	sld [smem:$0x3FFE];
	[sflag:s23] =	ssyncadd.s32 $0xFFFFFFFF  }
0xab: {  	s26 =	simm.s32 $execute0_lowered;
	[smem:$0x3FD2] =	sst s25  }
0xac: {  	s5 =	sshll.u32 s26, $0x1;
	_ =	strace $0x80000046;
	[dreg:$0x1] =	wrdreg $0xFFFFFFFF  }
0xad: {  	s28 =	simm.s32 $_size_execute0_lowered;
	s3 =	sadd.s32 s3, s5;
	[dreg:$0x0] =	wrdreg $0x0  }
0xae: {  	s5 =	sshll.u32 s28, $0x1;
	[dreg:$0x2] =	wrdreg s3  }
0xaf: {  	[dreg:$0x3] =	wrdreg s5  }
0xb0: {  	[dreg:$0x4] =	wrdreg $0xC0  }
0xb1: {  	_ =	task [dreg:s7], $0x5FFFF  }
0xb2: {  	[dreg:$0x1] =	wrdreg $0xFFFFFFFF  }
0xb3: {  	[dreg:$0x0] =	wrdreg $0x60  }
0xb4: {  	[dreg:$0x2] =	wrdreg s24  }
0xb5: {  	[dreg:$0x3] =	wrdreg s16  }
0xb6: {  	[dreg:$0x4] =	wrdreg $0x9  }
0xb7: {  	_ =	task.clear_ibuf [dreg:s7], $0x5FFFF;
	_ =	strace $0x90000046  }
0xb8: {  	s29 =	simm.s32 $0x9;
	_ =	strace $0x80000048  }
0xb9: {  	_ =	swait.ge [sflag:s29], $0x1  }
0xba: {  	[sflag:s29] =	ssyncadd.s32 $0xFFFFFFFF  }
0xbb: {  	_ =	strace $0x90000048  }
0xbc: {  	_ =	sfence  }
0xbd: {  	s30 =	sld [smem:$0x0];
	_ =	sdelay $0x2  }
0xbe: {  	s31 =	sshll.u32 s1, $0xD;
	s1 =	sshrl.u32 s1, $0x2  }
0xbf: {  	s3 =	sand.u32 $0x4000, s31;
	s1 =	sadd.s32 s1, s30  }
0xc0: {  	s0 =	sor.u32 s3, s0;
	s1 =	sshll.u32 s1, $0x11  }
0xc1: {  	s0 =	sor.u32 s1, s0  }
0xc2: {  	s0 =	sadd.s32 $0x8F2B, s0  }
0xc3: {  	[sflag:s0] =	ssyncadd.remote.s32 $0x1  }
0xc4: {  	_ =	sfence.sel $0xFFFF  }
0xc5: {  	[dreg:$0x0] =	wrdreg $0xFFFFFFFF;
	(pc) =	sbr.abs _section_cstart, $3  }
0xc6: {  	[dreg:$0x1] =	wrdreg $0xFFFFFFFF  }
0xc7: {  	_ =	task.clear_ibuf [dreg:s7], $0x2FFFF;
	_ =	strace $0x9FFFFFFF  }
0xc8: {  	(tm) =	ssettm $0x7FFFFFFF  }
0xc9: {  	_ =	shalt  }
tec
execute0_lowered:
.L_overlay_start_1:
0x0: {  	(tag) =	ssettag $0x1  }
0x1: {  	s1 =	srdreg.scid  }
0x2: {  	s0 =	stileid.u32;
	s3 =	rddreg [dreg:$0x0]  }
0x3: {  	s5 =	rddreg [dreg:$0x1];
	s20 =	simm.s32 $0x2000;
	s21 =	simm.s32 $0x100  }
0x4: {  	s23 =	simm.s32 $0x3800;
	s24 =	simm.s32 $0x180;
	s25 =	simm.s32 $0x5000  }
0x5: {  	s26 =	simm.s32 $0x200;
	s7 =	simm.s32 $0x80;
	s11 =	simm.s32 $0x300  }
0x6: {  	s12 =	simm.s32 $0x9800;
	s13 =	simm.s32 $0x380;
	s14 =	simm.s32 $0xB000  }
0x7: {  	s15 =	simm.s32 $0x400;
	s16 =	simm.s32 $0xC800;
	s1 =	sand.u32 $0x1, s1  }
0x8: {  	s17 =	simm.s32 $0x480;
	s2 =	sshll.u32 s0, $0xC;
	s4 =	sshll.u32 s1, $0xB  }
0x9: {  	s18 =	simm.s32 $0xE000;
	s4 =	sor.u32 s4, s2;
	s2 =	simm.s32 $0x0  }
0xa: {  	p0 =	por $0x0, $0x0;
	s28 =	simm.s32 $0x700;
	[smem:$0x7FF] =	sst s2  }
0xb: {  	s29 =	simm.s32 $0x15800;
	_ =	strace $0x80000047;
	[dreg:$0x5] =	wrdreg s20  }
0xc: {  	s30 =	simm.s32 $0x780;
	s1 =	ssub.s32 $0x2, s1;
	[dreg:$0x6] =	wrdreg s21  }
0xd: {  	s31 =	simm.s32 $0x17000;
	s22 =	sshrl.u32 s1, $0x1;
	[dreg:$0x7] =	wrdreg s23  }
0xe: {  	s6 =	smul.u32 $0x6, s4;
	s4 =	sshrl.u32 s4, $0x3;
	[dreg:$0x8] =	wrdreg s24  }
0xf: {  	s1 =	ssub.s32 s1, s22;
	s22 =	simm.s32 $0x11000;
	[dreg:$0x9] =	wrdreg s25  }
0x10: {  	s4 =	sadd.s32 s5, s4;
	s1 =	smax.u32 s1, $0x1;
	[dreg:$0xa] =	wrdreg s26  }
0x11: {  	s20 =	simm.s32 $0xF800;
	s21 =	simm.s32 $0x580;
	p1 =	sne.s32 s1, $0x1  }
.Ltmp0:
0x12: {  	s23 =	simm.s32 $0x600;
	s24 =	simm.s32 $0x12800;
	(pc) =	sbr.rel @!p1 .LBB2_3-.Ltmp0, $4  }
0x13: {  	s25 =	simm.s32 $0x680;
	s26 =	simm.s32 $0x14000;
	s5 =	simm.s32 $0x1  }
0x14: {  	s6 =	sadd.s32 s6, s3;
	[dreg:$0x3] =	wrdreg s4;
	s4 =	simm.s32 $0x800  }
0x15: {  	s8 =	sadd.s32 $0xFFFFFFFF, s1;
	s19 =	sadd.s32 $0x31A00, s6;
	s6 =	sadd.s32 $0x1A00, s3  }
0x16: {  	s3 =	simm.s32 $0x2;
	[dreg:$0x4] =	wrdreg s19;
	s19 =	simm.s32 $0x500  }
0x17: {  	s0 =	rddreg [dreg:$0x3]  }
0x18: {  	[tilespmem:s2], [sflag:$0x2] =	stream.linear.gather [hbm4b:s0+s2], $0x800, $0x38;
	[tilespmem:$0x18800] =	vst v63  }
0x19: {  	_ =	swait.ge [sflag:s3], $0x800  }
0x1a: {  	s10 =	rddreg [dreg:$0x6]  }
0x1b: {  	s1 =	rddreg [dreg:$0x5]  }
0x1c: {  	s0 =	rddreg [dreg:$0x7]  }
0x1d: {  	[sflag:s3] =	ssyncset.done $0x0;
	[dreg:$0xb] =	wrdreg s10  }
0x1e: {  	[sflag:s3] =	ssyncadd.s32 $0xFFFFF800;
	s10 =	rddreg [dreg:$0x9]  }
0x1f: {  	[tilespmem:s4], [sflag:$0x1] =	stream.indirect.gather [hbm4b:s6+s7], $0x30, s2, s7, $0xb8;
	[tilespmem:$0x18800] =	vst v63  }
0x20: {  	[dreg:$0xc] =	wrdreg s10  }
0x21: {  	s10 =	rddreg [dreg:$0xb]  }
0x22: {  	[tilespmem:s1], [sflag:$0x1] =	stream.indirect.gather [hbm4b:s6+s7], $0x30, s7, s7, $0xb8;
	[tilespmem:$0x18800] =	vst v63  }
0x23: {  	s1 =	rddreg [dreg:$0x8]  }
0x24: {  	[tilespmem:s0], [sflag:$0x1] =	stream.indirect.gather [hbm4b:s6+s7], $0x30, s10, s7, $0xb8;
	[tilespmem:$0x18800] =	vst v63  }
0x25: {  	s10 =	rddreg [dreg:$0xc]  }
0x26: {  	[tilespmem:s10], [sflag:$0x1] =	stream.indirect.gather [hbm4b:s6+s7], $0x30, s1, s7, $0xb8;
	[tilespmem:$0x18800] =	vst v63  }
0x27: {  	s9 =	simm.s32 $0x6800;
	s0 =	rddreg [dreg:$0xa]  }
0x28: {  	[tilespmem:s9], [sflag:$0x1] =	stream.indirect.gather [hbm4b:s6+s7], $0x30, s0, s7, $0xb8;
	[tilespmem:$0x18800] =	vst v63  }
0x29: {  	s1 =	simm.s32 $0x280;
	s9 =	simm.s32 $0x8000  }
0x2a: {  	[tilespmem:s9], [sflag:$0x1] =	stream.indirect.gather [hbm4b:s6+s7], $0x30, s1, s7, $0xb8;
	[tilespmem:$0x18800] =	vst v63  }
0x2b: {  	_ = 	snop  }
0x2c: {  	[tilespmem:s12], [sflag:$0x1] =	stream.indirect.gather [hbm4b:s6+s7], $0x30, s11, s7, $0xb8;
	[tilespmem:$0x18800] =	vst v63  }
0x2d: {  	_ = 	snop  }
0x2e: {  	[tilespmem:s14], [sflag:$0x1] =	stream.indirect.gather [hbm4b:s6+s7], $0x30, s13, s7, $0xb8;
	[tilespmem:$0x18800] =	vst v63  }
0x2f: {  	_ = 	snop  }
0x30: {  	[tilespmem:s16], [sflag:$0x1] =	stream.indirect.gather [hbm4b:s6+s7], $0x30, s15, s7, $0xb8;
	[tilespmem:$0x18800] =	vst v63  }
0x31: {  	_ = 	snop  }
0x32: {  	[tilespmem:s18], [sflag:$0x1] =	stream.indirect.gather [hbm4b:s6+s7], $0x30, s17, s7, $0xb8;
	[tilespmem:$0x18800] =	vst v63  }
0x33: {  	_ = 	snop  }
0x34: {  	[tilespmem:s20], [sflag:$0x1] =	stream.indirect.gather [hbm4b:s6+s7], $0x30, s19, s7, $0xb8;
	[tilespmem:$0x18800] =	vst v63  }
0x35: {  	_ = 	snop  }
0x36: {  	[tilespmem:s22], [sflag:$0x1] =	stream.indirect.gather [hbm4b:s6+s7], $0x30, s21, s7, $0xb8;
	[tilespmem:$0x18800] =	vst v63  }
0x37: {  	_ = 	snop  }
0x38: {  	[tilespmem:s24], [sflag:$0x1] =	stream.indirect.gather [hbm4b:s6+s7], $0x30, s23, s7, $0xb8;
	[tilespmem:$0x18800] =	vst v63  }
0x39: {  	_ = 	snop  }
0x3a: {  	[tilespmem:s26], [sflag:$0x1] =	stream.indirect.gather [hbm4b:s6+s7], $0x30, s25, s7, $0xb8;
	[tilespmem:$0x18800] =	vst v63  }
0x3b: {  	_ = 	snop  }
0x3c: {  	[tilespmem:s29], [sflag:$0x1] =	stream.indirect.gather [hbm4b:s6+s7], $0x30, s28, s7, $0xb8;
	[tilespmem:$0x18800] =	vst v63  }
0x3d: {  	_ = 	snop  }
0x3e: {  	[tilespmem:s31], [sflag:$0x1] =	stream.indirect.gather [hbm4b:s6+s7], $0x30, s30, s7, $0xb8;
	[tilespmem:$0x18800] =	vst v63  }
0x3f: {  	_ =	swait.ge [sflag:s5], $0x1800  }
0x40: {  	[sflag:s5] =	ssyncset.done $0x0  }
0x41: {  	[sflag:s5] =	ssyncadd.s32 $0xFFFFE800  }
0x42: {  	_ =	swait.ge [sflag:s5], $0x1800  }
0x43: {  	[sflag:s5] =	ssyncset.done $0x0  }
0x44: {  	[sflag:s5] =	ssyncadd.s32 $0xFFFFE800  }
0x45: {  	_ =	swait.ge [sflag:s5], $0x1800  }
0x46: {  	[sflag:s5] =	ssyncset.done $0x0  }
0x47: {  	[sflag:s5] =	ssyncadd.s32 $0xFFFFE800  }
0x48: {  	_ =	swait.ge [sflag:s5], $0x1800  }
0x49: {  	[sflag:s5] =	ssyncset.done $0x0  }
0x4a: {  	[sflag:s5] =	ssyncadd.s32 $0xFFFFE800  }
0x4b: {  	_ =	swait.ge [sflag:s5], $0x1800  }
0x4c: {  	[sflag:s5] =	ssyncset.done $0x0  }
0x4d: {  	[sflag:s5] =	ssyncadd.s32 $0xFFFFE800  }
0x4e: {  	_ =	swait.ge [sflag:s5], $0x1800  }
0x4f: {  	[sflag:s5] =	ssyncset.done $0x0  }
0x50: {  	[sflag:s5] =	ssyncadd.s32 $0xFFFFE800  }
0x51: {  	_ =	swait.ge [sflag:s5], $0x1800  }
0x52: {  	[sflag:s5] =	ssyncset.done $0x0  }
0x53: {  	[sflag:s5] =	ssyncadd.s32 $0xFFFFE800  }
0x54: {  	_ =	swait.ge [sflag:s5], $0x1800  }
0x55: {  	[sflag:s5] =	ssyncset.done $0x0  }
0x56: {  	[sflag:s5] =	ssyncadd.s32 $0xFFFFE800  }
0x57: {  	_ =	swait.ge [sflag:s5], $0x1800  }
0x58: {  	[sflag:s5] =	ssyncset.done $0x0  }
0x59: {  	[sflag:s5] =	ssyncadd.s32 $0xFFFFE800  }
0x5a: {  	_ =	swait.ge [sflag:s5], $0x1800  }
0x5b: {  	[sflag:s5] =	ssyncset.done $0x0  }
0x5c: {  	[sflag:s5] =	ssyncadd.s32 $0xFFFFE800  }
0x5d: {  	_ =	swait.ge [sflag:s5], $0x1800  }
0x5e: {  	[sflag:s5] =	ssyncset.done $0x0  }
0x5f: {  	[sflag:s5] =	ssyncadd.s32 $0xFFFFE800  }
0x60: {  	_ =	swait.ge [sflag:s5], $0x1800  }
0x61: {  	[sflag:s5] =	ssyncset.done $0x0  }
0x62: {  	[sflag:s5] =	ssyncadd.s32 $0xFFFFE800  }
0x63: {  	_ =	swait.ge [sflag:s5], $0x1800  }
0x64: {  	[sflag:s5] =	ssyncset.done $0x0  }
0x65: {  	[sflag:s5] =	ssyncadd.s32 $0xFFFFE800  }
0x66: {  	_ =	swait.ge [sflag:s5], $0x1800  }
0x67: {  	[sflag:s5] =	ssyncset.done $0x0  }
0x68: {  	[sflag:s5] =	ssyncadd.s32 $0xFFFFE800  }
0x69: {  	_ =	swait.ge [sflag:s5], $0x1800  }
0x6a: {  	p1 =	sne.s32 s8, $0x1;
	[sflag:s5] =	ssyncset.done $0x0  }
.Ltmp1:
0x6b: {  	[sflag:s5] =	ssyncadd.s32 $0xFFFFE800;
	(pc) =	sbr.rel @!p1 .LBB2_3-.Ltmp1, $4  }
0x6c: {  	_ =	swait.ge [sflag:s5], $0x1800  }
0x6d: {  	p0 =	por $0x1, $0x1;
	[sflag:s5] =	ssyncset.done $0x0  }
0x6e: {  	s1 =	sadd.s32 $0xFFFFFFFF, s8;
	s10 =	rddreg [dreg:$0x4];
	[sflag:s5] =	ssyncadd.s32 $0xFFFFE800  }
0x6f: {  	[hbm4b:s10+s2] =	stream.linear.scatter [tilespmem:s4], [sflag:$0x2], $0x18000, $0x38;
	[tilespmem:$0x18800] =	vst v63  }
.LBB2_2:
0x70: {  	_ =	swait.ge [sflag:s3], $0x18000  }
0x71: {  	[sflag:s3] =	ssyncset.done $0x0  }
0x72: {  	s0 =	rddreg [dreg:$0x3];
	[sflag:s3] =	ssyncadd.s32 $0xFFFE8000  }
0x73: {  	[tilespmem:s2], [sflag:$0x2] =	stream.linear.gather [hbm4b:s0+s2], $0x800, $0x38;
	[tilespmem:$0x18800] =	vst v63  }
0x74: {  	_ =	swait.ge [sflag:s3], $0x800  }
0x75: {  	s0 =	rddreg [dreg:$0x6];
	[sflag:s3] =	ssyncset.done $0x0  }
0x76: {  	s8 =	rddreg [dreg:$0x5];
	[sflag:s3] =	ssyncadd.s32 $0xFFFFF800  }
0x77: {  	[tilespmem:s4], [sflag:$0x1] =	stream.indirect.gather [hbm4b:s6+s7], $0x30, s2, s7, $0xb8;
	[tilespmem:$0x18800] =	vst v63  }
0x78: {  	s9 =	rddreg [dreg:$0x7]  }
0x79: {  	[tilespmem:s8], [sflag:$0x1] =	stream.indirect.gather [hbm4b:s6+s7], $0x30, s7, s7, $0xb8;
	[tilespmem:$0x18800] =	vst v63  }
0x7a: {  	s10 =	rddreg [dreg:$0x9]  }
0x7b: {  	[tilespmem:s9], [sflag:$0x1] =	stream.indirect.gather [hbm4b:s6+s7], $0x30, s0, s7, $0xb8;
	[tilespmem:$0x18800] =	vst v63  }
0x7c: {  	s8 =	rddreg [dreg:$0x8]  }
0x7d: {  	[tilespmem:s10], [sflag:$0x1] =	stream.indirect.gather [hbm4b:s6+s7], $0x30, s8, s7, $0xb8;
	[tilespmem:$0x18800] =	vst v63  }
0x7e: {  	s0 =	rddreg [dreg:$0xa];
	s8 =	simm.s32 $0x6800  }
0x7f: {  	[tilespmem:s8], [sflag:$0x1] =	stream.indirect.gather [hbm4b:s6+s7], $0x30, s0, s7, $0xb8;
	[tilespmem:$0x18800] =	vst v63  }
0x80: {  	s9 =	simm.s32 $0x280;
	s10 =	simm.s32 $0x8000  }
0x81: {  	[tilespmem:s10], [sflag:$0x1] =	stream.indirect.gather [hbm4b:s6+s7], $0x30, s9, s7, $0xb8;
	[tilespmem:$0x18800] =	vst v63  }
0x82: {  	_ = 	snop  }
0x83: {  	[tilespmem:s12], [sflag:$0x1] =	stream.indirect.gather [hbm4b:s6+s7], $0x30, s11, s7, $0xb8;
	[tilespmem:$0x18800] =	vst v63  }
0x84: {  	_ = 	snop  }
0x85: {  	[tilespmem:s14], [sflag:$0x1] =	stream.indirect.gather [hbm4b:s6+s7], $0x30, s13, s7, $0xb8;
	[tilespmem:$0x18800] =	vst v63  }
0x86: {  	_ = 	snop  }
0x87: {  	[tilespmem:s16], [sflag:$0x1] =	stream.indirect.gather [hbm4b:s6+s7], $0x30, s15, s7, $0xb8;
	[tilespmem:$0x18800] =	vst v63  }
0x88: {  	_ = 	snop  }
0x89: {  	[tilespmem:s18], [sflag:$0x1] =	stream.indirect.gather [hbm4b:s6+s7], $0x30, s17, s7, $0xb8;
	[tilespmem:$0x18800] =	vst v63  }
0x8a: {  	_ = 	snop  }
0x8b: {  	[tilespmem:s20], [sflag:$0x1] =	stream.indirect.gather [hbm4b:s6+s7], $0x30, s19, s7, $0xb8;
	[tilespmem:$0x18800] =	vst v63  }
0x8c: {  	_ = 	snop  }
0x8d: {  	[tilespmem:s22], [sflag:$0x1] =	stream.indirect.gather [hbm4b:s6+s7], $0x30, s21, s7, $0xb8;
	[tilespmem:$0x18800] =	vst v63  }
0x8e: {  	_ = 	snop  }
0x8f: {  	[tilespmem:s24], [sflag:$0x1] =	stream.indirect.gather [hbm4b:s6+s7], $0x30, s23, s7, $0xb8;
	[tilespmem:$0x18800] =	vst v63  }
0x90: {  	_ = 	snop  }
0x91: {  	[tilespmem:s26], [sflag:$0x1] =	stream.indirect.gather [hbm4b:s6+s7], $0x30, s25, s7, $0xb8;
	[tilespmem:$0x18800] =	vst v63  }
0x92: {  	_ = 	snop  }
0x93: {  	[tilespmem:s29], [sflag:$0x1] =	stream.indirect.gather [hbm4b:s6+s7], $0x30, s28, s7, $0xb8;
	[tilespmem:$0x18800] =	vst v63  }
0x94: {  	_ = 	snop  }
0x95: {  	[tilespmem:s31], [sflag:$0x1] =	stream.indirect.gather [hbm4b:s6+s7], $0x30, s30, s7, $0xb8;
	[tilespmem:$0x18800] =	vst v63  }
0x96: {  	_ =	swait.ge [sflag:s5], $0x1800  }
0x97: {  	[sflag:s5] =	ssyncset.done $0x0  }
0x98: {  	[sflag:s5] =	ssyncadd.s32 $0xFFFFE800  }
0x99: {  	_ =	swait.ge [sflag:s5], $0x1800  }
0x9a: {  	[sflag:s5] =	ssyncset.done $0x0  }
0x9b: {  	[sflag:s5] =	ssyncadd.s32 $0xFFFFE800  }
0x9c: {  	_ =	swait.ge [sflag:s5], $0x1800  }
0x9d: {  	[sflag:s5] =	ssyncset.done $0x0  }
0x9e: {  	[sflag:s5] =	ssyncadd.s32 $0xFFFFE800  }
0x9f: {  	_ =	swait.ge [sflag:s5], $0x1800  }
0xa0: {  	[sflag:s5] =	ssyncset.done $0x0  }
0xa1: {  	[sflag:s5] =	ssyncadd.s32 $0xFFFFE800  }
0xa2: {  	_ =	swait.ge [sflag:s5], $0x1800  }
0xa3: {  	[sflag:s5] =	ssyncset.done $0x0  }
0xa4: {  	[sflag:s5] =	ssyncadd.s32 $0xFFFFE800  }
0xa5: {  	_ =	swait.ge [sflag:s5], $0x1800  }
0xa6: {  	[sflag:s5] =	ssyncset.done $0x0  }
0xa7: {  	[sflag:s5] =	ssyncadd.s32 $0xFFFFE800  }
0xa8: {  	_ =	swait.ge [sflag:s5], $0x1800  }
0xa9: {  	[sflag:s5] =	ssyncset.done $0x0  }
0xaa: {  	[sflag:s5] =	ssyncadd.s32 $0xFFFFE800  }
0xab: {  	_ =	swait.ge [sflag:s5], $0x1800  }
0xac: {  	[sflag:s5] =	ssyncset.done $0x0  }
0xad: {  	[sflag:s5] =	ssyncadd.s32 $0xFFFFE800  }
0xae: {  	_ =	swait.ge [sflag:s5], $0x1800  }
0xaf: {  	[sflag:s5] =	ssyncset.done $0x0  }
0xb0: {  	[sflag:s5] =	ssyncadd.s32 $0xFFFFE800  }
0xb1: {  	_ =	swait.ge [sflag:s5], $0x1800  }
0xb2: {  	[sflag:s5] =	ssyncset.done $0x0  }
0xb3: {  	[sflag:s5] =	ssyncadd.s32 $0xFFFFE800  }
0xb4: {  	_ =	swait.ge [sflag:s5], $0x1800  }
0xb5: {  	[sflag:s5] =	ssyncset.done $0x0  }
0xb6: {  	[sflag:s5] =	ssyncadd.s32 $0xFFFFE800  }
0xb7: {  	_ =	swait.ge [sflag:s5], $0x1800  }
0xb8: {  	[sflag:s5] =	ssyncset.done $0x0  }
0xb9: {  	[sflag:s5] =	ssyncadd.s32 $0xFFFFE800  }
0xba: {  	_ =	swait.ge [sflag:s5], $0x1800  }
0xbb: {  	[sflag:s5] =	ssyncset.done $0x0  }
0xbc: {  	[sflag:s5] =	ssyncadd.s32 $0xFFFFE800  }
0xbd: {  	_ =	swait.ge [sflag:s5], $0x1800  }
0xbe: {  	[sflag:s5] =	ssyncset.done $0x0  }
0xbf: {  	[sflag:s5] =	ssyncadd.s32 $0xFFFFE800  }
0xc0: {  	_ =	swait.ge [sflag:s5], $0x1800  }
0xc1: {  	p1 =	sne.s32 s1, $0x1;
	[sflag:s5] =	ssyncset.done $0x0  }
.Ltmp2:
0xc2: {  	[sflag:s5] =	ssyncadd.s32 $0xFFFFE800;
	(pc) =	sbr.rel @p1 .LBB2_2-.Ltmp2, $4  }
0xc3: {  	_ =	swait.ge [sflag:s5], $0x1800  }
0xc4: {  	[sflag:s5] =	ssyncset.done $0x0  }
0xc5: {  	s1 =	sadd.s32 $0xFFFFFFFF, s1;
	s10 =	rddreg [dreg:$0x4];
	[sflag:s5] =	ssyncadd.s32 $0xFFFFE800  }
0xc6: {  	[hbm4b:s10+s2] =	stream.linear.scatter [tilespmem:s4], [sflag:$0x2], $0x18000, $0x38;
	[tilespmem:$0x18800] =	vst v63  }
.LBB2_3:
0xc7: {  	_ =	swait.ge @p0 [sflag:s3], $0x18000  }
0xc8: {  	[sflag:s3] =	ssyncset.done @p0 $0x0  }
0xc9: {  	s0 =	rddreg [dreg:$0x3];
	[sflag:s3] =	ssyncadd.s32 @p0 $0xFFFE8000  }
0xca: {  	[tilespmem:s2], [sflag:$0x2] =	stream.linear.gather [hbm4b:s0+s2], $0x800, $0x38;
	[tilespmem:$0x18800] =	vst v63  }
0xcb: {  	_ =	swait.ge [sflag:s3], $0x800  }
0xcc: {  	[sflag:s3] =	ssyncset.done $0x0;
	s10 =	rddreg [dreg:$0x5]  }
0xcd: {  	s0 =	rddreg [dreg:$0x6];
	[sflag:s3] =	ssyncadd.s32 $0xFFFFF800  }
0xce: {  	[tilespmem:s4], [sflag:$0x1] =	stream.indirect.gather [hbm4b:s6+s7], $0x30, s2, s7, $0xb8;
	[tilespmem:$0x18800] =	vst v63  }
0xcf: {  	s1 =	rddreg [dreg:$0x7]  }
0xd0: {  	[tilespmem:s10], [sflag:$0x1] =	stream.indirect.gather [hbm4b:s6+s7], $0x30, s7, s7, $0xb8;
	[tilespmem:$0x18800] =	vst v63  }
0xd1: {  	s8 =	rddreg [dreg:$0x9]  }
0xd2: {  	[tilespmem:s1], [sflag:$0x1] =	stream.indirect.gather [hbm4b:s6+s7], $0x30, s0, s7, $0xb8;
	[tilespmem:$0x18800] =	vst v63  }
0xd3: {  	s9 =	rddreg [dreg:$0x8]  }
0xd4: {  	[tilespmem:s8], [sflag:$0x1] =	stream.indirect.gather [hbm4b:s6+s7], $0x30, s9, s7, $0xb8;
	[tilespmem:$0x18800] =	vst v63  }
0xd5: {  	s10 =	simm.s32 $0x6800;
	s1 =	rddreg [dreg:$0xa]  }
0xd6: {  	[tilespmem:s10], [sflag:$0x1] =	stream.indirect.gather [hbm4b:s6+s7], $0x30, s1, s7, $0xb8;
	[tilespmem:$0x18800] =	vst v63  }
0xd7: {  	s9 =	simm.s32 $0x8000;
	s10 =	simm.s32 $0x280  }
0xd8: {  	[tilespmem:s9], [sflag:$0x1] =	stream.indirect.gather [hbm4b:s6+s7], $0x30, s10, s7, $0xb8;
	[tilespmem:$0x18800] =	vst v63  }
0xd9: {  	_ = 	snop  }
0xda: {  	[tilespmem:s12], [sflag:$0x1] =	stream.indirect.gather [hbm4b:s6+s7], $0x30, s11, s7, $0xb8;
	[tilespmem:$0x18800] =	vst v63  }
0xdb: {  	_ = 	snop  }
0xdc: {  	[tilespmem:s14], [sflag:$0x1] =	stream.indirect.gather [hbm4b:s6+s7], $0x30, s13, s7, $0xb8;
	[tilespmem:$0x18800] =	vst v63  }
0xdd: {  	_ = 	snop  }
0xde: {  	[tilespmem:s16], [sflag:$0x1] =	stream.indirect.gather [hbm4b:s6+s7], $0x30, s15, s7, $0xb8;
	[tilespmem:$0x18800] =	vst v63  }
0xdf: {  	_ = 	snop  }
0xe0: {  	[tilespmem:s18], [sflag:$0x1] =	stream.indirect.gather [hbm4b:s6+s7], $0x30, s17, s7, $0xb8;
	[tilespmem:$0x18800] =	vst v63  }
0xe1: {  	_ = 	snop  }
0xe2: {  	[tilespmem:s20], [sflag:$0x1] =	stream.indirect.gather [hbm4b:s6+s7], $0x30, s19, s7, $0xb8;
	[tilespmem:$0x18800] =	vst v63  }
0xe3: {  	_ = 	snop  }
0xe4: {  	[tilespmem:s22], [sflag:$0x1] =	stream.indirect.gather [hbm4b:s6+s7], $0x30, s21, s7, $0xb8;
	[tilespmem:$0x18800] =	vst v63  }
0xe5: {  	_ = 	snop  }
0xe6: {  	[tilespmem:s24], [sflag:$0x1] =	stream.indirect.gather [hbm4b:s6+s7], $0x30, s23, s7, $0xb8;
	[tilespmem:$0x18800] =	vst v63  }
0xe7: {  	_ = 	snop  }
0xe8: {  	[tilespmem:s26], [sflag:$0x1] =	stream.indirect.gather [hbm4b:s6+s7], $0x30, s25, s7, $0xb8;
	[tilespmem:$0x18800] =	vst v63  }
0xe9: {  	_ = 	snop  }
0xea: {  	[tilespmem:s29], [sflag:$0x1] =	stream.indirect.gather [hbm4b:s6+s7], $0x30, s28, s7, $0xb8;
	[tilespmem:$0x18800] =	vst v63  }
0xeb: {  	_ = 	snop  }
0xec: {  	[tilespmem:s31], [sflag:$0x1] =	stream.indirect.gather [hbm4b:s6+s7], $0x30, s30, s7, $0xb8;
	[tilespmem:$0x18800] =	vst v63  }
0xed: {  	_ =	swait.ge [sflag:s5], $0x1800  }
0xee: {  	[sflag:s5] =	ssyncset.done $0x0  }
0xef: {  	[sflag:s5] =	ssyncadd.s32 $0xFFFFE800  }
0xf0: {  	_ =	swait.ge [sflag:s5], $0x1800  }
0xf1: {  	[sflag:s5] =	ssyncset.done $0x0  }
0xf2: {  	[sflag:s5] =	ssyncadd.s32 $0xFFFFE800  }
0xf3: {  	_ =	swait.ge [sflag:s5], $0x1800  }
0xf4: {  	[sflag:s5] =	ssyncset.done $0x0  }
0xf5: {  	[sflag:s5] =	ssyncadd.s32 $0xFFFFE800  }
0xf6: {  	_ =	swait.ge [sflag:s5], $0x1800  }
0xf7: {  	[sflag:s5] =	ssyncset.done $0x0  }
0xf8: {  	[sflag:s5] =	ssyncadd.s32 $0xFFFFE800  }
0xf9: {  	_ =	swait.ge [sflag:s5], $0x1800  }
0xfa: {  	[sflag:s5] =	ssyncset.done $0x0  }
0xfb: {  	[sflag:s5] =	ssyncadd.s32 $0xFFFFE800  }
0xfc: {  	_ =	swait.ge [sflag:s5], $0x1800  }
0xfd: {  	[sflag:s5] =	ssyncset.done $0x0  }
0xfe: {  	[sflag:s5] =	ssyncadd.s32 $0xFFFFE800  }
0xff: {  	_ =	swait.ge [sflag:s5], $0x1800  }
0x100: {  	[sflag:s5] =	ssyncset.done $0x0  }
0x101: {  	[sflag:s5] =	ssyncadd.s32 $0xFFFFE800  }
0x102: {  	_ =	swait.ge [sflag:s5], $0x1800  }
0x103: {  	[sflag:s5] =	ssyncset.done $0x0  }
0x104: {  	[sflag:s5] =	ssyncadd.s32 $0xFFFFE800  }
0x105: {  	_ =	swait.ge [sflag:s5], $0x1800  }
0x106: {  	[sflag:s5] =	ssyncset.done $0x0  }
0x107: {  	[sflag:s5] =	ssyncadd.s32 $0xFFFFE800  }
0x108: {  	_ =	swait.ge [sflag:s5], $0x1800  }
0x109: {  	[sflag:s5] =	ssyncset.done $0x0  }
0x10a: {  	[sflag:s5] =	ssyncadd.s32 $0xFFFFE800  }
0x10b: {  	_ =	swait.ge [sflag:s5], $0x1800  }
0x10c: {  	[sflag:s5] =	ssyncset.done $0x0  }
0x10d: {  	[sflag:s5] =	ssyncadd.s32 $0xFFFFE800  }
0x10e: {  	_ =	swait.ge [sflag:s5], $0x1800  }
0x10f: {  	[sflag:s5] =	ssyncset.done $0x0  }
0x110: {  	[sflag:s5] =	ssyncadd.s32 $0xFFFFE800  }
0x111: {  	_ =	swait.ge [sflag:s5], $0x1800  }
0x112: {  	[sflag:s5] =	ssyncset.done $0x0  }
0x113: {  	[sflag:s5] =	ssyncadd.s32 $0xFFFFE800  }
0x114: {  	_ =	swait.ge [sflag:s5], $0x1800  }
0x115: {  	[sflag:s5] =	ssyncset.done $0x0  }
0x116: {  	[sflag:s5] =	ssyncadd.s32 $0xFFFFE800  }
0x117: {  	_ =	swait.ge [sflag:s5], $0x1800  }
0x118: {  	[sflag:s5] =	ssyncset.done $0x0  }
0x119: {  	[sflag:s5] =	ssyncadd.s32 $0xFFFFE800  }
0x11a: {  	_ =	swait.ge [sflag:s5], $0x1800  }
0x11b: {  	[sflag:s5] =	ssyncset.done $0x0  }
0x11c: {  	s30 =	rddreg [dreg:$0x4];
	[sflag:s5] =	ssyncadd.s32 $0xFFFFE800  }
0x11d: {  	[hbm4b:s30+s2] =	stream.linear.scatter [tilespmem:s4], [sflag:$0x2], $0x18000, $0x38;
	[tilespmem:$0x18800] =	vst v63  }
0x11e: {  	_ =	swait.ge [sflag:s3], $0x18000  }
0x11f: {  	[sflag:s3] =	ssyncset.done $0x0  }
0x120: {  	[sflag:s3] =	ssyncadd.s32 $0xFFFE8000  }
0x121: {  	_ =	sfence.sel $0x180000  }
0x122: {  	[bflag:$0x0] =	sbarrier.arrive $0xFFFF  }
0x123: {  	_ =	strace $0x90000047  }
0x124: {  	s31 =	stileid.u32;
	[bflag:$0x2] =	sbarrier.arrive $0xFFFF  }
0x125: {  	p0 =	sne.s32 s31, $0x0;
	s0 =	rddreg [dreg:$0x2]  }
0x126: {  	s0 =	sadd.s32 @!p0 $0x100000, s0  }
0x127: {  	[sflag:s0] =	ssyncadd.tile.s32 @!p0 $0x1;
	_ =	shalt  }
.Lfunc_end2:
_tile_overlayer_lowered:
.L_overlay_start_2:
0x128: {  	(tag) =	ssettag $0x2  }
0x129: {  	s0 =	rddreg [dreg:$0x0];
	s2 =	stileid.u32  }
0x12a: {  	s1 =	rddreg [dreg:$0x1];
	p0 =	sne.s32 s2, $0x0  }
0x12b: {  	s3 =	rddreg [dreg:$0x2];
	[bflag:$0x3] =	sbarrier.arrive $0xFFFF;
	s2 =	simm.s32 @!p0 $0x1C02  }
0x12c: {  	[timem:s3], [sflag:s2] =	dma.local @!p0 [hbm:s0], s1  }
0x12d: {  	s0 =	simm.s32 @!p0 $0x2  }
0x12e: {  	_ =	swait.ge @!p0 [sflag:s0], s1  }
0x12f: {  	s1 =	ssub.s32 @!p0 $0x0, s1;
	[sflag:s0] =	ssyncset.done @!p0 $0x0  }
0x130: {  	[sflag:s0] =	ssyncadd.s32 @!p0 s1  }
0x131: {  	[bflag:$0x3] =	sbarrier.arrive $0xFFFF  }
0x132: {  	_ =	shalt  }

</sc_bundles>
